<compile_context>
chip_gen: v7x
topology: tpu7x:2x2x1
jax: 0.10.2.dev20260603
libtpu: 0.0.44.dev20260713+nightly
codegen_flags: <defaults>
</compile_context>

<pallas_src>
import dataclasses
import functools

import jax
import jax.numpy as jnp
from jax import lax
from jax.experimental import pallas as pl
from jax.experimental.pallas import tpu as pltpu
from jax.experimental.pallas import tpu_sc as plsc

F32 = jnp.float32
I32 = jnp.int32

_NC = 2
_NS = 16
_NW = _NC * _NS
_K = 128

_PREC = lax.Precision.HIGHEST


def _silu(t):
    return t * jax.nn.sigmoid(t)


def _split_bf16(w):
    hi = w.astype(jnp.bfloat16)
    lo = (w - hi.astype(F32)).astype(jnp.bfloat16)
    return hi, lo


def _dot3(a, b_hi, b_lo):
    a_hi = a.astype(jnp.bfloat16)
    a_lo = (a - a_hi.astype(F32)).astype(jnp.bfloat16)
    return (jnp.dot(a_hi, b_hi, preferred_element_type=F32)
            + (jnp.dot(a_lo, b_hi, preferred_element_type=F32)
               + jnp.dot(a_hi, b_lo, preferred_element_type=F32)))


def _full16(v):
    return jnp.full((16,), v, dtype=I32)


def _sc_params(tc_tiling=True):
    cp = pltpu.CompilerParams()
    fields = pltpu.CompilerParams.__dataclass_fields__
    if "needs_layout_passes" in fields:
        cp = dataclasses.replace(cp, needs_layout_passes=False)
    if not tc_tiling and "use_tc_tiling_on_sc" in fields:
        cp = dataclasses.replace(cp, use_tc_tiling_on_sc=False)
    return cp


def _make_gather(E, N):
    n_chunks = E // _K
    base_cnt = n_chunks // _NW
    n_extra = n_chunks - base_cnt * _NW
    mesh = plsc.VectorSubcoreMesh(core_axis_name="c", subcore_axis_name="s")

    @functools.partial(
        pl.kernel,
        mesh=mesh,
        out_type=jax.ShapeDtypeStruct((E, 128), F32),
        scratch_types=[
            pltpu.VMEM((N, 4), F32),
            pltpu.VMEM((_K,), I32),
            pltpu.VMEM((_K,), I32),
            pltpu.VMEM((_K, 128), F32),
            pltpu.VMEM((_K, 128), F32),
            pltpu.SemaphoreType.DMA,
            pltpu.SemaphoreType.DMA,
        ],
        compiler_params=_sc_params(tc_tiling=False),
    )
    def gather_k(pab_hbm, x4_hbm, row_hbm, col_hbm, gpre_hbm,
                 xtab, rowi, coli, bufr, bufc, sema, semb):
        cid = lax.axis_index("c")
        sid = lax.axis_index("s")
        wid = sid * _NC + cid
        cnt = base_cnt + jnp.where(wid < n_extra, 1, 0)
        pltpu.sync_copy(x4_hbm, xtab)

        @pl.loop(0, base_cnt + 1)
        def _(i):
            @pl.when(i < cnt)
            def _():
                base = (wid + _NW * i) * _K
                pltpu.sync_copy(row_hbm.at[pl.ds(base, _K)], rowi)
                pltpu.sync_copy(col_hbm.at[pl.ds(base, _K)], coli)
                cpa = pltpu.async_copy(pab_hbm.at[rowi], bufr, sema)
                cpb = pltpu.async_copy(pab_hbm.at[coli], bufc, semb)
                cpa.wait()
                cpb.wait()

                @pl.loop(0, _K, step=16)
                def _(g):
                    rv = rowi[pl.ds(g, 16)]
                    cv = coli[pl.ds(g, 16)]
                    d0 = (plsc.load_gather(xtab, [rv, _full16(0)])
                          - plsc.load_gather(xtab, [cv, _full16(0)]))
                    d1 = (plsc.load_gather(xtab, [rv, _full16(1)])
                          - plsc.load_gather(xtab, [cv, _full16(1)]))
                    d2 = (plsc.load_gather(xtab, [rv, _full16(2)])
                          - plsc.load_gather(xtab, [cv, _full16(2)]))
                    rad = d0 * d0 + d1 * d1 + d2 * d2
                    rows = lax.iota(I32, 16) + g
                    plsc.store_scatter(bufr, [rows, _full16(64)], rad)
                    plsc.store_scatter(bufr, [rows, _full16(65)], d0)
                    plsc.store_scatter(bufr, [rows, _full16(66)], d1)
                    plsc.store_scatter(bufr, [rows, _full16(67)], d2)

                @pl.loop(0, _K)
                def _(e):
                    for c in (0, 16, 32, 48):
                        bufr[e, pl.ds(c, 16)] = (
                            bufr[e, pl.ds(c, 16)]
                            + bufc[e, pl.ds(c + 64, 16)])

                pltpu.sync_copy(bufr, gpre_hbm.at[pl.ds(base, _K)])

    return gather_k


def _make_scatter(E, N):
    n_chunks = E // _K
    base_cnt = n_chunks // _NW
    n_extra = n_chunks - base_cnt * _NW
    rows_per_tile = N // _NS
    zrows = rows_per_tile // 5
    Eh = E // 2
    mesh = plsc.VectorSubcoreMesh(core_axis_name="c", subcore_axis_name="s")

    @functools.partial(
        pl.kernel,
        mesh=mesh,
        out_type=jax.ShapeDtypeStruct((_NC, N, 128), F32),
        scratch_types=[
            pltpu.VMEM_SHARED((N, 128), F32),
            pltpu.VMEM((1, _K), I32),
            pltpu.VMEM((_K, 128), F32),
            pltpu.VMEM((zrows, 128), F32),
        ],
        compiler_params=_sc_params(tc_tiling=False),
    )
    def scatter_k(row_hbm, oelo_hbm, oehi_hbm, part_hbm, acc, rowi, ebuf,
                  zbuf):
        cid = lax.axis_index("c")
        sid = lax.axis_index("s")
        wid = sid * _NC + cid
        cnt = base_cnt + jnp.where(wid < n_extra, 1, 0)

        z16 = jnp.zeros((16,), F32)

        @pl.loop(0, zrows)
        def _(r):
            @pl.loop(0, 128, step=16)
            def _(c):
                zbuf[r, pl.ds(c, 16)] = z16

        @pl.loop(0, 5)
        def _(j):
            off = sid * rows_per_tile + j * zrows
            pltpu.sync_copy(zbuf, acc.at[pl.ds(off, zrows)])

        plsc.subcore_barrier()

        @pl.loop(0, base_cnt + 1)
        def _(i):
            @pl.when(i < cnt)
            def _():
                base = (wid + _NW * i) * _K
                pltpu.sync_copy(row_hbm.at[pl.ds(base, _K)], rowi.at[0])

                @pl.when(base < Eh)
                def _():
                    pltpu.sync_copy(oelo_hbm.at[pl.ds(base, _K)], ebuf)

                @pl.when(base >= Eh)
                def _():
                    pltpu.sync_copy(oehi_hbm.at[pl.ds(base - Eh, _K)], ebuf)

                pltpu.sync_copy(ebuf, acc.at[rowi.at[0]], add=True)

        plsc.subcore_barrier()

        off = sid * rows_per_tile
        pltpu.sync_copy(acc.at[pl.ds(off, rows_per_tile)],
                        part_hbm.at[cid, pl.ds(off, rows_per_tile)])

    return scatter_k


def _init_tc(his, emb_W, emb_b, W1a, W1b):
    N, D = his.shape
    BN = 1000

    def body(his_r, ew_r, eb_r, wa_r, wb_r, h_r, pab_r):
        h = jnp.dot(his_r[...], ew_r[...], precision=_PREC) + eb_r[...]
        h_r[...] = h
        pab_r[...] = jnp.concatenate(
            [jnp.dot(h, wa_r[...], precision=_PREC),
             jnp.dot(h, wb_r[...], precision=_PREC)], axis=1)

    return pl.pallas_call(
        body,
        grid=(N // BN,),
        in_specs=[
            pl.BlockSpec((BN, D), lambda i: (i, 0)),
            pl.BlockSpec((D, 64), lambda i: (0, 0)),
            pl.BlockSpec((1, 64), lambda i: (0, 0)),
            pl.BlockSpec((64, 64), lambda i: (0, 0)),
            pl.BlockSpec((64, 64), lambda i: (0, 0)),
        ],
        out_specs=[
            pl.BlockSpec((BN, 64), lambda i: (i, 0)),
            pl.BlockSpec((BN, 128), lambda i: (i, 0)),
        ],
        out_shape=[
            jax.ShapeDtypeStruct((N, 64), F32),
            jax.ShapeDtypeStruct((N, 128), F32),
        ],
    )(his, emb_W, emb_b, W1a, W1b)


def _eaproj_tc(edge_attr, W1d, b1):
    E = edge_attr.shape[0]
    Eh = E // 2
    BE = 640
    nb = Eh // BE
    w_hi, w_lo = _split_bf16(W1d)

    def body(lo_r, hi_r, wh_r, wl_r, b_r, o_r):
        o_r[...] = jnp.concatenate(
            [_dot3(lo_r[...], wh_r[...], wl_r[...]) + b_r[...],
             _dot3(hi_r[...], wh_r[...], wl_r[...]) + b_r[...]],
            axis=1)

    return pl.pallas_call(
        body,
        grid=(nb,),
        in_specs=[
            pl.BlockSpec((BE, 16), lambda i: (i, 0)),
            pl.BlockSpec((BE, 16), lambda i: (i + nb, 0)),
            pl.BlockSpec((16, 64), lambda i: (0, 0)),
            pl.BlockSpec((16, 64), lambda i: (0, 0)),
            pl.BlockSpec((1, 64), lambda i: (0, 0)),
        ],
        out_specs=pl.BlockSpec((BE, 128), lambda i: (i, 0)),
        out_shape=jax.ShapeDtypeStruct((Eh, 128), F32),
    )(edge_attr, edge_attr, w_hi, w_lo, b1)


def _edge_tc(gpre, eap, w1c, W2, b2, cW1, cb1, cW2r):
    E = gpre.shape[0]
    Eh = E // 2
    BE = 640
    nb = Eh // BE
    w2_hi, w2_lo = _split_bf16(W2)
    cw1_hi, cw1_lo = _split_bf16(cW1)

    def half(gp, ea, w1c_v, w2h, w2l, b2_v, cw1h, cw1l, cb1_v, cw2_v):
        pre = gp[:, 0:64] + ea + gp[:, 64:65] * w1c_v
        m = _silu(_dot3(_silu(pre), w2h, w2l) + b2_v)
        t = _silu(_dot3(m, cw1h, cw1l) + cb1_v)
        phi = jnp.sum(t * cw2_v, axis=1, keepdims=True)
        trans = gp[:, 65:68] * phi
        return jnp.concatenate(
            [m, trans, jnp.ones((BE, 1), F32), jnp.zeros((BE, 60), F32)],
            axis=1)

    def body(glo_r, ghi_r, eap_r, w1c_r, w2h_r, w2l_r, b2_r,
             cw1h_r, cw1l_r, cb1_r, cw2_r, olo_r, ohi_r):
        eapv = eap_r[...]
        olo_r[...] = half(glo_r[...], eapv[:, 0:64], w1c_r[...],
                          w2h_r[...], w2l_r[...], b2_r[...],
                          cw1h_r[...], cw1l_r[...], cb1_r[...], cw2_r[...])
        ohi_r[...] = half(ghi_r[...], eapv[:, 64:128], w1c_r[...],
                          w2h_r[...], w2l_r[...], b2_r[...],
                          cw1h_r[...], cw1l_r[...], cb1_r[...], cw2_r[...])

    b64 = pl.BlockSpec((1, 64), lambda i: (0, 0))
    w64 = pl.BlockSpec((64, 64), lambda i: (0, 0))
    return pl.pallas_call(
        body,
        grid=(nb,),
        in_specs=[
            pl.BlockSpec((BE, 128), lambda i: (i, 0)),
            pl.BlockSpec((BE, 128), lambda i: (i + nb, 0)),
            pl.BlockSpec((BE, 128), lambda i: (i, 0)),
            b64, w64, w64, b64, w64, w64, b64, b64,
        ],
        out_specs=[
            pl.BlockSpec((BE, 128), lambda i: (i, 0)),
            pl.BlockSpec((BE, 128), lambda i: (i, 0)),
        ],
        out_shape=[
            jax.ShapeDtypeStruct((Eh, 128), F32),
            jax.ShapeDtypeStruct((Eh, 128), F32),
        ],
    )(gpre, gpre, eap, w1c, w2_hi, w2_lo, b2, cw1_hi, cw1_lo, cb1, cW2r)


def _node_tc(part, h, x4, v4, vW1, vb1, vW2r, vb2, nW1a, nW1b, nb1,
             nW2, nb2, W1a, W1b):
    N = h.shape[0]
    BN = 1000

    def body(p_r, h_r, x4_r, v4_r, vw1_r, vb1_r, vw2_r, vb2_r,
             nwa_r, nwb_r, nb1_r, nw2_r, nb2_r, wa_r, wb_r,
             hn_r, xn_r, vn_r, pab_r):
        h = h_r[...]
        pv = p_r[...]
        ptot = pv[0] + pv[1]
        aggm = ptot[:, 0:64]
        agg4 = ptot[:, 64:68] / jnp.maximum(ptot[:, 67:68], 1.0)
        vs1 = _silu(jnp.dot(h, vw1_r[...], precision=_PREC) + vb1_r[...])
        vscale = jnp.sum(vs1 * vw2_r[...], axis=1, keepdims=True) + vb2_r[...]
        v4n = vscale * v4_r[...] + agg4
        x4n = x4_r[...] + v4n
        hn1 = _silu(jnp.dot(h, nwa_r[...], precision=_PREC)
                    + jnp.dot(aggm, nwb_r[...], precision=_PREC) + nb1_r[...])
        hnn = jnp.dot(hn1, nw2_r[...], precision=_PREC) + nb2_r[...]
        h2 = 2.0 * h + hnn
        hn_r[...] = h2
        xn_r[...] = x4n
        vn_r[...] = v4n
        pab_r[...] = jnp.concatenate(
            [jnp.dot(h2, wa_r[...], precision=_PREC),
             jnp.dot(h2, wb_r[...], precision=_PREC)], axis=1)

    w64 = pl.BlockSpec((64, 64), lambda i: (0, 0))
    b64 = pl.BlockSpec((1, 64), lambda i: (0, 0))
    return pl.pallas_call(
        body,
        grid=(N // BN,),
        in_specs=[
            pl.BlockSpec((2, BN, 128), lambda i: (0, i, 0)),
            pl.BlockSpec((BN, 64), lambda i: (i, 0)),
            pl.BlockSpec((BN, 4), lambda i: (i, 0)),
            pl.BlockSpec((BN, 4), lambda i: (i, 0)),
            w64, b64, b64,
            pl.BlockSpec((1, 1), lambda i: (0, 0)),
            w64, w64, b64, w64, b64, w64, w64,
        ],
        out_specs=[
            pl.BlockSpec((BN, 64), lambda i: (i, 0)),
            pl.BlockSpec((BN, 4), lambda i: (i, 0)),
            pl.BlockSpec((BN, 4), lambda i: (i, 0)),
            pl.BlockSpec((BN, 128), lambda i: (i, 0)),
        ],
        out_shape=[
            jax.ShapeDtypeStruct((N, 64), F32),
            jax.ShapeDtypeStruct((N, 4), F32),
            jax.ShapeDtypeStruct((N, 4), F32),
            jax.ShapeDtypeStruct((N, 128), F32),
        ],
    )(part, h, x4, v4, vW1, vb1, vW2r, vb2, nW1a, nW1b, nb1, nW2, nb2,
      W1a, W1b)


def kernel(his, x, v, edges, edge_attr, params):
    p = params
    N = his.shape[0]
    E = edge_attr.shape[0]
    row = edges[0]
    col = edges[1]

    W1 = p['e_W1']
    W1a, W1b = W1[0:64], W1[64:128]
    w1c = W1[128:129]
    W1d = W1[129:145]
    nW1 = p['n_W1']
    nW1a, nW1b = nW1[0:64], nW1[64:128]
    emb_b = p['emb_b'].reshape(1, 64)
    e_b1 = p['e_b1'].reshape(1, 64)
    e_b2 = p['e_b2'].reshape(1, 64)
    c_b1 = p['c_b1'].reshape(1, 64)
    cW2r = p['c_W2'].reshape(1, 64)
    v_b1 = p['v_b1'].reshape(1, 64)
    vW2r = p['v_W2'].reshape(1, 64)
    v_b2 = p['v_b2'].reshape(1, 1)
    n_b1 = p['n_b1'].reshape(1, 64)
    n_b2 = p['n_b2'].reshape(1, 64)

    x4 = jnp.pad(x, ((0, 0), (0, 1)))
    v4 = jnp.pad(v, ((0, 0), (0, 1)))

    gather_k = _make_gather(E, N)
    scatter_k = _make_scatter(E, N)

    h, pab = _init_tc(his, p['emb_W'], emb_b, W1a, W1b)
    eap = _eaproj_tc(edge_attr, W1d, e_b1)

    for _ in range(3):
        gpre = gather_k(pab, x4, row, col)
        oelo, oehi = _edge_tc(gpre, eap, w1c, p['e_W2'], e_b2,
                              p['c_W1'], c_b1, cW2r)
        part = scatter_k(row, oelo, oehi)
        h, x4, v4, pab = _node_tc(part, h, x4, v4, p['v_W1'], v_b1,
                                  vW2r, v_b2, nW1a, nW1b, n_b1,
                                  p['n_W2'], n_b2, W1a, W1b)

    return (x4[:, :3], h, v4[:, :3])

# --- scband reference (transcript-rebuilt; emitter-appended) ---
"""Pipeline reference for scband-segno-80315888435714 (READ-ONLY COPY).

The authoritative reference and input builder live on the scoring server;
editing this copy changes nothing except your own understanding.
"""

import jax, jax.numpy as jnp
import numpy as np

N = 10000
E = 320000
IN_NODE = 128
IN_EDGE = 16
H = 64
N_LAYERS = 4
COORDS_WEIGHT = 1.0

def _linear(key, din, dout, bias=True):
    k1, k2 = jax.random.split(key)
    lim = 1.0 / np.sqrt(din)
    W = jax.random.uniform(k1, (din, dout), minval=-lim, maxval=lim, dtype=jnp.float32)
    if bias:
        b = jax.random.uniform(k2, (dout,), minval=-lim, maxval=lim, dtype=jnp.float32)
        return W, b
    return W, None


def make_params(key):
    ks = jax.random.split(key, 12)
    p = {}
    p['emb_W'], p['emb_b'] = _linear(ks[0], IN_NODE, H)
    p['e_W1'], p['e_b1'] = _linear(ks[1], 2 * H + 1 + IN_EDGE, H)
    p['e_W2'], p['e_b2'] = _linear(ks[2], H, H)
    p['n_W1'], p['n_b1'] = _linear(ks[3], 2 * H, H)
    p['n_W2'], p['n_b2'] = _linear(ks[4], H, H)
    p['c_W1'], p['c_b1'] = _linear(ks[5], H, H)
    p['c_W2'], _ = _linear(ks[6], H, 1, bias=False)
    p['v_W1'], p['v_b1'] = _linear(ks[7], H, H)
    p['v_W2'], p['v_b2'] = _linear(ks[8], H, 1)
    return p


def setup_inputs(seed: int = 0) -> dict:
    key = jax.random.key(seed)
    ks = jax.random.split(key, 6)
    his = jax.random.normal(ks[0], (N, IN_NODE), dtype=jnp.float32)
    x = jax.random.normal(ks[1], (N, 3), dtype=jnp.float32)
    v = jax.random.normal(ks[2], (N, 3), dtype=jnp.float32)
    edges = jax.random.randint(ks[3], (2, E), 0, N, dtype=jnp.int32)
    edge_attr = jax.random.normal(ks[4], (E, IN_EDGE), dtype=jnp.float32)
    params = make_params(ks[5])
    return {'his': his, 'x': x, 'v': v, 'edges': edges, 'edge_attr': edge_attr, 'params': params}


def silu(t):
    return t * jax.nn.sigmoid(t)


def _layer(params, h, edges, x, v, edge_attr):
    row, col = edges[0], edges[1]
    coord_diff = x[row] - x[col]
    radial = jnp.sum(coord_diff ** 2, axis=-1, keepdims=True)
    edge_in = jnp.concatenate([h[row], h[col], radial, edge_attr], axis=-1)
    m = silu(edge_in @ params['e_W1'] + params['e_b1'])
    m = silu(m @ params['e_W2'] + params['e_b2'])
    phi = silu(m @ params['c_W1'] + params['c_b1']) @ params['c_W2']
    trans = coord_diff * phi
    agg = jax.ops.segment_sum(trans, row, num_segments=N)
    cnt = jax.ops.segment_sum(jnp.ones((E, 1), x.dtype), row, num_segments=N)
    agg = agg / jnp.clip(cnt, 1.0)
    vscale = silu(h @ params['v_W1'] + params['v_b1']) @ params['v_W2'] + params['v_b2']
    v_new = vscale * v + agg * COORDS_WEIGHT
    x_new = x + v_new
    agg_h = jax.ops.segment_sum(m, row, num_segments=N)
    node_in = jnp.concatenate([h, agg_h], axis=-1)
    hn = silu(node_in @ params['n_W1'] + params['n_b1'])
    hn = hn @ params['n_W2'] + params['n_b2']
    h_new = h + hn
    return h_new, x_new, v_new


def reference(his, x, v, edges, edge_attr, params):
    h = his @ params['emb_W'] + params['emb_b']
    for _ in range(1, N_LAYERS):
        h_out, x, v = _layer(params, h, edges, x, v, edge_attr)
        h = h + h_out
    return (x, h, v)

if __name__ == "__main__":
    import jax
    _d = setup_inputs()
    print(jax.jit(kernel)(*tuple(_d.values())))

</pallas_src>

<mosaic_0001>
#map = affine_map<(d0, d1) -> (0, 0)>
#map1 = affine_map<(d0, d1) -> (0)>
module attributes {stable_mosaic.version = 14 : i64} {
  func.func @gather_k(%arg0: i32, %arg1: i32, %arg2: memref<10000x128xf32, #tpu.memory_space<hbm>>, %arg3: memref<10000x4xf32, #tpu.memory_space<hbm>>, %arg4: memref<320000xi32, #tpu.memory_space<hbm>>, %arg5: memref<320000xi32, #tpu.memory_space<hbm>>, %arg6: memref<320000x128xf32, #tpu.memory_space<hbm>>, %arg7: memref<10000x4xf32, #tpu.memory_space<vmem>>, %arg8: memref<128xi32, #tpu.memory_space<vmem>>, %arg9: memref<128xi32, #tpu.memory_space<vmem>>, %arg10: memref<128x128xf32, #tpu.memory_space<vmem>>, %arg11: memref<128x128xf32, #tpu.memory_space<vmem>>, %arg12: memref<!tpu.dma_semaphore, #tpu.memory_space<semaphore_mem>>, %arg13: memref<!tpu.dma_semaphore, #tpu.memory_space<semaphore_mem>>) attributes {dimension_semantics = [#tpu.dimension_semantics<core_parallel>, #tpu.dimension_semantics<subcore_parallel>], iteration_bounds = array<i64: 2, 16>, scalar_prefetch = 0 : i64, scratch_operands = 7 : i64, tpu.core_type = #tpu.core_type<sc_vector_subcore>, window_params = [{transform_indices = #map}, {transform_indices = #map}, {transform_indices = #map1}, {transform_indices = #map1}, {transform_indices = #map}]} {
    %mul3A = arith.constant 2 : i32
    %mul3A_0 = arith.muli %arg1, %mul3A : i32
    %add3A = arith.addi %mul3A_0, %arg0 : i32
    %lt3A = arith.constant 4 : i32
    %lt3A_1 = arith.cmpi slt, %add3A, %lt3A : i32
    %jit3A = arith.constant 1 : i32
    %jit3A_2 = arith.constant 0 : i32
    %select_n3A = arith.select %lt3A_1, %jit3A, %jit3A_2 : i32
    %add3A_3 = arith.constant 78 : i32
    %add3A_4 = arith.addi %add3A_3, %select_n3A : i32
    "tpu.region"() ({
      %run_scoped3A = tpu.sem_alloc : memref<!tpu.dma_semaphore, #tpu.memory_space<semaphore_mem>>
      tpu.enqueue_dma source(%arg3 : memref<10000x4xf32, #tpu.memory_space<hbm>>) target(%arg7 : memref<10000x4xf32, #tpu.memory_space<vmem>>) target_semaphore(%run_scoped3A : memref<!tpu.dma_semaphore, #tpu.memory_space<semaphore_mem>>)
      tpu.wait_dma2 semaphore(%run_scoped3A : memref<!tpu.dma_semaphore, #tpu.memory_space<semaphore_mem>>) src(%arg3 : memref<10000x4xf32, #tpu.memory_space<hbm>>) dst(%arg7 : memref<10000x4xf32, #tpu.memory_space<vmem>>)
      tpu.yield
    }) : () -> ()
    %scan3A = arith.constant 0 : i32
    %scan3A_5 = arith.constant 79 : i32
    %scan3A_6 = arith.addi %scan3A, %scan3A_5 : i32
    %scan3A_7 = arith.constant 1 : i32
    scf.for %scan3A_9 = %scan3A to %scan3A_6 step %scan3A_7  : i32 {
      %mul3A_10 = arith.constant 1 : i32
      %mul3A_11 = arith.muli %scan3A_9, %mul3A_10 : i32
      %add3A_12 = arith.constant 0 : i32
      %add3A_13 = arith.addi %add3A_12, %mul3A_11 : i32
      %lt3A_14 = arith.cmpi slt, %add3A_13, %add3A_4 : i32
      %convert_element_type3A = arith.extui %lt3A_14 : i1 to i32
      %cond3A = arith.constant 0 : i32
      %cond3A_15 = arith.cmpi ne, %convert_element_type3A, %cond3A : i32
      scf.if %cond3A_15 {
        %mul3A_16 = arith.constant 32 : i32
        %mul3A_17 = arith.muli %mul3A_16, %add3A_13 : i32
        %add3A_18 = arith.addi %add3A, %mul3A_17 : i32
        %mul3A_19 = arith.constant 128 : i32
        %mul3A_20 = arith.muli %add3A_18, %mul3A_19 : i32
        "tpu.region"() ({
          %run_scoped3A = tpu.sem_alloc : memref<!tpu.dma_semaphore, #tpu.memory_space<semaphore_mem>>
          %dma_start3A_41 = tpu.memref_slice %arg4[%mul3A_20] : memref<320000xi32, #tpu.memory_space<hbm>> -> memref<128xi32, #tpu.memory_space<hbm>>
          %dma_start3A_42 = tpu.memref_slice %arg4[%mul3A_20] : memref<320000xi32, #tpu.memory_space<hbm>> -> memref<128xi32, #tpu.memory_space<hbm>>
          tpu.enqueue_dma source(%dma_start3A_42 : memref<128xi32, #tpu.memory_space<hbm>>) target(%arg8 : memref<128xi32, #tpu.memory_space<vmem>>) target_semaphore(%run_scoped3A : memref<!tpu.dma_semaphore, #tpu.memory_space<semaphore_mem>>)
          %dma_wait3A_43 = tpu.memref_slice %arg4[%mul3A_20] : memref<320000xi32, #tpu.memory_space<hbm>> -> memref<128xi32, #tpu.memory_space<hbm>>
          %dma_wait3A_44 = tpu.memref_slice %arg4[%mul3A_20] : memref<320000xi32, #tpu.memory_space<hbm>> -> memref<128xi32, #tpu.memory_space<hbm>>
          tpu.wait_dma2 semaphore(%run_scoped3A : memref<!tpu.dma_semaphore, #tpu.memory_space<semaphore_mem>>) src(%dma_wait3A_44 : memref<128xi32, #tpu.memory_space<hbm>>) dst(%arg8 : memref<128xi32, #tpu.memory_space<vmem>>)
          tpu.yield
        }) : () -> ()
        "tpu.region"() ({
          %run_scoped3A = tpu.sem_alloc : memref<!tpu.dma_semaphore, #tpu.memory_space<semaphore_mem>>
          %dma_start3A_41 = tpu.memref_slice %arg5[%mul3A_20] : memref<320000xi32, #tpu.memory_space<hbm>> -> memref<128xi32, #tpu.memory_space<hbm>>
          %dma_start3A_42 = tpu.memref_slice %arg5[%mul3A_20] : memref<320000xi32, #tpu.memory_space<hbm>> -> memref<128xi32, #tpu.memory_space<hbm>>
          tpu.enqueue_dma source(%dma_start3A_42 : memref<128xi32, #tpu.memory_space<hbm>>) target(%arg9 : memref<128xi32, #tpu.memory_space<vmem>>) target_semaphore(%run_scoped3A : memref<!tpu.dma_semaphore, #tpu.memory_space<semaphore_mem>>)
          %dma_wait3A_43 = tpu.memref_slice %arg5[%mul3A_20] : memref<320000xi32, #tpu.memory_space<hbm>> -> memref<128xi32, #tpu.memory_space<hbm>>
          %dma_wait3A_44 = tpu.memref_slice %arg5[%mul3A_20] : memref<320000xi32, #tpu.memory_space<hbm>> -> memref<128xi32, #tpu.memory_space<hbm>>
          tpu.wait_dma2 semaphore(%run_scoped3A : memref<!tpu.dma_semaphore, #tpu.memory_space<semaphore_mem>>) src(%dma_wait3A_44 : memref<128xi32, #tpu.memory_space<hbm>>) dst(%arg9 : memref<128xi32, #tpu.memory_space<vmem>>)
          tpu.yield
        }) : () -> ()
        %dma_start3A = arith.constant 0 : i32
        %dma_start3A_21 = arith.constant 0 : i32
        %dma_start3A_22 = tpu.memref_slice %arg2[%dma_start3A, %dma_start3A_21] : memref<10000x128xf32, #tpu.memory_space<hbm>> -> memref<10000x128xf32, #tpu.memory_space<hbm>>
        tpu.enqueue_indirect_dma source(%dma_start3A_22 : memref<10000x128xf32, #tpu.memory_space<hbm>>) target(%arg10 : memref<128x128xf32, #tpu.memory_space<vmem>>) offsets(%arg8 : memref<128xi32, #tpu.memory_space<vmem>>) semaphore(%arg12 : memref<!tpu.dma_semaphore, #tpu.memory_space<semaphore_mem>>)
        %dma_start3A_23 = arith.constant 0 : i32
        %dma_start3A_24 = arith.constant 0 : i32
        %dma_start3A_25 = tpu.memref_slice %arg2[%dma_start3A_23, %dma_start3A_24] : memref<10000x128xf32, #tpu.memory_space<hbm>> -> memref<10000x128xf32, #tpu.memory_space<hbm>>
        tpu.enqueue_indirect_dma source(%dma_start3A_25 : memref<10000x128xf32, #tpu.memory_space<hbm>>) target(%arg11 : memref<128x128xf32, #tpu.memory_space<vmem>>) offsets(%arg9 : memref<128xi32, #tpu.memory_space<vmem>>) semaphore(%arg13 : memref<!tpu.dma_semaphore, #tpu.memory_space<semaphore_mem>>)
        %dma_wait3A = arith.constant 0 : i32
        %dma_wait3A_26 = arith.constant 0 : i32
        %dma_wait3A_27 = tpu.memref_slice %arg2[%dma_wait3A, %dma_wait3A_26] : memref<10000x128xf32, #tpu.memory_space<hbm>> -> memref<10000x128xf32, #tpu.memory_space<hbm>>
        tpu.wait_indirect_dma semaphore(%arg12 : memref<!tpu.dma_semaphore, #tpu.memory_space<semaphore_mem>>) src(%dma_wait3A_27 : memref<10000x128xf32, #tpu.memory_space<hbm>>) dst(%arg10 : memref<128x128xf32, #tpu.memory_space<vmem>>)
        %dma_wait3A_28 = arith.constant 0 : i32
        %dma_wait3A_29 = arith.constant 0 : i32
        %dma_wait3A_30 = tpu.memref_slice %arg2[%dma_wait3A_28, %dma_wait3A_29] : memref<10000x128xf32, #tpu.memory_space<hbm>> -> memref<10000x128xf32, #tpu.memory_space<hbm>>
        tpu.wait_indirect_dma semaphore(%arg13 : memref<!tpu.dma_semaphore, #tpu.memory_space<semaphore_mem>>) src(%dma_wait3A_30 : memref<10000x128xf32, #tpu.memory_space<hbm>>) dst(%arg11 : memref<128x128xf32, #tpu.memory_space<vmem>>)
        %scan3A_31 = arith.constant 0 : i32
        %scan3A_32 = arith.constant 8 : i32
        %scan3A_33 = arith.addi %scan3A_31, %scan3A_32 : i32
        %scan3A_34 = arith.constant 1 : i32
        scf.for %scan3A_41 = %scan3A_31 to %scan3A_33 step %scan3A_34  : i32 {
          %mul3A_42 = arith.constant 16 : i32
          %mul3A_43 = arith.muli %scan3A_41, %mul3A_42 : i32
          %add3A_44 = arith.constant 0 : i32
          %add3A_45 = arith.addi %add3A_44, %mul3A_43 : i32
          %get3A = arith.index_cast %add3A_45 : i32 to index
          %get3A_46 = tpu.vector_load %arg8[%get3A] {strides = array<i32>} : memref<128xi32, #tpu.memory_space<vmem>>, vector<16xi32>,
          %get3A_47 = arith.index_cast %add3A_45 : i32 to index
          %get3A_48 = tpu.vector_load %arg9[%get3A_47] {strides = array<i32>} : memref<128xi32, #tpu.memory_space<vmem>>, vector<16xi32>,
          %broadcast_in_dim3A = arith.constant 0 : i32
          %broadcast_in_dim3A_49 = vector.broadcast %broadcast_in_dim3A : i32 to vector<16xi32>
          %gather3A = tpu.vector_load_idx %arg7[%get3A_46, %broadcast_in_dim3A_49] : memref<10000x4xf32, #tpu.memory_space<vmem>>[vector<16xi32>, vector<16xi32>], vector<16xf32>,
          %broadcast_in_dim3A_50 = arith.constant 0 : i32
          %broadcast_in_dim3A_51 = vector.broadcast %broadcast_in_dim3A_50 : i32 to vector<16xi32>
          %gather3A_52 = tpu.vector_load_idx %arg7[%get3A_48, %broadcast_in_dim3A_51] : memref<10000x4xf32, #tpu.memory_space<vmem>>[vector<16xi32>, vector<16xi32>], vector<16xf32>,
          %sub3A = arith.subf %gather3A, %gather3A_52 : vector<16xf32>
          %broadcast_in_dim3A_53 = arith.constant 1 : i32
          %broadcast_in_dim3A_54 = vector.broadcast %broadcast_in_dim3A_53 : i32 to vector<16xi32>
          %gather3A_55 = tpu.vector_load_idx %arg7[%get3A_46, %broadcast_in_dim3A_54] : memref<10000x4xf32, #tpu.memory_space<vmem>>[vector<16xi32>, vector<16xi32>], vector<16xf32>,
          %broadcast_in_dim3A_56 = arith.constant 1 : i32
          %broadcast_in_dim3A_57 = vector.broadcast %broadcast_in_dim3A_56 : i32 to vector<16xi32>
          %gather3A_58 = tpu.vector_load_idx %arg7[%get3A_48, %broadcast_in_dim3A_57] : memref<10000x4xf32, #tpu.memory_space<vmem>>[vector<16xi32>, vector<16xi32>], vector<16xf32>,
          %sub3A_59 = arith.subf %gather3A_55, %gather3A_58 : vector<16xf32>
          %broadcast_in_dim3A_60 = arith.constant 2 : i32
          %broadcast_in_dim3A_61 = vector.broadcast %broadcast_in_dim3A_60 : i32 to vector<16xi32>
          %gather3A_62 = tpu.vector_load_idx %arg7[%get3A_46, %broadcast_in_dim3A_61] : memref<10000x4xf32, #tpu.memory_space<vmem>>[vector<16xi32>, vector<16xi32>], vector<16xf32>,
          %broadcast_in_dim3A_63 = arith.constant 2 : i32
          %broadcast_in_dim3A_64 = vector.broadcast %broadcast_in_dim3A_63 : i32 to vector<16xi32>
          %gather3A_65 = tpu.vector_load_idx %arg7[%get3A_48, %broadcast_in_dim3A_64] : memref<10000x4xf32, #tpu.memory_space<vmem>>[vector<16xi32>, vector<16xi32>], vector<16xf32>,
          %sub3A_66 = arith.subf %gather3A_62, %gather3A_65 : vector<16xf32>
          %mul3A_67 = arith.mulf %sub3A, %sub3A : vector<16xf32>
          %mul3A_68 = arith.mulf %sub3A_59, %sub3A_59 : vector<16xf32>
          %add3A_69 = arith.addf %mul3A_67, %mul3A_68 : vector<16xf32>
          %mul3A_70 = arith.mulf %sub3A_66, %sub3A_66 : vector<16xf32>
          %add3A_71 = arith.addf %add3A_69, %mul3A_70 : vector<16xf32>
          %iota3A = tpu.iota {dimensions = array<i32: 0>} : vector<16xi32>
          %add3A_72 = vector.broadcast %add3A_45 : i32 to vector<16xi32>
          %add3A_73 = arith.addi %iota3A, %add3A_72 : vector<16xi32>
          %broadcast_in_dim3A_74 = arith.constant 64 : i32
          %broadcast_in_dim3A_75 = vector.broadcast %broadcast_in_dim3A_74 : i32 to vector<16xi32>
          tpu.vector_store_idx %arg10[%add3A_73, %broadcast_in_dim3A_75], %add3A_71 : memref<128x128xf32, #tpu.memory_space<vmem>>[vector<16xi32>, vector<16xi32>], vector<16xf32>,
          %broadcast_in_dim3A_76 = arith.constant 65 : i32
          %broadcast_in_dim3A_77 = vector.broadcast %broadcast_in_dim3A_76 : i32 to vector<16xi32>
          tpu.vector_store_idx %arg10[%add3A_73, %broadcast_in_dim3A_77], %sub3A : memref<128x128xf32, #tpu.memory_space<vmem>>[vector<16xi32>, vector<16xi32>], vector<16xf32>,
          %broadcast_in_dim3A_78 = arith.constant 66 : i32
          %broadcast_in_dim3A_79 = vector.broadcast %broadcast_in_dim3A_78 : i32 to vector<16xi32>
          tpu.vector_store_idx %arg10[%add3A_73, %broadcast_in_dim3A_79], %sub3A_59 : memref<128x128xf32, #tpu.memory_space<vmem>>[vector<16xi32>, vector<16xi32>], vector<16xf32>,
          %broadcast_in_dim3A_80 = arith.constant 67 : i32
          %broadcast_in_dim3A_81 = vector.broadcast %broadcast_in_dim3A_80 : i32 to vector<16xi32>
          tpu.vector_store_idx %arg10[%add3A_73, %broadcast_in_dim3A_81], %sub3A_66 : memref<128x128xf32, #tpu.memory_space<vmem>>[vector<16xi32>, vector<16xi32>], vector<16xf32>,
        }
        %scan3A_35 = arith.constant 8 : i32
        %scan3A_36 = arith.constant 0 : i32
        %scan3A_37 = arith.constant 128 : i32
        %scan3A_38 = arith.addi %scan3A_36, %scan3A_37 : i32
        %scan3A_39 = arith.constant 1 : i32
        scf.for %scan3A_41 = %scan3A_36 to %scan3A_38 step %scan3A_39  : i32 {
          %mul3A_42 = arith.constant 1 : i32
          %mul3A_43 = arith.muli %scan3A_41, %mul3A_42 : i32
          %add3A_44 = arith.constant 0 : i32
          %add3A_45 = arith.addi %add3A_44, %mul3A_43 : i32
          %get3A = arith.index_cast %add3A_45 : i32 to index
          %get3A_46 = arith.constant 0 : index
          %get3A_47 = tpu.vector_load %arg10[%get3A, %get3A_46] {strides = array<i32>} : memref<128x128xf32, #tpu.memory_space<vmem>>, vector<16xf32>,
          %get3A_48 = arith.index_cast %add3A_45 : i32 to index
          %get3A_49 = arith.constant 64 : index
          %get3A_50 = tpu.vector_load %arg11[%get3A_48, %get3A_49] {strides = array<i32>} : memref<128x128xf32, #tpu.memory_space<vmem>>, vector<16xf32>,
          %add3A_51 = arith.addf %get3A_47, %get3A_50 : vector<16xf32>
          %swap3A = arith.index_cast %add3A_45 : i32 to index
          %swap3A_52 = arith.constant 0 : index
          %swap3A_53 = tpu.vector_load %arg10[%swap3A, %swap3A_52] {strides = array<i32>} : memref<128x128xf32, #tpu.memory_space<vmem>>, vector<16xf32>,
          tpu.vector_store %arg10[%swap3A, %swap3A_52], %add3A_51 {strides = array<i32>} : memref<128x128xf32, #tpu.memory_space<vmem>>, vector<16xf32>,
          %get3A_54 = arith.index_cast %add3A_45 : i32 to index
          %get3A_55 = arith.constant 16 : index
          %get3A_56 = tpu.vector_load %arg10[%get3A_54, %get3A_55] {strides = array<i32>} : memref<128x128xf32, #tpu.memory_space<vmem>>, vector<16xf32>,
          %get3A_57 = arith.index_cast %add3A_45 : i32 to index
          %get3A_58 = arith.constant 80 : index
          %get3A_59 = tpu.vector_load %arg11[%get3A_57, %get3A_58] {strides = array<i32>} : memref<128x128xf32, #tpu.memory_space<vmem>>, vector<16xf32>,
          %add3A_60 = arith.addf %get3A_56, %get3A_59 : vector<16xf32>
          %swap3A_61 = arith.index_cast %add3A_45 : i32 to index
          %swap3A_62 = arith.constant 16 : index
          %swap3A_63 = tpu.vector_load %arg10[%swap3A_61, %swap3A_62] {strides = array<i32>} : memref<128x128xf32, #tpu.memory_space<vmem>>, vector<16xf32>,
          tpu.vector_store %arg10[%swap3A_61, %swap3A_62], %add3A_60 {strides = array<i32>} : memref<128x128xf32, #tpu.memory_space<vmem>>, vector<16xf32>,
          %get3A_64 = arith.index_cast %add3A_45 : i32 to index
          %get3A_65 = arith.constant 32 : index
          %get3A_66 = tpu.vector_load %arg10[%get3A_64, %get3A_65] {strides = array<i32>} : memref<128x128xf32, #tpu.memory_space<vmem>>, vector<16xf32>,
          %get3A_67 = arith.index_cast %add3A_45 : i32 to index
          %get3A_68 = arith.constant 96 : index
          %get3A_69 = tpu.vector_load %arg11[%get3A_67, %get3A_68] {strides = array<i32>} : memref<128x128xf32, #tpu.memory_space<vmem>>, vector<16xf32>,
          %add3A_70 = arith.addf %get3A_66, %get3A_69 : vector<16xf32>
          %swap3A_71 = arith.index_cast %add3A_45 : i32 to index
          %swap3A_72 = arith.constant 32 : index
          %swap3A_73 = tpu.vector_load %arg10[%swap3A_71, %swap3A_72] {strides = array<i32>} : memref<128x128xf32, #tpu.memory_space<vmem>>, vector<16xf32>,
          tpu.vector_store %arg10[%swap3A_71, %swap3A_72], %add3A_70 {strides = array<i32>} : memref<128x128xf32, #tpu.memory_space<vmem>>, vector<16xf32>,
          %get3A_74 = arith.index_cast %add3A_45 : i32 to index
          %get3A_75 = arith.constant 48 : index
          %get3A_76 = tpu.vector_load %arg10[%get3A_74, %get3A_75] {strides = array<i32>} : memref<128x128xf32, #tpu.memory_space<vmem>>, vector<16xf32>,
          %get3A_77 = arith.index_cast %add3A_45 : i32 to index
          %get3A_78 = arith.constant 112 : index
          %get3A_79 = tpu.vector_load %arg11[%get3A_77, %get3A_78] {strides = array<i32>} : memref<128x128xf32, #tpu.memory_space<vmem>>, vector<16xf32>,
          %add3A_80 = arith.addf %get3A_76, %get3A_79 : vector<16xf32>
          %swap3A_81 = arith.index_cast %add3A_45 : i32 to index
          %swap3A_82 = arith.constant 48 : index
          %swap3A_83 = tpu.vector_load %arg10[%swap3A_81, %swap3A_82] {strides = array<i32>} : memref<128x128xf32, #tpu.memory_space<vmem>>, vector<16xf32>,
          tpu.vector_store %arg10[%swap3A_81, %swap3A_82], %add3A_80 {strides = array<i32>} : memref<128x128xf32, #tpu.memory_space<vmem>>, vector<16xf32>,
        }
        %scan3A_40 = arith.constant 128 : i32
        "tpu.region"() ({
          %run_scoped3A = tpu.sem_alloc : memref<!tpu.dma_semaphore, #tpu.memory_space<semaphore_mem>>
          %dma_start3A_41 = arith.constant 0 : i32
          %dma_start3A_42 = tpu.memref_slice %arg6[%mul3A_20, %dma_start3A_41] : memref<320000x128xf32, #tpu.memory_space<hbm>> -> memref<128x128xf32, #tpu.memory_space<hbm>>
          %dma_start3A_43 = arith.constant 0 : i32
          %dma_start3A_44 = tpu.memref_slice %arg6[%mul3A_20, %dma_start3A_43] : memref<320000x128xf32, #tpu.memory_space<hbm>> -> memref<128x128xf32, #tpu.memory_space<hbm>>
          tpu.enqueue_dma source(%arg10 : memref<128x128xf32, #tpu.memory_space<vmem>>) target(%dma_start3A_44 : memref<128x128xf32, #tpu.memory_space<hbm>>) target_semaphore(%run_scoped3A : memref<!tpu.dma_semaphore, #tpu.memory_space<semaphore_mem>>)
          %dma_wait3A_45 = arith.constant 0 : i32
          %dma_wait3A_46 = tpu.memref_slice %arg6[%mul3A_20, %dma_wait3A_45] : memref<320000x128xf32, #tpu.memory_space<hbm>> -> memref<128x128xf32, #tpu.memory_space<hbm>>
          %dma_wait3A_47 = arith.constant 0 : i32
          %dma_wait3A_48 = tpu.memref_slice %arg6[%mul3A_20, %dma_wait3A_47] : memref<320000x128xf32, #tpu.memory_space<hbm>> -> memref<128x128xf32, #tpu.memory_space<hbm>>
          tpu.wait_dma2 semaphore(%run_scoped3A : memref<!tpu.dma_semaphore, #tpu.memory_space<semaphore_mem>>) src(%arg10 : memref<128x128xf32, #tpu.memory_space<vmem>>) dst(%dma_wait3A_48 : memref<128x128xf32, #tpu.memory_space<hbm>>)
          tpu.yield
        }) : () -> ()
      } else {
      }
    }
    %scan3A_8 = arith.constant 79 : i32
    return
  }
}

#map = affine_map<(d0, d1) -> (0, 0)>
#map1 = affine_map<(d0, d1) -> (0)>
module attributes {stable_mosaic.version = 14 : i64} {
  func.func @gather_k(%arg0: i32, %arg1: i32, %arg2: memref<10000x128xf32, #tpu.memory_space<hbm>>, %arg3: memref<10000x4xf32, #tpu.memory_space<hbm>>, %arg4: memref<320000xi32, #tpu.memory_space<hbm>>, %arg5: memref<320000xi32, #tpu.memory_space<hbm>>, %arg6: memref<320000x128xf32, #tpu.memory_space<hbm>>, %arg7: memref<10000x4xf32, #tpu.memory_space<vmem>>, %arg8: memref<128xi32, #tpu.memory_space<vmem>>, %arg9: memref<128xi32, #tpu.memory_space<vmem>>, %arg10: memref<128x128xf32, #tpu.memory_space<vmem>>, %arg11: memref<128x128xf32, #tpu.memory_space<vmem>>, %arg12: memref<!tpu.dma_semaphore, #tpu.memory_space<semaphore_mem>>, %arg13: memref<!tpu.dma_semaphore, #tpu.memory_space<semaphore_mem>>) attributes {dimension_semantics = [#tpu.dimension_semantics<core_parallel>, #tpu.dimension_semantics<subcore_parallel>], iteration_bounds = array<i64: 2, 16>, scalar_prefetch = 0 : i64, scratch_operands = 7 : i64, tpu.core_type = #tpu.core_type<sc_vector_subcore>, window_params = [{transform_indices = #map}, {transform_indices = #map}, {transform_indices = #map1}, {transform_indices = #map1}, {transform_indices = #map}]} {
    %mul3A = arith.constant 2 : i32
    %mul3A_0 = arith.muli %arg1, %mul3A : i32
    %add3A = arith.addi %mul3A_0, %arg0 : i32
    %lt3A = arith.constant 4 : i32
    %lt3A_1 = arith.cmpi slt, %add3A, %lt3A : i32
    %jit3A = arith.constant 1 : i32
    %jit3A_2 = arith.constant 0 : i32
    %select_n3A = arith.select %lt3A_1, %jit3A, %jit3A_2 : i32
    %add3A_3 = arith.constant 78 : i32
    %add3A_4 = arith.addi %add3A_3, %select_n3A : i32
    "tpu.region"() ({
      %run_scoped3A = tpu.sem_alloc : memref<!tpu.dma_semaphore, #tpu.memory_space<semaphore_mem>>
      tpu.enqueue_dma source(%arg3 : memref<10000x4xf32, #tpu.memory_space<hbm>>) target(%arg7 : memref<10000x4xf32, #tpu.memory_space<vmem>>) target_semaphore(%run_scoped3A : memref<!tpu.dma_semaphore, #tpu.memory_space<semaphore_mem>>)
      tpu.wait_dma2 semaphore(%run_scoped3A : memref<!tpu.dma_semaphore, #tpu.memory_space<semaphore_mem>>) src(%arg3 : memref<10000x4xf32, #tpu.memory_space<hbm>>) dst(%arg7 : memref<10000x4xf32, #tpu.memory_space<vmem>>)
      tpu.yield
    }) : () -> ()
    %scan3A = arith.constant 0 : i32
    %scan3A_5 = arith.constant 79 : i32
    %scan3A_6 = arith.addi %scan3A, %scan3A_5 : i32
    %scan3A_7 = arith.constant 1 : i32
    scf.for %scan3A_9 = %scan3A to %scan3A_6 step %scan3A_7  : i32 {
      %mul3A_10 = arith.constant 1 : i32
      %mul3A_11 = arith.muli %scan3A_9, %mul3A_10 : i32
      %add3A_12 = arith.constant 0 : i32
      %add3A_13 = arith.addi %add3A_12, %mul3A_11 : i32
      %lt3A_14 = arith.cmpi slt, %add3A_13, %add3A_4 : i32
      %convert_element_type3A = arith.extui %lt3A_14 : i1 to i32
      %cond3A = arith.constant 0 : i32
      %cond3A_15 = arith.cmpi ne, %convert_element_type3A, %cond3A : i32
      scf.if %cond3A_15 {
        %mul3A_16 = arith.constant 32 : i32
        %mul3A_17 = arith.muli %mul3A_16, %add3A_13 : i32
        %add3A_18 = arith.addi %add3A, %mul3A_17 : i32
        %mul3A_19 = arith.constant 128 : i32
        %mul3A_20 = arith.muli %add3A_18, %mul3A_19 : i32
        "tpu.region"() ({
          %run_scoped3A = tpu.sem_alloc : memref<!tpu.dma_semaphore, #tpu.memory_space<semaphore_mem>>
          %dma_start3A_41 = tpu.memref_slice %arg4[%mul3A_20] : memref<320000xi32, #tpu.memory_space<hbm>> -> memref<128xi32, #tpu.memory_space<hbm>>
          %dma_start3A_42 = tpu.memref_slice %arg4[%mul3A_20] : memref<320000xi32, #tpu.memory_space<hbm>> -> memref<128xi32, #tpu.memory_space<hbm>>
          tpu.enqueue_dma source(%dma_start3A_42 : memref<128xi32, #tpu.memory_space<hbm>>) target(%arg8 : memref<128xi32, #tpu.memory_space<vmem>>) target_semaphore(%run_scoped3A : memref<!tpu.dma_semaphore, #tpu.memory_space<semaphore_mem>>)
          %dma_wait3A_43 = tpu.memref_slice %arg4[%mul3A_20] : memref<320000xi32, #tpu.memory_space<hbm>> -> memref<128xi32, #tpu.memory_space<hbm>>
          %dma_wait3A_44 = tpu.memref_slice %arg4[%mul3A_20] : memref<320000xi32, #tpu.memory_space<hbm>> -> memref<128xi32, #tpu.memory_space<hbm>>
          tpu.wait_dma2 semaphore(%run_scoped3A : memref<!tpu.dma_semaphore, #tpu.memory_space<semaphore_mem>>) src(%dma_wait3A_44 : memref<128xi32, #tpu.memory_space<hbm>>) dst(%arg8 : memref<128xi32, #tpu.memory_space<vmem>>)
          tpu.yield
        }) : () -> ()
        "tpu.region"() ({
          %run_scoped3A = tpu.sem_alloc : memref<!tpu.dma_semaphore, #tpu.memory_space<semaphore_mem>>
          %dma_start3A_41 = tpu.memref_slice %arg5[%mul3A_20] : memref<320000xi32, #tpu.memory_space<hbm>> -> memref<128xi32, #tpu.memory_space<hbm>>
          %dma_start3A_42 = tpu.memref_slice %arg5[%mul3A_20] : memref<320000xi32, #tpu.memory_space<hbm>> -> memref<128xi32, #tpu.memory_space<hbm>>
          tpu.enqueue_dma source(%dma_start3A_42 : memref<128xi32, #tpu.memory_space<hbm>>) target(%arg9 : memref<128xi32, #tpu.memory_space<vmem>>) target_semaphore(%run_scoped3A : memref<!tpu.dma_semaphore, #tpu.memory_space<semaphore_mem>>)
          %dma_wait3A_43 = tpu.memref_slice %arg5[%mul3A_20] : memref<320000xi32, #tpu.memory_space<hbm>> -> memref<128xi32, #tpu.memory_space<hbm>>
          %dma_wait3A_44 = tpu.memref_slice %arg5[%mul3A_20] : memref<320000xi32, #tpu.memory_space<hbm>> -> memref<128xi32, #tpu.memory_space<hbm>>
          tpu.wait_dma2 semaphore(%run_scoped3A : memref<!tpu.dma_semaphore, #tpu.memory_space<semaphore_mem>>) src(%dma_wait3A_44 : memref<128xi32, #tpu.memory_space<hbm>>) dst(%arg9 : memref<128xi32, #tpu.memory_space<vmem>>)
          tpu.yield
        }) : () -> ()
        %dma_start3A = arith.constant 0 : i32
        %dma_start3A_21 = arith.constant 0 : i32
        %dma_start3A_22 = tpu.memref_slice %arg2[%dma_start3A, %dma_start3A_21] : memref<10000x128xf32, #tpu.memory_space<hbm>> -> memref<10000x128xf32, #tpu.memory_space<hbm>>
        tpu.enqueue_indirect_dma source(%dma_start3A_22 : memref<10000x128xf32, #tpu.memory_space<hbm>>) target(%arg10 : memref<128x128xf32, #tpu.memory_space<vmem>>) offsets(%arg8 : memref<128xi32, #tpu.memory_space<vmem>>) semaphore(%arg12 : memref<!tpu.dma_semaphore, #tpu.memory_space<semaphore_mem>>)
        %dma_start3A_23 = arith.constant 0 : i32
        %dma_start3A_24 = arith.constant 0 : i32
        %dma_start3A_25 = tpu.memref_slice %arg2[%dma_start3A_23, %dma_start3A_24] : memref<10000x128xf32, #tpu.memory_space<hbm>> -> memref<10000x128xf32, #tpu.memory_space<hbm>>
        tpu.enqueue_indirect_dma source(%dma_start3A_25 : memref<10000x128xf32, #tpu.memory_space<hbm>>) target(%arg11 : memref<128x128xf32, #tpu.memory_space<vmem>>) offsets(%arg9 : memref<128xi32, #tpu.memory_space<vmem>>) semaphore(%arg13 : memref<!tpu.dma_semaphore, #tpu.memory_space<semaphore_mem>>)
        %dma_wait3A = arith.constant 0 : i32
        %dma_wait3A_26 = arith.constant 0 : i32
        %dma_wait3A_27 = tpu.memref_slice %arg2[%dma_wait3A, %dma_wait3A_26] : memref<10000x128xf32, #tpu.memory_space<hbm>> -> memref<10000x128xf32, #tpu.memory_space<hbm>>
        tpu.wait_indirect_dma semaphore(%arg12 : memref<!tpu.dma_semaphore, #tpu.memory_space<semaphore_mem>>) src(%dma_wait3A_27 : memref<10000x128xf32, #tpu.memory_space<hbm>>) dst(%arg10 : memref<128x128xf32, #tpu.memory_space<vmem>>)
        %dma_wait3A_28 = arith.constant 0 : i32
        %dma_wait3A_29 = arith.constant 0 : i32
        %dma_wait3A_30 = tpu.memref_slice %arg2[%dma_wait3A_28, %dma_wait3A_29] : memref<10000x128xf32, #tpu.memory_space<hbm>> -> memref<10000x128xf32, #tpu.memory_space<hbm>>
        tpu.wait_indirect_dma semaphore(%arg13 : memref<!tpu.dma_semaphore, #tpu.memory_space<semaphore_mem>>) src(%dma_wait3A_30 : memref<10000x128xf32, #tpu.memory_space<hbm>>) dst(%arg11 : memref<128x128xf32, #tpu.memory_space<vmem>>)
        %scan3A_31 = arith.constant 0 : i32
        %scan3A_32 = arith.constant 8 : i32
        %scan3A_33 = arith.addi %scan3A_31, %scan3A_32 : i32
        %scan3A_34 = arith.constant 1 : i32
        scf.for %scan3A_41 = %scan3A_31 to %scan3A_33 step %scan3A_34  : i32 {
          %mul3A_42 = arith.constant 16 : i32
          %mul3A_43 = arith.muli %scan3A_41, %mul3A_42 : i32
          %add3A_44 = arith.constant 0 : i32
          %add3A_45 = arith.addi %add3A_44, %mul3A_43 : i32
          %get3A = arith.index_cast %add3A_45 : i32 to index
          %get3A_46 = tpu.vector_load %arg8[%get3A] {strides = array<i32>} : memref<128xi32, #tpu.memory_space<vmem>>, vector<16xi32>,
          %get3A_47 = arith.index_cast %add3A_45 : i32 to index
          %get3A_48 = tpu.vector_load %arg9[%get3A_47] {strides = array<i32>} : memref<128xi32, #tpu.memory_space<vmem>>, vector<16xi32>,
          %broadcast_in_dim3A = arith.constant 0 : i32
          %broadcast_in_dim3A_49 = vector.broadcast %broadcast_in_dim3A : i32 to vector<16xi32>
          %gather3A = tpu.vector_load_idx %arg7[%get3A_46, %broadcast_in_dim3A_49] : memref<10000x4xf32, #tpu.memory_space<vmem>>[vector<16xi32>, vector<16xi32>], vector<16xf32>,
          %broadcast_in_dim3A_50 = arith.constant 0 : i32
          %broadcast_in_dim3A_51 = vector.broadcast %broadcast_in_dim3A_50 : i32 to vector<16xi32>
          %gather3A_52 = tpu.vector_load_idx %arg7[%get3A_48, %broadcast_in_dim3A_51] : memref<10000x4xf32, #tpu.memory_space<vmem>>[vector<16xi32>, vector<16xi32>], vector<16xf32>,
          %sub3A = arith.subf %gather3A, %gather3A_52 : vector<16xf32>
          %broadcast_in_dim3A_53 = arith.constant 1 : i32
          %broadcast_in_dim3A_54 = vector.broadcast %broadcast_in_dim3A_53 : i32 to vector<16xi32>
          %gather3A_55 = tpu.vector_load_idx %arg7[%get3A_46, %broadcast_in_dim3A_54] : memref<10000x4xf32, #tpu.memory_space<vmem>>[vector<16xi32>, vector<16xi32>], vector<16xf32>,
          %broadcast_in_dim3A_56 = arith.constant 1 : i32
          %broadcast_in_dim3A_57 = vector.broadcast %broadcast_in_dim3A_56 : i32 to vector<16xi32>
          %gather3A_58 = tpu.vector_load_idx %arg7[%get3A_48, %broadcast_in_dim3A_57] : memref<10000x4xf32, #tpu.memory_space<vmem>>[vector<16xi32>, vector<16xi32>], vector<16xf32>,
          %sub3A_59 = arith.subf %gather3A_55, %gather3A_58 : vector<16xf32>
          %broadcast_in_dim3A_60 = arith.constant 2 : i32
          %broadcast_in_dim3A_61 = vector.broadcast %broadcast_in_dim3A_60 : i32 to vector<16xi32>
          %gather3A_62 = tpu.vector_load_idx %arg7[%get3A_46, %broadcast_in_dim3A_61] : memref<10000x4xf32, #tpu.memory_space<vmem>>[vector<16xi32>, vector<16xi32>], vector<16xf32>,
          %broadcast_in_dim3A_63 = arith.constant 2 : i32
          %broadcast_in_dim3A_64 = vector.broadcast %broadcast_in_dim3A_63 : i32 to vector<16xi32>
          %gather3A_65 = tpu.vector_load_idx %arg7[%get3A_48, %broadcast_in_dim3A_64] : memref<10000x4xf32, #tpu.memory_space<vmem>>[vector<16xi32>, vector<16xi32>], vector<16xf32>,
          %sub3A_66 = arith.subf %gather3A_62, %gather3A_65 : vector<16xf32>
          %mul3A_67 = arith.mulf %sub3A, %sub3A : vector<16xf32>
          %mul3A_68 = arith.mulf %sub3A_59, %sub3A_59 : vector<16xf32>
          %add3A_69 = arith.addf %mul3A_67, %mul3A_68 : vector<16xf32>
          %mul3A_70 = arith.mulf %sub3A_66, %sub3A_66 : vector<16xf32>
          %add3A_71 = arith.addf %add3A_69, %mul3A_70 : vector<16xf32>
          %iota3A = tpu.iota {dimensions = array<i32: 0>} : vector<16xi32>
          %add3A_72 = vector.broadcast %add3A_45 : i32 to vector<16xi32>
          %add3A_73 = arith.addi %iota3A, %add3A_72 : vector<16xi32>
          %broadcast_in_dim3A_74 = arith.constant 64 : i32
          %broadcast_in_dim3A_75 = vector.broadcast %broadcast_in_dim3A_74 : i32 to vector<16xi32>
          tpu.vector_store_idx %arg10[%add3A_73, %broadcast_in_dim3A_75], %add3A_71 : memref<128x128xf32, #tpu.memory_space<vmem>>[vector<16xi32>, vector<16xi32>], vector<16xf32>,
          %broadcast_in_dim3A_76 = arith.constant 65 : i32
          %broadcast_in_dim3A_77 = vector.broadcast %broadcast_in_dim3A_76 : i32 to vector<16xi32>
          tpu.vector_store_idx %arg10[%add3A_73, %broadcast_in_dim3A_77], %sub3A : memref<128x128xf32, #tpu.memory_space<vmem>>[vector<16xi32>, vector<16xi32>], vector<16xf32>,
          %broadcast_in_dim3A_78 = arith.constant 66 : i32
          %broadcast_in_dim3A_79 = vector.broadcast %broadcast_in_dim3A_78 : i32 to vector<16xi32>
          tpu.vector_store_idx %arg10[%add3A_73, %broadcast_in_dim3A_79], %sub3A_59 : memref<128x128xf32, #tpu.memory_space<vmem>>[vector<16xi32>, vector<16xi32>], vector<16xf32>,
          %broadcast_in_dim3A_80 = arith.constant 67 : i32
          %broadcast_in_dim3A_81 = vector.broadcast %broadcast_in_dim3A_80 : i32 to vector<16xi32>
          tpu.vector_store_idx %arg10[%add3A_73, %broadcast_in_dim3A_81], %sub3A_66 : memref<128x128xf32, #tpu.memory_space<vmem>>[vector<16xi32>, vector<16xi32>], vector<16xf32>,
        }
        %scan3A_35 = arith.constant 8 : i32
        %scan3A_36 = arith.constant 0 : i32
        %scan3A_37 = arith.constant 128 : i32
        %scan3A_38 = arith.addi %scan3A_36, %scan3A_37 : i32
        %scan3A_39 = arith.constant 1 : i32
        scf.for %scan3A_41 = %scan3A_36 to %scan3A_38 step %scan3A_39  : i32 {
          %mul3A_42 = arith.constant 1 : i32
          %mul3A_43 = arith.muli %scan3A_41, %mul3A_42 : i32
          %add3A_44 = arith.constant 0 : i32
          %add3A_45 = arith.addi %add3A_44, %mul3A_43 : i32
          %get3A = arith.index_cast %add3A_45 : i32 to index
          %get3A_46 = arith.constant 0 : index
          %get3A_47 = tpu.vector_load %arg10[%get3A, %get3A_46] {strides = array<i32>} : memref<128x128xf32, #tpu.memory_space<vmem>>, vector<16xf32>,
          %get3A_48 = arith.index_cast %add3A_45 : i32 to index
          %get3A_49 = arith.constant 64 : index
          %get3A_50 = tpu.vector_load %arg11[%get3A_48, %get3A_49] {strides = array<i32>} : memref<128x128xf32, #tpu.memory_space<vmem>>, vector<16xf32>,
          %add3A_51 = arith.addf %get3A_47, %get3A_50 : vector<16xf32>
          %swap3A = arith.index_cast %add3A_45 : i32 to index
          %swap3A_52 = arith.constant 0 : index
          %swap3A_53 = tpu.vector_load %arg10[%swap3A, %swap3A_52] {strides = array<i32>} : memref<128x128xf32, #tpu.memory_space<vmem>>, vector<16xf32>,
          tpu.vector_store %arg10[%swap3A, %swap3A_52], %add3A_51 {strides = array<i32>} : memref<128x128xf32, #tpu.memory_space<vmem>>, vector<16xf32>,
          %get3A_54 = arith.index_cast %add3A_45 : i32 to index
          %get3A_55 = arith.constant 16 : index
          %get3A_56 = tpu.vector_load %arg10[%get3A_54, %get3A_55] {strides = array<i32>} : memref<128x128xf32, #tpu.memory_space<vmem>>, vector<16xf32>,
          %get3A_57 = arith.index_cast %add3A_45 : i32 to index
          %get3A_58 = arith.constant 80 : index
          %get3A_59 = tpu.vector_load %arg11[%get3A_57, %get3A_58] {strides = array<i32>} : memref<128x128xf32, #tpu.memory_space<vmem>>, vector<16xf32>,
          %add3A_60 = arith.addf %get3A_56, %get3A_59 : vector<16xf32>
          %swap3A_61 = arith.index_cast %add3A_45 : i32 to index
          %swap3A_62 = arith.constant 16 : index
          %swap3A_63 = tpu.vector_load %arg10[%swap3A_61, %swap3A_62] {strides = array<i32>} : memref<128x128xf32, #tpu.memory_space<vmem>>, vector<16xf32>,
          tpu.vector_store %arg10[%swap3A_61, %swap3A_62], %add3A_60 {strides = array<i32>} : memref<128x128xf32, #tpu.memory_space<vmem>>, vector<16xf32>,
          %get3A_64 = arith.index_cast %add3A_45 : i32 to index
          %get3A_65 = arith.constant 32 : index
          %get3A_66 = tpu.vector_load %arg10[%get3A_64, %get3A_65] {strides = array<i32>} : memref<128x128xf32, #tpu.memory_space<vmem>>, vector<16xf32>,
          %get3A_67 = arith.index_cast %add3A_45 : i32 to index
          %get3A_68 = arith.constant 96 : index
          %get3A_69 = tpu.vector_load %arg11[%get3A_67, %get3A_68] {strides = array<i32>} : memref<128x128xf32, #tpu.memory_space<vmem>>, vector<16xf32>,
          %add3A_70 = arith.addf %get3A_66, %get3A_69 : vector<16xf32>
          %swap3A_71 = arith.index_cast %add3A_45 : i32 to index
          %swap3A_72 = arith.constant 32 : index
          %swap3A_73 = tpu.vector_load %arg10[%swap3A_71, %swap3A_72] {strides = array<i32>} : memref<128x128xf32, #tpu.memory_space<vmem>>, vector<16xf32>,
          tpu.vector_store %arg10[%swap3A_71, %swap3A_72], %add3A_70 {strides = array<i32>} : memref<128x128xf32, #tpu.memory_space<vmem>>, vector<16xf32>,
          %get3A_74 = arith.index_cast %add3A_45 : i32 to index
          %get3A_75 = arith.constant 48 : index
          %get3A_76 = tpu.vector_load %arg10[%get3A_74, %get3A_75] {strides = array<i32>} : memref<128x128xf32, #tpu.memory_space<vmem>>, vector<16xf32>,
          %get3A_77 = arith.index_cast %add3A_45 : i32 to index
          %get3A_78 = arith.constant 112 : index
          %get3A_79 = tpu.vector_load %arg11[%get3A_77, %get3A_78] {strides = array<i32>} : memref<128x128xf32, #tpu.memory_space<vmem>>, vector<16xf32>,
          %add3A_80 = arith.addf %get3A_76, %get3A_79 : vector<16xf32>
          %swap3A_81 = arith.index_cast %add3A_45 : i32 to index
          %swap3A_82 = arith.constant 48 : index
          %swap3A_83 = tpu.vector_load %arg10[%swap3A_81, %swap3A_82] {strides = array<i32>} : memref<128x128xf32, #tpu.memory_space<vmem>>, vector<16xf32>,
          tpu.vector_store %arg10[%swap3A_81, %swap3A_82], %add3A_80 {strides = array<i32>} : memref<128x128xf32, #tpu.memory_space<vmem>>, vector<16xf32>,
        }
        %scan3A_40 = arith.constant 128 : i32
        "tpu.region"() ({
          %run_scoped3A = tpu.sem_alloc : memref<!tpu.dma_semaphore, #tpu.memory_space<semaphore_mem>>
          %dma_start3A_41 = arith.constant 0 : i32
          %dma_start3A_42 = tpu.memref_slice %arg6[%mul3A_20, %dma_start3A_41] : memref<320000x128xf32, #tpu.memory_space<hbm>> -> memref<128x128xf32, #tpu.memory_space<hbm>>
          %dma_start3A_43 = arith.constant 0 : i32
          %dma_start3A_44 = tpu.memref_slice %arg6[%mul3A_20, %dma_start3A_43] : memref<320000x128xf32, #tpu.memory_space<hbm>> -> memref<128x128xf32, #tpu.memory_space<hbm>>
          tpu.enqueue_dma source(%arg10 : memref<128x128xf32, #tpu.memory_space<vmem>>) target(%dma_start3A_44 : memref<128x128xf32, #tpu.memory_space<hbm>>) target_semaphore(%run_scoped3A : memref<!tpu.dma_semaphore, #tpu.memory_space<semaphore_mem>>)
          %dma_wait3A_45 = arith.constant 0 : i32
          %dma_wait3A_46 = tpu.memref_slice %arg6[%mul3A_20, %dma_wait3A_45] : memref<320000x128xf32, #tpu.memory_space<hbm>> -> memref<128x128xf32, #tpu.memory_space<hbm>>
          %dma_wait3A_47 = arith.constant 0 : i32
          %dma_wait3A_48 = tpu.memref_slice %arg6[%mul3A_20, %dma_wait3A_47] : memref<320000x128xf32, #tpu.memory_space<hbm>> -> memref<128x128xf32, #tpu.memory_space<hbm>>
          tpu.wait_dma2 semaphore(%run_scoped3A : memref<!tpu.dma_semaphore, #tpu.memory_space<semaphore_mem>>) src(%arg10 : memref<128x128xf32, #tpu.memory_space<vmem>>) dst(%dma_wait3A_48 : memref<128x128xf32, #tpu.memory_space<hbm>>)
          tpu.yield
        }) : () -> ()
      } else {
      }
    }
    %scan3A_8 = arith.constant 79 : i32
    return
  }
}

#map = affine_map<(d0, d1) -> (0)>
#map1 = affine_map<(d0, d1) -> (0, 0)>
#map2 = affine_map<(d0, d1) -> (0, 0, 0)>
module attributes {stable_mosaic.version = 14 : i64} {
  func.func @scatter_k(%arg0: i32, %arg1: i32, %arg2: memref<320000xi32, #tpu.memory_space<hbm>>, %arg3: memref<160000x128xf32, #tpu.memory_space<hbm>>, %arg4: memref<160000x128xf32, #tpu.memory_space<hbm>>, %arg5: memref<2x10000x128xf32, #tpu.memory_space<hbm>>, %arg6: memref<10000x128xf32, #tpu.memory_space<vmem_shared>>, %arg7: memref<1x128xi32, #tpu.memory_space<vmem>>, %arg8: memref<128x128xf32, #tpu.memory_space<vmem>>, %arg9: memref<125x128xf32, #tpu.memory_space<vmem>>) attributes {dimension_semantics = [#tpu.dimension_semantics<core_parallel>, #tpu.dimension_semantics<subcore_parallel>], iteration_bounds = array<i64: 2, 16>, scalar_prefetch = 0 : i64, scratch_operands = 4 : i64, tpu.core_type = #tpu.core_type<sc_vector_subcore>, window_params = [{transform_indices = #map}, {transform_indices = #map1}, {transform_indices = #map1}, {transform_indices = #map2}]} {
    %mul3A = arith.constant 2 : i32
    %mul3A_0 = arith.muli %arg1, %mul3A : i32
    %add3A = arith.addi %mul3A_0, %arg0 : i32
    %lt3A = arith.constant 4 : i32
    %lt3A_1 = arith.cmpi slt, %add3A, %lt3A : i32
    %jit3A = arith.constant 1 : i32
    %jit3A_2 = arith.constant 0 : i32
    %select_n3A = arith.select %lt3A_1, %jit3A, %jit3A_2 : i32
    %add3A_3 = arith.constant 78 : i32
    %add3A_4 = arith.addi %add3A_3, %select_n3A : i32
    %broadcast_in_dim3A = arith.constant 0.000000e+00 : f32
    %broadcast_in_dim3A_5 = vector.broadcast %broadcast_in_dim3A : f32 to vector<16xf32>
    %scan3A = arith.constant 0 : i32
    %scan3A_6 = arith.constant 125 : i32
    %scan3A_7 = arith.addi %scan3A, %scan3A_6 : i32
    %scan3A_8 = arith.constant 1 : i32
    scf.for %scan3A_23 = %scan3A to %scan3A_7 step %scan3A_8  : i32 {
      %mul3A_24 = arith.constant 1 : i32
      %mul3A_25 = arith.muli %scan3A_23, %mul3A_24 : i32
      %add3A_26 = arith.constant 0 : i32
      %add3A_27 = arith.addi %add3A_26, %mul3A_25 : i32
      %scan3A_28 = arith.constant 0 : i32
      %scan3A_29 = arith.constant 8 : i32
      %scan3A_30 = arith.addi %scan3A_28, %scan3A_29 : i32
      %scan3A_31 = arith.constant 1 : i32
      scf.for %scan3A_33 = %scan3A_28 to %scan3A_30 step %scan3A_31  : i32 {
        %mul3A_34 = arith.constant 16 : i32
        %mul3A_35 = arith.muli %scan3A_33, %mul3A_34 : i32
        %add3A_36 = arith.constant 0 : i32
        %add3A_37 = arith.addi %add3A_36, %mul3A_35 : i32
        %swap3A = arith.index_cast %add3A_27 : i32 to index
        %swap3A_38 = arith.index_cast %add3A_37 : i32 to index
        %swap3A_39 = tpu.vector_load %arg9[%swap3A, %swap3A_38] {strides = array<i32>} : memref<125x128xf32, #tpu.memory_space<vmem>>, vector<16xf32>,
        tpu.vector_store %arg9[%swap3A, %swap3A_38], %broadcast_in_dim3A_5 {strides = array<i32>} : memref<125x128xf32, #tpu.memory_space<vmem>>, vector<16xf32>,
      }
      %scan3A_32 = arith.constant 8 : i32
    }
    %scan3A_9 = arith.constant 125 : i32
    %scan3A_10 = arith.constant 0 : i32
    %scan3A_11 = arith.constant 5 : i32
    %scan3A_12 = arith.addi %scan3A_10, %scan3A_11 : i32
    %scan3A_13 = arith.constant 1 : i32
    scf.for %scan3A_23 = %scan3A_10 to %scan3A_12 step %scan3A_13  : i32 {
      %mul3A_24 = arith.constant 1 : i32
      %mul3A_25 = arith.muli %scan3A_23, %mul3A_24 : i32
      %add3A_26 = arith.constant 0 : i32
      %add3A_27 = arith.addi %add3A_26, %mul3A_25 : i32
      %mul3A_28 = arith.constant 625 : i32
      %mul3A_29 = arith.muli %arg1, %mul3A_28 : i32
      %mul3A_30 = arith.constant 125 : i32
      %mul3A_31 = arith.muli %add3A_27, %mul3A_30 : i32
      %add3A_32 = arith.addi %mul3A_29, %mul3A_31 : i32
      "tpu.region"() ({
        %run_scoped3A = tpu.sem_alloc : memref<!tpu.dma_semaphore, #tpu.memory_space<semaphore_mem>>
        %dma_start3A = arith.constant 0 : i32
        %dma_start3A_33 = tpu.memref_slice %arg6[%add3A_32, %dma_start3A] : memref<10000x128xf32, #tpu.memory_space<vmem_shared>> -> memref<125x128xf32, #tpu.memory_space<vmem_shared>>
        %dma_start3A_34 = arith.constant 0 : i32
        %dma_start3A_35 = tpu.memref_slice %arg6[%add3A_32, %dma_start3A_34] : memref<10000x128xf32, #tpu.memory_space<vmem_shared>> -> memref<125x128xf32, #tpu.memory_space<vmem_shared>>
        tpu.enqueue_dma source(%arg9 : memref<125x128xf32, #tpu.memory_space<vmem>>) target(%dma_start3A_35 : memref<125x128xf32, #tpu.memory_space<vmem_shared>>) target_semaphore(%run_scoped3A : memref<!tpu.dma_semaphore, #tpu.memory_space<semaphore_mem>>)
        %dma_wait3A = arith.constant 0 : i32
        %dma_wait3A_36 = tpu.memref_slice %arg6[%add3A_32, %dma_wait3A] : memref<10000x128xf32, #tpu.memory_space<vmem_shared>> -> memref<125x128xf32, #tpu.memory_space<vmem_shared>>
        %dma_wait3A_37 = arith.constant 0 : i32
        %dma_wait3A_38 = tpu.memref_slice %arg6[%add3A_32, %dma_wait3A_37] : memref<10000x128xf32, #tpu.memory_space<vmem_shared>> -> memref<125x128xf32, #tpu.memory_space<vmem_shared>>
        tpu.wait_dma2 semaphore(%run_scoped3A : memref<!tpu.dma_semaphore, #tpu.memory_space<semaphore_mem>>) src(%arg9 : memref<125x128xf32, #tpu.memory_space<vmem>>) dst(%dma_wait3A_38 : memref<125x128xf32, #tpu.memory_space<vmem_shared>>)
        tpu.yield
      }) : () -> ()
    }
    %scan3A_14 = arith.constant 5 : i32
    %barrier3A = arith.constant 0 : index
    tpu.barrier barrier_id(%barrier3A)
    %scan3A_15 = arith.constant 0 : i32
    %scan3A_16 = arith.constant 79 : i32
    %scan3A_17 = arith.addi %scan3A_15, %scan3A_16 : i32
    %scan3A_18 = arith.constant 1 : i32
    scf.for %scan3A_23 = %scan3A_15 to %scan3A_17 step %scan3A_18  : i32 {
      %mul3A_24 = arith.constant 1 : i32
      %mul3A_25 = arith.muli %scan3A_23, %mul3A_24 : i32
      %add3A_26 = arith.constant 0 : i32
      %add3A_27 = arith.addi %add3A_26, %mul3A_25 : i32
      %lt3A_28 = arith.cmpi slt, %add3A_27, %add3A_4 : i32
      %convert_element_type3A = arith.extui %lt3A_28 : i1 to i32
      %cond3A = arith.constant 0 : i32
      %cond3A_29 = arith.cmpi ne, %convert_element_type3A, %cond3A : i32
      scf.if %cond3A_29 {
        %mul3A_30 = arith.constant 32 : i32
        %mul3A_31 = arith.muli %mul3A_30, %add3A_27 : i32
        %add3A_32 = arith.addi %add3A, %mul3A_31 : i32
        %mul3A_33 = arith.constant 128 : i32
        %mul3A_34 = arith.muli %add3A_32, %mul3A_33 : i32
        %run_scoped3A = arith.constant 0 : i32
        "tpu.region"() ({
          %run_scoped3A_45 = tpu.sem_alloc : memref<!tpu.dma_semaphore, #tpu.memory_space<semaphore_mem>>
          %dma_start3A = arith.constant 0 : i32
          %dma_start3A_46 = tpu.memref_slice %arg7[%run_scoped3A, %dma_start3A] : memref<1x128xi32, #tpu.memory_space<vmem>> -> memref<1x128xi32, #tpu.memory_space<vmem>>
          %dma_start3A_47 = tpu.memref_squeeze %dma_start3A_46 : memref<1x128xi32, #tpu.memory_space<vmem>> -> memref<128xi32, #tpu.memory_space<vmem>>
          %dma_start3A_48 = tpu.memref_slice %arg2[%mul3A_34] : memref<320000xi32, #tpu.memory_space<hbm>> -> memref<128xi32, #tpu.memory_space<hbm>>
          %dma_start3A_49 = arith.constant 0 : i32
          %dma_start3A_50 = tpu.memref_slice %arg7[%run_scoped3A, %dma_start3A_49] : memref<1x128xi32, #tpu.memory_space<vmem>> -> memref<1x128xi32, #tpu.memory_space<vmem>>
          %dma_start3A_51 = tpu.memref_squeeze %dma_start3A_50 : memref<1x128xi32, #tpu.memory_space<vmem>> -> memref<128xi32, #tpu.memory_space<vmem>>
          %dma_start3A_52 = tpu.memref_slice %arg2[%mul3A_34] : memref<320000xi32, #tpu.memory_space<hbm>> -> memref<128xi32, #tpu.memory_space<hbm>>
          tpu.enqueue_dma source(%dma_start3A_52 : memref<128xi32, #tpu.memory_space<hbm>>) target(%dma_start3A_51 : memref<128xi32, #tpu.memory_space<vmem>>) target_semaphore(%run_scoped3A_45 : memref<!tpu.dma_semaphore, #tpu.memory_space<semaphore_mem>>)
          %dma_wait3A = arith.constant 0 : i32
          %dma_wait3A_53 = tpu.memref_slice %arg7[%run_scoped3A, %dma_wait3A] : memref<1x128xi32, #tpu.memory_space<vmem>> -> memref<1x128xi32, #tpu.memory_space<vmem>>
          %dma_wait3A_54 = tpu.memref_squeeze %dma_wait3A_53 : memref<1x128xi32, #tpu.memory_space<vmem>> -> memref<128xi32, #tpu.memory_space<vmem>>
          %dma_wait3A_55 = tpu.memref_slice %arg2[%mul3A_34] : memref<320000xi32, #tpu.memory_space<hbm>> -> memref<128xi32, #tpu.memory_space<hbm>>
          %dma_wait3A_56 = arith.constant 0 : i32
          %dma_wait3A_57 = tpu.memref_slice %arg7[%run_scoped3A, %dma_wait3A_56] : memref<1x128xi32, #tpu.memory_space<vmem>> -> memref<1x128xi32, #tpu.memory_space<vmem>>
          %dma_wait3A_58 = tpu.memref_squeeze %dma_wait3A_57 : memref<1x128xi32, #tpu.memory_space<vmem>> -> memref<128xi32, #tpu.memory_space<vmem>>
          %dma_wait3A_59 = tpu.memref_slice %arg2[%mul3A_34] : memref<320000xi32, #tpu.memory_space<hbm>> -> memref<128xi32, #tpu.memory_space<hbm>>
          tpu.wait_dma2 semaphore(%run_scoped3A_45 : memref<!tpu.dma_semaphore, #tpu.memory_space<semaphore_mem>>) src(%dma_wait3A_59 : memref<128xi32, #tpu.memory_space<hbm>>) dst(%dma_wait3A_58 : memref<128xi32, #tpu.memory_space<vmem>>)
          tpu.yield
        }) : () -> ()
        %lt3A_35 = arith.constant 160000 : i32
        %lt3A_36 = arith.cmpi slt, %mul3A_34, %lt3A_35 : i32
        %convert_element_type3A_37 = arith.extui %lt3A_36 : i1 to i32
        %cond3A_38 = arith.constant 0 : i32
        %cond3A_39 = arith.cmpi ne, %convert_element_type3A_37, %cond3A_38 : i32
        scf.if %cond3A_39 {
          "tpu.region"() ({
            %run_scoped3A_45 = tpu.sem_alloc : memref<!tpu.dma_semaphore, #tpu.memory_space<semaphore_mem>>
            %dma_start3A = arith.constant 0 : i32
            %dma_start3A_46 = tpu.memref_slice %arg3[%mul3A_34, %dma_start3A] : memref<160000x128xf32, #tpu.memory_space<hbm>> -> memref<128x128xf32, #tpu.memory_space<hbm>>
            %dma_start3A_47 = arith.constant 0 : i32
            %dma_start3A_48 = tpu.memref_slice %arg3[%mul3A_34, %dma_start3A_47] : memref<160000x128xf32, #tpu.memory_space<hbm>> -> memref<128x128xf32, #tpu.memory_space<hbm>>
            tpu.enqueue_dma source(%dma_start3A_48 : memref<128x128xf32, #tpu.memory_space<hbm>>) target(%arg8 : memref<128x128xf32, #tpu.memory_space<vmem>>) target_semaphore(%run_scoped3A_45 : memref<!tpu.dma_semaphore, #tpu.memory_space<semaphore_mem>>)
            %dma_wait3A = arith.constant 0 : i32
            %dma_wait3A_49 = tpu.memref_slice %arg3[%mul3A_34, %dma_wait3A] : memref<160000x128xf32, #tpu.memory_space<hbm>> -> memref<128x128xf32, #tpu.memory_space<hbm>>
            %dma_wait3A_50 = arith.constant 0 : i32
            %dma_wait3A_51 = tpu.memref_slice %arg3[%mul3A_34, %dma_wait3A_50] : memref<160000x128xf32, #tpu.memory_space<hbm>> -> memref<128x128xf32, #tpu.memory_space<hbm>>
            tpu.wait_dma2 semaphore(%run_scoped3A_45 : memref<!tpu.dma_semaphore, #tpu.memory_space<semaphore_mem>>) src(%dma_wait3A_51 : memref<128x128xf32, #tpu.memory_space<hbm>>) dst(%arg8 : memref<128x128xf32, #tpu.memory_space<vmem>>)
            tpu.yield
          }) : () -> ()
        } else {
        }
        %ge3A = arith.constant 160000 : i32
        %ge3A_40 = arith.cmpi sge, %mul3A_34, %ge3A : i32
        %convert_element_type3A_41 = arith.extui %ge3A_40 : i1 to i32
        %cond3A_42 = arith.constant 0 : i32
        %cond3A_43 = arith.cmpi ne, %convert_element_type3A_41, %cond3A_42 : i32
        scf.if %cond3A_43 {
          %sub3A = arith.constant 160000 : i32
          %sub3A_45 = arith.subi %mul3A_34, %sub3A : i32
          "tpu.region"() ({
            %run_scoped3A_46 = tpu.sem_alloc : memref<!tpu.dma_semaphore, #tpu.memory_space<semaphore_mem>>
            %dma_start3A = arith.constant 0 : i32
            %dma_start3A_47 = tpu.memref_slice %arg4[%sub3A_45, %dma_start3A] : memref<160000x128xf32, #tpu.memory_space<hbm>> -> memref<128x128xf32, #tpu.memory_space<hbm>>
            %dma_start3A_48 = arith.constant 0 : i32
            %dma_start3A_49 = tpu.memref_slice %arg4[%sub3A_45, %dma_start3A_48] : memref<160000x128xf32, #tpu.memory_space<hbm>> -> memref<128x128xf32, #tpu.memory_space<hbm>>
            tpu.enqueue_dma source(%dma_start3A_49 : memref<128x128xf32, #tpu.memory_space<hbm>>) target(%arg8 : memref<128x128xf32, #tpu.memory_space<vmem>>) target_semaphore(%run_scoped3A_46 : memref<!tpu.dma_semaphore, #tpu.memory_space<semaphore_mem>>)
            %dma_wait3A = arith.constant 0 : i32
            %dma_wait3A_50 = tpu.memref_slice %arg4[%sub3A_45, %dma_wait3A] : memref<160000x128xf32, #tpu.memory_space<hbm>> -> memref<128x128xf32, #tpu.memory_space<hbm>>
            %dma_wait3A_51 = arith.constant 0 : i32
            %dma_wait3A_52 = tpu.memref_slice %arg4[%sub3A_45, %dma_wait3A_51] : memref<160000x128xf32, #tpu.memory_space<hbm>> -> memref<128x128xf32, #tpu.memory_space<hbm>>
            tpu.wait_dma2 semaphore(%run_scoped3A_46 : memref<!tpu.dma_semaphore, #tpu.memory_space<semaphore_mem>>) src(%dma_wait3A_52 : memref<128x128xf32, #tpu.memory_space<hbm>>) dst(%arg8 : memref<128x128xf32, #tpu.memory_space<vmem>>)
            tpu.yield
          }) : () -> ()
        } else {
        }
        %run_scoped3A_44 = arith.constant 0 : i32
        "tpu.region"() ({
          %run_scoped3A_45 = tpu.sem_alloc : memref<!tpu.dma_semaphore, #tpu.memory_space<semaphore_mem>>
          %dma_start3A = arith.constant 0 : i32
          %dma_start3A_46 = tpu.memref_slice %arg7[%run_scoped3A_44, %dma_start3A] : memref<1x128xi32, #tpu.memory_space<vmem>> -> memref<1x128xi32, #tpu.memory_space<vmem>>
          %dma_start3A_47 = tpu.memref_squeeze %dma_start3A_46 : memref<1x128xi32, #tpu.memory_space<vmem>> -> memref<128xi32, #tpu.memory_space<vmem>>
          %dma_start3A_48 = arith.constant 0 : i32
          %dma_start3A_49 = arith.constant 0 : i32
          %dma_start3A_50 = tpu.memref_slice %arg6[%dma_start3A_48, %dma_start3A_49] : memref<10000x128xf32, #tpu.memory_space<vmem_shared>> -> memref<10000x128xf32, #tpu.memory_space<vmem_shared>>
          tpu.enqueue_indirect_dma source(%arg8 : memref<128x128xf32, #tpu.memory_space<vmem>>) target(%dma_start3A_50 : memref<10000x128xf32, #tpu.memory_space<vmem_shared>>) offsets(%dma_start3A_47 : memref<128xi32, #tpu.memory_space<vmem>>) semaphore(%run_scoped3A_45 : memref<!tpu.dma_semaphore, #tpu.memory_space<semaphore_mem>>) {add = true}
          %dma_wait3A = arith.constant 0 : i32
          %dma_wait3A_51 = tpu.memref_slice %arg7[%run_scoped3A_44, %dma_wait3A] : memref<1x128xi32, #tpu.memory_space<vmem>> -> memref<1x128xi32, #tpu.memory_space<vmem>>
          %dma_wait3A_52 = tpu.memref_squeeze %dma_wait3A_51 : memref<1x128xi32, #tpu.memory_space<vmem>> -> memref<128xi32, #tpu.memory_space<vmem>>
          %dma_wait3A_53 = arith.constant 0 : i32
          %dma_wait3A_54 = arith.constant 0 : i32
          %dma_wait3A_55 = tpu.memref_slice %arg6[%dma_wait3A_53, %dma_wait3A_54] : memref<10000x128xf32, #tpu.memory_space<vmem_shared>> -> memref<10000x128xf32, #tpu.memory_space<vmem_shared>>
          tpu.wait_indirect_dma semaphore(%run_scoped3A_45 : memref<!tpu.dma_semaphore, #tpu.memory_space<semaphore_mem>>) src(%arg8 : memref<128x128xf32, #tpu.memory_space<vmem>>) dst(%dma_wait3A_55 : memref<10000x128xf32, #tpu.memory_space<vmem_shared>>)
          tpu.yield
        }) : () -> ()
      } else {
      }
    }
    %scan3A_19 = arith.constant 79 : i32
    %barrier3A_20 = arith.constant 0 : index
    tpu.barrier barrier_id(%barrier3A_20)
    %mul3A_21 = arith.constant 625 : i32
    %mul3A_22 = arith.muli %arg1, %mul3A_21 : i32
    "tpu.region"() ({
      %run_scoped3A = tpu.sem_alloc : memref<!tpu.dma_semaphore, #tpu.memory_space<semaphore_mem>>
      %dma_start3A = arith.constant 0 : i32
      %dma_start3A_23 = tpu.memref_slice %arg5[%arg0, %mul3A_22, %dma_start3A] : memref<2x10000x128xf32, #tpu.memory_space<hbm>> -> memref<1x625x128xf32, #tpu.memory_space<hbm>>
      %dma_start3A_24 = tpu.memref_squeeze %dma_start3A_23 : memref<1x625x128xf32, #tpu.memory_space<hbm>> -> memref<625x128xf32, #tpu.memory_space<hbm>>
      %dma_start3A_25 = arith.constant 0 : i32
      %dma_start3A_26 = tpu.memref_slice %arg6[%mul3A_22, %dma_start3A_25] : memref<10000x128xf32, #tpu.memory_space<vmem_shared>> -> memref<625x128xf32, #tpu.memory_space<vmem_shared>>
      tpu.enqueue_dma source(%dma_start3A_26 : memref<625x128xf32, #tpu.memory_space<vmem_shared>>) target(%dma_start3A_24 : memref<625x128xf32, #tpu.memory_space<hbm>>) target_semaphore(%run_scoped3A : memref<!tpu.dma_semaphore, #tpu.memory_space<semaphore_mem>>)
      %dma_wait3A = arith.constant 0 : i32
      %dma_wait3A_27 = tpu.memref_slice %arg5[%arg0, %mul3A_22, %dma_wait3A] : memref<2x10000x128xf32, #tpu.memory_space<hbm>> -> memref<1x625x128xf32, #tpu.memory_space<hbm>>
      %dma_wait3A_28 = tpu.memref_squeeze %dma_wait3A_27 : memref<1x625x128xf32, #tpu.memory_space<hbm>> -> memref<625x128xf32, #tpu.memory_space<hbm>>
      %dma_wait3A_29 = arith.constant 0 : i32
      %dma_wait3A_30 = tpu.memref_slice %arg6[%mul3A_22, %dma_wait3A_29] : memref<10000x128xf32, #tpu.memory_space<vmem_shared>> -> memref<625x128xf32, #tpu.memory_space<vmem_shared>>
      tpu.wait_dma2 semaphore(%run_scoped3A : memref<!tpu.dma_semaphore, #tpu.memory_space<semaphore_mem>>) src(%dma_wait3A_30 : memref<625x128xf32, #tpu.memory_space<vmem_shared>>) dst(%dma_wait3A_28 : memref<625x128xf32, #tpu.memory_space<hbm>>)
      tpu.yield
    }) : () -> ()
    return
  }
}

#map = affine_map<(d0, d1) -> (0)>
#map1 = affine_map<(d0, d1) -> (0, 0)>
#map2 = affine_map<(d0, d1) -> (0, 0, 0)>
module attributes {stable_mosaic.version = 14 : i64} {
  func.func @scatter_k(%arg0: i32, %arg1: i32, %arg2: memref<320000xi32, #tpu.memory_space<hbm>>, %arg3: memref<160000x128xf32, #tpu.memory_space<hbm>>, %arg4: memref<160000x128xf32, #tpu.memory_space<hbm>>, %arg5: memref<2x10000x128xf32, #tpu.memory_space<hbm>>, %arg6: memref<10000x128xf32, #tpu.memory_space<vmem_shared>>, %arg7: memref<1x128xi32, #tpu.memory_space<vmem>>, %arg8: memref<128x128xf32, #tpu.memory_space<vmem>>, %arg9: memref<125x128xf32, #tpu.memory_space<vmem>>) attributes {dimension_semantics = [#tpu.dimension_semantics<core_parallel>, #tpu.dimension_semantics<subcore_parallel>], iteration_bounds = array<i64: 2, 16>, scalar_prefetch = 0 : i64, scratch_operands = 4 : i64, tpu.core_type = #tpu.core_type<sc_vector_subcore>, window_params = [{transform_indices = #map}, {transform_indices = #map1}, {transform_indices = #map1}, {transform_indices = #map2}]} {
    %mul3A = arith.constant 2 : i32
    %mul3A_0 = arith.muli %arg1, %mul3A : i32
    %add3A = arith.addi %mul3A_0, %arg0 : i32
    %lt3A = arith.constant 4 : i32
    %lt3A_1 = arith.cmpi slt, %add3A, %lt3A : i32
    %jit3A = arith.constant 1 : i32
    %jit3A_2 = arith.constant 0 : i32
    %select_n3A = arith.select %lt3A_1, %jit3A, %jit3A_2 : i32
    %add3A_3 = arith.constant 78 : i32
    %add3A_4 = arith.addi %add3A_3, %select_n3A : i32
    %broadcast_in_dim3A = arith.constant 0.000000e+00 : f32
    %broadcast_in_dim3A_5 = vector.broadcast %broadcast_in_dim3A : f32 to vector<16xf32>
    %scan3A = arith.constant 0 : i32
    %scan3A_6 = arith.constant 125 : i32
    %scan3A_7 = arith.addi %scan3A, %scan3A_6 : i32
    %scan3A_8 = arith.constant 1 : i32
    scf.for %scan3A_23 = %scan3A to %scan3A_7 step %scan3A_8  : i32 {
      %mul3A_24 = arith.constant 1 : i32
      %mul3A_25 = arith.muli %scan3A_23, %mul3A_24 : i32
      %add3A_26 = arith.constant 0 : i32
      %add3A_27 = arith.addi %add3A_26, %mul3A_25 : i32
      %scan3A_28 = arith.constant 0 : i32
      %scan3A_29 = arith.constant 8 : i32
      %scan3A_30 = arith.addi %scan3A_28, %scan3A_29 : i32
      %scan3A_31 = arith.constant 1 : i32
      scf.for %scan3A_33 = %scan3A_28 to %scan3A_30 step %scan3A_31  : i32 {
        %mul3A_34 = arith.constant 16 : i32
        %mul3A_35 = arith.muli %scan3A_33, %mul3A_34 : i32
        %add3A_36 = arith.constant 0 : i32
        %add3A_37 = arith.addi %add3A_36, %mul3A_35 : i32
        %swap3A = arith.index_cast %add3A_27 : i32 to index
        %swap3A_38 = arith.index_cast %add3A_37 : i32 to index
        %swap3A_39 = tpu.vector_load %arg9[%swap3A, %swap3A_38] {strides = array<i32>} : memref<125x128xf32, #tpu.memory_space<vmem>>, vector<16xf32>,
        tpu.vector_store %arg9[%swap3A, %swap3A_38], %broadcast_in_dim3A_5 {strides = array<i32>} : memref<125x128xf32, #tpu.memory_space<vmem>>, vector<16xf32>,
      }
      %scan3A_32 = arith.constant 8 : i32
    }
    %scan3A_9 = arith.constant 125 : i32
    %scan3A_10 = arith.constant 0 : i32
    %scan3A_11 = arith.constant 5 : i32
    %scan3A_12 = arith.addi %scan3A_10, %scan3A_11 : i32
    %scan3A_13 = arith.constant 1 : i32
    scf.for %scan3A_23 = %scan3A_10 to %scan3A_12 step %scan3A_13  : i32 {
      %mul3A_24 = arith.constant 1 : i32
      %mul3A_25 = arith.muli %scan3A_23, %mul3A_24 : i32
      %add3A_26 = arith.constant 0 : i32
      %add3A_27 = arith.addi %add3A_26, %mul3A_25 : i32
      %mul3A_28 = arith.constant 625 : i32
      %mul3A_29 = arith.muli %arg1, %mul3A_28 : i32
      %mul3A_30 = arith.constant 125 : i32
      %mul3A_31 = arith.muli %add3A_27, %mul3A_30 : i32
      %add3A_32 = arith.addi %mul3A_29, %mul3A_31 : i32
      "tpu.region"() ({
        %run_scoped3A = tpu.sem_alloc : memref<!tpu.dma_semaphore, #tpu.memory_space<semaphore_mem>>
        %dma_start3A = arith.constant 0 : i32
        %dma_start3A_33 = tpu.memref_slice %arg6[%add3A_32, %dma_start3A] : memref<10000x128xf32, #tpu.memory_space<vmem_shared>> -> memref<125x128xf32, #tpu.memory_space<vmem_shared>>
        %dma_start3A_34 = arith.constant 0 : i32
        %dma_start3A_35 = tpu.memref_slice %arg6[%add3A_32, %dma_start3A_34] : memref<10000x128xf32, #tpu.memory_space<vmem_shared>> -> memref<125x128xf32, #tpu.memory_space<vmem_shared>>
        tpu.enqueue_dma source(%arg9 : memref<125x128xf32, #tpu.memory_space<vmem>>) target(%dma_start3A_35 : memref<125x128xf32, #tpu.memory_space<vmem_shared>>) target_semaphore(%run_scoped3A : memref<!tpu.dma_semaphore, #tpu.memory_space<semaphore_mem>>)
        %dma_wait3A = arith.constant 0 : i32
        %dma_wait3A_36 = tpu.memref_slice %arg6[%add3A_32, %dma_wait3A] : memref<10000x128xf32, #tpu.memory_space<vmem_shared>> -> memref<125x128xf32, #tpu.memory_space<vmem_shared>>
        %dma_wait3A_37 = arith.constant 0 : i32
        %dma_wait3A_38 = tpu.memref_slice %arg6[%add3A_32, %dma_wait3A_37] : memref<10000x128xf32, #tpu.memory_space<vmem_shared>> -> memref<125x128xf32, #tpu.memory_space<vmem_shared>>
        tpu.wait_dma2 semaphore(%run_scoped3A : memref<!tpu.dma_semaphore, #tpu.memory_space<semaphore_mem>>) src(%arg9 : memref<125x128xf32, #tpu.memory_space<vmem>>) dst(%dma_wait3A_38 : memref<125x128xf32, #tpu.memory_space<vmem_shared>>)
        tpu.yield
      }) : () -> ()
    }
    %scan3A_14 = arith.constant 5 : i32
    %barrier3A = arith.constant 0 : index
    tpu.barrier barrier_id(%barrier3A)
    %scan3A_15 = arith.constant 0 : i32
    %scan3A_16 = arith.constant 79 : i32
    %scan3A_17 = arith.addi %scan3A_15, %scan3A_16 : i32
    %scan3A_18 = arith.constant 1 : i32
    scf.for %scan3A_23 = %scan3A_15 to %scan3A_17 step %scan3A_18  : i32 {
      %mul3A_24 = arith.constant 1 : i32
      %mul3A_25 = arith.muli %scan3A_23, %mul3A_24 : i32
      %add3A_26 = arith.constant 0 : i32
      %add3A_27 = arith.addi %add3A_26, %mul3A_25 : i32
      %lt3A_28 = arith.cmpi slt, %add3A_27, %add3A_4 : i32
      %convert_element_type3A = arith.extui %lt3A_28 : i1 to i32
      %cond3A = arith.constant 0 : i32
      %cond3A_29 = arith.cmpi ne, %convert_element_type3A, %cond3A : i32
      scf.if %cond3A_29 {
        %mul3A_30 = arith.constant 32 : i32
        %mul3A_31 = arith.muli %mul3A_30, %add3A_27 : i32
        %add3A_32 = arith.addi %add3A, %mul3A_31 : i32
        %mul3A_33 = arith.constant 128 : i32
        %mul3A_34 = arith.muli %add3A_32, %mul3A_33 : i32
        %run_scoped3A = arith.constant 0 : i32
        "tpu.region"() ({
          %run_scoped3A_45 = tpu.sem_alloc : memref<!tpu.dma_semaphore, #tpu.memory_space<semaphore_mem>>
          %dma_start3A = arith.constant 0 : i32
          %dma_start3A_46 = tpu.memref_slice %arg7[%run_scoped3A, %dma_start3A] : memref<1x128xi32, #tpu.memory_space<vmem>> -> memref<1x128xi32, #tpu.memory_space<vmem>>
          %dma_start3A_47 = tpu.memref_squeeze %dma_start3A_46 : memref<1x128xi32, #tpu.memory_space<vmem>> -> memref<128xi32, #tpu.memory_space<vmem>>
          %dma_start3A_48 = tpu.memref_slice %arg2[%mul3A_34] : memref<320000xi32, #tpu.memory_space<hbm>> -> memref<128xi32, #tpu.memory_space<hbm>>
          %dma_start3A_49 = arith.constant 0 : i32
          %dma_start3A_50 = tpu.memref_slice %arg7[%run_scoped3A, %dma_start3A_49] : memref<1x128xi32, #tpu.memory_space<vmem>> -> memref<1x128xi32, #tpu.memory_space<vmem>>
          %dma_start3A_51 = tpu.memref_squeeze %dma_start3A_50 : memref<1x128xi32, #tpu.memory_space<vmem>> -> memref<128xi32, #tpu.memory_space<vmem>>
          %dma_start3A_52 = tpu.memref_slice %arg2[%mul3A_34] : memref<320000xi32, #tpu.memory_space<hbm>> -> memref<128xi32, #tpu.memory_space<hbm>>
          tpu.enqueue_dma source(%dma_start3A_52 : memref<128xi32, #tpu.memory_space<hbm>>) target(%dma_start3A_51 : memref<128xi32, #tpu.memory_space<vmem>>) target_semaphore(%run_scoped3A_45 : memref<!tpu.dma_semaphore, #tpu.memory_space<semaphore_mem>>)
          %dma_wait3A = arith.constant 0 : i32
          %dma_wait3A_53 = tpu.memref_slice %arg7[%run_scoped3A, %dma_wait3A] : memref<1x128xi32, #tpu.memory_space<vmem>> -> memref<1x128xi32, #tpu.memory_space<vmem>>
          %dma_wait3A_54 = tpu.memref_squeeze %dma_wait3A_53 : memref<1x128xi32, #tpu.memory_space<vmem>> -> memref<128xi32, #tpu.memory_space<vmem>>
          %dma_wait3A_55 = tpu.memref_slice %arg2[%mul3A_34] : memref<320000xi32, #tpu.memory_space<hbm>> -> memref<128xi32, #tpu.memory_space<hbm>>
          %dma_wait3A_56 = arith.constant 0 : i32
          %dma_wait3A_57 = tpu.memref_slice %arg7[%run_scoped3A, %dma_wait3A_56] : memref<1x128xi32, #tpu.memory_space<vmem>> -> memref<1x128xi32, #tpu.memory_space<vmem>>
          %dma_wait3A_58 = tpu.memref_squeeze %dma_wait3A_57 : memref<1x128xi32, #tpu.memory_space<vmem>> -> memref<128xi32, #tpu.memory_space<vmem>>
          %dma_wait3A_59 = tpu.memref_slice %arg2[%mul3A_34] : memref<320000xi32, #tpu.memory_space<hbm>> -> memref<128xi32, #tpu.memory_space<hbm>>
          tpu.wait_dma2 semaphore(%run_scoped3A_45 : memref<!tpu.dma_semaphore, #tpu.memory_space<semaphore_mem>>) src(%dma_wait3A_59 : memref<128xi32, #tpu.memory_space<hbm>>) dst(%dma_wait3A_58 : memref<128xi32, #tpu.memory_space<vmem>>)
          tpu.yield
        }) : () -> ()
        %lt3A_35 = arith.constant 160000 : i32
        %lt3A_36 = arith.cmpi slt, %mul3A_34, %lt3A_35 : i32
        %convert_element_type3A_37 = arith.extui %lt3A_36 : i1 to i32
        %cond3A_38 = arith.constant 0 : i32
        %cond3A_39 = arith.cmpi ne, %convert_element_type3A_37, %cond3A_38 : i32
        scf.if %cond3A_39 {
          "tpu.region"() ({
            %run_scoped3A_45 = tpu.sem_alloc : memref<!tpu.dma_semaphore, #tpu.memory_space<semaphore_mem>>
            %dma_start3A = arith.constant 0 : i32
            %dma_start3A_46 = tpu.memref_slice %arg3[%mul3A_34, %dma_start3A] : memref<160000x128xf32, #tpu.memory_space<hbm>> -> memref<128x128xf32, #tpu.memory_space<hbm>>
            %dma_start3A_47 = arith.constant 0 : i32
            %dma_start3A_48 = tpu.memref_slice %arg3[%mul3A_34, %dma_start3A_47] : memref<160000x128xf32, #tpu.memory_space<hbm>> -> memref<128x128xf32, #tpu.memory_space<hbm>>
            tpu.enqueue_dma source(%dma_start3A_48 : memref<128x128xf32, #tpu.memory_space<hbm>>) target(%arg8 : memref<128x128xf32, #tpu.memory_space<vmem>>) target_semaphore(%run_scoped3A_45 : memref<!tpu.dma_semaphore, #tpu.memory_space<semaphore_mem>>)
            %dma_wait3A = arith.constant 0 : i32
            %dma_wait3A_49 = tpu.memref_slice %arg3[%mul3A_34, %dma_wait3A] : memref<160000x128xf32, #tpu.memory_space<hbm>> -> memref<128x128xf32, #tpu.memory_space<hbm>>
            %dma_wait3A_50 = arith.constant 0 : i32
            %dma_wait3A_51 = tpu.memref_slice %arg3[%mul3A_34, %dma_wait3A_50] : memref<160000x128xf32, #tpu.memory_space<hbm>> -> memref<128x128xf32, #tpu.memory_space<hbm>>
            tpu.wait_dma2 semaphore(%run_scoped3A_45 : memref<!tpu.dma_semaphore, #tpu.memory_space<semaphore_mem>>) src(%dma_wait3A_51 : memref<128x128xf32, #tpu.memory_space<hbm>>) dst(%arg8 : memref<128x128xf32, #tpu.memory_space<vmem>>)
            tpu.yield
          }) : () -> ()
        } else {
        }
        %ge3A = arith.constant 160000 : i32
        %ge3A_40 = arith.cmpi sge, %mul3A_34, %ge3A : i32
        %convert_element_type3A_41 = arith.extui %ge3A_40 : i1 to i32
        %cond3A_42 = arith.constant 0 : i32
        %cond3A_43 = arith.cmpi ne, %convert_element_type3A_41, %cond3A_42 : i32
        scf.if %cond3A_43 {
          %sub3A = arith.constant 160000 : i32
          %sub3A_45 = arith.subi %mul3A_34, %sub3A : i32
          "tpu.region"() ({
            %run_scoped3A_46 = tpu.sem_alloc : memref<!tpu.dma_semaphore, #tpu.memory_space<semaphore_mem>>
            %dma_start3A = arith.constant 0 : i32
            %dma_start3A_47 = tpu.memref_slice %arg4[%sub3A_45, %dma_start3A] : memref<160000x128xf32, #tpu.memory_space<hbm>> -> memref<128x128xf32, #tpu.memory_space<hbm>>
            %dma_start3A_48 = arith.constant 0 : i32
            %dma_start3A_49 = tpu.memref_slice %arg4[%sub3A_45, %dma_start3A_48] : memref<160000x128xf32, #tpu.memory_space<hbm>> -> memref<128x128xf32, #tpu.memory_space<hbm>>
            tpu.enqueue_dma source(%dma_start3A_49 : memref<128x128xf32, #tpu.memory_space<hbm>>) target(%arg8 : memref<128x128xf32, #tpu.memory_space<vmem>>) target_semaphore(%run_scoped3A_46 : memref<!tpu.dma_semaphore, #tpu.memory_space<semaphore_mem>>)
            %dma_wait3A = arith.constant 0 : i32
            %dma_wait3A_50 = tpu.memref_slice %arg4[%sub3A_45, %dma_wait3A] : memref<160000x128xf32, #tpu.memory_space<hbm>> -> memref<128x128xf32, #tpu.memory_space<hbm>>
            %dma_wait3A_51 = arith.constant 0 : i32
            %dma_wait3A_52 = tpu.memref_slice %arg4[%sub3A_45, %dma_wait3A_51] : memref<160000x128xf32, #tpu.memory_space<hbm>> -> memref<128x128xf32, #tpu.memory_space<hbm>>
            tpu.wait_dma2 semaphore(%run_scoped3A_46 : memref<!tpu.dma_semaphore, #tpu.memory_space<semaphore_mem>>) src(%dma_wait3A_52 : memref<128x128xf32, #tpu.memory_space<hbm>>) dst(%arg8 : memref<128x128xf32, #tpu.memory_space<vmem>>)
            tpu.yield
          }) : () -> ()
        } else {
        }
        %run_scoped3A_44 = arith.constant 0 : i32
        "tpu.region"() ({
          %run_scoped3A_45 = tpu.sem_alloc : memref<!tpu.dma_semaphore, #tpu.memory_space<semaphore_mem>>
          %dma_start3A = arith.constant 0 : i32
          %dma_start3A_46 = tpu.memref_slice %arg7[%run_scoped3A_44, %dma_start3A] : memref<1x128xi32, #tpu.memory_space<vmem>> -> memref<1x128xi32, #tpu.memory_space<vmem>>
          %dma_start3A_47 = tpu.memref_squeeze %dma_start3A_46 : memref<1x128xi32, #tpu.memory_space<vmem>> -> memref<128xi32, #tpu.memory_space<vmem>>
          %dma_start3A_48 = arith.constant 0 : i32
          %dma_start3A_49 = arith.constant 0 : i32
          %dma_start3A_50 = tpu.memref_slice %arg6[%dma_start3A_48, %dma_start3A_49] : memref<10000x128xf32, #tpu.memory_space<vmem_shared>> -> memref<10000x128xf32, #tpu.memory_space<vmem_shared>>
          tpu.enqueue_indirect_dma source(%arg8 : memref<128x128xf32, #tpu.memory_space<vmem>>) target(%dma_start3A_50 : memref<10000x128xf32, #tpu.memory_space<vmem_shared>>) offsets(%dma_start3A_47 : memref<128xi32, #tpu.memory_space<vmem>>) semaphore(%run_scoped3A_45 : memref<!tpu.dma_semaphore, #tpu.memory_space<semaphore_mem>>) {add = true}
          %dma_wait3A = arith.constant 0 : i32
          %dma_wait3A_51 = tpu.memref_slice %arg7[%run_scoped3A_44, %dma_wait3A] : memref<1x128xi32, #tpu.memory_space<vmem>> -> memref<1x128xi32, #tpu.memory_space<vmem>>
          %dma_wait3A_52 = tpu.memref_squeeze %dma_wait3A_51 : memref<1x128xi32, #tpu.memory_space<vmem>> -> memref<128xi32, #tpu.memory_space<vmem>>
          %dma_wait3A_53 = arith.constant 0 : i32
          %dma_wait3A_54 = arith.constant 0 : i32
          %dma_wait3A_55 = tpu.memref_slice %arg6[%dma_wait3A_53, %dma_wait3A_54] : memref<10000x128xf32, #tpu.memory_space<vmem_shared>> -> memref<10000x128xf32, #tpu.memory_space<vmem_shared>>
          tpu.wait_indirect_dma semaphore(%run_scoped3A_45 : memref<!tpu.dma_semaphore, #tpu.memory_space<semaphore_mem>>) src(%arg8 : memref<128x128xf32, #tpu.memory_space<vmem>>) dst(%dma_wait3A_55 : memref<10000x128xf32, #tpu.memory_space<vmem_shared>>)
          tpu.yield
        }) : () -> ()
      } else {
      }
    }
    %scan3A_19 = arith.constant 79 : i32
    %barrier3A_20 = arith.constant 0 : index
    tpu.barrier barrier_id(%barrier3A_20)
    %mul3A_21 = arith.constant 625 : i32
    %mul3A_22 = arith.muli %arg1, %mul3A_21 : i32
    "tpu.region"() ({
      %run_scoped3A = tpu.sem_alloc : memref<!tpu.dma_semaphore, #tpu.memory_space<semaphore_mem>>
      %dma_start3A = arith.constant 0 : i32
      %dma_start3A_23 = tpu.memref_slice %arg5[%arg0, %mul3A_22, %dma_start3A] : memref<2x10000x128xf32, #tpu.memory_space<hbm>> -> memref<1x625x128xf32, #tpu.memory_space<hbm>>
      %dma_start3A_24 = tpu.memref_squeeze %dma_start3A_23 : memref<1x625x128xf32, #tpu.memory_space<hbm>> -> memref<625x128xf32, #tpu.memory_space<hbm>>
      %dma_start3A_25 = arith.constant 0 : i32
      %dma_start3A_26 = tpu.memref_slice %arg6[%mul3A_22, %dma_start3A_25] : memref<10000x128xf32, #tpu.memory_space<vmem_shared>> -> memref<625x128xf32, #tpu.memory_space<vmem_shared>>
      tpu.enqueue_dma source(%dma_start3A_26 : memref<625x128xf32, #tpu.memory_space<vmem_shared>>) target(%dma_start3A_24 : memref<625x128xf32, #tpu.memory_space<hbm>>) target_semaphore(%run_scoped3A : memref<!tpu.dma_semaphore, #tpu.memory_space<semaphore_mem>>)
      %dma_wait3A = arith.constant 0 : i32
      %dma_wait3A_27 = tpu.memref_slice %arg5[%arg0, %mul3A_22, %dma_wait3A] : memref<2x10000x128xf32, #tpu.memory_space<hbm>> -> memref<1x625x128xf32, #tpu.memory_space<hbm>>
      %dma_wait3A_28 = tpu.memref_squeeze %dma_wait3A_27 : memref<1x625x128xf32, #tpu.memory_space<hbm>> -> memref<625x128xf32, #tpu.memory_space<hbm>>
      %dma_wait3A_29 = arith.constant 0 : i32
      %dma_wait3A_30 = tpu.memref_slice %arg6[%mul3A_22, %dma_wait3A_29] : memref<10000x128xf32, #tpu.memory_space<vmem_shared>> -> memref<625x128xf32, #tpu.memory_space<vmem_shared>>
      tpu.wait_dma2 semaphore(%run_scoped3A : memref<!tpu.dma_semaphore, #tpu.memory_space<semaphore_mem>>) src(%dma_wait3A_30 : memref<625x128xf32, #tpu.memory_space<vmem_shared>>) dst(%dma_wait3A_28 : memref<625x128xf32, #tpu.memory_space<hbm>>)
      tpu.yield
    }) : () -> ()
    return
  }
}

#map = affine_map<(d0, d1) -> (0, 0)>
#map1 = affine_map<(d0, d1) -> (0)>
module attributes {stable_mosaic.version = 14 : i64} {
  func.func @gather_k(%arg0: i32, %arg1: i32, %arg2: memref<10000x128xf32, #tpu.memory_space<hbm>>, %arg3: memref<10000x4xf32, #tpu.memory_space<hbm>>, %arg4: memref<320000xi32, #tpu.memory_space<hbm>>, %arg5: memref<320000xi32, #tpu.memory_space<hbm>>, %arg6: memref<320000x128xf32, #tpu.memory_space<hbm>>, %arg7: memref<10000x4xf32, #tpu.memory_space<vmem>>, %arg8: memref<128xi32, #tpu.memory_space<vmem>>, %arg9: memref<128xi32, #tpu.memory_space<vmem>>, %arg10: memref<128x128xf32, #tpu.memory_space<vmem>>, %arg11: memref<128x128xf32, #tpu.memory_space<vmem>>, %arg12: memref<!tpu.dma_semaphore, #tpu.memory_space<semaphore_mem>>, %arg13: memref<!tpu.dma_semaphore, #tpu.memory_space<semaphore_mem>>) attributes {dimension_semantics = [#tpu.dimension_semantics<core_parallel>, #tpu.dimension_semantics<subcore_parallel>], iteration_bounds = array<i64: 2, 16>, scalar_prefetch = 0 : i64, scratch_operands = 7 : i64, tpu.core_type = #tpu.core_type<sc_vector_subcore>, window_params = [{transform_indices = #map}, {transform_indices = #map}, {transform_indices = #map1}, {transform_indices = #map1}, {transform_indices = #map}]} {
    %mul3A = arith.constant 2 : i32
    %mul3A_0 = arith.muli %arg1, %mul3A : i32
    %add3A = arith.addi %mul3A_0, %arg0 : i32
    %lt3A = arith.constant 4 : i32
    %lt3A_1 = arith.cmpi slt, %add3A, %lt3A : i32
    %jit3A = arith.constant 1 : i32
    %jit3A_2 = arith.constant 0 : i32
    %select_n3A = arith.select %lt3A_1, %jit3A, %jit3A_2 : i32
    %add3A_3 = arith.constant 78 : i32
    %add3A_4 = arith.addi %add3A_3, %select_n3A : i32
    "tpu.region"() ({
      %run_scoped3A = tpu.sem_alloc : memref<!tpu.dma_semaphore, #tpu.memory_space<semaphore_mem>>
      tpu.enqueue_dma source(%arg3 : memref<10000x4xf32, #tpu.memory_space<hbm>>) target(%arg7 : memref<10000x4xf32, #tpu.memory_space<vmem>>) target_semaphore(%run_scoped3A : memref<!tpu.dma_semaphore, #tpu.memory_space<semaphore_mem>>)
      tpu.wait_dma2 semaphore(%run_scoped3A : memref<!tpu.dma_semaphore, #tpu.memory_space<semaphore_mem>>) src(%arg3 : memref<10000x4xf32, #tpu.memory_space<hbm>>) dst(%arg7 : memref<10000x4xf32, #tpu.memory_space<vmem>>)
      tpu.yield
    }) : () -> ()
    %scan3A = arith.constant 0 : i32
    %scan3A_5 = arith.constant 79 : i32
    %scan3A_6 = arith.addi %scan3A, %scan3A_5 : i32
    %scan3A_7 = arith.constant 1 : i32
    scf.for %scan3A_9 = %scan3A to %scan3A_6 step %scan3A_7  : i32 {
      %mul3A_10 = arith.constant 1 : i32
      %mul3A_11 = arith.muli %scan3A_9, %mul3A_10 : i32
      %add3A_12 = arith.constant 0 : i32
      %add3A_13 = arith.addi %add3A_12, %mul3A_11 : i32
      %lt3A_14 = arith.cmpi slt, %add3A_13, %add3A_4 : i32
      %convert_element_type3A = arith.extui %lt3A_14 : i1 to i32
      %cond3A = arith.constant 0 : i32
      %cond3A_15 = arith.cmpi ne, %convert_element_type3A, %cond3A : i32
      scf.if %cond3A_15 {
        %mul3A_16 = arith.constant 32 : i32
        %mul3A_17 = arith.muli %mul3A_16, %add3A_13 : i32
        %add3A_18 = arith.addi %add3A, %mul3A_17 : i32
        %mul3A_19 = arith.constant 128 : i32
        %mul3A_20 = arith.muli %add3A_18, %mul3A_19 : i32
        "tpu.region"() ({
          %run_scoped3A = tpu.sem_alloc : memref<!tpu.dma_semaphore, #tpu.memory_space<semaphore_mem>>
          %dma_start3A_41 = tpu.memref_slice %arg4[%mul3A_20] : memref<320000xi32, #tpu.memory_space<hbm>> -> memref<128xi32, #tpu.memory_space<hbm>>
          %dma_start3A_42 = tpu.memref_slice %arg4[%mul3A_20] : memref<320000xi32, #tpu.memory_space<hbm>> -> memref<128xi32, #tpu.memory_space<hbm>>
          tpu.enqueue_dma source(%dma_start3A_42 : memref<128xi32, #tpu.memory_space<hbm>>) target(%arg8 : memref<128xi32, #tpu.memory_space<vmem>>) target_semaphore(%run_scoped3A : memref<!tpu.dma_semaphore, #tpu.memory_space<semaphore_mem>>)
          %dma_wait3A_43 = tpu.memref_slice %arg4[%mul3A_20] : memref<320000xi32, #tpu.memory_space<hbm>> -> memref<128xi32, #tpu.memory_space<hbm>>
          %dma_wait3A_44 = tpu.memref_slice %arg4[%mul3A_20] : memref<320000xi32, #tpu.memory_space<hbm>> -> memref<128xi32, #tpu.memory_space<hbm>>
          tpu.wait_dma2 semaphore(%run_scoped3A : memref<!tpu.dma_semaphore, #tpu.memory_space<semaphore_mem>>) src(%dma_wait3A_44 : memref<128xi32, #tpu.memory_space<hbm>>) dst(%arg8 : memref<128xi32, #tpu.memory_space<vmem>>)
          tpu.yield
        }) : () -> ()
        "tpu.region"() ({
          %run_scoped3A = tpu.sem_alloc : memref<!tpu.dma_semaphore, #tpu.memory_space<semaphore_mem>>
          %dma_start3A_41 = tpu.memref_slice %arg5[%mul3A_20] : memref<320000xi32, #tpu.memory_space<hbm>> -> memref<128xi32, #tpu.memory_space<hbm>>
          %dma_start3A_42 = tpu.memref_slice %arg5[%mul3A_20] : memref<320000xi32, #tpu.memory_space<hbm>> -> memref<128xi32, #tpu.memory_space<hbm>>
          tpu.enqueue_dma source(%dma_start3A_42 : memref<128xi32, #tpu.memory_space<hbm>>) target(%arg9 : memref<128xi32, #tpu.memory_space<vmem>>) target_semaphore(%run_scoped3A : memref<!tpu.dma_semaphore, #tpu.memory_space<semaphore_mem>>)
          %dma_wait3A_43 = tpu.memref_slice %arg5[%mul3A_20] : memref<320000xi32, #tpu.memory_space<hbm>> -> memref<128xi32, #tpu.memory_space<hbm>>
          %dma_wait3A_44 = tpu.memref_slice %arg5[%mul3A_20] : memref<320000xi32, #tpu.memory_space<hbm>> -> memref<128xi32, #tpu.memory_space<hbm>>
          tpu.wait_dma2 semaphore(%run_scoped3A : memref<!tpu.dma_semaphore, #tpu.memory_space<semaphore_mem>>) src(%dma_wait3A_44 : memref<128xi32, #tpu.memory_space<hbm>>) dst(%arg9 : memref<128xi32, #tpu.memory_space<vmem>>)
          tpu.yield
        }) : () -> ()
        %dma_start3A = arith.constant 0 : i32
        %dma_start3A_21 = arith.constant 0 : i32
        %dma_start3A_22 = tpu.memref_slice %arg2[%dma_start3A, %dma_start3A_21] : memref<10000x128xf32, #tpu.memory_space<hbm>> -> memref<10000x128xf32, #tpu.memory_space<hbm>>
        tpu.enqueue_indirect_dma source(%dma_start3A_22 : memref<10000x128xf32, #tpu.memory_space<hbm>>) target(%arg10 : memref<128x128xf32, #tpu.memory_space<vmem>>) offsets(%arg8 : memref<128xi32, #tpu.memory_space<vmem>>) semaphore(%arg12 : memref<!tpu.dma_semaphore, #tpu.memory_space<semaphore_mem>>)
        %dma_start3A_23 = arith.constant 0 : i32
        %dma_start3A_24 = arith.constant 0 : i32
        %dma_start3A_25 = tpu.memref_slice %arg2[%dma_start3A_23, %dma_start3A_24] : memref<10000x128xf32, #tpu.memory_space<hbm>> -> memref<10000x128xf32, #tpu.memory_space<hbm>>
        tpu.enqueue_indirect_dma source(%dma_start3A_25 : memref<10000x128xf32, #tpu.memory_space<hbm>>) target(%arg11 : memref<128x128xf32, #tpu.memory_space<vmem>>) offsets(%arg9 : memref<128xi32, #tpu.memory_space<vmem>>) semaphore(%arg13 : memref<!tpu.dma_semaphore, #tpu.memory_space<semaphore_mem>>)
        %dma_wait3A = arith.constant 0 : i32
        %dma_wait3A_26 = arith.constant 0 : i32
        %dma_wait3A_27 = tpu.memref_slice %arg2[%dma_wait3A, %dma_wait3A_26] : memref<10000x128xf32, #tpu.memory_space<hbm>> -> memref<10000x128xf32, #tpu.memory_space<hbm>>
        tpu.wait_indirect_dma semaphore(%arg12 : memref<!tpu.dma_semaphore, #tpu.memory_space<semaphore_mem>>) src(%dma_wait3A_27 : memref<10000x128xf32, #tpu.memory_space<hbm>>) dst(%arg10 : memref<128x128xf32, #tpu.memory_space<vmem>>)
        %dma_wait3A_28 = arith.constant 0 : i32
        %dma_wait3A_29 = arith.constant 0 : i32
        %dma_wait3A_30 = tpu.memref_slice %arg2[%dma_wait3A_28, %dma_wait3A_29] : memref<10000x128xf32, #tpu.memory_space<hbm>> -> memref<10000x128xf32, #tpu.memory_space<hbm>>
        tpu.wait_indirect_dma semaphore(%arg13 : memref<!tpu.dma_semaphore, #tpu.memory_space<semaphore_mem>>) src(%dma_wait3A_30 : memref<10000x128xf32, #tpu.memory_space<hbm>>) dst(%arg11 : memref<128x128xf32, #tpu.memory_space<vmem>>)
        %scan3A_31 = arith.constant 0 : i32
        %scan3A_32 = arith.constant 8 : i32
        %scan3A_33 = arith.addi %scan3A_31, %scan3A_32 : i32
        %scan3A_34 = arith.constant 1 : i32
        scf.for %scan3A_41 = %scan3A_31 to %scan3A_33 step %scan3A_34  : i32 {
          %mul3A_42 = arith.constant 16 : i32
          %mul3A_43 = arith.muli %scan3A_41, %mul3A_42 : i32
          %add3A_44 = arith.constant 0 : i32
          %add3A_45 = arith.addi %add3A_44, %mul3A_43 : i32
          %get3A = arith.index_cast %add3A_45 : i32 to index
          %get3A_46 = tpu.vector_load %arg8[%get3A] {strides = array<i32>} : memref<128xi32, #tpu.memory_space<vmem>>, vector<16xi32>,
          %get3A_47 = arith.index_cast %add3A_45 : i32 to index
          %get3A_48 = tpu.vector_load %arg9[%get3A_47] {strides = array<i32>} : memref<128xi32, #tpu.memory_space<vmem>>, vector<16xi32>,
          %broadcast_in_dim3A = arith.constant 0 : i32
          %broadcast_in_dim3A_49 = vector.broadcast %broadcast_in_dim3A : i32 to vector<16xi32>
          %gather3A = tpu.vector_load_idx %arg7[%get3A_46, %broadcast_in_dim3A_49] : memref<10000x4xf32, #tpu.memory_space<vmem>>[vector<16xi32>, vector<16xi32>], vector<16xf32>,
          %broadcast_in_dim3A_50 = arith.constant 0 : i32
          %broadcast_in_dim3A_51 = vector.broadcast %broadcast_in_dim3A_50 : i32 to vector<16xi32>
          %gather3A_52 = tpu.vector_load_idx %arg7[%get3A_48, %broadcast_in_dim3A_51] : memref<10000x4xf32, #tpu.memory_space<vmem>>[vector<16xi32>, vector<16xi32>], vector<16xf32>,
          %sub3A = arith.subf %gather3A, %gather3A_52 : vector<16xf32>
          %broadcast_in_dim3A_53 = arith.constant 1 : i32
          %broadcast_in_dim3A_54 = vector.broadcast %broadcast_in_dim3A_53 : i32 to vector<16xi32>
          %gather3A_55 = tpu.vector_load_idx %arg7[%get3A_46, %broadcast_in_dim3A_54] : memref<10000x4xf32, #tpu.memory_space<vmem>>[vector<16xi32>, vector<16xi32>], vector<16xf32>,
          %broadcast_in_dim3A_56 = arith.constant 1 : i32
          %broadcast_in_dim3A_57 = vector.broadcast %broadcast_in_dim3A_56 : i32 to vector<16xi32>
          %gather3A_58 = tpu.vector_load_idx %arg7[%get3A_48, %broadcast_in_dim3A_57] : memref<10000x4xf32, #tpu.memory_space<vmem>>[vector<16xi32>, vector<16xi32>], vector<16xf32>,
          %sub3A_59 = arith.subf %gather3A_55, %gather3A_58 : vector<16xf32>
          %broadcast_in_dim3A_60 = arith.constant 2 : i32
          %broadcast_in_dim3A_61 = vector.broadcast %broadcast_in_dim3A_60 : i32 to vector<16xi32>
          %gather3A_62 = tpu.vector_load_idx %arg7[%get3A_46, %broadcast_in_dim3A_61] : memref<10000x4xf32, #tpu.memory_space<vmem>>[vector<16xi32>, vector<16xi32>], vector<16xf32>,
          %broadcast_in_dim3A_63 = arith.constant 2 : i32
          %broadcast_in_dim3A_64 = vector.broadcast %broadcast_in_dim3A_63 : i32 to vector<16xi32>
          %gather3A_65 = tpu.vector_load_idx %arg7[%get3A_48, %broadcast_in_dim3A_64] : memref<10000x4xf32, #tpu.memory_space<vmem>>[vector<16xi32>, vector<16xi32>], vector<16xf32>,
          %sub3A_66 = arith.subf %gather3A_62, %gather3A_65 : vector<16xf32>
          %mul3A_67 = arith.mulf %sub3A, %sub3A : vector<16xf32>
          %mul3A_68 = arith.mulf %sub3A_59, %sub3A_59 : vector<16xf32>
          %add3A_69 = arith.addf %mul3A_67, %mul3A_68 : vector<16xf32>
          %mul3A_70 = arith.mulf %sub3A_66, %sub3A_66 : vector<16xf32>
          %add3A_71 = arith.addf %add3A_69, %mul3A_70 : vector<16xf32>
          %iota3A = tpu.iota {dimensions = array<i32: 0>} : vector<16xi32>
          %add3A_72 = vector.broadcast %add3A_45 : i32 to vector<16xi32>
          %add3A_73 = arith.addi %iota3A, %add3A_72 : vector<16xi32>
          %broadcast_in_dim3A_74 = arith.constant 64 : i32
          %broadcast_in_dim3A_75 = vector.broadcast %broadcast_in_dim3A_74 : i32 to vector<16xi32>
          tpu.vector_store_idx %arg10[%add3A_73, %broadcast_in_dim3A_75], %add3A_71 : memref<128x128xf32, #tpu.memory_space<vmem>>[vector<16xi32>, vector<16xi32>], vector<16xf32>,
          %broadcast_in_dim3A_76 = arith.constant 65 : i32
          %broadcast_in_dim3A_77 = vector.broadcast %broadcast_in_dim3A_76 : i32 to vector<16xi32>
          tpu.vector_store_idx %arg10[%add3A_73, %broadcast_in_dim3A_77], %sub3A : memref<128x128xf32, #tpu.memory_space<vmem>>[vector<16xi32>, vector<16xi32>], vector<16xf32>,
          %broadcast_in_dim3A_78 = arith.constant 66 : i32
          %broadcast_in_dim3A_79 = vector.broadcast %broadcast_in_dim3A_78 : i32 to vector<16xi32>
          tpu.vector_store_idx %arg10[%add3A_73, %broadcast_in_dim3A_79], %sub3A_59 : memref<128x128xf32, #tpu.memory_space<vmem>>[vector<16xi32>, vector<16xi32>], vector<16xf32>,
          %broadcast_in_dim3A_80 = arith.constant 67 : i32
          %broadcast_in_dim3A_81 = vector.broadcast %broadcast_in_dim3A_80 : i32 to vector<16xi32>
          tpu.vector_store_idx %arg10[%add3A_73, %broadcast_in_dim3A_81], %sub3A_66 : memref<128x128xf32, #tpu.memory_space<vmem>>[vector<16xi32>, vector<16xi32>], vector<16xf32>,
        }
        %scan3A_35 = arith.constant 8 : i32
        %scan3A_36 = arith.constant 0 : i32
        %scan3A_37 = arith.constant 128 : i32
        %scan3A_38 = arith.addi %scan3A_36, %scan3A_37 : i32
        %scan3A_39 = arith.constant 1 : i32
        scf.for %scan3A_41 = %scan3A_36 to %scan3A_38 step %scan3A_39  : i32 {
          %mul3A_42 = arith.constant 1 : i32
          %mul3A_43 = arith.muli %scan3A_41, %mul3A_42 : i32
          %add3A_44 = arith.constant 0 : i32
          %add3A_45 = arith.addi %add3A_44, %mul3A_43 : i32
          %get3A = arith.index_cast %add3A_45 : i32 to index
          %get3A_46 = arith.constant 0 : index
          %get3A_47 = tpu.vector_load %arg10[%get3A, %get3A_46] {strides = array<i32>} : memref<128x128xf32, #tpu.memory_space<vmem>>, vector<16xf32>,
          %get3A_48 = arith.index_cast %add3A_45 : i32 to index
          %get3A_49 = arith.constant 64 : index
          %get3A_50 = tpu.vector_load %arg11[%get3A_48, %get3A_49] {strides = array<i32>} : memref<128x128xf32, #tpu.memory_space<vmem>>, vector<16xf32>,
          %add3A_51 = arith.addf %get3A_47, %get3A_50 : vector<16xf32>
          %swap3A = arith.index_cast %add3A_45 : i32 to index
          %swap3A_52 = arith.constant 0 : index
          %swap3A_53 = tpu.vector_load %arg10[%swap3A, %swap3A_52] {strides = array<i32>} : memref<128x128xf32, #tpu.memory_space<vmem>>, vector<16xf32>,
          tpu.vector_store %arg10[%swap3A, %swap3A_52], %add3A_51 {strides = array<i32>} : memref<128x128xf32, #tpu.memory_space<vmem>>, vector<16xf32>,
          %get3A_54 = arith.index_cast %add3A_45 : i32 to index
          %get3A_55 = arith.constant 16 : index
          %get3A_56 = tpu.vector_load %arg10[%get3A_54, %get3A_55] {strides = array<i32>} : memref<128x128xf32, #tpu.memory_space<vmem>>, vector<16xf32>,
          %get3A_57 = arith.index_cast %add3A_45 : i32 to index
          %get3A_58 = arith.constant 80 : index
          %get3A_59 = tpu.vector_load %arg11[%get3A_57, %get3A_58] {strides = array<i32>} : memref<128x128xf32, #tpu.memory_space<vmem>>, vector<16xf32>,
          %add3A_60 = arith.addf %get3A_56, %get3A_59 : vector<16xf32>
          %swap3A_61 = arith.index_cast %add3A_45 : i32 to index
          %swap3A_62 = arith.constant 16 : index
          %swap3A_63 = tpu.vector_load %arg10[%swap3A_61, %swap3A_62] {strides = array<i32>} : memref<128x128xf32, #tpu.memory_space<vmem>>, vector<16xf32>,
          tpu.vector_store %arg10[%swap3A_61, %swap3A_62], %add3A_60 {strides = array<i32>} : memref<128x128xf32, #tpu.memory_space<vmem>>, vector<16xf32>,
          %get3A_64 = arith.index_cast %add3A_45 : i32 to index
          %get3A_65 = arith.constant 32 : index
          %get3A_66 = tpu.vector_load %arg10[%get3A_64, %get3A_65] {strides = array<i32>} : memref<128x128xf32, #tpu.memory_space<vmem>>, vector<16xf32>,
          %get3A_67 = arith.index_cast %add3A_45 : i32 to index
          %get3A_68 = arith.constant 96 : index
          %get3A_69 = tpu.vector_load %arg11[%get3A_67, %get3A_68] {strides = array<i32>} : memref<128x128xf32, #tpu.memory_space<vmem>>, vector<16xf32>,
          %add3A_70 = arith.addf %get3A_66, %get3A_69 : vector<16xf32>
          %swap3A_71 = arith.index_cast %add3A_45 : i32 to index
          %swap3A_72 = arith.constant 32 : index
          %swap3A_73 = tpu.vector_load %arg10[%swap3A_71, %swap3A_72] {strides = array<i32>} : memref<128x128xf32, #tpu.memory_space<vmem>>, vector<16xf32>,
          tpu.vector_store %arg10[%swap3A_71, %swap3A_72], %add3A_70 {strides = array<i32>} : memref<128x128xf32, #tpu.memory_space<vmem>>, vector<16xf32>,
          %get3A_74 = arith.index_cast %add3A_45 : i32 to index
          %get3A_75 = arith.constant 48 : index
          %get3A_76 = tpu.vector_load %arg10[%get3A_74, %get3A_75] {strides = array<i32>} : memref<128x128xf32, #tpu.memory_space<vmem>>, vector<16xf32>,
          %get3A_77 = arith.index_cast %add3A_45 : i32 to index
          %get3A_78 = arith.constant 112 : index
          %get3A_79 = tpu.vector_load %arg11[%get3A_77, %get3A_78] {strides = array<i32>} : memref<128x128xf32, #tpu.memory_space<vmem>>, vector<16xf32>,
          %add3A_80 = arith.addf %get3A_76, %get3A_79 : vector<16xf32>
          %swap3A_81 = arith.index_cast %add3A_45 : i32 to index
          %swap3A_82 = arith.constant 48 : index
          %swap3A_83 = tpu.vector_load %arg10[%swap3A_81, %swap3A_82] {strides = array<i32>} : memref<128x128xf32, #tpu.memory_space<vmem>>, vector<16xf32>,
          tpu.vector_store %arg10[%swap3A_81, %swap3A_82], %add3A_80 {strides = array<i32>} : memref<128x128xf32, #tpu.memory_space<vmem>>, vector<16xf32>,
        }
        %scan3A_40 = arith.constant 128 : i32
        "tpu.region"() ({
          %run_scoped3A = tpu.sem_alloc : memref<!tpu.dma_semaphore, #tpu.memory_space<semaphore_mem>>
          %dma_start3A_41 = arith.constant 0 : i32
          %dma_start3A_42 = tpu.memref_slice %arg6[%mul3A_20, %dma_start3A_41] : memref<320000x128xf32, #tpu.memory_space<hbm>> -> memref<128x128xf32, #tpu.memory_space<hbm>>
          %dma_start3A_43 = arith.constant 0 : i32
          %dma_start3A_44 = tpu.memref_slice %arg6[%mul3A_20, %dma_start3A_43] : memref<320000x128xf32, #tpu.memory_space<hbm>> -> memref<128x128xf32, #tpu.memory_space<hbm>>
          tpu.enqueue_dma source(%arg10 : memref<128x128xf32, #tpu.memory_space<vmem>>) target(%dma_start3A_44 : memref<128x128xf32, #tpu.memory_space<hbm>>) target_semaphore(%run_scoped3A : memref<!tpu.dma_semaphore, #tpu.memory_space<semaphore_mem>>)
          %dma_wait3A_45 = arith.constant 0 : i32
          %dma_wait3A_46 = tpu.memref_slice %arg6[%mul3A_20, %dma_wait3A_45] : memref<320000x128xf32, #tpu.memory_space<hbm>> -> memref<128x128xf32, #tpu.memory_space<hbm>>
          %dma_wait3A_47 = arith.constant 0 : i32
          %dma_wait3A_48 = tpu.memref_slice %arg6[%mul3A_20, %dma_wait3A_47] : memref<320000x128xf32, #tpu.memory_space<hbm>> -> memref<128x128xf32, #tpu.memory_space<hbm>>
          tpu.wait_dma2 semaphore(%run_scoped3A : memref<!tpu.dma_semaphore, #tpu.memory_space<semaphore_mem>>) src(%arg10 : memref<128x128xf32, #tpu.memory_space<vmem>>) dst(%dma_wait3A_48 : memref<128x128xf32, #tpu.memory_space<hbm>>)
          tpu.yield
        }) : () -> ()
      } else {
      }
    }
    %scan3A_8 = arith.constant 79 : i32
    return
  }
}

#map = affine_map<(d0, d1) -> (0)>
#map1 = affine_map<(d0, d1) -> (0, 0)>
#map2 = affine_map<(d0, d1) -> (0, 0, 0)>
module attributes {stable_mosaic.version = 14 : i64} {
  func.func @scatter_k(%arg0: i32, %arg1: i32, %arg2: memref<320000xi32, #tpu.memory_space<hbm>>, %arg3: memref<160000x128xf32, #tpu.memory_space<hbm>>, %arg4: memref<160000x128xf32, #tpu.memory_space<hbm>>, %arg5: memref<2x10000x128xf32, #tpu.memory_space<hbm>>, %arg6: memref<10000x128xf32, #tpu.memory_space<vmem_shared>>, %arg7: memref<1x128xi32, #tpu.memory_space<vmem>>, %arg8: memref<128x128xf32, #tpu.memory_space<vmem>>, %arg9: memref<125x128xf32, #tpu.memory_space<vmem>>) attributes {dimension_semantics = [#tpu.dimension_semantics<core_parallel>, #tpu.dimension_semantics<subcore_parallel>], iteration_bounds = array<i64: 2, 16>, scalar_prefetch = 0 : i64, scratch_operands = 4 : i64, tpu.core_type = #tpu.core_type<sc_vector_subcore>, window_params = [{transform_indices = #map}, {transform_indices = #map1}, {transform_indices = #map1}, {transform_indices = #map2}]} {
    %mul3A = arith.constant 2 : i32
    %mul3A_0 = arith.muli %arg1, %mul3A : i32
    %add3A = arith.addi %mul3A_0, %arg0 : i32
    %lt3A = arith.constant 4 : i32
    %lt3A_1 = arith.cmpi slt, %add3A, %lt3A : i32
    %jit3A = arith.constant 1 : i32
    %jit3A_2 = arith.constant 0 : i32
    %select_n3A = arith.select %lt3A_1, %jit3A, %jit3A_2 : i32
    %add3A_3 = arith.constant 78 : i32
    %add3A_4 = arith.addi %add3A_3, %select_n3A : i32
    %broadcast_in_dim3A = arith.constant 0.000000e+00 : f32
    %broadcast_in_dim3A_5 = vector.broadcast %broadcast_in_dim3A : f32 to vector<16xf32>
    %scan3A = arith.constant 0 : i32
    %scan3A_6 = arith.constant 125 : i32
    %scan3A_7 = arith.addi %scan3A, %scan3A_6 : i32
    %scan3A_8 = arith.constant 1 : i32
    scf.for %scan3A_23 = %scan3A to %scan3A_7 step %scan3A_8  : i32 {
      %mul3A_24 = arith.constant 1 : i32
      %mul3A_25 = arith.muli %scan3A_23, %mul3A_24 : i32
      %add3A_26 = arith.constant 0 : i32
      %add3A_27 = arith.addi %add3A_26, %mul3A_25 : i32
      %scan3A_28 = arith.constant 0 : i32
      %scan3A_29 = arith.constant 8 : i32
      %scan3A_30 = arith.addi %scan3A_28, %scan3A_29 : i32
      %scan3A_31 = arith.constant 1 : i32
      scf.for %scan3A_33 = %scan3A_28 to %scan3A_30 step %scan3A_31  : i32 {
        %mul3A_34 = arith.constant 16 : i32
        %mul3A_35 = arith.muli %scan3A_33, %mul3A_34 : i32
        %add3A_36 = arith.constant 0 : i32
        %add3A_37 = arith.addi %add3A_36, %mul3A_35 : i32
        %swap3A = arith.index_cast %add3A_27 : i32 to index
        %swap3A_38 = arith.index_cast %add3A_37 : i32 to index
        %swap3A_39 = tpu.vector_load %arg9[%swap3A, %swap3A_38] {strides = array<i32>} : memref<125x128xf32, #tpu.memory_space<vmem>>, vector<16xf32>,
        tpu.vector_store %arg9[%swap3A, %swap3A_38], %broadcast_in_dim3A_5 {strides = array<i32>} : memref<125x128xf32, #tpu.memory_space<vmem>>, vector<16xf32>,
      }
      %scan3A_32 = arith.constant 8 : i32
    }
    %scan3A_9 = arith.constant 125 : i32
    %scan3A_10 = arith.constant 0 : i32
    %scan3A_11 = arith.constant 5 : i32
    %scan3A_12 = arith.addi %scan3A_10, %scan3A_11 : i32
    %scan3A_13 = arith.constant 1 : i32
    scf.for %scan3A_23 = %scan3A_10 to %scan3A_12 step %scan3A_13  : i32 {
      %mul3A_24 = arith.constant 1 : i32
      %mul3A_25 = arith.muli %scan3A_23, %mul3A_24 : i32
      %add3A_26 = arith.constant 0 : i32
      %add3A_27 = arith.addi %add3A_26, %mul3A_25 : i32
      %mul3A_28 = arith.constant 625 : i32
      %mul3A_29 = arith.muli %arg1, %mul3A_28 : i32
      %mul3A_30 = arith.constant 125 : i32
      %mul3A_31 = arith.muli %add3A_27, %mul3A_30 : i32
      %add3A_32 = arith.addi %mul3A_29, %mul3A_31 : i32
      "tpu.region"() ({
        %run_scoped3A = tpu.sem_alloc : memref<!tpu.dma_semaphore, #tpu.memory_space<semaphore_mem>>
        %dma_start3A = arith.constant 0 : i32
        %dma_start3A_33 = tpu.memref_slice %arg6[%add3A_32, %dma_start3A] : memref<10000x128xf32, #tpu.memory_space<vmem_shared>> -> memref<125x128xf32, #tpu.memory_space<vmem_shared>>
        %dma_start3A_34 = arith.constant 0 : i32
        %dma_start3A_35 = tpu.memref_slice %arg6[%add3A_32, %dma_start3A_34] : memref<10000x128xf32, #tpu.memory_space<vmem_shared>> -> memref<125x128xf32, #tpu.memory_space<vmem_shared>>
        tpu.enqueue_dma source(%arg9 : memref<125x128xf32, #tpu.memory_space<vmem>>) target(%dma_start3A_35 : memref<125x128xf32, #tpu.memory_space<vmem_shared>>) target_semaphore(%run_scoped3A : memref<!tpu.dma_semaphore, #tpu.memory_space<semaphore_mem>>)
        %dma_wait3A = arith.constant 0 : i32
        %dma_wait3A_36 = tpu.memref_slice %arg6[%add3A_32, %dma_wait3A] : memref<10000x128xf32, #tpu.memory_space<vmem_shared>> -> memref<125x128xf32, #tpu.memory_space<vmem_shared>>
        %dma_wait3A_37 = arith.constant 0 : i32
        %dma_wait3A_38 = tpu.memref_slice %arg6[%add3A_32, %dma_wait3A_37] : memref<10000x128xf32, #tpu.memory_space<vmem_shared>> -> memref<125x128xf32, #tpu.memory_space<vmem_shared>>
        tpu.wait_dma2 semaphore(%run_scoped3A : memref<!tpu.dma_semaphore, #tpu.memory_space<semaphore_mem>>) src(%arg9 : memref<125x128xf32, #tpu.memory_space<vmem>>) dst(%dma_wait3A_38 : memref<125x128xf32, #tpu.memory_space<vmem_shared>>)
        tpu.yield
      }) : () -> ()
    }
    %scan3A_14 = arith.constant 5 : i32
    %barrier3A = arith.constant 0 : index
    tpu.barrier barrier_id(%barrier3A)
    %scan3A_15 = arith.constant 0 : i32
    %scan3A_16 = arith.constant 79 : i32
    %scan3A_17 = arith.addi %scan3A_15, %scan3A_16 : i32
    %scan3A_18 = arith.constant 1 : i32
    scf.for %scan3A_23 = %scan3A_15 to %scan3A_17 step %scan3A_18  : i32 {
      %mul3A_24 = arith.constant 1 : i32
      %mul3A_25 = arith.muli %scan3A_23, %mul3A_24 : i32
      %add3A_26 = arith.constant 0 : i32
      %add3A_27 = arith.addi %add3A_26, %mul3A_25 : i32
      %lt3A_28 = arith.cmpi slt, %add3A_27, %add3A_4 : i32
      %convert_element_type3A = arith.extui %lt3A_28 : i1 to i32
      %cond3A = arith.constant 0 : i32
      %cond3A_29 = arith.cmpi ne, %convert_element_type3A, %cond3A : i32
      scf.if %cond3A_29 {
        %mul3A_30 = arith.constant 32 : i32
        %mul3A_31 = arith.muli %mul3A_30, %add3A_27 : i32
        %add3A_32 = arith.addi %add3A, %mul3A_31 : i32
        %mul3A_33 = arith.constant 128 : i32
        %mul3A_34 = arith.muli %add3A_32, %mul3A_33 : i32
        %run_scoped3A = arith.constant 0 : i32
        "tpu.region"() ({
          %run_scoped3A_45 = tpu.sem_alloc : memref<!tpu.dma_semaphore, #tpu.memory_space<semaphore_mem>>
          %dma_start3A = arith.constant 0 : i32
          %dma_start3A_46 = tpu.memref_slice %arg7[%run_scoped3A, %dma_start3A] : memref<1x128xi32, #tpu.memory_space<vmem>> -> memref<1x128xi32, #tpu.memory_space<vmem>>
          %dma_start3A_47 = tpu.memref_squeeze %dma_start3A_46 : memref<1x128xi32, #tpu.memory_space<vmem>> -> memref<128xi32, #tpu.memory_space<vmem>>
          %dma_start3A_48 = tpu.memref_slice %arg2[%mul3A_34] : memref<320000xi32, #tpu.memory_space<hbm>> -> memref<128xi32, #tpu.memory_space<hbm>>
          %dma_start3A_49 = arith.constant 0 : i32
          %dma_start3A_50 = tpu.memref_slice %arg7[%run_scoped3A, %dma_start3A_49] : memref<1x128xi32, #tpu.memory_space<vmem>> -> memref<1x128xi32, #tpu.memory_space<vmem>>
          %dma_start3A_51 = tpu.memref_squeeze %dma_start3A_50 : memref<1x128xi32, #tpu.memory_space<vmem>> -> memref<128xi32, #tpu.memory_space<vmem>>
          %dma_start3A_52 = tpu.memref_slice %arg2[%mul3A_34] : memref<320000xi32, #tpu.memory_space<hbm>> -> memref<128xi32, #tpu.memory_space<hbm>>
          tpu.enqueue_dma source(%dma_start3A_52 : memref<128xi32, #tpu.memory_space<hbm>>) target(%dma_start3A_51 : memref<128xi32, #tpu.memory_space<vmem>>) target_semaphore(%run_scoped3A_45 : memref<!tpu.dma_semaphore, #tpu.memory_space<semaphore_mem>>)
          %dma_wait3A = arith.constant 0 : i32
          %dma_wait3A_53 = tpu.memref_slice %arg7[%run_scoped3A, %dma_wait3A] : memref<1x128xi32, #tpu.memory_space<vmem>> -> memref<1x128xi32, #tpu.memory_space<vmem>>
          %dma_wait3A_54 = tpu.memref_squeeze %dma_wait3A_53 : memref<1x128xi32, #tpu.memory_space<vmem>> -> memref<128xi32, #tpu.memory_space<vmem>>
          %dma_wait3A_55 = tpu.memref_slice %arg2[%mul3A_34] : memref<320000xi32, #tpu.memory_space<hbm>> -> memref<128xi32, #tpu.memory_space<hbm>>
          %dma_wait3A_56 = arith.constant 0 : i32
          %dma_wait3A_57 = tpu.memref_slice %arg7[%run_scoped3A, %dma_wait3A_56] : memref<1x128xi32, #tpu.memory_space<vmem>> -> memref<1x128xi32, #tpu.memory_space<vmem>>
          %dma_wait3A_58 = tpu.memref_squeeze %dma_wait3A_57 : memref<1x128xi32, #tpu.memory_space<vmem>> -> memref<128xi32, #tpu.memory_space<vmem>>
          %dma_wait3A_59 = tpu.memref_slice %arg2[%mul3A_34] : memref<320000xi32, #tpu.memory_space<hbm>> -> memref<128xi32, #tpu.memory_space<hbm>>
          tpu.wait_dma2 semaphore(%run_scoped3A_45 : memref<!tpu.dma_semaphore, #tpu.memory_space<semaphore_mem>>) src(%dma_wait3A_59 : memref<128xi32, #tpu.memory_space<hbm>>) dst(%dma_wait3A_58 : memref<128xi32, #tpu.memory_space<vmem>>)
          tpu.yield
        }) : () -> ()
        %lt3A_35 = arith.constant 160000 : i32
        %lt3A_36 = arith.cmpi slt, %mul3A_34, %lt3A_35 : i32
        %convert_element_type3A_37 = arith.extui %lt3A_36 : i1 to i32
        %cond3A_38 = arith.constant 0 : i32
        %cond3A_39 = arith.cmpi ne, %convert_element_type3A_37, %cond3A_38 : i32
        scf.if %cond3A_39 {
          "tpu.region"() ({
            %run_scoped3A_45 = tpu.sem_alloc : memref<!tpu.dma_semaphore, #tpu.memory_space<semaphore_mem>>
            %dma_start3A = arith.constant 0 : i32
            %dma_start3A_46 = tpu.memref_slice %arg3[%mul3A_34, %dma_start3A] : memref<160000x128xf32, #tpu.memory_space<hbm>> -> memref<128x128xf32, #tpu.memory_space<hbm>>
            %dma_start3A_47 = arith.constant 0 : i32
            %dma_start3A_48 = tpu.memref_slice %arg3[%mul3A_34, %dma_start3A_47] : memref<160000x128xf32, #tpu.memory_space<hbm>> -> memref<128x128xf32, #tpu.memory_space<hbm>>
            tpu.enqueue_dma source(%dma_start3A_48 : memref<128x128xf32, #tpu.memory_space<hbm>>) target(%arg8 : memref<128x128xf32, #tpu.memory_space<vmem>>) target_semaphore(%run_scoped3A_45 : memref<!tpu.dma_semaphore, #tpu.memory_space<semaphore_mem>>)
            %dma_wait3A = arith.constant 0 : i32
            %dma_wait3A_49 = tpu.memref_slice %arg3[%mul3A_34, %dma_wait3A] : memref<160000x128xf32, #tpu.memory_space<hbm>> -> memref<128x128xf32, #tpu.memory_space<hbm>>
            %dma_wait3A_50 = arith.constant 0 : i32
            %dma_wait3A_51 = tpu.memref_slice %arg3[%mul3A_34, %dma_wait3A_50] : memref<160000x128xf32, #tpu.memory_space<hbm>> -> memref<128x128xf32, #tpu.memory_space<hbm>>
            tpu.wait_dma2 semaphore(%run_scoped3A_45 : memref<!tpu.dma_semaphore, #tpu.memory_space<semaphore_mem>>) src(%dma_wait3A_51 : memref<128x128xf32, #tpu.memory_space<hbm>>) dst(%arg8 : memref<128x128xf32, #tpu.memory_space<vmem>>)
            tpu.yield
          }) : () -> ()
        } else {
        }
        %ge3A = arith.constant 160000 : i32
        %ge3A_40 = arith.cmpi sge, %mul3A_34, %ge3A : i32
        %convert_element_type3A_41 = arith.extui %ge3A_40 : i1 to i32
        %cond3A_42 = arith.constant 0 : i32
        %cond3A_43 = arith.cmpi ne, %convert_element_type3A_41, %cond3A_42 : i32
        scf.if %cond3A_43 {
          %sub3A = arith.constant 160000 : i32
          %sub3A_45 = arith.subi %mul3A_34, %sub3A : i32
          "tpu.region"() ({
            %run_scoped3A_46 = tpu.sem_alloc : memref<!tpu.dma_semaphore, #tpu.memory_space<semaphore_mem>>
            %dma_start3A = arith.constant 0 : i32
            %dma_start3A_47 = tpu.memref_slice %arg4[%sub3A_45, %dma_start3A] : memref<160000x128xf32, #tpu.memory_space<hbm>> -> memref<128x128xf32, #tpu.memory_space<hbm>>
            %dma_start3A_48 = arith.constant 0 : i32
            %dma_start3A_49 = tpu.memref_slice %arg4[%sub3A_45, %dma_start3A_48] : memref<160000x128xf32, #tpu.memory_space<hbm>> -> memref<128x128xf32, #tpu.memory_space<hbm>>
            tpu.enqueue_dma source(%dma_start3A_49 : memref<128x128xf32, #tpu.memory_space<hbm>>) target(%arg8 : memref<128x128xf32, #tpu.memory_space<vmem>>) target_semaphore(%run_scoped3A_46 : memref<!tpu.dma_semaphore, #tpu.memory_space<semaphore_mem>>)
            %dma_wait3A = arith.constant 0 : i32
            %dma_wait3A_50 = tpu.memref_slice %arg4[%sub3A_45, %dma_wait3A] : memref<160000x128xf32, #tpu.memory_space<hbm>> -> memref<128x128xf32, #tpu.memory_space<hbm>>
            %dma_wait3A_51 = arith.constant 0 : i32
            %dma_wait3A_52 = tpu.memref_slice %arg4[%sub3A_45, %dma_wait3A_51] : memref<160000x128xf32, #tpu.memory_space<hbm>> -> memref<128x128xf32, #tpu.memory_space<hbm>>
            tpu.wait_dma2 semaphore(%run_scoped3A_46 : memref<!tpu.dma_semaphore, #tpu.memory_space<semaphore_mem>>) src(%dma_wait3A_52 : memref<128x128xf32, #tpu.memory_space<hbm>>) dst(%arg8 : memref<128x128xf32, #tpu.memory_space<vmem>>)
            tpu.yield
          }) : () -> ()
        } else {
        }
        %run_scoped3A_44 = arith.constant 0 : i32
        "tpu.region"() ({
          %run_scoped3A_45 = tpu.sem_alloc : memref<!tpu.dma_semaphore, #tpu.memory_space<semaphore_mem>>
          %dma_start3A = arith.constant 0 : i32
          %dma_start3A_46 = tpu.memref_slice %arg7[%run_scoped3A_44, %dma_start3A] : memref<1x128xi32, #tpu.memory_space<vmem>> -> memref<1x128xi32, #tpu.memory_space<vmem>>
          %dma_start3A_47 = tpu.memref_squeeze %dma_start3A_46 : memref<1x128xi32, #tpu.memory_space<vmem>> -> memref<128xi32, #tpu.memory_space<vmem>>
          %dma_start3A_48 = arith.constant 0 : i32
          %dma_start3A_49 = arith.constant 0 : i32
          %dma_start3A_50 = tpu.memref_slice %arg6[%dma_start3A_48, %dma_start3A_49] : memref<10000x128xf32, #tpu.memory_space<vmem_shared>> -> memref<10000x128xf32, #tpu.memory_space<vmem_shared>>
          tpu.enqueue_indirect_dma source(%arg8 : memref<128x128xf32, #tpu.memory_space<vmem>>) target(%dma_start3A_50 : memref<10000x128xf32, #tpu.memory_space<vmem_shared>>) offsets(%dma_start3A_47 : memref<128xi32, #tpu.memory_space<vmem>>) semaphore(%run_scoped3A_45 : memref<!tpu.dma_semaphore, #tpu.memory_space<semaphore_mem>>) {add = true}
          %dma_wait3A = arith.constant 0 : i32
          %dma_wait3A_51 = tpu.memref_slice %arg7[%run_scoped3A_44, %dma_wait3A] : memref<1x128xi32, #tpu.memory_space<vmem>> -> memref<1x128xi32, #tpu.memory_space<vmem>>
          %dma_wait3A_52 = tpu.memref_squeeze %dma_wait3A_51 : memref<1x128xi32, #tpu.memory_space<vmem>> -> memref<128xi32, #tpu.memory_space<vmem>>
          %dma_wait3A_53 = arith.constant 0 : i32
          %dma_wait3A_54 = arith.constant 0 : i32
          %dma_wait3A_55 = tpu.memref_slice %arg6[%dma_wait3A_53, %dma_wait3A_54] : memref<10000x128xf32, #tpu.memory_space<vmem_shared>> -> memref<10000x128xf32, #tpu.memory_space<vmem_shared>>
          tpu.wait_indirect_dma semaphore(%run_scoped3A_45 : memref<!tpu.dma_semaphore, #tpu.memory_space<semaphore_mem>>) src(%arg8 : memref<128x128xf32, #tpu.memory_space<vmem>>) dst(%dma_wait3A_55 : memref<10000x128xf32, #tpu.memory_space<vmem_shared>>)
          tpu.yield
        }) : () -> ()
      } else {
      }
    }
    %scan3A_19 = arith.constant 79 : i32
    %barrier3A_20 = arith.constant 0 : index
    tpu.barrier barrier_id(%barrier3A_20)
    %mul3A_21 = arith.constant 625 : i32
    %mul3A_22 = arith.muli %arg1, %mul3A_21 : i32
    "tpu.region"() ({
      %run_scoped3A = tpu.sem_alloc : memref<!tpu.dma_semaphore, #tpu.memory_space<semaphore_mem>>
      %dma_start3A = arith.constant 0 : i32
      %dma_start3A_23 = tpu.memref_slice %arg5[%arg0, %mul3A_22, %dma_start3A] : memref<2x10000x128xf32, #tpu.memory_space<hbm>> -> memref<1x625x128xf32, #tpu.memory_space<hbm>>
      %dma_start3A_24 = tpu.memref_squeeze %dma_start3A_23 : memref<1x625x128xf32, #tpu.memory_space<hbm>> -> memref<625x128xf32, #tpu.memory_space<hbm>>
      %dma_start3A_25 = arith.constant 0 : i32
      %dma_start3A_26 = tpu.memref_slice %arg6[%mul3A_22, %dma_start3A_25] : memref<10000x128xf32, #tpu.memory_space<vmem_shared>> -> memref<625x128xf32, #tpu.memory_space<vmem_shared>>
      tpu.enqueue_dma source(%dma_start3A_26 : memref<625x128xf32, #tpu.memory_space<vmem_shared>>) target(%dma_start3A_24 : memref<625x128xf32, #tpu.memory_space<hbm>>) target_semaphore(%run_scoped3A : memref<!tpu.dma_semaphore, #tpu.memory_space<semaphore_mem>>)
      %dma_wait3A = arith.constant 0 : i32
      %dma_wait3A_27 = tpu.memref_slice %arg5[%arg0, %mul3A_22, %dma_wait3A] : memref<2x10000x128xf32, #tpu.memory_space<hbm>> -> memref<1x625x128xf32, #tpu.memory_space<hbm>>
      %dma_wait3A_28 = tpu.memref_squeeze %dma_wait3A_27 : memref<1x625x128xf32, #tpu.memory_space<hbm>> -> memref<625x128xf32, #tpu.memory_space<hbm>>
      %dma_wait3A_29 = arith.constant 0 : i32
      %dma_wait3A_30 = tpu.memref_slice %arg6[%mul3A_22, %dma_wait3A_29] : memref<10000x128xf32, #tpu.memory_space<vmem_shared>> -> memref<625x128xf32, #tpu.memory_space<vmem_shared>>
      tpu.wait_dma2 semaphore(%run_scoped3A : memref<!tpu.dma_semaphore, #tpu.memory_space<semaphore_mem>>) src(%dma_wait3A_30 : memref<625x128xf32, #tpu.memory_space<vmem_shared>>) dst(%dma_wait3A_28 : memref<625x128xf32, #tpu.memory_space<hbm>>)
      tpu.yield
    }) : () -> ()
    return
  }
}

module attributes {stable_mosaic.version = 14 : i64} {
  func.func @body(%arg0: i32, %arg1: memref<1000x128xf32, #tpu.memory_space<vmem>>, %arg2: memref<128x64xf32, #tpu.memory_space<vmem>>, %arg3: memref<1x64xf32, #tpu.memory_space<vmem>>, %arg4: memref<64x64xf32, #tpu.memory_space<vmem>>, %arg5: memref<64x64xf32, #tpu.memory_space<vmem>>, %arg6: memref<1000x64xf32, #tpu.memory_space<vmem>>, %arg7: memref<1000x128xf32, #tpu.memory_space<vmem>>) attributes {dimension_semantics = [#tpu.dimension_semantics<arbitrary>], iteration_bounds = array<i64: 10>, scalar_prefetch = 0 : i64, scratch_operands = 0 : i64, tpu.core_type = #tpu.core_type<tc>, window_params = [{transform_indices = @transform_0, window_bounds = array<i64: 1000, 128>}, {pipeline_mode = #tpu.pipeline_mode<synchronous>, transform_indices = @transform_1, window_bounds = array<i64: 128, 64>}, {pipeline_mode = #tpu.pipeline_mode<synchronous>, transform_indices = @transform_2, window_bounds = array<i64: 1, 64>}, {pipeline_mode = #tpu.pipeline_mode<synchronous>, transform_indices = @transform_3, window_bounds = array<i64: 64, 64>}, {pipeline_mode = #tpu.pipeline_mode<synchronous>, transform_indices = @transform_4, window_bounds = array<i64: 64, 64>}, {transform_indices = @transform_5, window_bounds = array<i64: 1000, 64>}, {transform_indices = @transform_6, window_bounds = array<i64: 1000, 128>}]} {
    %get3A = arith.constant 0 : index
    %get3A_0 = arith.constant 0 : index
    %get3A_1 = vector.load %arg1[%get3A, %get3A_0] : memref<1000x128xf32, #tpu.memory_space<vmem>>, vector<1000x128xf32>
    %get3A_2 = arith.constant 0 : index
    %get3A_3 = arith.constant 0 : index
    %get3A_4 = vector.load %arg2[%get3A_2, %get3A_3] : memref<128x64xf32, #tpu.memory_space<vmem>>, vector<128x64xf32>
    %dot_general3A = arith.constant dense<0.000000e+00> : vector<1000x64xf32>
    %dot_general3A_5 = tpu.matmul %get3A_1, %get3A_4, %dot_general3A {dimension_numbers = #tpu.dot_dimension_numbers<[1], [0], [0], [1], [0, 0, 1, 1], [], []>, precision = #tpu.contract_precision<fp32>, transpose_lhs_hint = false} : vector<1000x128xf32>, vector<128x64xf32>, vector<1000x64xf32> -> vector<1000x64xf32>
    %get3A_6 = arith.constant 0 : index
    %get3A_7 = arith.constant 0 : index
    %get3A_8 = vector.load %arg3[%get3A_6, %get3A_7] : memref<1x64xf32, #tpu.memory_space<vmem>>, vector<1x64xf32>
    %add3A = vector.broadcast %get3A_8 : vector<1x64xf32> to vector<1000x64xf32>
    %add3A_9 = arith.addf %dot_general3A_5, %add3A : vector<1000x64xf32>
    %swap3A = arith.constant 0 : index
    %swap3A_10 = arith.constant 0 : index
    %swap3A_11 = vector.load %arg6[%swap3A, %swap3A_10] : memref<1000x64xf32, #tpu.memory_space<vmem>>, vector<1000x64xf32>
    tpu.vector_store %arg6[%swap3A, %swap3A_10], %add3A_9 {strides = array<i32>} : memref<1000x64xf32, #tpu.memory_space<vmem>>, vector<1000x64xf32>,
    %get3A_12 = arith.constant 0 : index
    %get3A_13 = arith.constant 0 : index
    %get3A_14 = vector.load %arg4[%get3A_12, %get3A_13] : memref<64x64xf32, #tpu.memory_space<vmem>>, vector<64x64xf32>
    %dot_general3A_15 = arith.constant dense<0.000000e+00> : vector<1000x64xf32>
    %dot_general3A_16 = tpu.matmul %add3A_9, %get3A_14, %dot_general3A_15 {dimension_numbers = #tpu.dot_dimension_numbers<[1], [0], [0], [1], [0, 0, 1, 1], [], []>, precision = #tpu.contract_precision<fp32>, transpose_lhs_hint = false} : vector<1000x64xf32>, vector<64x64xf32>, vector<1000x64xf32> -> vector<1000x64xf32>
    %get3A_17 = arith.constant 0 : index
    %get3A_18 = arith.constant 0 : index
    %get3A_19 = vector.load %arg5[%get3A_17, %get3A_18] : memref<64x64xf32, #tpu.memory_space<vmem>>, vector<64x64xf32>
    %dot_general3A_20 = arith.constant dense<0.000000e+00> : vector<1000x64xf32>
    %dot_general3A_21 = tpu.matmul %add3A_9, %get3A_19, %dot_general3A_20 {dimension_numbers = #tpu.dot_dimension_numbers<[1], [0], [0], [1], [0, 0, 1, 1], [], []>, precision = #tpu.contract_precision<fp32>, transpose_lhs_hint = false} : vector<1000x64xf32>, vector<64x64xf32>, vector<1000x64xf32> -> vector<1000x64xf32>
    %concatenate3A = tpu.concatenate %dot_general3A_16, %dot_general3A_21 in 1 : vector<1000x64xf32>, vector<1000x64xf32> -> vector<1000x128xf32>
    %swap3A_22 = arith.constant 0 : index
    %swap3A_23 = arith.constant 0 : index
    %swap3A_24 = vector.load %arg7[%swap3A_22, %swap3A_23] : memref<1000x128xf32, #tpu.memory_space<vmem>>, vector<1000x128xf32>
    tpu.vector_store %arg7[%swap3A_22, %swap3A_23], %concatenate3A {strides = array<i32>} : memref<1000x128xf32, #tpu.memory_space<vmem>>, vector<1000x128xf32>,
    return
  }
  func.func @transform_0(%arg0: i32) -> (i32, i32) {
    %c0_i32 = arith.constant 0 : i32
    %c0_i32_0 = arith.constant 0 : i32
    return %arg0, %c0_i32 : i32, i32
  }
  func.func @transform_1(%arg0: i32) -> (i32, i32) {
    %c0_i32 = arith.constant 0 : i32
    %c0_i32_0 = arith.constant 0 : i32
    %c0_i32_1 = arith.constant 0 : i32
    return %c0_i32, %c0_i32_0 : i32, i32
  }
  func.func @transform_2(%arg0: i32) -> (i32, i32) {
    %c0_i32 = arith.constant 0 : i32
    %c0_i32_0 = arith.constant 0 : i32
    %c0_i32_1 = arith.constant 0 : i32
    return %c0_i32, %c0_i32_0 : i32, i32
  }
  func.func @transform_3(%arg0: i32) -> (i32, i32) {
    %c0_i32 = arith.constant 0 : i32
    %c0_i32_0 = arith.constant 0 : i32
    %c0_i32_1 = arith.constant 0 : i32
    return %c0_i32, %c0_i32_0 : i32, i32
  }
  func.func @transform_4(%arg0: i32) -> (i32, i32) {
    %c0_i32 = arith.constant 0 : i32
    %c0_i32_0 = arith.constant 0 : i32
    %c0_i32_1 = arith.constant 0 : i32
    return %c0_i32, %c0_i32_0 : i32, i32
  }
  func.func @transform_5(%arg0: i32) -> (i32, i32) {
    %c0_i32 = arith.constant 0 : i32
    %c0_i32_0 = arith.constant 0 : i32
    return %arg0, %c0_i32 : i32, i32
  }
  func.func @transform_6(%arg0: i32) -> (i32, i32) {
    %c0_i32 = arith.constant 0 : i32
    %c0_i32_0 = arith.constant 0 : i32
    return %arg0, %c0_i32 : i32, i32
  }
}

module attributes {stable_mosaic.version = 14 : i64} {
  func.func @body(%arg0: i32, %arg1: memref<640x16xf32, #tpu.memory_space<vmem>>, %arg2: memref<640x16xf32, #tpu.memory_space<vmem>>, %arg3: memref<16x64xbf16, #tpu.memory_space<vmem>>, %arg4: memref<16x64xbf16, #tpu.memory_space<vmem>>, %arg5: memref<1x64xf32, #tpu.memory_space<vmem>>, %arg6: memref<640x128xf32, #tpu.memory_space<vmem>>) attributes {dimension_semantics = [#tpu.dimension_semantics<arbitrary>], iteration_bounds = array<i64: 250>, scalar_prefetch = 0 : i64, scratch_operands = 0 : i64, tpu.core_type = #tpu.core_type<tc>, window_params = [{transform_indices = @transform_0, window_bounds = array<i64: 640, 16>}, {transform_indices = @transform_1, window_bounds = array<i64: 640, 16>}, {pipeline_mode = #tpu.pipeline_mode<synchronous>, transform_indices = @transform_2, window_bounds = array<i64: 16, 64>}, {pipeline_mode = #tpu.pipeline_mode<synchronous>, transform_indices = @transform_3, window_bounds = array<i64: 16, 64>}, {pipeline_mode = #tpu.pipeline_mode<synchronous>, transform_indices = @transform_4, window_bounds = array<i64: 1, 64>}, {transform_indices = @transform_5, window_bounds = array<i64: 640, 128>}]} {
    %get3A = arith.constant 0 : index
    %get3A_0 = arith.constant 0 : index
    %get3A_1 = vector.load %arg1[%get3A, %get3A_0] : memref<640x16xf32, #tpu.memory_space<vmem>>, vector<640x16xf32>
    %get3A_2 = arith.constant 0 : index
    %get3A_3 = arith.constant 0 : index
    %get3A_4 = vector.load %arg3[%get3A_2, %get3A_3] : memref<16x64xbf16, #tpu.memory_space<vmem>>, vector<16x64xbf16>
    %get3A_5 = arith.constant 0 : index
    %get3A_6 = arith.constant 0 : index
    %get3A_7 = vector.load %arg4[%get3A_5, %get3A_6] : memref<16x64xbf16, #tpu.memory_space<vmem>>, vector<16x64xbf16>
    %convert_element_type3A = arith.truncf %get3A_1 : vector<640x16xf32> to vector<640x16xbf16>
    %convert_element_type3A_8 = arith.extf %convert_element_type3A : vector<640x16xbf16> to vector<640x16xf32>
    %sub3A = arith.subf %get3A_1, %convert_element_type3A_8 : vector<640x16xf32>
    %convert_element_type3A_9 = arith.truncf %sub3A : vector<640x16xf32> to vector<640x16xbf16>
    %dot_general3A = arith.constant dense<0.000000e+00> : vector<640x64xf32>
    %dot_general3A_10 = tpu.matmul %convert_element_type3A, %get3A_4, %dot_general3A {dimension_numbers = #tpu.dot_dimension_numbers<[1], [0], [0], [1], [0, 0, 1, 1], [], []>, transpose_lhs_hint = false} : vector<640x16xbf16>, vector<16x64xbf16>, vector<640x64xf32> -> vector<640x64xf32>
    %dot_general3A_11 = arith.constant dense<0.000000e+00> : vector<640x64xf32>
    %dot_general3A_12 = tpu.matmul %convert_element_type3A_9, %get3A_4, %dot_general3A_11 {dimension_numbers = #tpu.dot_dimension_numbers<[1], [0], [0], [1], [0, 0, 1, 1], [], []>, transpose_lhs_hint = false} : vector<640x16xbf16>, vector<16x64xbf16>, vector<640x64xf32> -> vector<640x64xf32>
    %dot_general3A_13 = arith.constant dense<0.000000e+00> : vector<640x64xf32>
    %dot_general3A_14 = tpu.matmul %convert_element_type3A, %get3A_7, %dot_general3A_13 {dimension_numbers = #tpu.dot_dimension_numbers<[1], [0], [0], [1], [0, 0, 1, 1], [], []>, transpose_lhs_hint = false} : vector<640x16xbf16>, vector<16x64xbf16>, vector<640x64xf32> -> vector<640x64xf32>
    %add3A = arith.addf %dot_general3A_12, %dot_general3A_14 : vector<640x64xf32>
    %add3A_15 = arith.addf %dot_general3A_10, %add3A : vector<640x64xf32>
    %get3A_16 = arith.constant 0 : index
    %get3A_17 = arith.constant 0 : index
    %get3A_18 = vector.load %arg5[%get3A_16, %get3A_17] : memref<1x64xf32, #tpu.memory_space<vmem>>, vector<1x64xf32>
    %add3A_19 = vector.broadcast %get3A_18 : vector<1x64xf32> to vector<640x64xf32>
    %add3A_20 = arith.addf %add3A_15, %add3A_19 : vector<640x64xf32>
    %get3A_21 = arith.constant 0 : index
    %get3A_22 = arith.constant 0 : index
    %get3A_23 = vector.load %arg2[%get3A_21, %get3A_22] : memref<640x16xf32, #tpu.memory_space<vmem>>, vector<640x16xf32>
    %get3A_24 = arith.constant 0 : index
    %get3A_25 = arith.constant 0 : index
    %get3A_26 = vector.load %arg3[%get3A_24, %get3A_25] : memref<16x64xbf16, #tpu.memory_space<vmem>>, vector<16x64xbf16>
    %get3A_27 = arith.constant 0 : index
    %get3A_28 = arith.constant 0 : index
    %get3A_29 = vector.load %arg4[%get3A_27, %get3A_28] : memref<16x64xbf16, #tpu.memory_space<vmem>>, vector<16x64xbf16>
    %convert_element_type3A_30 = arith.truncf %get3A_23 : vector<640x16xf32> to vector<640x16xbf16>
    %convert_element_type3A_31 = arith.extf %convert_element_type3A_30 : vector<640x16xbf16> to vector<640x16xf32>
    %sub3A_32 = arith.subf %get3A_23, %convert_element_type3A_31 : vector<640x16xf32>
    %convert_element_type3A_33 = arith.truncf %sub3A_32 : vector<640x16xf32> to vector<640x16xbf16>
    %dot_general3A_34 = arith.constant dense<0.000000e+00> : vector<640x64xf32>
    %dot_general3A_35 = tpu.matmul %convert_element_type3A_30, %get3A_26, %dot_general3A_34 {dimension_numbers = #tpu.dot_dimension_numbers<[1], [0], [0], [1], [0, 0, 1, 1], [], []>, transpose_lhs_hint = false} : vector<640x16xbf16>, vector<16x64xbf16>, vector<640x64xf32> -> vector<640x64xf32>
    %dot_general3A_36 = arith.constant dense<0.000000e+00> : vector<640x64xf32>
    %dot_general3A_37 = tpu.matmul %convert_element_type3A_33, %get3A_26, %dot_general3A_36 {dimension_numbers = #tpu.dot_dimension_numbers<[1], [0], [0], [1], [0, 0, 1, 1], [], []>, transpose_lhs_hint = false} : vector<640x16xbf16>, vector<16x64xbf16>, vector<640x64xf32> -> vector<640x64xf32>
    %dot_general3A_38 = arith.constant dense<0.000000e+00> : vector<640x64xf32>
    %dot_general3A_39 = tpu.matmul %convert_element_type3A_30, %get3A_29, %dot_general3A_38 {dimension_numbers = #tpu.dot_dimension_numbers<[1], [0], [0], [1], [0, 0, 1, 1], [], []>, transpose_lhs_hint = false} : vector<640x16xbf16>, vector<16x64xbf16>, vector<640x64xf32> -> vector<640x64xf32>
    %add3A_40 = arith.addf %dot_general3A_37, %dot_general3A_39 : vector<640x64xf32>
    %add3A_41 = arith.addf %dot_general3A_35, %add3A_40 : vector<640x64xf32>
    %get3A_42 = arith.constant 0 : index
    %get3A_43 = arith.constant 0 : index
    %get3A_44 = vector.load %arg5[%get3A_42, %get3A_43] : memref<1x64xf32, #tpu.memory_space<vmem>>, vector<1x64xf32>
    %add3A_45 = vector.broadcast %get3A_44 : vector<1x64xf32> to vector<640x64xf32>
    %add3A_46 = arith.addf %add3A_41, %add3A_45 : vector<640x64xf32>
    %concatenate3A = tpu.concatenate %add3A_20, %add3A_46 in 1 : vector<640x64xf32>, vector<640x64xf32> -> vector<640x128xf32>
    %swap3A = arith.constant 0 : index
    %swap3A_47 = arith.constant 0 : index
    %swap3A_48 = vector.load %arg6[%swap3A, %swap3A_47] : memref<640x128xf32, #tpu.memory_space<vmem>>, vector<640x128xf32>
    tpu.vector_store %arg6[%swap3A, %swap3A_47], %concatenate3A {strides = array<i32>} : memref<640x128xf32, #tpu.memory_space<vmem>>, vector<640x128xf32>,
    return
  }
  func.func @transform_0(%arg0: i32) -> (i32, i32) {
    %c0_i32 = arith.constant 0 : i32
    %c0_i32_0 = arith.constant 0 : i32
    return %arg0, %c0_i32 : i32, i32
  }
  func.func @transform_1(%arg0: i32) -> (i32, i32) {
    %add3A = arith.constant 250 : i32
    %add3A_0 = arith.addi %arg0, %add3A : i32
    %c0_i32 = arith.constant 0 : i32
    %c0_i32_1 = arith.constant 0 : i32
    return %add3A_0, %c0_i32 : i32, i32
  }
  func.func @transform_2(%arg0: i32) -> (i32, i32) {
    %c0_i32 = arith.constant 0 : i32
    %c0_i32_0 = arith.constant 0 : i32
    %c0_i32_1 = arith.constant 0 : i32
    return %c0_i32, %c0_i32_0 : i32, i32
  }
  func.func @transform_3(%arg0: i32) -> (i32, i32) {
    %c0_i32 = arith.constant 0 : i32
    %c0_i32_0 = arith.constant 0 : i32
    %c0_i32_1 = arith.constant 0 : i32
    return %c0_i32, %c0_i32_0 : i32, i32
  }
  func.func @transform_4(%arg0: i32) -> (i32, i32) {
    %c0_i32 = arith.constant 0 : i32
    %c0_i32_0 = arith.constant 0 : i32
    %c0_i32_1 = arith.constant 0 : i32
    return %c0_i32, %c0_i32_0 : i32, i32
  }
  func.func @transform_5(%arg0: i32) -> (i32, i32) {
    %c0_i32 = arith.constant 0 : i32
    %c0_i32_0 = arith.constant 0 : i32
    return %arg0, %c0_i32 : i32, i32
  }
}

module attributes {stable_mosaic.version = 14 : i64} {
  func.func @body(%arg0: i32, %arg1: memref<640x128xf32, #tpu.memory_space<vmem>>, %arg2: memref<640x128xf32, #tpu.memory_space<vmem>>, %arg3: memref<640x128xf32, #tpu.memory_space<vmem>>, %arg4: memref<1x64xf32, #tpu.memory_space<vmem>>, %arg5: memref<64x64xbf16, #tpu.memory_space<vmem>>, %arg6: memref<64x64xbf16, #tpu.memory_space<vmem>>, %arg7: memref<1x64xf32, #tpu.memory_space<vmem>>, %arg8: memref<64x64xbf16, #tpu.memory_space<vmem>>, %arg9: memref<64x64xbf16, #tpu.memory_space<vmem>>, %arg10: memref<1x64xf32, #tpu.memory_space<vmem>>, %arg11: memref<1x64xf32, #tpu.memory_space<vmem>>, %arg12: memref<640x128xf32, #tpu.memory_space<vmem>>, %arg13: memref<640x128xf32, #tpu.memory_space<vmem>>) attributes {dimension_semantics = [#tpu.dimension_semantics<arbitrary>], iteration_bounds = array<i64: 250>, scalar_prefetch = 0 : i64, scratch_operands = 0 : i64, tpu.core_type = #tpu.core_type<tc>, window_params = [{transform_indices = @transform_0, window_bounds = array<i64: 640, 128>}, {transform_indices = @transform_1, window_bounds = array<i64: 640, 128>}, {transform_indices = @transform_2, window_bounds = array<i64: 640, 128>}, {pipeline_mode = #tpu.pipeline_mode<synchronous>, transform_indices = @transform_3, window_bounds = array<i64: 1, 64>}, {pipeline_mode = #tpu.pipeline_mode<synchronous>, transform_indices = @transform_4, window_bounds = array<i64: 64, 64>}, {pipeline_mode = #tpu.pipeline_mode<synchronous>, transform_indices = @transform_5, window_bounds = array<i64: 64, 64>}, {pipeline_mode = #tpu.pipeline_mode<synchronous>, transform_indices = @transform_6, window_bounds = array<i64: 1, 64>}, {pipeline_mode = #tpu.pipeline_mode<synchronous>, transform_indices = @transform_7, window_bounds = array<i64: 64, 64>}, {pipeline_mode = #tpu.pipeline_mode<synchronous>, transform_indices = @transform_8, window_bounds = array<i64: 64, 64>}, {pipeline_mode = #tpu.pipeline_mode<synchronous>, transform_indices = @transform_9, window_bounds = array<i64: 1, 64>}, {pipeline_mode = #tpu.pipeline_mode<synchronous>, transform_indices = @transform_10, window_bounds = array<i64: 1, 64>}, {transform_indices = @transform_11, window_bounds = array<i64: 640, 128>}, {transform_indices = @transform_12, window_bounds = array<i64: 640, 128>}]} {
    %get3A = arith.constant 0 : index
    %get3A_0 = arith.constant 0 : index
    %get3A_1 = vector.load %arg3[%get3A, %get3A_0] : memref<640x128xf32, #tpu.memory_space<vmem>>, vector<640x128xf32>
    %get3A_2 = arith.constant 0 : index
    %get3A_3 = arith.constant 0 : index
    %get3A_4 = vector.load %arg1[%get3A_2, %get3A_3] : memref<640x128xf32, #tpu.memory_space<vmem>>, vector<640x128xf32>
    %slice3A = vector.extract_strided_slice %get3A_1 {offsets = [0, 0], sizes = [640, 64], strides = [1, 1]} : vector<640x128xf32> to vector<640x64xf32>
    %get3A_5 = arith.constant 0 : index
    %get3A_6 = arith.constant 0 : index
    %get3A_7 = vector.load %arg4[%get3A_5, %get3A_6] : memref<1x64xf32, #tpu.memory_space<vmem>>, vector<1x64xf32>
    %get3A_8 = arith.constant 0 : index
    %get3A_9 = arith.constant 0 : index
    %get3A_10 = vector.load %arg5[%get3A_8, %get3A_9] : memref<64x64xbf16, #tpu.memory_space<vmem>>, vector<64x64xbf16>
    %get3A_11 = arith.constant 0 : index
    %get3A_12 = arith.constant 0 : index
    %get3A_13 = vector.load %arg6[%get3A_11, %get3A_12] : memref<64x64xbf16, #tpu.memory_space<vmem>>, vector<64x64xbf16>
    %get3A_14 = arith.constant 0 : index
    %get3A_15 = arith.constant 0 : index
    %get3A_16 = vector.load %arg7[%get3A_14, %get3A_15] : memref<1x64xf32, #tpu.memory_space<vmem>>, vector<1x64xf32>
    %get3A_17 = arith.constant 0 : index
    %get3A_18 = arith.constant 0 : index
    %get3A_19 = vector.load %arg8[%get3A_17, %get3A_18] : memref<64x64xbf16, #tpu.memory_space<vmem>>, vector<64x64xbf16>
    %get3A_20 = arith.constant 0 : index
    %get3A_21 = arith.constant 0 : index
    %get3A_22 = vector.load %arg9[%get3A_20, %get3A_21] : memref<64x64xbf16, #tpu.memory_space<vmem>>, vector<64x64xbf16>
    %get3A_23 = arith.constant 0 : index
    %get3A_24 = arith.constant 0 : index
    %get3A_25 = vector.load %arg10[%get3A_23, %get3A_24] : memref<1x64xf32, #tpu.memory_space<vmem>>, vector<1x64xf32>
    %get3A_26 = arith.constant 0 : index
    %get3A_27 = arith.constant 0 : index
    %get3A_28 = vector.load %arg11[%get3A_26, %get3A_27] : memref<1x64xf32, #tpu.memory_space<vmem>>, vector<1x64xf32>
    %slice3A_29 = vector.extract_strided_slice %get3A_4 {offsets = [0, 0], sizes = [640, 64], strides = [1, 1]} : vector<640x128xf32> to vector<640x64xf32>
    %add3A = arith.addf %slice3A_29, %slice3A : vector<640x64xf32>
    %slice3A_30 = vector.extract_strided_slice %get3A_4 {offsets = [0, 64], sizes = [640, 1], strides = [1, 1]} : vector<640x128xf32> to vector<640x1xf32>
    %mul3A = vector.broadcast %slice3A_30 : vector<640x1xf32> to vector<640x64xf32>
    %mul3A_31 = vector.broadcast %get3A_7 : vector<1x64xf32> to vector<640x64xf32>
    %mul3A_32 = arith.mulf %mul3A, %mul3A_31 : vector<640x64xf32>
    %add3A_33 = arith.addf %add3A, %mul3A_32 : vector<640x64xf32>
    %logistic3A = arith.negf %add3A_33 : vector<640x64xf32>
    %logistic3A_34 = math.exp %logistic3A : vector<640x64xf32>
    %logistic3A_35 = arith.constant 1.000000e+00 : f32
    %logistic3A_36 = vector.broadcast %logistic3A_35 : f32 to vector<640x64xf32>
    %logistic3A_37 = arith.addf %logistic3A_36, %logistic3A_34 : vector<640x64xf32>
    %logistic3A_38 = arith.divf %logistic3A_36, %logistic3A_37 : vector<640x64xf32>
    %mul3A_39 = arith.mulf %add3A_33, %logistic3A_38 : vector<640x64xf32>
    %convert_element_type3A = arith.truncf %mul3A_39 : vector<640x64xf32> to vector<640x64xbf16>
    %convert_element_type3A_40 = arith.extf %convert_element_type3A : vector<640x64xbf16> to vector<640x64xf32>
    %sub3A = arith.subf %mul3A_39, %convert_element_type3A_40 : vector<640x64xf32>
    %convert_element_type3A_41 = arith.truncf %sub3A : vector<640x64xf32> to vector<640x64xbf16>
    %dot_general3A = arith.constant dense<0.000000e+00> : vector<640x64xf32>
    %dot_general3A_42 = tpu.matmul %convert_element_type3A, %get3A_10, %dot_general3A {dimension_numbers = #tpu.dot_dimension_numbers<[1], [0], [0], [1], [0, 0, 1, 1], [], []>, transpose_lhs_hint = false} : vector<640x64xbf16>, vector<64x64xbf16>, vector<640x64xf32> -> vector<640x64xf32>
    %dot_general3A_43 = arith.constant dense<0.000000e+00> : vector<640x64xf32>
    %dot_general3A_44 = tpu.matmul %convert_element_type3A_41, %get3A_10, %dot_general3A_43 {dimension_numbers = #tpu.dot_dimension_numbers<[1], [0], [0], [1], [0, 0, 1, 1], [], []>, transpose_lhs_hint = false} : vector<640x64xbf16>, vector<64x64xbf16>, vector<640x64xf32> -> vector<640x64xf32>
    %dot_general3A_45 = arith.constant dense<0.000000e+00> : vector<640x64xf32>
    %dot_general3A_46 = tpu.matmul %convert_element_type3A, %get3A_13, %dot_general3A_45 {dimension_numbers = #tpu.dot_dimension_numbers<[1], [0], [0], [1], [0, 0, 1, 1], [], []>, transpose_lhs_hint = false} : vector<640x64xbf16>, vector<64x64xbf16>, vector<640x64xf32> -> vector<640x64xf32>
    %add3A_47 = arith.addf %dot_general3A_44, %dot_general3A_46 : vector<640x64xf32>
    %add3A_48 = arith.addf %dot_general3A_42, %add3A_47 : vector<640x64xf32>
    %add3A_49 = vector.broadcast %get3A_16 : vector<1x64xf32> to vector<640x64xf32>
    %add3A_50 = arith.addf %add3A_48, %add3A_49 : vector<640x64xf32>
    %logistic3A_51 = arith.negf %add3A_50 : vector<640x64xf32>
    %logistic3A_52 = math.exp %logistic3A_51 : vector<640x64xf32>
    %logistic3A_53 = arith.constant 1.000000e+00 : f32
    %logistic3A_54 = vector.broadcast %logistic3A_53 : f32 to vector<640x64xf32>
    %logistic3A_55 = arith.addf %logistic3A_54, %logistic3A_52 : vector<640x64xf32>
    %logistic3A_56 = arith.divf %logistic3A_54, %logistic3A_55 : vector<640x64xf32>
    %mul3A_57 = arith.mulf %add3A_50, %logistic3A_56 : vector<640x64xf32>
    %convert_element_type3A_58 = arith.truncf %mul3A_57 : vector<640x64xf32> to vector<640x64xbf16>
    %convert_element_type3A_59 = arith.extf %convert_element_type3A_58 : vector<640x64xbf16> to vector<640x64xf32>
    %sub3A_60 = arith.subf %mul3A_57, %convert_element_type3A_59 : vector<640x64xf32>
    %convert_element_type3A_61 = arith.truncf %sub3A_60 : vector<640x64xf32> to vector<640x64xbf16>
    %dot_general3A_62 = arith.constant dense<0.000000e+00> : vector<640x64xf32>
    %dot_general3A_63 = tpu.matmul %convert_element_type3A_58, %get3A_19, %dot_general3A_62 {dimension_numbers = #tpu.dot_dimension_numbers<[1], [0], [0], [1], [0, 0, 1, 1], [], []>, transpose_lhs_hint = false} : vector<640x64xbf16>, vector<64x64xbf16>, vector<640x64xf32> -> vector<640x64xf32>
    %dot_general3A_64 = arith.constant dense<0.000000e+00> : vector<640x64xf32>
    %dot_general3A_65 = tpu.matmul %convert_element_type3A_61, %get3A_19, %dot_general3A_64 {dimension_numbers = #tpu.dot_dimension_numbers<[1], [0], [0], [1], [0, 0, 1, 1], [], []>, transpose_lhs_hint = false} : vector<640x64xbf16>, vector<64x64xbf16>, vector<640x64xf32> -> vector<640x64xf32>
    %dot_general3A_66 = arith.constant dense<0.000000e+00> : vector<640x64xf32>
    %dot_general3A_67 = tpu.matmul %convert_element_type3A_58, %get3A_22, %dot_general3A_66 {dimension_numbers = #tpu.dot_dimension_numbers<[1], [0], [0], [1], [0, 0, 1, 1], [], []>, transpose_lhs_hint = false} : vector<640x64xbf16>, vector<64x64xbf16>, vector<640x64xf32> -> vector<640x64xf32>
    %add3A_68 = arith.addf %dot_general3A_65, %dot_general3A_67 : vector<640x64xf32>
    %add3A_69 = arith.addf %dot_general3A_63, %add3A_68 : vector<640x64xf32>
    %add3A_70 = vector.broadcast %get3A_25 : vector<1x64xf32> to vector<640x64xf32>
    %add3A_71 = arith.addf %add3A_69, %add3A_70 : vector<640x64xf32>
    %logistic3A_72 = arith.negf %add3A_71 : vector<640x64xf32>
    %logistic3A_73 = math.exp %logistic3A_72 : vector<640x64xf32>
    %logistic3A_74 = arith.constant 1.000000e+00 : f32
    %logistic3A_75 = vector.broadcast %logistic3A_74 : f32 to vector<640x64xf32>
    %logistic3A_76 = arith.addf %logistic3A_75, %logistic3A_73 : vector<640x64xf32>
    %logistic3A_77 = arith.divf %logistic3A_75, %logistic3A_76 : vector<640x64xf32>
    %mul3A_78 = arith.mulf %add3A_71, %logistic3A_77 : vector<640x64xf32>
    %mul3A_79 = vector.broadcast %get3A_28 : vector<1x64xf32> to vector<640x64xf32>
    %mul3A_80 = arith.mulf %mul3A_78, %mul3A_79 : vector<640x64xf32>
    %reduce_sum3A = arith.constant dense<0.000000e+00> : vector<640xf32>
    %reduce_sum3A_81 = vector.multi_reduction <add>, %mul3A_80, %reduce_sum3A [1] : vector<640x64xf32> to vector<640xf32>
    %broadcast_in_dim3A = vector.shape_cast %reduce_sum3A_81 : vector<640xf32> to vector<640x1xf32>
    %slice3A_82 = vector.extract_strided_slice %get3A_4 {offsets = [0, 65], sizes = [640, 3], strides = [1, 1]} : vector<640x128xf32> to vector<640x3xf32>
    %mul3A_83 = vector.broadcast %broadcast_in_dim3A : vector<640x1xf32> to vector<640x3xf32>
    %mul3A_84 = arith.mulf %slice3A_82, %mul3A_83 : vector<640x3xf32>
    %broadcast_in_dim3A_85 = arith.constant 1.000000e+00 : f32
    %broadcast_in_dim3A_86 = vector.broadcast %broadcast_in_dim3A_85 : f32 to vector<640x1xf32>
    %broadcast_in_dim3A_87 = arith.constant 0.000000e+00 : f32
    %broadcast_in_dim3A_88 = vector.broadcast %broadcast_in_dim3A_87 : f32 to vector<640x60xf32>
    %concatenate3A = tpu.concatenate %mul3A_57, %mul3A_84, %broadcast_in_dim3A_86, %broadcast_in_dim3A_88 in 1 : vector<640x64xf32>, vector<640x3xf32>, vector<640x1xf32>, vector<640x60xf32> -> vector<640x128xf32>
    %swap3A = arith.constant 0 : index
    %swap3A_89 = arith.constant 0 : index
    %swap3A_90 = vector.load %arg12[%swap3A, %swap3A_89] : memref<640x128xf32, #tpu.memory_space<vmem>>, vector<640x128xf32>
    tpu.vector_store %arg12[%swap3A, %swap3A_89], %concatenate3A {strides = array<i32>} : memref<640x128xf32, #tpu.memory_space<vmem>>, vector<640x128xf32>,
    %get3A_91 = arith.constant 0 : index
    %get3A_92 = arith.constant 0 : index
    %get3A_93 = vector.load %arg2[%get3A_91, %get3A_92] : memref<640x128xf32, #tpu.memory_space<vmem>>, vector<640x128xf32>
    %slice3A_94 = vector.extract_strided_slice %get3A_1 {offsets = [0, 64], sizes = [640, 64], strides = [1, 1]} : vector<640x128xf32> to vector<640x64xf32>
    %get3A_95 = arith.constant 0 : index
    %get3A_96 = arith.constant 0 : index
    %get3A_97 = vector.load %arg4[%get3A_95, %get3A_96] : memref<1x64xf32, #tpu.memory_space<vmem>>, vector<1x64xf32>
    %get3A_98 = arith.constant 0 : index
    %get3A_99 = arith.constant 0 : index
    %get3A_100 = vector.load %arg5[%get3A_98, %get3A_99] : memref<64x64xbf16, #tpu.memory_space<vmem>>, vector<64x64xbf16>
    %get3A_101 = arith.constant 0 : index
    %get3A_102 = arith.constant 0 : index
    %get3A_103 = vector.load %arg6[%get3A_101, %get3A_102] : memref<64x64xbf16, #tpu.memory_space<vmem>>, vector<64x64xbf16>
    %get3A_104 = arith.constant 0 : index
    %get3A_105 = arith.constant 0 : index
    %get3A_106 = vector.load %arg7[%get3A_104, %get3A_105] : memref<1x64xf32, #tpu.memory_space<vmem>>, vector<1x64xf32>
    %get3A_107 = arith.constant 0 : index
    %get3A_108 = arith.constant 0 : index
    %get3A_109 = vector.load %arg8[%get3A_107, %get3A_108] : memref<64x64xbf16, #tpu.memory_space<vmem>>, vector<64x64xbf16>
    %get3A_110 = arith.constant 0 : index
    %get3A_111 = arith.constant 0 : index
    %get3A_112 = vector.load %arg9[%get3A_110, %get3A_111] : memref<64x64xbf16, #tpu.memory_space<vmem>>, vector<64x64xbf16>
    %get3A_113 = arith.constant 0 : index
    %get3A_114 = arith.constant 0 : index
    %get3A_115 = vector.load %arg10[%get3A_113, %get3A_114] : memref<1x64xf32, #tpu.memory_space<vmem>>, vector<1x64xf32>
    %get3A_116 = arith.constant 0 : index
    %get3A_117 = arith.constant 0 : index
    %get3A_118 = vector.load %arg11[%get3A_116, %get3A_117] : memref<1x64xf32, #tpu.memory_space<vmem>>, vector<1x64xf32>
    %slice3A_119 = vector.extract_strided_slice %get3A_93 {offsets = [0, 0], sizes = [640, 64], strides = [1, 1]} : vector<640x128xf32> to vector<640x64xf32>
    %add3A_120 = arith.addf %slice3A_119, %slice3A_94 : vector<640x64xf32>
    %slice3A_121 = vector.extract_strided_slice %get3A_93 {offsets = [0, 64], sizes = [640, 1], strides = [1, 1]} : vector<640x128xf32> to vector<640x1xf32>
    %mul3A_122 = vector.broadcast %slice3A_121 : vector<640x1xf32> to vector<640x64xf32>
    %mul3A_123 = vector.broadcast %get3A_97 : vector<1x64xf32> to vector<640x64xf32>
    %mul3A_124 = arith.mulf %mul3A_122, %mul3A_123 : vector<640x64xf32>
    %add3A_125 = arith.addf %add3A_120, %mul3A_124 : vector<640x64xf32>
    %logistic3A_126 = arith.negf %add3A_125 : vector<640x64xf32>
    %logistic3A_127 = math.exp %logistic3A_126 : vector<640x64xf32>
    %logistic3A_128 = arith.constant 1.000000e+00 : f32
    %logistic3A_129 = vector.broadcast %logistic3A_128 : f32 to vector<640x64xf32>
    %logistic3A_130 = arith.addf %logistic3A_129, %logistic3A_127 : vector<640x64xf32>
    %logistic3A_131 = arith.divf %logistic3A_129, %logistic3A_130 : vector<640x64xf32>
    %mul3A_132 = arith.mulf %add3A_125, %logistic3A_131 : vector<640x64xf32>
    %convert_element_type3A_133 = arith.truncf %mul3A_132 : vector<640x64xf32> to vector<640x64xbf16>
    %convert_element_type3A_134 = arith.extf %convert_element_type3A_133 : vector<640x64xbf16> to vector<640x64xf32>
    %sub3A_135 = arith.subf %mul3A_132, %convert_element_type3A_134 : vector<640x64xf32>
    %convert_element_type3A_136 = arith.truncf %sub3A_135 : vector<640x64xf32> to vector<640x64xbf16>
    %dot_general3A_137 = arith.constant dense<0.000000e+00> : vector<640x64xf32>
    %dot_general3A_138 = tpu.matmul %convert_element_type3A_133, %get3A_100, %dot_general3A_137 {dimension_numbers = #tpu.dot_dimension_numbers<[1], [0], [0], [1], [0, 0, 1, 1], [], []>, transpose_lhs_hint = false} : vector<640x64xbf16>, vector<64x64xbf16>, vector<640x64xf32> -> vector<640x64xf32>
    %dot_general3A_139 = arith.constant dense<0.000000e+00> : vector<640x64xf32>
    %dot_general3A_140 = tpu.matmul %convert_element_type3A_136, %get3A_100, %dot_general3A_139 {dimension_numbers = #tpu.dot_dimension_numbers<[1], [0], [0], [1], [0, 0, 1, 1], [], []>, transpose_lhs_hint = false} : vector<640x64xbf16>, vector<64x64xbf16>, vector<640x64xf32> -> vector<640x64xf32>
    %dot_general3A_141 = arith.constant dense<0.000000e+00> : vector<640x64xf32>
    %dot_general3A_142 = tpu.matmul %convert_element_type3A_133, %get3A_103, %dot_general3A_141 {dimension_numbers = #tpu.dot_dimension_numbers<[1], [0], [0], [1], [0, 0, 1, 1], [], []>, transpose_lhs_hint = false} : vector<640x64xbf16>, vector<64x64xbf16>, vector<640x64xf32> -> vector<640x64xf32>
    %add3A_143 = arith.addf %dot_general3A_140, %dot_general3A_142 : vector<640x64xf32>
    %add3A_144 = arith.addf %dot_general3A_138, %add3A_143 : vector<640x64xf32>
    %add3A_145 = vector.broadcast %get3A_106 : vector<1x64xf32> to vector<640x64xf32>
    %add3A_146 = arith.addf %add3A_144, %add3A_145 : vector<640x64xf32>
    %logistic3A_147 = arith.negf %add3A_146 : vector<640x64xf32>
    %logistic3A_148 = math.exp %logistic3A_147 : vector<640x64xf32>
    %logistic3A_149 = arith.constant 1.000000e+00 : f32
    %logistic3A_150 = vector.broadcast %logistic3A_149 : f32 to vector<640x64xf32>
    %logistic3A_151 = arith.addf %logistic3A_150, %logistic3A_148 : vector<640x64xf32>
    %logistic3A_152 = arith.divf %logistic3A_150, %logistic3A_151 : vector<640x64xf32>
    %mul3A_153 = arith.mulf %add3A_146, %logistic3A_152 : vector<640x64xf32>
    %convert_element_type3A_154 = arith.truncf %mul3A_153 : vector<640x64xf32> to vector<640x64xbf16>
    %convert_element_type3A_155 = arith.extf %convert_element_type3A_154 : vector<640x64xbf16> to vector<640x64xf32>
    %sub3A_156 = arith.subf %mul3A_153, %convert_element_type3A_155 : vector<640x64xf32>
    %convert_element_type3A_157 = arith.truncf %sub3A_156 : vector<640x64xf32> to vector<640x64xbf16>
    %dot_general3A_158 = arith.constant dense<0.000000e+00> : vector<640x64xf32>
    %dot_general3A_159 = tpu.matmul %convert_element_type3A_154, %get3A_109, %dot_general3A_158 {dimension_numbers = #tpu.dot_dimension_numbers<[1], [0], [0], [1], [0, 0, 1, 1], [], []>, transpose_lhs_hint = false} : vector<640x64xbf16>, vector<64x64xbf16>, vector<640x64xf32> -> vector<640x64xf32>
    %dot_general3A_160 = arith.constant dense<0.000000e+00> : vector<640x64xf32>
    %dot_general3A_161 = tpu.matmul %convert_element_type3A_157, %get3A_109, %dot_general3A_160 {dimension_numbers = #tpu.dot_dimension_numbers<[1], [0], [0], [1], [0, 0, 1, 1], [], []>, transpose_lhs_hint = false} : vector<640x64xbf16>, vector<64x64xbf16>, vector<640x64xf32> -> vector<640x64xf32>
    %dot_general3A_162 = arith.constant dense<0.000000e+00> : vector<640x64xf32>
    %dot_general3A_163 = tpu.matmul %convert_element_type3A_154, %get3A_112, %dot_general3A_162 {dimension_numbers = #tpu.dot_dimension_numbers<[1], [0], [0], [1], [0, 0, 1, 1], [], []>, transpose_lhs_hint = false} : vector<640x64xbf16>, vector<64x64xbf16>, vector<640x64xf32> -> vector<640x64xf32>
    %add3A_164 = arith.addf %dot_general3A_161, %dot_general3A_163 : vector<640x64xf32>
    %add3A_165 = arith.addf %dot_general3A_159, %add3A_164 : vector<640x64xf32>
    %add3A_166 = vector.broadcast %get3A_115 : vector<1x64xf32> to vector<640x64xf32>
    %add3A_167 = arith.addf %add3A_165, %add3A_166 : vector<640x64xf32>
    %logistic3A_168 = arith.negf %add3A_167 : vector<640x64xf32>
    %logistic3A_169 = math.exp %logistic3A_168 : vector<640x64xf32>
    %logistic3A_170 = arith.constant 1.000000e+00 : f32
    %logistic3A_171 = vector.broadcast %logistic3A_170 : f32 to vector<640x64xf32>
    %logistic3A_172 = arith.addf %logistic3A_171, %logistic3A_169 : vector<640x64xf32>
    %logistic3A_173 = arith.divf %logistic3A_171, %logistic3A_172 : vector<640x64xf32>
    %mul3A_174 = arith.mulf %add3A_167, %logistic3A_173 : vector<640x64xf32>
    %mul3A_175 = vector.broadcast %get3A_118 : vector<1x64xf32> to vector<640x64xf32>
    %mul3A_176 = arith.mulf %mul3A_174, %mul3A_175 : vector<640x64xf32>
    %reduce_sum3A_177 = arith.constant dense<0.000000e+00> : vector<640xf32>
    %reduce_sum3A_178 = vector.multi_reduction <add>, %mul3A_176, %reduce_sum3A_177 [1] : vector<640x64xf32> to vector<640xf32>
    %broadcast_in_dim3A_179 = vector.shape_cast %reduce_sum3A_178 : vector<640xf32> to vector<640x1xf32>
    %slice3A_180 = vector.extract_strided_slice %get3A_93 {offsets = [0, 65], sizes = [640, 3], strides = [1, 1]} : vector<640x128xf32> to vector<640x3xf32>
    %mul3A_181 = vector.broadcast %broadcast_in_dim3A_179 : vector<640x1xf32> to vector<640x3xf32>
    %mul3A_182 = arith.mulf %slice3A_180, %mul3A_181 : vector<640x3xf32>
    %broadcast_in_dim3A_183 = arith.constant 1.000000e+00 : f32
    %broadcast_in_dim3A_184 = vector.broadcast %broadcast_in_dim3A_183 : f32 to vector<640x1xf32>
    %broadcast_in_dim3A_185 = arith.constant 0.000000e+00 : f32
    %broadcast_in_dim3A_186 = vector.broadcast %broadcast_in_dim3A_185 : f32 to vector<640x60xf32>
    %concatenate3A_187 = tpu.concatenate %mul3A_153, %mul3A_182, %broadcast_in_dim3A_184, %broadcast_in_dim3A_186 in 1 : vector<640x64xf32>, vector<640x3xf32>, vector<640x1xf32>, vector<640x60xf32> -> vector<640x128xf32>
    %swap3A_188 = arith.constant 0 : index
    %swap3A_189 = arith.constant 0 : index
    %swap3A_190 = vector.load %arg13[%swap3A_188, %swap3A_189] : memref<640x128xf32, #tpu.memory_space<vmem>>, vector<640x128xf32>
    tpu.vector_store %arg13[%swap3A_188, %swap3A_189], %concatenate3A_187 {strides = array<i32>} : memref<640x128xf32, #tpu.memory_space<vmem>>, vector<640x128xf32>,
    return
  }
  func.func @transform_0(%arg0: i32) -> (i32, i32) {
    %c0_i32 = arith.constant 0 : i32
    %c0_i32_0 = arith.constant 0 : i32
    return %arg0, %c0_i32 : i32, i32
  }
  func.func @transform_1(%arg0: i32) -> (i32, i32) {
    %add3A = arith.constant 250 : i32
    %add3A_0 = arith.addi %arg0, %add3A : i32
    %c0_i32 = arith.constant 0 : i32
    %c0_i32_1 = arith.constant 0 : i32
    return %add3A_0, %c0_i32 : i32, i32
  }
  func.func @transform_2(%arg0: i32) -> (i32, i32) {
    %c0_i32 = arith.constant 0 : i32
    %c0_i32_0 = arith.constant 0 : i32
    return %arg0, %c0_i32 : i32, i32
  }
  func.func @transform_3(%arg0: i32) -> (i32, i32) {
    %c0_i32 = arith.constant 0 : i32
    %c0_i32_0 = arith.constant 0 : i32
    %c0_i32_1 = arith.constant 0 : i32
    return %c0_i32, %c0_i32_0 : i32, i32
  }
  func.func @transform_4(%arg0: i32) -> (i32, i32) {
    %c0_i32 = arith.constant 0 : i32
    %c0_i32_0 = arith.constant 0 : i32
    %c0_i32_1 = arith.constant 0 : i32
    return %c0_i32, %c0_i32_0 : i32, i32
  }
  func.func @transform_5(%arg0: i32) -> (i32, i32) {
    %c0_i32 = arith.constant 0 : i32
    %c0_i32_0 = arith.constant 0 : i32
    %c0_i32_1 = arith.constant 0 : i32
    return %c0_i32, %c0_i32_0 : i32, i32
  }
  func.func @transform_6(%arg0: i32) -> (i32, i32) {
    %c0_i32 = arith.constant 0 : i32
    %c0_i32_0 = arith.constant 0 : i32
    %c0_i32_1 = arith.constant 0 : i32
    return %c0_i32, %c0_i32_0 : i32, i32
  }
  func.func @transform_7(%arg0: i32) -> (i32, i32) {
    %c0_i32 = arith.constant 0 : i32
    %c0_i32_0 = arith.constant 0 : i32
    %c0_i32_1 = arith.constant 0 : i32
    return %c0_i32, %c0_i32_0 : i32, i32
  }
  func.func @transform_8(%arg0: i32) -> (i32, i32) {
    %c0_i32 = arith.constant 0 : i32
    %c0_i32_0 = arith.constant 0 : i32
    %c0_i32_1 = arith.constant 0 : i32
    return %c0_i32, %c0_i32_0 : i32, i32
  }
  func.func @transform_9(%arg0: i32) -> (i32, i32) {
    %c0_i32 = arith.constant 0 : i32
    %c0_i32_0 = arith.constant 0 : i32
    %c0_i32_1 = arith.constant 0 : i32
    return %c0_i32, %c0_i32_0 : i32, i32
  }
  func.func @transform_10(%arg0: i32) -> (i32, i32) {
    %c0_i32 = arith.constant 0 : i32
    %c0_i32_0 = arith.constant 0 : i32
    %c0_i32_1 = arith.constant 0 : i32
    return %c0_i32, %c0_i32_0 : i32, i32
  }
  func.func @transform_11(%arg0: i32) -> (i32, i32) {
    %c0_i32 = arith.constant 0 : i32
    %c0_i32_0 = arith.constant 0 : i32
    return %arg0, %c0_i32 : i32, i32
  }
  func.func @transform_12(%arg0: i32) -> (i32, i32) {
    %c0_i32 = arith.constant 0 : i32
    %c0_i32_0 = arith.constant 0 : i32
    return %arg0, %c0_i32 : i32, i32
  }
}

module attributes {stable_mosaic.version = 14 : i64} {
  func.func @body(%arg0: i32, %arg1: memref<2x1000x128xf32, #tpu.memory_space<vmem>>, %arg2: memref<1000x64xf32, #tpu.memory_space<vmem>>, %arg3: memref<1000x4xf32, #tpu.memory_space<vmem>>, %arg4: memref<1000x4xf32, #tpu.memory_space<vmem>>, %arg5: memref<64x64xf32, #tpu.memory_space<vmem>>, %arg6: memref<1x64xf32, #tpu.memory_space<vmem>>, %arg7: memref<1x64xf32, #tpu.memory_space<vmem>>, %arg8: memref<1x1xf32, #tpu.memory_space<vmem>>, %arg9: memref<64x64xf32, #tpu.memory_space<vmem>>, %arg10: memref<64x64xf32, #tpu.memory_space<vmem>>, %arg11: memref<1x64xf32, #tpu.memory_space<vmem>>, %arg12: memref<64x64xf32, #tpu.memory_space<vmem>>, %arg13: memref<1x64xf32, #tpu.memory_space<vmem>>, %arg14: memref<64x64xf32, #tpu.memory_space<vmem>>, %arg15: memref<64x64xf32, #tpu.memory_space<vmem>>, %arg16: memref<1000x64xf32, #tpu.memory_space<vmem>>, %arg17: memref<1000x4xf32, #tpu.memory_space<vmem>>, %arg18: memref<1000x4xf32, #tpu.memory_space<vmem>>, %arg19: memref<1000x128xf32, #tpu.memory_space<vmem>>) attributes {dimension_semantics = [#tpu.dimension_semantics<arbitrary>], iteration_bounds = array<i64: 10>, scalar_prefetch = 0 : i64, scratch_operands = 0 : i64, tpu.core_type = #tpu.core_type<tc>, window_params = [{transform_indices = @transform_0, window_bounds = array<i64: 2, 1000, 128>}, {transform_indices = @transform_1, window_bounds = array<i64: 1000, 64>}, {transform_indices = @transform_2, window_bounds = array<i64: 1000, 4>}, {transform_indices = @transform_3, window_bounds = array<i64: 1000, 4>}, {pipeline_mode = #tpu.pipeline_mode<synchronous>, transform_indices = @transform_4, window_bounds = array<i64: 64, 64>}, {pipeline_mode = #tpu.pipeline_mode<synchronous>, transform_indices = @transform_5, window_bounds = array<i64: 1, 64>}, {pipeline_mode = #tpu.pipeline_mode<synchronous>, transform_indices = @transform_6, window_bounds = array<i64: 1, 64>}, {pipeline_mode = #tpu.pipeline_mode<synchronous>, transform_indices = @transform_7, window_bounds = array<i64: 1, 1>}, {pipeline_mode = #tpu.pipeline_mode<synchronous>, transform_indices = @transform_8, window_bounds = array<i64: 64, 64>}, {pipeline_mode = #tpu.pipeline_mode<synchronous>, transform_indices = @transform_9, window_bounds = array<i64: 64, 64>}, {pipeline_mode = #tpu.pipeline_mode<synchronous>, transform_indices = @transform_10, window_bounds = array<i64: 1, 64>}, {pipeline_mode = #tpu.pipeline_mode<synchronous>, transform_indices = @transform_11, window_bounds = array<i64: 64, 64>}, {pipeline_mode = #tpu.pipeline_mode<synchronous>, transform_indices = @transform_12, window_bounds = array<i64: 1, 64>}, {pipeline_mode = #tpu.pipeline_mode<synchronous>, transform_indices = @transform_13, window_bounds = array<i64: 64, 64>}, {pipeline_mode = #tpu.pipeline_mode<synchronous>, transform_indices = @transform_14, window_bounds = array<i64: 64, 64>}, {transform_indices = @transform_15, window_bounds = array<i64: 1000, 64>}, {transform_indices = @transform_16, window_bounds = array<i64: 1000, 4>}, {transform_indices = @transform_17, window_bounds = array<i64: 1000, 4>}, {transform_indices = @transform_18, window_bounds = array<i64: 1000, 128>}]} {
    %get3A = arith.constant 0 : index
    %get3A_0 = arith.constant 0 : index
    %get3A_1 = vector.load %arg2[%get3A, %get3A_0] : memref<1000x64xf32, #tpu.memory_space<vmem>>, vector<1000x64xf32>
    %get3A_2 = arith.constant 0 : index
    %get3A_3 = arith.constant 0 : index
    %get3A_4 = arith.constant 0 : index
    %get3A_5 = vector.load %arg1[%get3A_2, %get3A_3, %get3A_4] : memref<2x1000x128xf32, #tpu.memory_space<vmem>>, vector<2x1000x128xf32>
    %slice3A = vector.extract_strided_slice %get3A_5 {offsets = [0, 0, 0], sizes = [1, 1000, 128], strides = [1, 1, 1]} : vector<2x1000x128xf32> to vector<1x1000x128xf32>
    %squeeze3A = vector.shape_cast %slice3A : vector<1x1000x128xf32> to vector<1000x128xf32>
    %slice3A_6 = vector.extract_strided_slice %get3A_5 {offsets = [1, 0, 0], sizes = [1, 1000, 128], strides = [1, 1, 1]} : vector<2x1000x128xf32> to vector<1x1000x128xf32>
    %squeeze3A_7 = vector.shape_cast %slice3A_6 : vector<1x1000x128xf32> to vector<1000x128xf32>
    %add3A = arith.addf %squeeze3A, %squeeze3A_7 : vector<1000x128xf32>
    %slice3A_8 = vector.extract_strided_slice %add3A {offsets = [0, 0], sizes = [1000, 64], strides = [1, 1]} : vector<1000x128xf32> to vector<1000x64xf32>
    %slice3A_9 = vector.extract_strided_slice %add3A {offsets = [0, 64], sizes = [1000, 4], strides = [1, 1]} : vector<1000x128xf32> to vector<1000x4xf32>
    %slice3A_10 = vector.extract_strided_slice %add3A {offsets = [0, 67], sizes = [1000, 1], strides = [1, 1]} : vector<1000x128xf32> to vector<1000x1xf32>
    %max3A = arith.constant 1.000000e+00 : f32
    %max3A_11 = vector.broadcast %max3A : f32 to vector<1000x1xf32>
    %max3A_12 = arith.maximumf %slice3A_10, %max3A_11 : vector<1000x1xf32>
    %div3A = vector.broadcast %max3A_12 : vector<1000x1xf32> to vector<1000x4xf32>
    %div3A_13 = arith.divf %slice3A_9, %div3A : vector<1000x4xf32>
    %get3A_14 = arith.constant 0 : index
    %get3A_15 = arith.constant 0 : index
    %get3A_16 = vector.load %arg5[%get3A_14, %get3A_15] : memref<64x64xf32, #tpu.memory_space<vmem>>, vector<64x64xf32>
    %dot_general3A = arith.constant dense<0.000000e+00> : vector<1000x64xf32>
    %dot_general3A_17 = tpu.matmul %get3A_1, %get3A_16, %dot_general3A {dimension_numbers = #tpu.dot_dimension_numbers<[1], [0], [0], [1], [0, 0, 1, 1], [], []>, precision = #tpu.contract_precision<fp32>, transpose_lhs_hint = false} : vector<1000x64xf32>, vector<64x64xf32>, vector<1000x64xf32> -> vector<1000x64xf32>
    %get3A_18 = arith.constant 0 : index
    %get3A_19 = arith.constant 0 : index
    %get3A_20 = vector.load %arg6[%get3A_18, %get3A_19] : memref<1x64xf32, #tpu.memory_space<vmem>>, vector<1x64xf32>
    %add3A_21 = vector.broadcast %get3A_20 : vector<1x64xf32> to vector<1000x64xf32>
    %add3A_22 = arith.addf %dot_general3A_17, %add3A_21 : vector<1000x64xf32>
    %logistic3A = arith.negf %add3A_22 : vector<1000x64xf32>
    %logistic3A_23 = math.exp %logistic3A : vector<1000x64xf32>
    %logistic3A_24 = arith.constant 1.000000e+00 : f32
    %logistic3A_25 = vector.broadcast %logistic3A_24 : f32 to vector<1000x64xf32>
    %logistic3A_26 = arith.addf %logistic3A_25, %logistic3A_23 : vector<1000x64xf32>
    %logistic3A_27 = arith.divf %logistic3A_25, %logistic3A_26 : vector<1000x64xf32>
    %mul3A = arith.mulf %add3A_22, %logistic3A_27 : vector<1000x64xf32>
    %get3A_28 = arith.constant 0 : index
    %get3A_29 = arith.constant 0 : index
    %get3A_30 = vector.load %arg7[%get3A_28, %get3A_29] : memref<1x64xf32, #tpu.memory_space<vmem>>, vector<1x64xf32>
    %mul3A_31 = vector.broadcast %get3A_30 : vector<1x64xf32> to vector<1000x64xf32>
    %mul3A_32 = arith.mulf %mul3A, %mul3A_31 : vector<1000x64xf32>
    %reduce_sum3A = arith.constant dense<0.000000e+00> : vector<1000xf32>
    %reduce_sum3A_33 = vector.multi_reduction <add>, %mul3A_32, %reduce_sum3A [1] : vector<1000x64xf32> to vector<1000xf32>
    %broadcast_in_dim3A = vector.shape_cast %reduce_sum3A_33 : vector<1000xf32> to vector<1000x1xf32>
    %get3A_34 = arith.constant 0 : index
    %get3A_35 = arith.constant 0 : index
    %get3A_36 = vector.load %arg8[%get3A_34, %get3A_35] : memref<1x1xf32, #tpu.memory_space<vmem>>, vector<1x1xf32>
    %add3A_37 = vector.broadcast %get3A_36 : vector<1x1xf32> to vector<1000x1xf32>
    %add3A_38 = arith.addf %broadcast_in_dim3A, %add3A_37 : vector<1000x1xf32>
    %get3A_39 = arith.constant 0 : index
    %get3A_40 = arith.constant 0 : index
    %get3A_41 = vector.load %arg4[%get3A_39, %get3A_40] : memref<1000x4xf32, #tpu.memory_space<vmem>>, vector<1000x4xf32>
    %mul3A_42 = vector.broadcast %add3A_38 : vector<1000x1xf32> to vector<1000x4xf32>
    %mul3A_43 = arith.mulf %mul3A_42, %get3A_41 : vector<1000x4xf32>
    %add3A_44 = arith.addf %mul3A_43, %div3A_13 : vector<1000x4xf32>
    %get3A_45 = arith.constant 0 : index
    %get3A_46 = arith.constant 0 : index
    %get3A_47 = vector.load %arg3[%get3A_45, %get3A_46] : memref<1000x4xf32, #tpu.memory_space<vmem>>, vector<1000x4xf32>
    %add3A_48 = arith.addf %get3A_47, %add3A_44 : vector<1000x4xf32>
    %get3A_49 = arith.constant 0 : index
    %get3A_50 = arith.constant 0 : index
    %get3A_51 = vector.load %arg9[%get3A_49, %get3A_50] : memref<64x64xf32, #tpu.memory_space<vmem>>, vector<64x64xf32>
    %dot_general3A_52 = arith.constant dense<0.000000e+00> : vector<1000x64xf32>
    %dot_general3A_53 = tpu.matmul %get3A_1, %get3A_51, %dot_general3A_52 {dimension_numbers = #tpu.dot_dimension_numbers<[1], [0], [0], [1], [0, 0, 1, 1], [], []>, precision = #tpu.contract_precision<fp32>, transpose_lhs_hint = false} : vector<1000x64xf32>, vector<64x64xf32>, vector<1000x64xf32> -> vector<1000x64xf32>
    %get3A_54 = arith.constant 0 : index
    %get3A_55 = arith.constant 0 : index
    %get3A_56 = vector.load %arg10[%get3A_54, %get3A_55] : memref<64x64xf32, #tpu.memory_space<vmem>>, vector<64x64xf32>
    %dot_general3A_57 = arith.constant dense<0.000000e+00> : vector<1000x64xf32>
    %dot_general3A_58 = tpu.matmul %slice3A_8, %get3A_56, %dot_general3A_57 {dimension_numbers = #tpu.dot_dimension_numbers<[1], [0], [0], [1], [0, 0, 1, 1], [], []>, precision = #tpu.contract_precision<fp32>, transpose_lhs_hint = false} : vector<1000x64xf32>, vector<64x64xf32>, vector<1000x64xf32> -> vector<1000x64xf32>
    %add3A_59 = arith.addf %dot_general3A_53, %dot_general3A_58 : vector<1000x64xf32>
    %get3A_60 = arith.constant 0 : index
    %get3A_61 = arith.constant 0 : index
    %get3A_62 = vector.load %arg11[%get3A_60, %get3A_61] : memref<1x64xf32, #tpu.memory_space<vmem>>, vector<1x64xf32>
    %add3A_63 = vector.broadcast %get3A_62 : vector<1x64xf32> to vector<1000x64xf32>
    %add3A_64 = arith.addf %add3A_59, %add3A_63 : vector<1000x64xf32>
    %logistic3A_65 = arith.negf %add3A_64 : vector<1000x64xf32>
    %logistic3A_66 = math.exp %logistic3A_65 : vector<1000x64xf32>
    %logistic3A_67 = arith.constant 1.000000e+00 : f32
    %logistic3A_68 = vector.broadcast %logistic3A_67 : f32 to vector<1000x64xf32>
    %logistic3A_69 = arith.addf %logistic3A_68, %logistic3A_66 : vector<1000x64xf32>
    %logistic3A_70 = arith.divf %logistic3A_68, %logistic3A_69 : vector<1000x64xf32>
    %mul3A_71 = arith.mulf %add3A_64, %logistic3A_70 : vector<1000x64xf32>
    %get3A_72 = arith.constant 0 : index
    %get3A_73 = arith.constant 0 : index
    %get3A_74 = vector.load %arg12[%get3A_72, %get3A_73] : memref<64x64xf32, #tpu.memory_space<vmem>>, vector<64x64xf32>
    %dot_general3A_75 = arith.constant dense<0.000000e+00> : vector<1000x64xf32>
    %dot_general3A_76 = tpu.matmul %mul3A_71, %get3A_74, %dot_general3A_75 {dimension_numbers = #tpu.dot_dimension_numbers<[1], [0], [0], [1], [0, 0, 1, 1], [], []>, precision = #tpu.contract_precision<fp32>, transpose_lhs_hint = false} : vector<1000x64xf32>, vector<64x64xf32>, vector<1000x64xf32> -> vector<1000x64xf32>
    %get3A_77 = arith.constant 0 : index
    %get3A_78 = arith.constant 0 : index
    %get3A_79 = vector.load %arg13[%get3A_77, %get3A_78] : memref<1x64xf32, #tpu.memory_space<vmem>>, vector<1x64xf32>
    %add3A_80 = vector.broadcast %get3A_79 : vector<1x64xf32> to vector<1000x64xf32>
    %add3A_81 = arith.addf %dot_general3A_76, %add3A_80 : vector<1000x64xf32>
    %mul3A_82 = arith.constant 2.000000e+00 : f32
    %mul3A_83 = vector.broadcast %mul3A_82 : f32 to vector<1000x64xf32>
    %mul3A_84 = arith.mulf %mul3A_83, %get3A_1 : vector<1000x64xf32>
    %add3A_85 = arith.addf %mul3A_84, %add3A_81 : vector<1000x64xf32>
    %swap3A = arith.constant 0 : index
    %swap3A_86 = arith.constant 0 : index
    %swap3A_87 = vector.load %arg16[%swap3A, %swap3A_86] : memref<1000x64xf32, #tpu.memory_space<vmem>>, vector<1000x64xf32>
    tpu.vector_store %arg16[%swap3A, %swap3A_86], %add3A_85 {strides = array<i32>} : memref<1000x64xf32, #tpu.memory_space<vmem>>, vector<1000x64xf32>,
    %swap3A_88 = arith.constant 0 : index
    %swap3A_89 = arith.constant 0 : index
    %swap3A_90 = vector.load %arg17[%swap3A_88, %swap3A_89] : memref<1000x4xf32, #tpu.memory_space<vmem>>, vector<1000x4xf32>
    tpu.vector_store %arg17[%swap3A_88, %swap3A_89], %add3A_48 {strides = array<i32>} : memref<1000x4xf32, #tpu.memory_space<vmem>>, vector<1000x4xf32>,
    %swap3A_91 = arith.constant 0 : index
    %swap3A_92 = arith.constant 0 : index
    %swap3A_93 = vector.load %arg18[%swap3A_91, %swap3A_92] : memref<1000x4xf32, #tpu.memory_space<vmem>>, vector<1000x4xf32>
    tpu.vector_store %arg18[%swap3A_91, %swap3A_92], %add3A_44 {strides = array<i32>} : memref<1000x4xf32, #tpu.memory_space<vmem>>, vector<1000x4xf32>,
    %get3A_94 = arith.constant 0 : index
    %get3A_95 = arith.constant 0 : index
    %get3A_96 = vector.load %arg14[%get3A_94, %get3A_95] : memref<64x64xf32, #tpu.memory_space<vmem>>, vector<64x64xf32>
    %dot_general3A_97 = arith.constant dense<0.000000e+00> : vector<1000x64xf32>
    %dot_general3A_98 = tpu.matmul %add3A_85, %get3A_96, %dot_general3A_97 {dimension_numbers = #tpu.dot_dimension_numbers<[1], [0], [0], [1], [0, 0, 1, 1], [], []>, precision = #tpu.contract_precision<fp32>, transpose_lhs_hint = false} : vector<1000x64xf32>, vector<64x64xf32>, vector<1000x64xf32> -> vector<1000x64xf32>
    %get3A_99 = arith.constant 0 : index
    %get3A_100 = arith.constant 0 : index
    %get3A_101 = vector.load %arg15[%get3A_99, %get3A_100] : memref<64x64xf32, #tpu.memory_space<vmem>>, vector<64x64xf32>
    %dot_general3A_102 = arith.constant dense<0.000000e+00> : vector<1000x64xf32>
    %dot_general3A_103 = tpu.matmul %add3A_85, %get3A_101, %dot_general3A_102 {dimension_numbers = #tpu.dot_dimension_numbers<[1], [0], [0], [1], [0, 0, 1, 1], [], []>, precision = #tpu.contract_precision<fp32>, transpose_lhs_hint = false} : vector<1000x64xf32>, vector<64x64xf32>, vector<1000x64xf32> -> vector<1000x64xf32>
    %concatenate3A = tpu.concatenate %dot_general3A_98, %dot_general3A_103 in 1 : vector<1000x64xf32>, vector<1000x64xf32> -> vector<1000x128xf32>
    %swap3A_104 = arith.constant 0 : index
    %swap3A_105 = arith.constant 0 : index
    %swap3A_106 = vector.load %arg19[%swap3A_104, %swap3A_105] : memref<1000x128xf32, #tpu.memory_space<vmem>>, vector<1000x128xf32>
    tpu.vector_store %arg19[%swap3A_104, %swap3A_105], %concatenate3A {strides = array<i32>} : memref<1000x128xf32, #tpu.memory_space<vmem>>, vector<1000x128xf32>,
    return
  }
  func.func @transform_0(%arg0: i32) -> (i32, i32, i32) {
    %c0_i32 = arith.constant 0 : i32
    %c0_i32_0 = arith.constant 0 : i32
    %c0_i32_1 = arith.constant 0 : i32
    return %c0_i32, %arg0, %c0_i32_0 : i32, i32, i32
  }
  func.func @transform_1(%arg0: i32) -> (i32, i32) {
    %c0_i32 = arith.constant 0 : i32
    %c0_i32_0 = arith.constant 0 : i32
    return %arg0, %c0_i32 : i32, i32
  }
  func.func @transform_2(%arg0: i32) -> (i32, i32) {
    %c0_i32 = arith.constant 0 : i32
    %c0_i32_0 = arith.constant 0 : i32
    return %arg0, %c0_i32 : i32, i32
  }
  func.func @transform_3(%arg0: i32) -> (i32, i32) {
    %c0_i32 = arith.constant 0 : i32
    %c0_i32_0 = arith.constant 0 : i32
    return %arg0, %c0_i32 : i32, i32
  }
  func.func @transform_4(%arg0: i32) -> (i32, i32) {
    %c0_i32 = arith.constant 0 : i32
    %c0_i32_0 = arith.constant 0 : i32
    %c0_i32_1 = arith.constant 0 : i32
    return %c0_i32, %c0_i32_0 : i32, i32
  }
  func.func @transform_5(%arg0: i32) -> (i32, i32) {
    %c0_i32 = arith.constant 0 : i32
    %c0_i32_0 = arith.constant 0 : i32
    %c0_i32_1 = arith.constant 0 : i32
    return %c0_i32, %c0_i32_0 : i32, i32
  }
  func.func @transform_6(%arg0: i32) -> (i32, i32) {
    %c0_i32 = arith.constant 0 : i32
    %c0_i32_0 = arith.constant 0 : i32
    %c0_i32_1 = arith.constant 0 : i32
    return %c0_i32, %c0_i32_0 : i32, i32
  }
  func.func @transform_7(%arg0: i32) -> (i32, i32) {
    %c0_i32 = arith.constant 0 : i32
    %c0_i32_0 = arith.constant 0 : i32
    %c0_i32_1 = arith.constant 0 : i32
    return %c0_i32, %c0_i32_0 : i32, i32
  }
  func.func @transform_8(%arg0: i32) -> (i32, i32) {
    %c0_i32 = arith.constant 0 : i32
    %c0_i32_0 = arith.constant 0 : i32
    %c0_i32_1 = arith.constant 0 : i32
    return %c0_i32, %c0_i32_0 : i32, i32
  }
  func.func @transform_9(%arg0: i32) -> (i32, i32) {
    %c0_i32 = arith.constant 0 : i32
    %c0_i32_0 = arith.constant 0 : i32
    %c0_i32_1 = arith.constant 0 : i32
    return %c0_i32, %c0_i32_0 : i32, i32
  }
  func.func @transform_10(%arg0: i32) -> (i32, i32) {
    %c0_i32 = arith.constant 0 : i32
    %c0_i32_0 = arith.constant 0 : i32
    %c0_i32_1 = arith.constant 0 : i32
    return %c0_i32, %c0_i32_0 : i32, i32
  }
  func.func @transform_11(%arg0: i32) -> (i32, i32) {
    %c0_i32 = arith.constant 0 : i32
    %c0_i32_0 = arith.constant 0 : i32
    %c0_i32_1 = arith.constant 0 : i32
    return %c0_i32, %c0_i32_0 : i32, i32
  }
  func.func @transform_12(%arg0: i32) -> (i32, i32) {
    %c0_i32 = arith.constant 0 : i32
    %c0_i32_0 = arith.constant 0 : i32
    %c0_i32_1 = arith.constant 0 : i32
    return %c0_i32, %c0_i32_0 : i32, i32
  }
  func.func @transform_13(%arg0: i32) -> (i32, i32) {
    %c0_i32 = arith.constant 0 : i32
    %c0_i32_0 = arith.constant 0 : i32
    %c0_i32_1 = arith.constant 0 : i32
    return %c0_i32, %c0_i32_0 : i32, i32
  }
  func.func @transform_14(%arg0: i32) -> (i32, i32) {
    %c0_i32 = arith.constant 0 : i32
    %c0_i32_0 = arith.constant 0 : i32
    %c0_i32_1 = arith.constant 0 : i32
    return %c0_i32, %c0_i32_0 : i32, i32
  }
  func.func @transform_15(%arg0: i32) -> (i32, i32) {
    %c0_i32 = arith.constant 0 : i32
    %c0_i32_0 = arith.constant 0 : i32
    return %arg0, %c0_i32 : i32, i32
  }
  func.func @transform_16(%arg0: i32) -> (i32, i32) {
    %c0_i32 = arith.constant 0 : i32
    %c0_i32_0 = arith.constant 0 : i32
    return %arg0, %c0_i32 : i32, i32
  }
  func.func @transform_17(%arg0: i32) -> (i32, i32) {
    %c0_i32 = arith.constant 0 : i32
    %c0_i32_0 = arith.constant 0 : i32
    return %arg0, %c0_i32 : i32, i32
  }
  func.func @transform_18(%arg0: i32) -> (i32, i32) {
    %c0_i32 = arith.constant 0 : i32
    %c0_i32_0 = arith.constant 0 : i32
    return %arg0, %c0_i32 : i32, i32
  }
}

module attributes {stable_mosaic.version = 14 : i64} {
  func.func @body(%arg0: i32, %arg1: memref<2x1000x128xf32, #tpu.memory_space<vmem>>, %arg2: memref<1000x64xf32, #tpu.memory_space<vmem>>, %arg3: memref<1000x4xf32, #tpu.memory_space<vmem>>, %arg4: memref<1000x4xf32, #tpu.memory_space<vmem>>, %arg5: memref<64x64xf32, #tpu.memory_space<vmem>>, %arg6: memref<1x64xf32, #tpu.memory_space<vmem>>, %arg7: memref<1x64xf32, #tpu.memory_space<vmem>>, %arg8: memref<1x1xf32, #tpu.memory_space<vmem>>, %arg9: memref<64x64xf32, #tpu.memory_space<vmem>>, %arg10: memref<64x64xf32, #tpu.memory_space<vmem>>, %arg11: memref<1x64xf32, #tpu.memory_space<vmem>>, %arg12: memref<64x64xf32, #tpu.memory_space<vmem>>, %arg13: memref<1x64xf32, #tpu.memory_space<vmem>>, %arg14: memref<64x64xf32, #tpu.memory_space<vmem>>, %arg15: memref<64x64xf32, #tpu.memory_space<vmem>>, %arg16: memref<1000x64xf32, #tpu.memory_space<vmem>>, %arg17: memref<1000x4xf32, #tpu.memory_space<vmem>>, %arg18: memref<1000x4xf32, #tpu.memory_space<vmem>>, %arg19: memref<1000x128xf32, #tpu.memory_space<vmem>>) attributes {dimension_semantics = [#tpu.dimension_semantics<arbitrary>], iteration_bounds = array<i64: 10>, scalar_prefetch = 0 : i64, scratch_operands = 0 : i64, tpu.core_type = #tpu.core_type<tc>, window_params = [{transform_indices = @transform_0, window_bounds = array<i64: 2, 1000, 128>}, {transform_indices = @transform_1, window_bounds = array<i64: 1000, 64>}, {transform_indices = @transform_2, window_bounds = array<i64: 1000, 4>}, {transform_indices = @transform_3, window_bounds = array<i64: 1000, 4>}, {pipeline_mode = #tpu.pipeline_mode<synchronous>, transform_indices = @transform_4, window_bounds = array<i64: 64, 64>}, {pipeline_mode = #tpu.pipeline_mode<synchronous>, transform_indices = @transform_5, window_bounds = array<i64: 1, 64>}, {pipeline_mode = #tpu.pipeline_mode<synchronous>, transform_indices = @transform_6, window_bounds = array<i64: 1, 64>}, {pipeline_mode = #tpu.pipeline_mode<synchronous>, transform_indices = @transform_7, window_bounds = array<i64: 1, 1>}, {pipeline_mode = #tpu.pipeline_mode<synchronous>, transform_indices = @transform_8, window_bounds = array<i64: 64, 64>}, {pipeline_mode = #tpu.pipeline_mode<synchronous>, transform_indices = @transform_9, window_bounds = array<i64: 64, 64>}, {pipeline_mode = #tpu.pipeline_mode<synchronous>, transform_indices = @transform_10, window_bounds = array<i64: 1, 64>}, {pipeline_mode = #tpu.pipeline_mode<synchronous>, transform_indices = @transform_11, window_bounds = array<i64: 64, 64>}, {pipeline_mode = #tpu.pipeline_mode<synchronous>, transform_indices = @transform_12, window_bounds = array<i64: 1, 64>}, {pipeline_mode = #tpu.pipeline_mode<synchronous>, transform_indices = @transform_13, window_bounds = array<i64: 64, 64>}, {pipeline_mode = #tpu.pipeline_mode<synchronous>, transform_indices = @transform_14, window_bounds = array<i64: 64, 64>}, {transform_indices = @transform_15, window_bounds = array<i64: 1000, 64>}, {transform_indices = @transform_16, window_bounds = array<i64: 1000, 4>}, {transform_indices = @transform_17, window_bounds = array<i64: 1000, 4>}, {transform_indices = @transform_18, window_bounds = array<i64: 1000, 128>}]} {
    %get3A = arith.constant 0 : index
    %get3A_0 = arith.constant 0 : index
    %get3A_1 = vector.load %arg2[%get3A, %get3A_0] : memref<1000x64xf32, #tpu.memory_space<vmem>>, vector<1000x64xf32>
    %get3A_2 = arith.constant 0 : index
    %get3A_3 = arith.constant 0 : index
    %get3A_4 = arith.constant 0 : index
    %get3A_5 = vector.load %arg1[%get3A_2, %get3A_3, %get3A_4] : memref<2x1000x128xf32, #tpu.memory_space<vmem>>, vector<2x1000x128xf32>
    %slice3A = vector.extract_strided_slice %get3A_5 {offsets = [0, 0, 0], sizes = [1, 1000, 128], strides = [1, 1, 1]} : vector<2x1000x128xf32> to vector<1x1000x128xf32>
    %squeeze3A = vector.shape_cast %slice3A : vector<1x1000x128xf32> to vector<1000x128xf32>
    %slice3A_6 = vector.extract_strided_slice %get3A_5 {offsets = [1, 0, 0], sizes = [1, 1000, 128], strides = [1, 1, 1]} : vector<2x1000x128xf32> to vector<1x1000x128xf32>
    %squeeze3A_7 = vector.shape_cast %slice3A_6 : vector<1x1000x128xf32> to vector<1000x128xf32>
    %add3A = arith.addf %squeeze3A, %squeeze3A_7 : vector<1000x128xf32>
    %slice3A_8 = vector.extract_strided_slice %add3A {offsets = [0, 0], sizes = [1000, 64], strides = [1, 1]} : vector<1000x128xf32> to vector<1000x64xf32>
    %slice3A_9 = vector.extract_strided_slice %add3A {offsets = [0, 64], sizes = [1000, 4], strides = [1, 1]} : vector<1000x128xf32> to vector<1000x4xf32>
    %slice3A_10 = vector.extract_strided_slice %add3A {offsets = [0, 67], sizes = [1000, 1], strides = [1, 1]} : vector<1000x128xf32> to vector<1000x1xf32>
    %max3A = arith.constant 1.000000e+00 : f32
    %max3A_11 = vector.broadcast %max3A : f32 to vector<1000x1xf32>
    %max3A_12 = arith.maximumf %slice3A_10, %max3A_11 : vector<1000x1xf32>
    %div3A = vector.broadcast %max3A_12 : vector<1000x1xf32> to vector<1000x4xf32>
    %div3A_13 = arith.divf %slice3A_9, %div3A : vector<1000x4xf32>
    %get3A_14 = arith.constant 0 : index
    %get3A_15 = arith.constant 0 : index
    %get3A_16 = vector.load %arg5[%get3A_14, %get3A_15] : memref<64x64xf32, #tpu.memory_space<vmem>>, vector<64x64xf32>
    %dot_general3A = arith.constant dense<0.000000e+00> : vector<1000x64xf32>
    %dot_general3A_17 = tpu.matmul %get3A_1, %get3A_16, %dot_general3A {dimension_numbers = #tpu.dot_dimension_numbers<[1], [0], [0], [1], [0, 0, 1, 1], [], []>, precision = #tpu.contract_precision<fp32>, transpose_lhs_hint = false} : vector<1000x64xf32>, vector<64x64xf32>, vector<1000x64xf32> -> vector<1000x64xf32>
    %get3A_18 = arith.constant 0 : index
    %get3A_19 = arith.constant 0 : index
    %get3A_20 = vector.load %arg6[%get3A_18, %get3A_19] : memref<1x64xf32, #tpu.memory_space<vmem>>, vector<1x64xf32>
    %add3A_21 = vector.broadcast %get3A_20 : vector<1x64xf32> to vector<1000x64xf32>
    %add3A_22 = arith.addf %dot_general3A_17, %add3A_21 : vector<1000x64xf32>
    %logistic3A = arith.negf %add3A_22 : vector<1000x64xf32>
    %logistic3A_23 = math.exp %logistic3A : vector<1000x64xf32>
    %logistic3A_24 = arith.constant 1.000000e+00 : f32
    %logistic3A_25 = vector.broadcast %logistic3A_24 : f32 to vector<1000x64xf32>
    %logistic3A_26 = arith.addf %logistic3A_25, %logistic3A_23 : vector<1000x64xf32>
    %logistic3A_27 = arith.divf %logistic3A_25, %logistic3A_26 : vector<1000x64xf32>
    %mul3A = arith.mulf %add3A_22, %logistic3A_27 : vector<1000x64xf32>
    %get3A_28 = arith.constant 0 : index
    %get3A_29 = arith.constant 0 : index
    %get3A_30 = vector.load %arg7[%get3A_28, %get3A_29] : memref<1x64xf32, #tpu.memory_space<vmem>>, vector<1x64xf32>
    %mul3A_31 = vector.broadcast %get3A_30 : vector<1x64xf32> to vector<1000x64xf32>
    %mul3A_32 = arith.mulf %mul3A, %mul3A_31 : vector<1000x64xf32>
    %reduce_sum3A = arith.constant dense<0.000000e+00> : vector<1000xf32>
    %reduce_sum3A_33 = vector.multi_reduction <add>, %mul3A_32, %reduce_sum3A [1] : vector<1000x64xf32> to vector<1000xf32>
    %broadcast_in_dim3A = vector.shape_cast %reduce_sum3A_33 : vector<1000xf32> to vector<1000x1xf32>
    %get3A_34 = arith.constant 0 : index
    %get3A_35 = arith.constant 0 : index
    %get3A_36 = vector.load %arg8[%get3A_34, %get3A_35] : memref<1x1xf32, #tpu.memory_space<vmem>>, vector<1x1xf32>
    %add3A_37 = vector.broadcast %get3A_36 : vector<1x1xf32> to vector<1000x1xf32>
    %add3A_38 = arith.addf %broadcast_in_dim3A, %add3A_37 : vector<1000x1xf32>
    %get3A_39 = arith.constant 0 : index
    %get3A_40 = arith.constant 0 : index
    %get3A_41 = vector.load %arg4[%get3A_39, %get3A_40] : memref<1000x4xf32, #tpu.memory_space<vmem>>, vector<1000x4xf32>
    %mul3A_42 = vector.broadcast %add3A_38 : vector<1000x1xf32> to vector<1000x4xf32>
    %mul3A_43 = arith.mulf %mul3A_42, %get3A_41 : vector<1000x4xf32>
    %add3A_44 = arith.addf %mul3A_43, %div3A_13 : vector<1000x4xf32>
    %get3A_45 = arith.constant 0 : index
    %get3A_46 = arith.constant 0 : index
    %get3A_47 = vector.load %arg3[%get3A_45, %get3A_46] : memref<1000x4xf32, #tpu.memory_space<vmem>>, vector<1000x4xf32>
    %add3A_48 = arith.addf %get3A_47, %add3A_44 : vector<1000x4xf32>
    %get3A_49 = arith.constant 0 : index
    %get3A_50 = arith.constant 0 : index
    %get3A_51 = vector.load %arg9[%get3A_49, %get3A_50] : memref<64x64xf32, #tpu.memory_space<vmem>>, vector<64x64xf32>
    %dot_general3A_52 = arith.constant dense<0.000000e+00> : vector<1000x64xf32>
    %dot_general3A_53 = tpu.matmul %get3A_1, %get3A_51, %dot_general3A_52 {dimension_numbers = #tpu.dot_dimension_numbers<[1], [0], [0], [1], [0, 0, 1, 1], [], []>, precision = #tpu.contract_precision<fp32>, transpose_lhs_hint = false} : vector<1000x64xf32>, vector<64x64xf32>, vector<1000x64xf32> -> vector<1000x64xf32>
    %get3A_54 = arith.constant 0 : index
    %get3A_55 = arith.constant 0 : index
    %get3A_56 = vector.load %arg10[%get3A_54, %get3A_55] : memref<64x64xf32, #tpu.memory_space<vmem>>, vector<64x64xf32>
    %dot_general3A_57 = arith.constant dense<0.000000e+00> : vector<1000x64xf32>
    %dot_general3A_58 = tpu.matmul %slice3A_8, %get3A_56, %dot_general3A_57 {dimension_numbers = #tpu.dot_dimension_numbers<[1], [0], [0], [1], [0, 0, 1, 1], [], []>, precision = #tpu.contract_precision<fp32>, transpose_lhs_hint = false} : vector<1000x64xf32>, vector<64x64xf32>, vector<1000x64xf32> -> vector<1000x64xf32>
    %add3A_59 = arith.addf %dot_general3A_53, %dot_general3A_58 : vector<1000x64xf32>
    %get3A_60 = arith.constant 0 : index
    %get3A_61 = arith.constant 0 : index
    %get3A_62 = vector.load %arg11[%get3A_60, %get3A_61] : memref<1x64xf32, #tpu.memory_space<vmem>>, vector<1x64xf32>
    %add3A_63 = vector.broadcast %get3A_62 : vector<1x64xf32> to vector<1000x64xf32>
    %add3A_64 = arith.addf %add3A_59, %add3A_63 : vector<1000x64xf32>
    %logistic3A_65 = arith.negf %add3A_64 : vector<1000x64xf32>
    %logistic3A_66 = math.exp %logistic3A_65 : vector<1000x64xf32>
    %logistic3A_67 = arith.constant 1.000000e+00 : f32
    %logistic3A_68 = vector.broadcast %logistic3A_67 : f32 to vector<1000x64xf32>
    %logistic3A_69 = arith.addf %logistic3A_68, %logistic3A_66 : vector<1000x64xf32>
    %logistic3A_70 = arith.divf %logistic3A_68, %logistic3A_69 : vector<1000x64xf32>
    %mul3A_71 = arith.mulf %add3A_64, %logistic3A_70 : vector<1000x64xf32>
    %get3A_72 = arith.constant 0 : index
    %get3A_73 = arith.constant 0 : index
    %get3A_74 = vector.load %arg12[%get3A_72, %get3A_73] : memref<64x64xf32, #tpu.memory_space<vmem>>, vector<64x64xf32>
    %dot_general3A_75 = arith.constant dense<0.000000e+00> : vector<1000x64xf32>
    %dot_general3A_76 = tpu.matmul %mul3A_71, %get3A_74, %dot_general3A_75 {dimension_numbers = #tpu.dot_dimension_numbers<[1], [0], [0], [1], [0, 0, 1, 1], [], []>, precision = #tpu.contract_precision<fp32>, transpose_lhs_hint = false} : vector<1000x64xf32>, vector<64x64xf32>, vector<1000x64xf32> -> vector<1000x64xf32>
    %get3A_77 = arith.constant 0 : index
    %get3A_78 = arith.constant 0 : index
    %get3A_79 = vector.load %arg13[%get3A_77, %get3A_78] : memref<1x64xf32, #tpu.memory_space<vmem>>, vector<1x64xf32>
    %add3A_80 = vector.broadcast %get3A_79 : vector<1x64xf32> to vector<1000x64xf32>
    %add3A_81 = arith.addf %dot_general3A_76, %add3A_80 : vector<1000x64xf32>
    %mul3A_82 = arith.constant 2.000000e+00 : f32
    %mul3A_83 = vector.broadcast %mul3A_82 : f32 to vector<1000x64xf32>
    %mul3A_84 = arith.mulf %mul3A_83, %get3A_1 : vector<1000x64xf32>
    %add3A_85 = arith.addf %mul3A_84, %add3A_81 : vector<1000x64xf32>
    %swap3A = arith.constant 0 : index
    %swap3A_86 = arith.constant 0 : index
    %swap3A_87 = vector.load %arg16[%swap3A, %swap3A_86] : memref<1000x64xf32, #tpu.memory_space<vmem>>, vector<1000x64xf32>
    tpu.vector_store %arg16[%swap3A, %swap3A_86], %add3A_85 {strides = array<i32>} : memref<1000x64xf32, #tpu.memory_space<vmem>>, vector<1000x64xf32>,
    %swap3A_88 = arith.constant 0 : index
    %swap3A_89 = arith.constant 0 : index
    %swap3A_90 = vector.load %arg17[%swap3A_88, %swap3A_89] : memref<1000x4xf32, #tpu.memory_space<vmem>>, vector<1000x4xf32>
    tpu.vector_store %arg17[%swap3A_88, %swap3A_89], %add3A_48 {strides = array<i32>} : memref<1000x4xf32, #tpu.memory_space<vmem>>, vector<1000x4xf32>,
    %swap3A_91 = arith.constant 0 : index
    %swap3A_92 = arith.constant 0 : index
    %swap3A_93 = vector.load %arg18[%swap3A_91, %swap3A_92] : memref<1000x4xf32, #tpu.memory_space<vmem>>, vector<1000x4xf32>
    tpu.vector_store %arg18[%swap3A_91, %swap3A_92], %add3A_44 {strides = array<i32>} : memref<1000x4xf32, #tpu.memory_space<vmem>>, vector<1000x4xf32>,
    %get3A_94 = arith.constant 0 : index
    %get3A_95 = arith.constant 0 : index
    %get3A_96 = vector.load %arg14[%get3A_94, %get3A_95] : memref<64x64xf32, #tpu.memory_space<vmem>>, vector<64x64xf32>
    %dot_general3A_97 = arith.constant dense<0.000000e+00> : vector<1000x64xf32>
    %dot_general3A_98 = tpu.matmul %add3A_85, %get3A_96, %dot_general3A_97 {dimension_numbers = #tpu.dot_dimension_numbers<[1], [0], [0], [1], [0, 0, 1, 1], [], []>, precision = #tpu.contract_precision<fp32>, transpose_lhs_hint = false} : vector<1000x64xf32>, vector<64x64xf32>, vector<1000x64xf32> -> vector<1000x64xf32>
    %get3A_99 = arith.constant 0 : index
    %get3A_100 = arith.constant 0 : index
    %get3A_101 = vector.load %arg15[%get3A_99, %get3A_100] : memref<64x64xf32, #tpu.memory_space<vmem>>, vector<64x64xf32>
    %dot_general3A_102 = arith.constant dense<0.000000e+00> : vector<1000x64xf32>
    %dot_general3A_103 = tpu.matmul %add3A_85, %get3A_101, %dot_general3A_102 {dimension_numbers = #tpu.dot_dimension_numbers<[1], [0], [0], [1], [0, 0, 1, 1], [], []>, precision = #tpu.contract_precision<fp32>, transpose_lhs_hint = false} : vector<1000x64xf32>, vector<64x64xf32>, vector<1000x64xf32> -> vector<1000x64xf32>
    %concatenate3A = tpu.concatenate %dot_general3A_98, %dot_general3A_103 in 1 : vector<1000x64xf32>, vector<1000x64xf32> -> vector<1000x128xf32>
    %swap3A_104 = arith.constant 0 : index
    %swap3A_105 = arith.constant 0 : index
    %swap3A_106 = vector.load %arg19[%swap3A_104, %swap3A_105] : memref<1000x128xf32, #tpu.memory_space<vmem>>, vector<1000x128xf32>
    tpu.vector_store %arg19[%swap3A_104, %swap3A_105], %concatenate3A {strides = array<i32>} : memref<1000x128xf32, #tpu.memory_space<vmem>>, vector<1000x128xf32>,
    return
  }
  func.func @transform_0(%arg0: i32) -> (i32, i32, i32) {
    %c0_i32 = arith.constant 0 : i32
    %c0_i32_0 = arith.constant 0 : i32
    %c0_i32_1 = arith.constant 0 : i32
    return %c0_i32, %arg0, %c0_i32_0 : i32, i32, i32
  }
  func.func @transform_1(%arg0: i32) -> (i32, i32) {
    %c0_i32 = arith.constant 0 : i32
    %c0_i32_0 = arith.constant 0 : i32
    return %arg0, %c0_i32 : i32, i32
  }
  func.func @transform_2(%arg0: i32) -> (i32, i32) {
    %c0_i32 = arith.constant 0 : i32
    %c0_i32_0 = arith.constant 0 : i32
    return %arg0, %c0_i32 : i32, i32
  }
  func.func @transform_3(%arg0: i32) -> (i32, i32) {
    %c0_i32 = arith.constant 0 : i32
    %c0_i32_0 = arith.constant 0 : i32
    return %arg0, %c0_i32 : i32, i32
  }
  func.func @transform_4(%arg0: i32) -> (i32, i32) {
    %c0_i32 = arith.constant 0 : i32
    %c0_i32_0 = arith.constant 0 : i32
    %c0_i32_1 = arith.constant 0 : i32
    return %c0_i32, %c0_i32_0 : i32, i32
  }
  func.func @transform_5(%arg0: i32) -> (i32, i32) {
    %c0_i32 = arith.constant 0 : i32
    %c0_i32_0 = arith.constant 0 : i32
    %c0_i32_1 = arith.constant 0 : i32
    return %c0_i32, %c0_i32_0 : i32, i32
  }
  func.func @transform_6(%arg0: i32) -> (i32, i32) {
    %c0_i32 = arith.constant 0 : i32
    %c0_i32_0 = arith.constant 0 : i32
    %c0_i32_1 = arith.constant 0 : i32
    return %c0_i32, %c0_i32_0 : i32, i32
  }
  func.func @transform_7(%arg0: i32) -> (i32, i32) {
    %c0_i32 = arith.constant 0 : i32
    %c0_i32_0 = arith.constant 0 : i32
    %c0_i32_1 = arith.constant 0 : i32
    return %c0_i32, %c0_i32_0 : i32, i32
  }
  func.func @transform_8(%arg0: i32) -> (i32, i32) {
    %c0_i32 = arith.constant 0 : i32
    %c0_i32_0 = arith.constant 0 : i32
    %c0_i32_1 = arith.constant 0 : i32
    return %c0_i32, %c0_i32_0 : i32, i32
  }
  func.func @transform_9(%arg0: i32) -> (i32, i32) {
    %c0_i32 = arith.constant 0 : i32
    %c0_i32_0 = arith.constant 0 : i32
    %c0_i32_1 = arith.constant 0 : i32
    return %c0_i32, %c0_i32_0 : i32, i32
  }
  func.func @transform_10(%arg0: i32) -> (i32, i32) {
    %c0_i32 = arith.constant 0 : i32
    %c0_i32_0 = arith.constant 0 : i32
    %c0_i32_1 = arith.constant 0 : i32
    return %c0_i32, %c0_i32_0 : i32, i32
  }
  func.func @transform_11(%arg0: i32) -> (i32, i32) {
    %c0_i32 = arith.constant 0 : i32
    %c0_i32_0 = arith.constant 0 : i32
    %c0_i32_1 = arith.constant 0 : i32
    return %c0_i32, %c0_i32_0 : i32, i32
  }
  func.func @transform_12(%arg0: i32) -> (i32, i32) {
    %c0_i32 = arith.constant 0 : i32
    %c0_i32_0 = arith.constant 0 : i32
    %c0_i32_1 = arith.constant 0 : i32
    return %c0_i32, %c0_i32_0 : i32, i32
  }
  func.func @transform_13(%arg0: i32) -> (i32, i32) {
    %c0_i32 = arith.constant 0 : i32
    %c0_i32_0 = arith.constant 0 : i32
    %c0_i32_1 = arith.constant 0 : i32
    return %c0_i32, %c0_i32_0 : i32, i32
  }
  func.func @transform_14(%arg0: i32) -> (i32, i32) {
    %c0_i32 = arith.constant 0 : i32
    %c0_i32_0 = arith.constant 0 : i32
    %c0_i32_1 = arith.constant 0 : i32
    return %c0_i32, %c0_i32_0 : i32, i32
  }
  func.func @transform_15(%arg0: i32) -> (i32, i32) {
    %c0_i32 = arith.constant 0 : i32
    %c0_i32_0 = arith.constant 0 : i32
    return %arg0, %c0_i32 : i32, i32
  }
  func.func @transform_16(%arg0: i32) -> (i32, i32) {
    %c0_i32 = arith.constant 0 : i32
    %c0_i32_0 = arith.constant 0 : i32
    return %arg0, %c0_i32 : i32, i32
  }
  func.func @transform_17(%arg0: i32) -> (i32, i32) {
    %c0_i32 = arith.constant 0 : i32
    %c0_i32_0 = arith.constant 0 : i32
    return %arg0, %c0_i32 : i32, i32
  }
  func.func @transform_18(%arg0: i32) -> (i32, i32) {
    %c0_i32 = arith.constant 0 : i32
    %c0_i32_0 = arith.constant 0 : i32
    return %arg0, %c0_i32 : i32, i32
  }
}

</mosaic_0001>

<sc_bundles>
// kernel: kernel.16.cloned.1.call-start
scs
__scs_entry_jumppad:
0x0: {  	(pc) =	sbr.rel $0x88, $3  }
0x1: {  	(tag) =	ssettag $0x0;
	lr =	simm.s32 $0x1  }
0x2: {  	[smem:$0x3F8B] =	sst lr;
	_ =	strace $0xD0000000  }
0x3: {  	_ = 	snop  }
0x4: {  	_ = 	snop  }
0x5: {  	_ = 	snop  }
0x6: {  	_ = 	snop  }
0x7: {  	_ = 	snop  }
__scs_overlays_trampoline_lowered:
0x8: {  	[smem:$0x3F9A] =	sst s0  }
0x9: {  	[smem:$0x3F9B] =	sst s1  }
0xa: {  	[smem:$0x3F9C] =	sst s2  }
0xb: {  	[smem:$0x3F9D] =	sst s3  }
0xc: {  	[smem:$0x3F9E] =	sst s4  }
0xd: {  	[smem:$0x3F9F] =	sst s5  }
0xe: {  	[smem:$0x3FA0] =	sst s6  }
0xf: {  	[smem:$0x3FA1] =	sst s7  }
0x10: {  	[smem:$0x3FA2] =	sst s8  }
0x11: {  	[smem:$0x3FA3] =	sst s9;
	s0 =	simm.s32 @!p0 $0x0  }
0x12: {  	s1 =	sld [smem:$0x3F89];
	s0 =	simm.s32 @p0 $0x1  }
0x13: {  	[smem:$0x3FA4] =	sst s0;
	s0 =	simm.s32 @!p1 $0x0  }
0x14: {  	s2 =	sld [smem:$0x3F88];
	s0 =	simm.s32 @p1 $0x1  }
0x15: {  	[smem:$0x3FA5] =	sst s0;
	s0 =	simm.s32 @!p2 $0x0  }
0x16: {  	s3 =	sld [smem:$0x3FDB];
	s0 =	simm.s32 @p2 $0x1  }
0x17: {  	s4 =	simm.s32 $0x1BF5;
	[smem:$0x3FA7] =	sst s0  }
0x18: {  	s0 =	sld [smem:$0x3F8A];
	_ =	swait.ge [sflag:s4], $0x0  }
0x19: {  	s7 =	sld [smem:$0x3F8B]  }
0x1a: {  	s8 =	sadd.s32 $0xFFFFE003, lr  }
0x1b: {  	s9 =	sadd.s32 $0xFFFFFEF7, lr;
	s5 =	simm.s32 $0xFFFFFFFF;
	p2 =	slt.u32 s8, $0xFFFFF086  }
0x1c: {  	p1 =	slt.u32 s9, $0xF7A;
	s5 =	simm.s32 @!p2 $0x0  }
0x1d: {  	s5 =	simm.s32 @p1 $0x1;
	p0 =	seq.s32 s7, s2  }
0x1e: {  	s7 =	smul.u32 @!p0 $0xF7A, s2;
	p2 =	seq.s32 @!p0 s5, $0x0  }
0x1f: {  	s9 =	smul.u32 $0xF7A, s1;
	s8 =	simm.s32 @!p0 $0x1BF5;
	p2 =	por !p2, p0  }
0x20: {  	[sflag:s8] =	ssyncset.s32 @!p0 $0xFFFFF086;
	s6 =	sadd.s32 @!p0 s3, s7;
	s7 =	simm.s32 @!p0 $0x108  }
0x21: {  	s3 =	sadd.s32 s3, s9;
	s6 =	sadd.s32 @!p0 $0x88, s6;
	s7 =	simm.s32 @p2 $0x1082  }
0x22: {  	[simem:s7], [sflag:s8] =	dma.local @!p0 [hbm:s6], $0xF7A  }
0x23: {  	s9 =	sor.u32 $0xD0000000, s2;
	s6 =	simm.s32 $0x108;
	_ =	swait.ge @!p0 [sflag:s8], $0x0  }
0x24: {  	s3 =	sadd.s32 $0x88, s3;
	s6 =	simm.s32 @!p1 $0x1082;
	[sflag:s4] =	ssyncset.s32 $0xFFFFF086  }
0x25: {  	[simem:s6], [sflag:s4] =	dma.local [hbm:s3], $0xF7A  }
0x26: {  	[smem:$0x3F8B] =	sst s1;
	(tag) =	ssettag s2;
	_ =	strace s9  }
0x27: {  	s1 =	sld [smem:$0x3F9B]  }
0x28: {  	s2 =	sld [smem:$0x3F9C]  }
0x29: {  	s4 =	sld [smem:$0x3F9E]  }
0x2a: {  	p0 =	seq.s32 s5, $0x0;
	s5 =	sld [smem:$0x3F9F]  }
0x2b: {  	s6 =	sld [smem:$0x3FA0]  }
0x2c: {  	s7 =	sld [smem:$0x3FA1]  }
0x2d: {  	s3 =	simm.s32 $0x108;
	s8 =	sld [smem:$0x3FA2]  }
0x2e: {  	s3 =	simm.s32 @!p0 $0x1082;
	s9 =	sld [smem:$0x3FA3]  }
0x2f: {  	lr =	sadd.s32 s0, s3;
	s0 =	sld [smem:$0x3F9A]  }
0x30: {  	s3 =	sld [smem:$0x3F9D]  }
0x31: {  	[smem:$0x3FA6] =	sst s10  }
0x32: {  	s10 =	sld [smem:$0x3FA4];
	_ =	sdelay $0x3  }
0x33: {  	p0 =	seq.s32 s10, $0x1;
	s10 =	sld [smem:$0x3FA6];
	_ =	sdelay $0x3  }
0x34: {  	[smem:$0x3FA6] =	sst s10  }
0x35: {  	s10 =	sld [smem:$0x3FA5];
	_ =	sdelay $0x3  }
0x36: {  	p1 =	seq.s32 s10, $0x1;
	s10 =	sld [smem:$0x3FA6];
	_ =	sdelay $0x3  }
0x37: {  	[smem:$0x3FA6] =	sst s10  }
0x38: {  	s10 =	sld [smem:$0x3FA7]  }
0x39: {  	_ = 	snop;
	(pc) =	sbr.ind lr, $3  }
0x3a: {  	_ = 	snop  }
0x3b: {  	_ = 	snop  }
0x3c: {  	p2 =	seq.s32 s10, $0x1;
	s10 =	sld [smem:$0x3FA6]  }
0x3d: {  	_ =	shalt  }
0x3e: {  	_ =	shalt  }
0x3f: {  	_ =	shalt  }
0x40: {  	_ =	shalt  }
0x41: {  	_ =	shalt  }
0x42: {  	_ =	shalt  }
0x43: {  	_ =	shalt  }
0x44: {  	_ =	shalt  }
0x45: {  	_ =	shalt  }
0x46: {  	_ =	shalt  }
0x47: {  	_ =	shalt  }
0x48: {  	_ =	shalt  }
0x49: {  	_ =	shalt  }
0x4a: {  	_ =	shalt  }
0x4b: {  	_ =	shalt  }
0x4c: {  	_ =	shalt  }
0x4d: {  	_ =	shalt  }
0x4e: {  	_ =	shalt  }
0x4f: {  	_ =	shalt  }
0x50: {  	_ =	shalt  }
0x51: {  	_ =	shalt  }
0x52: {  	_ =	shalt  }
0x53: {  	_ =	shalt  }
0x54: {  	_ =	shalt  }
0x55: {  	_ =	shalt  }
0x56: {  	_ =	shalt  }
0x57: {  	_ =	shalt  }
0x58: {  	_ =	shalt  }
0x59: {  	_ =	shalt  }
0x5a: {  	_ =	shalt  }
0x5b: {  	_ =	shalt  }
0x5c: {  	_ =	shalt  }
0x5d: {  	_ =	shalt  }
0x5e: {  	_ =	shalt  }
0x5f: {  	_ =	shalt  }
0x60: {  	_ =	shalt  }
0x61: {  	_ =	shalt  }
0x62: {  	_ =	shalt  }
0x63: {  	_ =	shalt  }
0x64: {  	_ =	shalt  }
0x65: {  	_ =	shalt  }
0x66: {  	_ =	shalt  }
0x67: {  	_ =	shalt  }
0x68: {  	_ =	shalt  }
0x69: {  	_ =	shalt  }
0x6a: {  	_ =	shalt  }
0x6b: {  	_ =	shalt  }
0x6c: {  	_ =	shalt  }
0x6d: {  	_ =	shalt  }
0x6e: {  	_ =	shalt  }
0x6f: {  	_ =	shalt  }
0x70: {  	_ =	shalt  }
0x71: {  	_ =	shalt  }
0x72: {  	_ =	shalt  }
0x73: {  	_ =	shalt  }
0x74: {  	_ =	shalt  }
0x75: {  	_ =	shalt  }
0x76: {  	_ =	shalt  }
0x77: {  	_ =	shalt  }
0x78: {  	_ =	shalt  }
0x79: {  	_ =	shalt  }
0x7a: {  	_ =	shalt  }
0x7b: {  	_ =	shalt  }
0x7c: {  	_ =	shalt  }
0x7d: {  	_ =	shalt  }
0x7e: {  	_ =	shalt  }
0x7f: {  	_ =	shalt  }
0x80: {  	_ =	shalt  }
0x81: {  	_ =	shalt  }
0x82: {  	_ =	shalt  }
0x83: {  	_ =	shalt  }
0x84: {  	_ =	shalt  }
0x85: {  	_ =	shalt  }
0x86: {  	_ =	shalt  }
0x87: {  	_ =	shalt  }
.Lfunc_end0:
.L_simem_size_0:
called_computation_lowered:
.L_overlay_start_0:
0x88: {  	s2 =	sld [smem:$0x3FD9]  }
0x89: {  	s3 =	sld [smem:$0x3FFE];
	_ =	sdelay $0x1  }
0x8a: {  	s1 =	srdreg.scid  }
0x8b: {  	s0 =	sand.u32 $0x1, s1  }
0x8c: {  	s14 =	sshll.u32 s0, $0xA;
	s2 =	sadd.s32 s3, s2  }
0x8d: {  	s2 =	sadd.s32 s2, s14  }
0x8e: {  	[smem:$0x3FB2] =	sst s2  }
0x8f: {  	_ = 	snop  }
0x90: {  	s2 =	sld [smem:$0x3FD0];
	_ =	sdelay $0x2  }
0x91: {  	s15 =	simm.s32 $0xA;
	s4 =	simm.s32 $0x10  }
0x92: {  	[smem:s4], [sflag:s15] =	dma.local [hbm:s2], $0x1  }
0x93: {  	_ =	swait.eq [sflag:s15], $0x1  }
0x94: {  	[sflag:s15] =	ssyncset.done $0x0  }
0x95: {  	[sflag:s15] =	ssyncadd.s32 $0xFFFFFFFF  }
0x96: {  	s16 =	sld [smem:$0x11];
	(tm) =	ssettm $0x1  }
0x97: {  	s17 =	sld [smem:$0x3FFB];
	_ =	sdelay $0x3  }
0x98: {  	_ =	strace s17  }
0x99: {  	s3 =	sld [smem:$0x3FFC];
	_ =	sdelay $0x3  }
0x9a: {  	_ =	strace s3  }
0x9b: {  	s3 =	sld [smem:$0x3FFD];
	_ =	sdelay $0x3  }
0x9c: {  	_ =	strace s3  }
0x9d: {  	_ =	strace $0x8FFFFFFF  }
0x9e: {  	s18 =	sld [smem:$0x3FDB];
	_ =	sdelay $0x1  }
0x9f: {  	s19 =	simm.s32 $_scs_section_size  }
0xa0: {  	s5 =	simm.s32 $_size__tile_overlayer_lowered;
	s6 =	simm.s32 $_tile_overlayer_lowered  }
0xa1: {  	s22 =	simm.s32 $0x1BFF;
	s21 =	sshll.u32 s6, $0x1;
	s3 =	sadd.s32 s19, s18  }
0xa2: {  	s7 =	simm.s32 $0x0;
	s20 =	sshll.u32 s5, $0x1;
	s5 =	sadd.s32 s21, s3  }
0xa3: {  	[timem:s7], [sflag:s22] =	dma.local [hbm:s5], s20  }
0xa4: {  	_ =	swait.ge [sflag:s22], s20  }
0xa5: {  	s4 =	ssub.s32 $0x0, s20;
	[sflag:s22] =	ssyncset.done $0x0  }
0xa6: {  	[sflag:s22] =	ssyncadd.s32 s4;
	_ =	sdelay $0x1  }
0xa7: {  	s23 =	simm.s32 $0x1B8B  }
0xa8: {  	_ =	swait.ge [sflag:s23], $0x1  }
0xa9: {  	[sflag:s23] =	ssyncset.done $0x0  }
0xaa: {  	s25 =	simm.s32 $0x1B8E;
	s24 =	sld [smem:$0x3FFE];
	[sflag:s23] =	ssyncadd.s32 $0xFFFFFFFF  }
0xab: {  	s26 =	simm.s32 $execute0_lowered;
	[smem:$0x3FD2] =	sst s25  }
0xac: {  	s5 =	sshll.u32 s26, $0x1;
	_ =	strace $0x80000046;
	[dreg:$0x1] =	wrdreg $0xFFFFFFFF  }
0xad: {  	s28 =	simm.s32 $_size_execute0_lowered;
	s3 =	sadd.s32 s3, s5;
	[dreg:$0x0] =	wrdreg $0x0  }
0xae: {  	s5 =	sshll.u32 s28, $0x1;
	[dreg:$0x2] =	wrdreg s3  }
0xaf: {  	[dreg:$0x3] =	wrdreg s5  }
0xb0: {  	[dreg:$0x4] =	wrdreg $0xC0  }
0xb1: {  	_ =	task [dreg:s7], $0x5FFFF  }
0xb2: {  	[dreg:$0x1] =	wrdreg $0xFFFFFFFF  }
0xb3: {  	[dreg:$0x0] =	wrdreg $0x60  }
0xb4: {  	[dreg:$0x2] =	wrdreg s24  }
0xb5: {  	[dreg:$0x3] =	wrdreg s16  }
0xb6: {  	[dreg:$0x4] =	wrdreg $0x9  }
0xb7: {  	_ =	task.clear_ibuf [dreg:s7], $0x5FFFF;
	_ =	strace $0x90000046  }
0xb8: {  	s29 =	simm.s32 $0x9;
	_ =	strace $0x80000048  }
0xb9: {  	_ =	swait.ge [sflag:s29], $0x1  }
0xba: {  	[sflag:s29] =	ssyncadd.s32 $0xFFFFFFFF  }
0xbb: {  	_ =	strace $0x90000048  }
0xbc: {  	_ =	sfence  }
0xbd: {  	s30 =	sld [smem:$0x0];
	_ =	sdelay $0x2  }
0xbe: {  	s31 =	sshll.u32 s1, $0xD;
	s1 =	sshrl.u32 s1, $0x2  }
0xbf: {  	s3 =	sand.u32 $0x4000, s31;
	s1 =	sadd.s32 s1, s30  }
0xc0: {  	s0 =	sor.u32 s3, s0;
	s1 =	sshll.u32 s1, $0x11  }
0xc1: {  	s0 =	sor.u32 s1, s0  }
0xc2: {  	s0 =	sadd.s32 $0x8F2B, s0  }
0xc3: {  	[sflag:s0] =	ssyncadd.remote.s32 $0x1  }
0xc4: {  	_ =	sfence.sel $0xFFFF  }
0xc5: {  	[dreg:$0x0] =	wrdreg $0xFFFFFFFF;
	(pc) =	sbr.abs _section_cstart, $3  }
0xc6: {  	[dreg:$0x1] =	wrdreg $0xFFFFFFFF  }
0xc7: {  	_ =	task.clear_ibuf [dreg:s7], $0x2FFFF;
	_ =	strace $0x9FFFFFFF  }
0xc8: {  	(tm) =	ssettm $0x7FFFFFFF  }
0xc9: {  	_ =	shalt  }
tec
execute0_lowered:
.L_overlay_start_1:
0x0: {  	(tag) =	ssettag $0x1  }
0x1: {  	s7 =	rddreg [dreg:$0x0]  }
0x2: {  	s1 =	rddreg [dreg:$0x1]  }
0x3: {  	s0 =	rddreg [dreg:$0x2];
	s2 =	simm.s32 $0x0;
	s3 =	srdreg.scid  }
0x4: {  	s8 =	simm.s32 $0x4F;
	s13 =	simm.s32 $0x80;
	s14 =	simm.s32 $0x13980  }
0x5: {  	s15 =	simm.s32 $0x17980;
	s16 =	simm.s32 $0x1;
	s17 =	simm.s32 $0x2  }
0x6: {  	s18 =	simm.s32 $0x0;
	[smem:$0x7FF] =	sst s2;
	s4 =	sadd.s32 $0x40000, s7  }
0x7: {  	s5 =	sadd.s32 $0x3D800, s7;
	s9 =	sand.u32 $0x1, s3;
	s6 =	sadd.s32 $0xC800, s7  }
.Ltmp0:
0x8: {  	s3 =	stileid.u32;
	s7 =	sadd.s32 $0x8E400, s7;
	(pc) =	sbr.rel .LBB2_1-.Ltmp0, $4  }
0x9: {  	_ =	strace $0x80000047;
	s10 =	ssub.s32 $0x2, s9;
	p0 =	slt.u32 s3, $0x2  }
0xa: {  	s12 =	sshll.u32 s3, $0x8;
	s9 =	sshll.u32 s9, $0x7;
	s11 =	sshrl.u32 s10, $0x1  }
0xb: {  	v0 =	vlaneseq.u32;
	s8 =	simm.s32 @!p0 $0x4E;
	s9 =	sor.u32 s9, s12;
	s10 =	ssub.s32 s10, s11  }
0xc: {  	v0 =	vmul.u32 $0x80, v0;
	s12 =	simm.s32 $0x4;
	s11 =	simm.s32 $0x3;
	s10 =	smax.u32 s10, $0x1  }
.LBB2_9:
0xd: {  	s18 =	sadd.s32 $0x1, s18  }
0xe: {  	p0 =	sne.s32 s18, s10  }
.Ltmp1:
0xf: {  	_ = 	snop;
	(pc) =	sbr.rel @!p0 .LBB2_10-.Ltmp1, $1  }
0x10: {  	_ =	sdelay $0x3  }
.LBB2_1:
.Ltmp2:
0x11: {  	(pc) =	sbr.rel .LBB2_2-.Ltmp2, $4  }
0x12: {  	[tilespmem:s2], [sflag:$0x3] =	stream.linear.gather [hbm4b:s5+s2], $0x13880, $0x38;
	[tilespmem:$0x1B980] =	vst v63  }
0x13: {  	_ =	swait.ge [sflag:s11], $0x13880  }
0x14: {  	[sflag:s11] =	ssyncset.done $0x0  }
0x15: {  	s19 =	simm.s32 $0x0;
	[sflag:s11] =	ssyncadd.s32 $0xFFFEC780  }
.LBB2_8:
0x16: {  	s19 =	sadd.s32 $0x1, s19  }
0x17: {  	p0 =	sne.s32 s19, $0x4F  }
.Ltmp3:
0x18: {  	_ = 	snop;
	(pc) =	sbr.rel @!p0 .LBB2_9-.Ltmp3, $1  }
0x19: {  	_ =	sdelay $0x3  }
.LBB2_2:
0x1a: {  	p0 =	sge.u32 s19, s8  }
.Ltmp4:
0x1b: {  	_ = 	snop;
	(pc) =	sbr.rel @p0 .LBB2_8-.Ltmp4, $1  }
0x1c: {  	_ =	sdelay $0x3  }
0x1d: {  	s20 =	sshll.u32 s19, $0xC  }
0x1e: {  	s20 =	sor.u32 s9, s20  }
0x1f: {  	s22 =	sshrl.u32 s20, $0x3  }
0x20: {  	s21 =	simm.s32 $0x0;
	s24 =	simm.s32 $0x13880;
	s23 =	sadd.s32 s6, s22  }
0x21: {  	[tilespmem:s24], [sflag:$0x4] =	stream.linear.gather [hbm4b:s23+s21], $0x80, $0x38;
	[tilespmem:$0x1B980] =	vst v63  }
0x22: {  	_ =	swait.ge [sflag:s12], $0x80  }
0x23: {  	[sflag:s12] =	ssyncset.done $0x0  }
0x24: {  	s30 =	simm.s32 $0x13900;
	s22 =	sadd.s32 s1, s22;
	[sflag:s12] =	ssyncadd.s32 $0xFFFFFF80  }
0x25: {  	[tilespmem:s30], [sflag:$0x4] =	stream.linear.gather [hbm4b:s22+s21], $0x80, $0x38;
	[tilespmem:$0x1B980] =	vst v63  }
0x26: {  	_ =	swait.ge [sflag:s12], $0x80  }
0x27: {  	[sflag:s12] =	ssyncset.done $0x0  }
0x28: {  	[sflag:s12] =	ssyncadd.s32 $0xFFFFFF80  }
0x29: {  	[tilespmem:s14], [sflag:$0x1] =	stream.indirect.gather [hbm4b:s4+s13], $0x80, s24, s13, $0xb8;
	[tilespmem:$0x1B980] =	vst v63  }
0x2a: {  	_ = 	snop  }
0x2b: {  	[tilespmem:s15], [sflag:$0x2] =	stream.indirect.gather [hbm4b:s4+s13], $0x80, s30, s13, $0xb8;
	[tilespmem:$0x1B980] =	vst v63  }
0x2c: {  	_ =	swait.ge [sflag:s16], $0x4000  }
0x2d: {  	[sflag:s16] =	ssyncset.done $0x0  }
0x2e: {  	[sflag:s16] =	ssyncadd.s32 $0xFFFFC000  }
0x2f: {  	_ =	swait.ge [sflag:s17], $0x4000  }
0x30: {  	[sflag:s17] =	ssyncset.done $0x0  }
0x31: {  	[sflag:s17] =	ssyncadd.s32 $0xFFFFC000  }
0x32: {  	v1 =	vld [tilespmem:s30+$0x0]  }
0x33: {  	v2 =	vld [tilespmem:s24+$0x0];
	_ =	sdelay $0x3  }
0x34: {  	v1 =	vshll.u32 v1, $0x3  }
0x35: {  	v2 =	vshll.u32 v2, $0x3  }
0x36: {  	v3 =	vor.u32 $0x1, v1  }
0x37: {  	v4 =	vor.u32 $0x1, v2  }
0x38: {  	v6 =	vor.u32 $0x2, v1  }
0x39: {  	s31 =	simm.s32 $0x10;
	v5 =	vmov s21;
	v14 =	vor.u32 $0x2, v2;
	v9 =	vld.idx.msk [tilespmem:v1+s21+$0x0], $0xffff  }
0x3a: {  	v1 =	vshll.u32 v5, $0x7;
	v5 =	vmov s31;
	v11 =	vld.idx.msk [tilespmem:v2+s21+$0x0], $0xffff  }
0x3b: {  	v10 =	vld.idx.msk [tilespmem:v3+s21+$0x0], $0xffff;
	v7 =	vor.u32 v0, v1;
	v3 =	vshll.u32 v5, $0x7  }
0x3c: {  	v12 =	vld.idx.msk [tilespmem:v4+s21+$0x0], $0xffff;
	v1 =	vor.u32 $0x40, v7;
	v2 =	vor.u32 $0x41, v7;
	v8 =	vor.u32 v0, v3  }
0x3d: {  	s25 =	simm.s32 $0x13910;
	s26 =	simm.s32 $0x20;
	v13 =	vld.idx.msk [tilespmem:v6+s21+$0x0], $0xffff;
	v3 =	vor.u32 $0x42, v7;
	v4 =	vor.u32 $0x43, v7;
	v5 =	vor.u32 $0x40, v8  }
0x3e: {  	s23 =	simm.s32 $0x13890;
	s22 =	simm.s32 $0x13910;
	s24 =	simm.s32 $0x13890;
	v14 =	vld.idx.msk [tilespmem:v14+s21+$0x0], $0xffff;
	v6 =	vor.u32 $0x41, v8;
	v7 =	vor.u32 $0x42, v8;
	v8 =	vor.u32 $0x43, v8  }
.LBB2_4:
0x3f: {  	_ = 	snop  }
0x40: {  	p0 =	sne.s32 s26, $0x70;
	s24 =	sadd.s32 $0x10, s24;
	s25 =	sadd.s32 $0x10, s25  }
0x41: {  	s28 =	smov.u32 s26;
	s26 =	sadd.s32 $0x10, s26;
	v9 =	vsub.f32 v11, v9;
	v10 =	vsub.f32 v12, v10;
	_ =	sdelay $0x1  }
0x42: {  	v12 =	vmul.f32 v9, v9;
	v11 =	vsub.f32 v14, v13;
	v13 =	vmul.f32 v10, v10;
	_ =	sdelay $0x1  }
0x43: {  	v12 =	vadd.f32 v13, v12;
	v13 =	vmul.f32 v11, v11;
	_ =	sdelay $0x1  }
0x44: {  	v12 =	vadd.f32 v13, v12;
	_ =	sdelay $0x1  }
0x45: {  	[tilespmem:v1+s14+$0x0] =	vst.idx.msk $0xffff, v12;
	v1 =	vmov v5  }
0x46: {  	[tilespmem:v2+s14+$0x0] =	vst.idx.msk $0xffff, v9;
	v2 =	vmov v6  }
0x47: {  	[tilespmem:v3+s14+$0x0] =	vst.idx.msk $0xffff, v10;
	v3 =	vmov v7  }
0x48: {  	[tilespmem:v4+s14+$0x0] =	vst.idx.msk $0xffff, v11;
	v4 =	vmov v8  }
0x49: {  	v5 =	vld [tilespmem:s22+$0x0];
	s22 =	smov.u32 s25  }
0x4a: {  	v6 =	vld [tilespmem:s23+$0x0];
	s23 =	smov.u32 s24;
	_ =	sdelay $0x3  }
0x4b: {  	v5 =	vshll.u32 v5, $0x3  }
0x4c: {  	v7 =	vshll.u32 v6, $0x3;
	v6 =	vor.u32 $0x1, v5;
	v13 =	vor.u32 $0x2, v5  }
0x4d: {  	v8 =	vmov s28;
	v12 =	vor.u32 $0x1, v7;
	v14 =	vor.u32 $0x2, v7  }
0x4e: {  	v8 =	vshll.u32 v8, $0x7;
	_ =	sdelay $0x1  }
0x4f: {  	v8 =	vor.u32 v0, v8;
	v9 =	vld.idx.msk [tilespmem:v5+s21+$0x0], $0xffff  }
.Ltmp5:
0x50: {  	v5 =	vor.u32 $0x40, v8;
	v10 =	vld.idx.msk [tilespmem:v6+s21+$0x0], $0xffff;
	(pc) =	sbr.rel @p0 .LBB2_4-.Ltmp5, $4  }
0x51: {  	v6 =	vor.u32 $0x41, v8;
	v11 =	vld.idx.msk [tilespmem:v7+s21+$0x0], $0xffff  }
0x52: {  	v7 =	vor.u32 $0x42, v8;
	v12 =	vld.idx.msk [tilespmem:v12+s21+$0x0], $0xffff  }
0x53: {  	v8 =	vor.u32 $0x43, v8;
	v13 =	vld.idx.msk [tilespmem:v13+s21+$0x0], $0xffff  }
0x54: {  	v14 =	vld.idx.msk [tilespmem:v14+s21+$0x0], $0xffff  }
0x55: {  	_ =	sdelay $0x1  }
0x56: {  	v9 =	vsub.f32 v11, v9;
	v10 =	vsub.f32 v12, v10;
	_ =	sdelay $0x1  }
0x57: {  	v57 =	vmul.f32 v9, v9;
	v56 =	vsub.f32 v14, v13;
	v58 =	vmul.f32 v10, v10;
	_ =	sdelay $0x1  }
0x58: {  	v12 =	vadd.f32 v58, v57;
	v59 =	vmul.f32 v56, v56;
	_ =	sdelay $0x1  }
0x59: {  	v12 =	vadd.f32 v59, v12;
	_ =	sdelay $0x1  }
0x5a: {  	[tilespmem:v1+s14+$0x0] =	vst.idx.msk $0xffff, v12  }
0x5b: {  	[tilespmem:v2+s14+$0x0] =	vst.idx.msk $0xffff, v9  }
0x5c: {  	[tilespmem:v3+s14+$0x0] =	vst.idx.msk $0xffff, v10  }
0x5d: {  	[tilespmem:v4+s14+$0x0] =	vst.idx.msk $0xffff, v56  }
0x5e: {  	v1 =	vld [tilespmem:s22+$0x0]  }
0x5f: {  	v2 =	vld [tilespmem:s23+$0x0];
	_ =	sdelay $0x3  }
0x60: {  	v1 =	vshll.u32 v1, $0x3  }
0x61: {  	v2 =	vshll.u32 v2, $0x3  }
0x62: {  	v3 =	vor.u32 $0x1, v1  }
0x63: {  	v4 =	vor.u32 $0x1, v2  }
0x64: {  	v60 =	vor.u32 $0x2, v1  }
0x65: {  	v61 =	vor.u32 $0x2, v2;
	v1 =	vld.idx.msk [tilespmem:v1+s21+$0x0], $0xffff  }
0x66: {  	v2 =	vld.idx.msk [tilespmem:v2+s21+$0x0], $0xffff  }
0x67: {  	v3 =	vld.idx.msk [tilespmem:v3+s21+$0x0], $0xffff  }
0x68: {  	v4 =	vld.idx.msk [tilespmem:v4+s21+$0x0], $0xffff  }
0x69: {  	v9 =	vld.idx.msk [tilespmem:v60+s21+$0x0], $0xffff  }
0x6a: {  	v10 =	vld.idx.msk [tilespmem:v61+s21+$0x0], $0xffff;
	_ =	sdelay $0x2  }
0x6b: {  	v1 =	vsub.f32 v2, v1;
	v2 =	vsub.f32 v4, v3;
	_ =	sdelay $0x1  }
0x6c: {  	v3 =	vsub.f32 v10, v9;
	v4 =	vmul.f32 v1, v1;
	v62 =	vmul.f32 v2, v2;
	_ =	sdelay $0x1  }
0x6d: {  	v63 =	vmul.f32 v3, v3;
	v4 =	vadd.f32 v62, v4;
	_ =	sdelay $0x1  }
0x6e: {  	v4 =	vadd.f32 v63, v4;
	_ =	sdelay $0x1  }
0x6f: {  	[tilespmem:v5+s14+$0x0] =	vst.idx.msk $0xffff, v4  }
0x70: {  	[tilespmem:v6+s14+$0x0] =	vst.idx.msk $0xffff, v1  }
0x71: {  	[tilespmem:v7+s14+$0x0] =	vst.idx.msk $0xffff, v2  }
0x72: {  	s21 =	simm.s32 $0x0;
	[tilespmem:v8+s14+$0x0] =	vst.idx.msk $0xffff, v3  }
0x73: {  	v6 =	vld [tilespmem:s21+$0x179C0]  }
0x74: {  	v7 =	vld [tilespmem:s21+$0x179D0]  }
0x75: {  	v2 =	vld [tilespmem:s21+$0x179E0]  }
0x76: {  	v1 =	vld [tilespmem:s21+$0x179F0]  }
0x77: {  	v3 =	vld [tilespmem:s21+$0x13980]  }
0x78: {  	v5 =	vld [tilespmem:s21+$0x13990]  }
0x79: {  	s22 =	simm.s32 $0x200;
	v4 =	vld [tilespmem:s21+$0x139A0]  }
.LBB2_6:
0x7a: {  	s23 =	sshra.s32 s22, $0x2;
	p0 =	sne.s32 s22, $0xFE00;
	v8 =	vld [tilespmem:s21+$0x139B0];
	v9 =	vmov v2  }
0x7b: {  	v10 =	vld [tilespmem:s23+$0x179C0];
	v11 =	vmov v1  }
0x7c: {  	v12 =	vld [tilespmem:s23+$0x179D0];
	v3 =	vadd.f32 v6, v3  }
.Ltmp6:
0x7d: {  	v2 =	vld [tilespmem:s23+$0x179E0];
	v5 =	vadd.f32 v7, v5;
	(pc) =	sbr.rel @p0 .LBB2_6-.Ltmp6, $4  }
0x7e: {  	v1 =	vld [tilespmem:s23+$0x179F0];
	[tilespmem:s21+$0x13980] =	vst v3;
	v4 =	vadd.f32 v9, v4  }
0x7f: {  	v3 =	vld [tilespmem:s23+$0x13980];
	[tilespmem:s21+$0x13990] =	vst v5;
	v8 =	vadd.f32 v11, v8  }
0x80: {  	v5 =	vld [tilespmem:s23+$0x13990];
	[tilespmem:s21+$0x139A0] =	vst v4;
	v6 =	vmov v10  }
0x81: {  	s22 =	sadd.s32 $0x200, s22;
	v4 =	vld [tilespmem:s23+$0x139A0];
	[tilespmem:s21+$0x139B0] =	vst v8;
	v7 =	vmov v12;
	s21 =	smov.u32 s23  }
0x82: {  	v8 =	vld [tilespmem:s21+$0x139B0];
	_ =	sdelay $0x1  }
0x83: {  	v3 =	vadd.f32 v6, v3  }
0x84: {  	v5 =	vadd.f32 v7, v5  }
0x85: {  	[tilespmem:s21+$0x13980] =	vst v3;
	v2 =	vadd.f32 v2, v4  }
0x86: {  	[tilespmem:s21+$0x13990] =	vst v5;
	v1 =	vadd.f32 v1, v8  }
0x87: {  	s20 =	sshll.u32 s20, $0x4;
	[tilespmem:s21+$0x139A0] =	vst v2  }
.Ltmp7:
0x88: {  	s20 =	sadd.s32 s7, s20;
	[tilespmem:s21+$0x139B0] =	vst v1;
	(pc) =	sbr.rel .LBB2_8-.Ltmp7, $4  }
0x89: {  	[hbm4b:s20+s2] =	stream.linear.scatter [tilespmem:s14], [sflag:$0x3], $0x4000, $0x38;
	[tilespmem:$0x1B980] =	vst v63  }
0x8a: {  	_ =	swait.ge [sflag:s11], $0x4000  }
0x8b: {  	[sflag:s11] =	ssyncset.done $0x0  }
0x8c: {  	[sflag:s11] =	ssyncadd.s32 $0xFFFFC000  }
.LBB2_10:
0x8d: {  	_ =	sfence.sel $0x180000  }
0x8e: {  	[bflag:$0x0] =	sbarrier.arrive $0xFFFF  }
0x8f: {  	p0 =	sne.s32 s3, $0x0;
	_ =	strace $0x90000047  }
0x90: {  	s0 =	sadd.s32 @!p0 $0x100000, s0;
	[bflag:$0x2] =	sbarrier.arrive $0xFFFF  }
0x91: {  	[sflag:s0] =	ssyncadd.tile.s32 @!p0 $0x1;
	_ =	shalt  }
.Lfunc_end2:
_tile_overlayer_lowered:
.L_overlay_start_2:
0x92: {  	(tag) =	ssettag $0x2  }
0x93: {  	s0 =	rddreg [dreg:$0x0];
	s2 =	stileid.u32  }
0x94: {  	s1 =	rddreg [dreg:$0x1];
	p0 =	sne.s32 s2, $0x0  }
0x95: {  	s3 =	rddreg [dreg:$0x2];
	[bflag:$0x3] =	sbarrier.arrive $0xFFFF;
	s2 =	simm.s32 @!p0 $0x1C03  }
0x96: {  	[timem:s3], [sflag:s2] =	dma.local @!p0 [hbm:s0], s1  }
0x97: {  	s0 =	simm.s32 @!p0 $0x3  }
0x98: {  	_ =	swait.ge @!p0 [sflag:s0], s1  }
0x99: {  	s1 =	ssub.s32 @!p0 $0x0, s1;
	[sflag:s0] =	ssyncset.done @!p0 $0x0  }
0x9a: {  	[sflag:s0] =	ssyncadd.s32 @!p0 s1  }
0x9b: {  	[bflag:$0x3] =	sbarrier.arrive $0xFFFF  }
0x9c: {  	_ =	shalt  }

// kernel: kernel.19.cloned.1.call-start
scs
__scs_entry_jumppad:
0x0: {  	(pc) =	sbr.rel $0x88, $3  }
0x1: {  	(tag) =	ssettag $0x0;
	lr =	simm.s32 $0x1  }
0x2: {  	[smem:$0x3F8B] =	sst lr;
	_ =	strace $0xD0000000  }
0x3: {  	_ = 	snop  }
0x4: {  	_ = 	snop  }
0x5: {  	_ = 	snop  }
0x6: {  	_ = 	snop  }
0x7: {  	_ = 	snop  }
__scs_overlays_trampoline_lowered:
0x8: {  	[smem:$0x3F9A] =	sst s0  }
0x9: {  	[smem:$0x3F9B] =	sst s1  }
0xa: {  	[smem:$0x3F9C] =	sst s2  }
0xb: {  	[smem:$0x3F9D] =	sst s3  }
0xc: {  	[smem:$0x3F9E] =	sst s4  }
0xd: {  	[smem:$0x3F9F] =	sst s5  }
0xe: {  	[smem:$0x3FA0] =	sst s6  }
0xf: {  	[smem:$0x3FA1] =	sst s7  }
0x10: {  	[smem:$0x3FA2] =	sst s8  }
0x11: {  	[smem:$0x3FA3] =	sst s9;
	s0 =	simm.s32 @!p0 $0x0  }
0x12: {  	s1 =	sld [smem:$0x3F89];
	s0 =	simm.s32 @p0 $0x1  }
0x13: {  	[smem:$0x3FA4] =	sst s0;
	s0 =	simm.s32 @!p1 $0x0  }
0x14: {  	s2 =	sld [smem:$0x3F88];
	s0 =	simm.s32 @p1 $0x1  }
0x15: {  	[smem:$0x3FA5] =	sst s0;
	s0 =	simm.s32 @!p2 $0x0  }
0x16: {  	s3 =	sld [smem:$0x3FDB];
	s0 =	simm.s32 @p2 $0x1  }
0x17: {  	s4 =	simm.s32 $0x1BF5;
	[smem:$0x3FA7] =	sst s0  }
0x18: {  	s0 =	sld [smem:$0x3F8A];
	_ =	swait.ge [sflag:s4], $0x0  }
0x19: {  	s7 =	sld [smem:$0x3F8B]  }
0x1a: {  	s8 =	sadd.s32 $0xFFFFE003, lr  }
0x1b: {  	s9 =	sadd.s32 $0xFFFFFEF7, lr;
	s5 =	simm.s32 $0xFFFFFFFF;
	p2 =	slt.u32 s8, $0xFFFFF086  }
0x1c: {  	p1 =	slt.u32 s9, $0xF7A;
	s5 =	simm.s32 @!p2 $0x0  }
0x1d: {  	s5 =	simm.s32 @p1 $0x1;
	p0 =	seq.s32 s7, s2  }
0x1e: {  	s7 =	smul.u32 @!p0 $0xF7A, s2;
	p2 =	seq.s32 @!p0 s5, $0x0  }
0x1f: {  	s9 =	smul.u32 $0xF7A, s1;
	s8 =	simm.s32 @!p0 $0x1BF5;
	p2 =	por !p2, p0  }
0x20: {  	[sflag:s8] =	ssyncset.s32 @!p0 $0xFFFFF086;
	s6 =	sadd.s32 @!p0 s3, s7;
	s7 =	simm.s32 @!p0 $0x108  }
0x21: {  	s3 =	sadd.s32 s3, s9;
	s6 =	sadd.s32 @!p0 $0x88, s6;
	s7 =	simm.s32 @p2 $0x1082  }
0x22: {  	[simem:s7], [sflag:s8] =	dma.local @!p0 [hbm:s6], $0xF7A  }
0x23: {  	s9 =	sor.u32 $0xD0000000, s2;
	s6 =	simm.s32 $0x108;
	_ =	swait.ge @!p0 [sflag:s8], $0x0  }
0x24: {  	s3 =	sadd.s32 $0x88, s3;
	s6 =	simm.s32 @!p1 $0x1082;
	[sflag:s4] =	ssyncset.s32 $0xFFFFF086  }
0x25: {  	[simem:s6], [sflag:s4] =	dma.local [hbm:s3], $0xF7A  }
0x26: {  	[smem:$0x3F8B] =	sst s1;
	(tag) =	ssettag s2;
	_ =	strace s9  }
0x27: {  	s1 =	sld [smem:$0x3F9B]  }
0x28: {  	s2 =	sld [smem:$0x3F9C]  }
0x29: {  	s4 =	sld [smem:$0x3F9E]  }
0x2a: {  	p0 =	seq.s32 s5, $0x0;
	s5 =	sld [smem:$0x3F9F]  }
0x2b: {  	s6 =	sld [smem:$0x3FA0]  }
0x2c: {  	s7 =	sld [smem:$0x3FA1]  }
0x2d: {  	s3 =	simm.s32 $0x108;
	s8 =	sld [smem:$0x3FA2]  }
0x2e: {  	s3 =	simm.s32 @!p0 $0x1082;
	s9 =	sld [smem:$0x3FA3]  }
0x2f: {  	lr =	sadd.s32 s0, s3;
	s0 =	sld [smem:$0x3F9A]  }
0x30: {  	s3 =	sld [smem:$0x3F9D]  }
0x31: {  	[smem:$0x3FA6] =	sst s10  }
0x32: {  	s10 =	sld [smem:$0x3FA4];
	_ =	sdelay $0x3  }
0x33: {  	p0 =	seq.s32 s10, $0x1;
	s10 =	sld [smem:$0x3FA6];
	_ =	sdelay $0x3  }
0x34: {  	[smem:$0x3FA6] =	sst s10  }
0x35: {  	s10 =	sld [smem:$0x3FA5];
	_ =	sdelay $0x3  }
0x36: {  	p1 =	seq.s32 s10, $0x1;
	s10 =	sld [smem:$0x3FA6];
	_ =	sdelay $0x3  }
0x37: {  	[smem:$0x3FA6] =	sst s10  }
0x38: {  	s10 =	sld [smem:$0x3FA7]  }
0x39: {  	_ = 	snop;
	(pc) =	sbr.ind lr, $3  }
0x3a: {  	_ = 	snop  }
0x3b: {  	_ = 	snop  }
0x3c: {  	p2 =	seq.s32 s10, $0x1;
	s10 =	sld [smem:$0x3FA6]  }
0x3d: {  	_ =	shalt  }
0x3e: {  	_ =	shalt  }
0x3f: {  	_ =	shalt  }
0x40: {  	_ =	shalt  }
0x41: {  	_ =	shalt  }
0x42: {  	_ =	shalt  }
0x43: {  	_ =	shalt  }
0x44: {  	_ =	shalt  }
0x45: {  	_ =	shalt  }
0x46: {  	_ =	shalt  }
0x47: {  	_ =	shalt  }
0x48: {  	_ =	shalt  }
0x49: {  	_ =	shalt  }
0x4a: {  	_ =	shalt  }
0x4b: {  	_ =	shalt  }
0x4c: {  	_ =	shalt  }
0x4d: {  	_ =	shalt  }
0x4e: {  	_ =	shalt  }
0x4f: {  	_ =	shalt  }
0x50: {  	_ =	shalt  }
0x51: {  	_ =	shalt  }
0x52: {  	_ =	shalt  }
0x53: {  	_ =	shalt  }
0x54: {  	_ =	shalt  }
0x55: {  	_ =	shalt  }
0x56: {  	_ =	shalt  }
0x57: {  	_ =	shalt  }
0x58: {  	_ =	shalt  }
0x59: {  	_ =	shalt  }
0x5a: {  	_ =	shalt  }
0x5b: {  	_ =	shalt  }
0x5c: {  	_ =	shalt  }
0x5d: {  	_ =	shalt  }
0x5e: {  	_ =	shalt  }
0x5f: {  	_ =	shalt  }
0x60: {  	_ =	shalt  }
0x61: {  	_ =	shalt  }
0x62: {  	_ =	shalt  }
0x63: {  	_ =	shalt  }
0x64: {  	_ =	shalt  }
0x65: {  	_ =	shalt  }
0x66: {  	_ =	shalt  }
0x67: {  	_ =	shalt  }
0x68: {  	_ =	shalt  }
0x69: {  	_ =	shalt  }
0x6a: {  	_ =	shalt  }
0x6b: {  	_ =	shalt  }
0x6c: {  	_ =	shalt  }
0x6d: {  	_ =	shalt  }
0x6e: {  	_ =	shalt  }
0x6f: {  	_ =	shalt  }
0x70: {  	_ =	shalt  }
0x71: {  	_ =	shalt  }
0x72: {  	_ =	shalt  }
0x73: {  	_ =	shalt  }
0x74: {  	_ =	shalt  }
0x75: {  	_ =	shalt  }
0x76: {  	_ =	shalt  }
0x77: {  	_ =	shalt  }
0x78: {  	_ =	shalt  }
0x79: {  	_ =	shalt  }
0x7a: {  	_ =	shalt  }
0x7b: {  	_ =	shalt  }
0x7c: {  	_ =	shalt  }
0x7d: {  	_ =	shalt  }
0x7e: {  	_ =	shalt  }
0x7f: {  	_ =	shalt  }
0x80: {  	_ =	shalt  }
0x81: {  	_ =	shalt  }
0x82: {  	_ =	shalt  }
0x83: {  	_ =	shalt  }
0x84: {  	_ =	shalt  }
0x85: {  	_ =	shalt  }
0x86: {  	_ =	shalt  }
0x87: {  	_ =	shalt  }
.Lfunc_end0:
.L_simem_size_0:
called_computation.1_lowered:
.L_overlay_start_0:
0x88: {  	s2 =	sld [smem:$0x3FD9]  }
0x89: {  	s3 =	sld [smem:$0x3FFE];
	_ =	sdelay $0x1  }
0x8a: {  	s1 =	srdreg.scid  }
0x8b: {  	s0 =	sand.u32 $0x1, s1  }
0x8c: {  	s16 =	sshll.u32 s0, $0xA;
	s2 =	sadd.s32 s3, s2  }
0x8d: {  	s2 =	sadd.s32 s2, s16  }
0x8e: {  	[smem:$0x3FB2] =	sst s2  }
0x8f: {  	_ = 	snop  }
0x90: {  	(tm) =	ssettm $0x1  }
0x91: {  	s17 =	sld [smem:$0x3FFB];
	_ =	sdelay $0x3  }
0x92: {  	_ =	strace s17  }
0x93: {  	s2 =	sld [smem:$0x3FFC];
	_ =	sdelay $0x3  }
0x94: {  	_ =	strace s2  }
0x95: {  	s2 =	sld [smem:$0x3FFD];
	_ =	sdelay $0x3  }
0x96: {  	_ =	strace s2  }
0x97: {  	_ =	strace $0x8FFFFFFF  }
0x98: {  	s18 =	sld [smem:$0x3FDB];
	_ =	sdelay $0x1  }
0x99: {  	s19 =	simm.s32 $_scs_section_size  }
0x9a: {  	s4 =	simm.s32 $_size__tile_overlayer_lowered;
	s5 =	simm.s32 $_tile_overlayer_lowered  }
0x9b: {  	s22 =	simm.s32 $0x1BFF;
	s21 =	sshll.u32 s5, $0x1;
	s2 =	sadd.s32 s19, s18  }
0x9c: {  	s6 =	simm.s32 $0x0;
	s20 =	sshll.u32 s4, $0x1;
	s4 =	sadd.s32 s21, s2  }
0x9d: {  	[timem:s6], [sflag:s22] =	dma.local [hbm:s4], s20  }
0x9e: {  	_ =	swait.ge [sflag:s22], s20  }
0x9f: {  	s3 =	ssub.s32 $0x0, s20;
	[sflag:s22] =	ssyncset.done $0x0  }
0xa0: {  	[sflag:s22] =	ssyncadd.s32 s3;
	_ =	sdelay $0x1  }
0xa1: {  	s23 =	simm.s32 $0x1B8B  }
0xa2: {  	_ =	swait.ge [sflag:s23], $0x1  }
0xa3: {  	[sflag:s23] =	ssyncset.done $0x0  }
0xa4: {  	s25 =	simm.s32 $0x1B8E;
	s24 =	sld [smem:$0x3FFE];
	[sflag:s23] =	ssyncadd.s32 $0xFFFFFFFF  }
0xa5: {  	s26 =	simm.s32 $execute0_lowered;
	[smem:$0x3FD2] =	sst s25  }
0xa6: {  	s4 =	sshll.u32 s26, $0x1;
	_ =	strace $0x80000049;
	[dreg:$0x1] =	wrdreg $0xFFFFFFFF  }
0xa7: {  	s28 =	simm.s32 $_size_execute0_lowered;
	s2 =	sadd.s32 s2, s4;
	[dreg:$0x0] =	wrdreg $0x0  }
0xa8: {  	s4 =	sshll.u32 s28, $0x1;
	[dreg:$0x2] =	wrdreg s2  }
0xa9: {  	[dreg:$0x3] =	wrdreg s4  }
0xaa: {  	[dreg:$0x4] =	wrdreg $0xC0  }
0xab: {  	_ =	task [dreg:s6], $0x5FFFF  }
0xac: {  	[dreg:$0x1] =	wrdreg $0xFFFFFFFF  }
0xad: {  	[dreg:$0x0] =	wrdreg $0x60  }
0xae: {  	[dreg:$0x2] =	wrdreg s24  }
0xaf: {  	[dreg:$0x3] =	wrdreg $0x0  }
0xb0: {  	[dreg:$0x4] =	wrdreg $0x9  }
0xb1: {  	_ =	task.clear_ibuf [dreg:s6], $0x5FFFF;
	_ =	strace $0x90000049  }
0xb2: {  	s29 =	simm.s32 $0x9;
	_ =	strace $0x8000004B  }
0xb3: {  	_ =	swait.ge [sflag:s29], $0x1  }
0xb4: {  	[sflag:s29] =	ssyncadd.s32 $0xFFFFFFFF  }
0xb5: {  	_ =	strace $0x9000004B  }
0xb6: {  	_ =	sfence  }
0xb7: {  	s30 =	sld [smem:$0x0];
	_ =	sdelay $0x2  }
0xb8: {  	s31 =	sshll.u32 s1, $0xD;
	s1 =	sshrl.u32 s1, $0x2  }
0xb9: {  	s3 =	sand.u32 $0x4000, s31;
	s1 =	sadd.s32 s1, s30  }
0xba: {  	s0 =	sor.u32 s3, s0;
	s1 =	sshll.u32 s1, $0x11  }
0xbb: {  	s0 =	sor.u32 s1, s0  }
0xbc: {  	s0 =	sadd.s32 $0x8F2B, s0  }
0xbd: {  	[sflag:s0] =	ssyncadd.remote.s32 $0x1  }
0xbe: {  	_ =	sfence.sel $0xFFFF  }
0xbf: {  	[dreg:$0x0] =	wrdreg $0xFFFFFFFF;
	(pc) =	sbr.abs _section_cstart, $3  }
0xc0: {  	[dreg:$0x1] =	wrdreg $0xFFFFFFFF  }
0xc1: {  	_ =	task.clear_ibuf [dreg:s6], $0x2FFFF;
	_ =	strace $0x9FFFFFFF  }
0xc2: {  	(tm) =	ssettm $0x7FFFFFFF  }
0xc3: {  	_ =	shalt  }
tec
execute0_lowered:
.L_overlay_start_1:
0x0: {  	(tag) =	ssettag $0x1  }
0x1: {  	s6 =	rddreg [dreg:$0x0]  }
0x2: {  	s2 =	rddreg [dreg:$0x1]  }
0x3: {  	s0 =	rddreg [dreg:$0x2];
	s4 =	srdreg.scid  }
0x4: {  	s3 =	simm.s32 $0x0;
	s1 =	stileid.u32;
	s13 =	sand.u32 $0x1, s4  }
0x5: {  	s28 =	sshll.u32 s1, $0x8;
	[smem:$0x7FF] =	sst s3;
	s8 =	smul.u32 $0x13880, s1  }
0x6: {  	s9 =	sshll.u32 s1, $0xC;
	s10 =	smul.u32 $0x4E200, s1;
	p0 =	slt.u32 s1, $0x2  }
0x7: {  	s15 =	sshll.u32 s1, $0xF;
	s5 =	sshll.u32 s13, $0x7;
	s7 =	smul.u32 $0x138800, s13  }
0x8: {  	_ =	strace $0x8000004A;
	s14 =	sadd.s32 s9, s6;
	s29 =	ssub.s32 $0x2, s13  }
0x9: {  	s17 =	sshll.u32 s13, $0xE;
	s18 =	sshll.u32 s13, $0xB;
	s4 =	sor.u32 s5, s28  }
0xa: {  	s30 =	sshrl.u32 s29, $0x1;
	s10 =	sshrl.u32 s10, $0x2;
	s19 =	sadd.s32 s8, s2  }
0xb: {  	s15 =	sor.u32 s17, s15;
	s31 =	sadd.s32 s18, s14;
	s17 =	simm.s32 $0x17900  }
0xc: {  	s18 =	simm.s32 $0x1;
	s5 =	sshrl.u32 s4, $0x3;
	s7 =	sadd.s32 s8, s7  }
0xd: {  	s9 =	ssub.s32 s29, s30;
	s14 =	sadd.s32 $0xFEC78000, s15;
	s15 =	sadd.s32 $0x570E00, s31  }
0xe: {  	s19 =	sshrl.u32 s19, $0x3;
	s16 =	sadd.s32 s5, s6;
	s5 =	sadd.s32 $0xCC3600, s6  }
0xf: {  	s7 =	sshrl.u32 s7, $0x3;
	s8 =	smax.u32 s9, $0x1;
	s9 =	sadd.s32 s10, s2  }
0x10: {  	s7 =	sadd.s32 s7, s6;
	s6 =	simm.s32 $0x4F;
	s10 =	sadd.s32 $0x3E80, s9  }
0x11: {  	s11 =	sadd.s32 $0x7D00, s9;
	s12 =	sadd.s32 $0xBB80, s9;
	s13 =	sadd.s32 $0xFA00, s9  }
0x12: {  	v0 =	vimm.f32 $0.0e+00;
	s16 =	sadd.s32 $0xC800, s16;
	s6 =	simm.s32 @!p0 $0x4E;
	s7 =	sadd.s32 $0x7E1E00, s7  }
.LBB2_1:
0x13: {  	s20 =	simm.s32 $0x70;
	s21 =	simm.s32 $0x3C0  }
.LBB2_2:
0x14: {  	p0 =	sne.s32 s21, $0xF9C0;
	[tilespmem:s20+$0x17900] =	vst v0  }
0x15: {  	[tilespmem:s20+$0x17890] =	vst v0  }
0x16: {  	[tilespmem:s20+$0x178A0] =	vst v0  }
.Ltmp0:
0x17: {  	[tilespmem:s20+$0x178B0] =	vst v0;
	(pc) =	sbr.rel @p0 .LBB2_2-.Ltmp0, $4  }
0x18: {  	[tilespmem:s20+$0x178C0] =	vst v0  }
0x19: {  	[tilespmem:s20+$0x178D0] =	vst v0  }
0x1a: {  	[tilespmem:s20+$0x178E0] =	vst v0  }
0x1b: {  	[tilespmem:s20+$0x178F0] =	vst v0;
	s20 =	sshra.s32 s21, $0x2;
	s21 =	sadd.s32 $0x200, s21  }
0x1c: {  	[tilespmem:s20+$0x17900] =	vst v0  }
0x1d: {  	[tilespmem:s20+$0x17890] =	vst v0  }
0x1e: {  	[tilespmem:s20+$0x178A0] =	vst v0  }
0x1f: {  	[tilespmem:s20+$0x178B0] =	vst v0  }
0x20: {  	[tilespmem:s20+$0x178C0] =	vst v0  }
0x21: {  	[tilespmem:s20+$0x178D0] =	vst v0  }
0x22: {  	[tilespmem:s20+$0x178E0] =	vst v0  }
0x23: {  	[tilespmem:s20+$0x178F0] =	vst v0  }
0x24: {  	[spmem:s9] =	stream.linear.scatter [tilespmem:s17], [sflag:$0x1], $0x3E80, $0x38;
	[tilespmem:$0x1B780] =	vst v63  }
0x25: {  	_ =	swait.ge [sflag:s18], $0x3E80  }
0x26: {  	[sflag:s18] =	ssyncset.done $0x0  }
0x27: {  	[sflag:s18] =	ssyncadd.s32 $0xFFFFC180  }
0x28: {  	[spmem:s10] =	stream.linear.scatter [tilespmem:s17], [sflag:$0x1], $0x3E80, $0x38;
	[tilespmem:$0x1B780] =	vst v63  }
0x29: {  	_ =	swait.ge [sflag:s18], $0x3E80  }
0x2a: {  	[sflag:s18] =	ssyncset.done $0x0  }
0x2b: {  	[sflag:s18] =	ssyncadd.s32 $0xFFFFC180  }
0x2c: {  	[spmem:s11] =	stream.linear.scatter [tilespmem:s17], [sflag:$0x1], $0x3E80, $0x38;
	[tilespmem:$0x1B780] =	vst v63  }
0x2d: {  	_ =	swait.ge [sflag:s18], $0x3E80  }
0x2e: {  	[sflag:s18] =	ssyncset.done $0x0  }
0x2f: {  	[sflag:s18] =	ssyncadd.s32 $0xFFFFC180  }
0x30: {  	[spmem:s12] =	stream.linear.scatter [tilespmem:s17], [sflag:$0x1], $0x3E80, $0x38;
	[tilespmem:$0x1B780] =	vst v63  }
0x31: {  	_ =	swait.ge [sflag:s18], $0x3E80  }
0x32: {  	[sflag:s18] =	ssyncset.done $0x0  }
0x33: {  	[sflag:s18] =	ssyncadd.s32 $0xFFFFC180  }
0x34: {  	[spmem:s13] =	stream.linear.scatter [tilespmem:s17], [sflag:$0x1], $0x3E80, $0x38;
	[tilespmem:$0x1B780] =	vst v63  }
0x35: {  	_ =	swait.ge [sflag:s18], $0x3E80  }
0x36: {  	p0 =	sle.u32 s6, $0x0;
	[sflag:s18] =	ssyncset.done $0x0  }
0x37: {  	s23 =	smov.u32 s15;
	s20 =	simm.s32 @!p0 $0x0;
	[sflag:s18] =	ssyncadd.s32 $0xFFFFC180  }
0x38: {  	s22 =	simm.s32 @!p0 $0x13880;
	s24 =	simm.s32 @!p0 $0x2;
	[bflag:$0x0] =	sbarrier.arrive $0xFFFF  }
0x39: {  	[tilespmem:s22], [sflag:$0x2] =	stream.linear.gather @!p0 [hbm4b:s16+s20], $0x80, $0x38;
	[tilespmem:$0x1B780] =	vst v63  }
0x3a: {  	p1 =	slt.u32 @!p0 s4, $0x27100;
	s21 =	sshrl.u32 @!p0 s14, $0x3;
	_ =	swait.ge @!p0 [sflag:s24], $0x80  }
0x3b: {  	s21 =	sadd.s32 @!p0 s5, s21;
	p1 =	por !p1, p0;
	[sflag:s24] =	ssyncset.done @!p0 $0x0  }
0x3c: {  	s25 =	simm.s32 @!p0 $0x13900;
	s23 =	smov.u32 @p1 s21;
	[sflag:s24] =	ssyncadd.s32 @!p0 $0xFFFFFF80  }
0x3d: {  	[tilespmem:s25], [sflag:$0x2] =	stream.linear.gather @!p0 [hbm4b:s23+s20], $0x4000, $0x38;
	[tilespmem:$0x1B780] =	vst v63  }
0x3e: {  	_ =	swait.ge @!p0 [sflag:s24], $0x4000  }
0x3f: {  	s26 =	simm.s32 @!p0 $0x1;
	s21 =	simm.s32 $0x1;
	[sflag:s24] =	ssyncset.done @!p0 $0x0  }
0x40: {  	s23 =	simm.s32 $0x2;
	s20 =	simm.s32 @!p0 $0x80;
	[sflag:s24] =	ssyncadd.s32 @!p0 $0xFFFFC000  }
0x41: {  	[spmem:s2] =	stream.indirect.scatter.add.f32 @!p0 [tilespmem:s25], [sflag:$0x1], $0x80, s22, s20, $0xb8;
	[tilespmem:$0x1B780] =	vst v63  }
0x42: {  	s24 =	sadd.s32 $0x80000, s14;
	s22 =	sadd.s32 $0x1000, s4;
	_ =	swait.ge @!p0 [sflag:s26], $0x4000  }
0x43: {  	s25 =	sadd.s32 $0x200, s16;
	s20 =	sadd.s32 $0x10000, s15;
	[sflag:s26] =	ssyncset.done @!p0 $0x0  }
.LBB2_4:
0x44: {  	[sflag:s26] =	ssyncadd.s32 @!p0 $0xFFFFC000;
	p0 =	sge.u32 s21, s6  }
0x45: {  	s21 =	smov.u32 s23;
	s23 =	sadd.s32 $0x1, s23;
	s31 =	smov.u32 s20  }
0x46: {  	s26 =	simm.s32 @!p0 $0x0;
	s28 =	simm.s32 @!p0 $0x13880;
	s29 =	simm.s32 @!p0 $0x2  }
0x47: {  	[tilespmem:s28], [sflag:$0x2] =	stream.linear.gather @!p0 [hbm4b:s25+s26], $0x80, $0x38;
	[tilespmem:$0x1B780] =	vst v63  }
0x48: {  	p1 =	slt.u32 @!p0 s22, $0x27100;
	s30 =	sshrl.u32 @!p0 s24, $0x3;
	_ =	swait.ge @!p0 [sflag:s29], $0x80  }
0x49: {  	s30 =	sadd.s32 @!p0 s5, s30;
	p1 =	por !p1, p0;
	[sflag:s29] =	ssyncset.done @!p0 $0x0  }
0x4a: {  	s31 =	smov.u32 @p1 s30;
	s30 =	simm.s32 @!p0 $0x13900;
	[sflag:s29] =	ssyncadd.s32 @!p0 $0xFFFFFF80  }
0x4b: {  	[tilespmem:s30], [sflag:$0x2] =	stream.linear.gather @!p0 [hbm4b:s31+s26], $0x4000, $0x38;
	[tilespmem:$0x1B780] =	vst v63  }
0x4c: {  	p1 =	sne.s32 s23, $0x4F;
	_ =	swait.ge @!p0 [sflag:s29], $0x4000  }
.Ltmp1:
0x4d: {  	[sflag:s29] =	ssyncset.done @!p0 $0x0;
	(pc) =	sbr.rel @p1 .LBB2_4-.Ltmp1, $4  }
0x4e: {  	s26 =	simm.s32 @!p0 $0x1;
	[sflag:s29] =	ssyncadd.s32 @!p0 $0xFFFFC000;
	s29 =	simm.s32 @!p0 $0x80  }
0x4f: {  	[spmem:s2] =	stream.indirect.scatter.add.f32 @!p0 [tilespmem:s30], [sflag:$0x1], $0x80, s28, s29, $0xb8;
	[tilespmem:$0x1B780] =	vst v63  }
0x50: {  	s22 =	sadd.s32 $0x1000, s22;
	s25 =	sadd.s32 $0x200, s25;
	_ =	swait.ge @!p0 [sflag:s26], $0x4000  }
0x51: {  	s20 =	sadd.s32 $0x10000, s20;
	s24 =	sadd.s32 $0x80000, s24;
	[sflag:s26] =	ssyncset.done @!p0 $0x0  }
0x52: {  	p1 =	sge.u32 s21, s6;
	[sflag:s26] =	ssyncadd.s32 @!p0 $0xFFFFC000  }
0x53: {  	s21 =	simm.s32 @!p1 $0x0;
	s23 =	simm.s32 @!p1 $0x13880;
	s26 =	simm.s32 @!p1 $0x2  }
0x54: {  	[tilespmem:s23], [sflag:$0x2] =	stream.linear.gather @!p1 [hbm4b:s25+s21], $0x80, $0x38;
	[tilespmem:$0x1B780] =	vst v63  }
0x55: {  	p0 =	slt.u32 @!p1 s22, $0x27100;
	s22 =	sshrl.u32 @!p1 s24, $0x3;
	_ =	swait.ge @!p1 [sflag:s26], $0x80  }
0x56: {  	s22 =	sadd.s32 @!p1 s5, s22;
	p0 =	por !p0, p1;
	[sflag:s26] =	ssyncset.done @!p1 $0x0  }
0x57: {  	s20 =	smov.u32 @p0 s22;
	s22 =	simm.s32 @!p1 $0x13900;
	[sflag:s26] =	ssyncadd.s32 @!p1 $0xFFFFFF80  }
0x58: {  	[tilespmem:s22], [sflag:$0x2] =	stream.linear.gather @!p1 [hbm4b:s20+s21], $0x4000, $0x38;
	[tilespmem:$0x1B780] =	vst v63  }
0x59: {  	_ =	swait.ge @!p1 [sflag:s26], $0x4000  }
0x5a: {  	[sflag:s26] =	ssyncset.done @!p1 $0x0  }
0x5b: {  	s20 =	simm.s32 @!p1 $0x80;
	s21 =	simm.s32 @!p1 $0x1;
	[sflag:s26] =	ssyncadd.s32 @!p1 $0xFFFFC000  }
0x5c: {  	[spmem:s2] =	stream.indirect.scatter.add.f32 @!p1 [tilespmem:s22], [sflag:$0x1], $0x80, s23, s20, $0xb8;
	[tilespmem:$0x1B780] =	vst v63  }
0x5d: {  	_ =	swait.ge @!p1 [sflag:s21], $0x4000  }
0x5e: {  	s3 =	sadd.s32 $0x1, s3;
	[sflag:s21] =	ssyncset.done @!p1 $0x0  }
0x5f: {  	s31 =	sshll.u32 s1, $0x6;
	p0 =	sne.s32 s3, s8;
	[sflag:s21] =	ssyncadd.s32 @!p1 $0xFFFFC000  }
.Ltmp2:
0x60: {  	s20 =	sor.u32 $0x1C01, s31;
	[bflag:$0x0] =	sbarrier.arrive $0xFFFF;
	(pc) =	sbr.rel @p0 .LBB2_1-.Ltmp2, $4  }
0x61: {  	[hbm:s7], [sflag:s20] =	dma.local [spmem:s19], $0x2710  }
0x62: {  	_ =	swait.ge [sflag:s18], $0x2710  }
0x63: {  	[sflag:s18] =	ssyncset.done $0x0  }
0x64: {  	[sflag:s18] =	ssyncadd.s32 $0xFFFFD8F0  }
0x65: {  	_ =	sfence.sel $0x180000  }
0x66: {  	[bflag:$0x0] =	sbarrier.arrive $0xFFFF  }
0x67: {  	p0 =	sne.s32 s1, $0x0;
	_ =	strace $0x9000004A  }
0x68: {  	s0 =	sadd.s32 @!p0 $0x100000, s0;
	[bflag:$0x2] =	sbarrier.arrive $0xFFFF  }
0x69: {  	[sflag:s0] =	ssyncadd.tile.s32 @!p0 $0x1;
	_ =	shalt  }
.Lfunc_end2:
_tile_overlayer_lowered:
.L_overlay_start_2:
0x6a: {  	(tag) =	ssettag $0x2  }
0x6b: {  	s0 =	rddreg [dreg:$0x0];
	s2 =	stileid.u32  }
0x6c: {  	s1 =	rddreg [dreg:$0x1];
	p0 =	sne.s32 s2, $0x0  }
0x6d: {  	s3 =	rddreg [dreg:$0x2];
	[bflag:$0x3] =	sbarrier.arrive $0xFFFF;
	s2 =	simm.s32 @!p0 $0x1C01  }
0x6e: {  	[timem:s3], [sflag:s2] =	dma.local @!p0 [hbm:s0], s1  }
0x6f: {  	s0 =	simm.s32 @!p0 $0x1  }
0x70: {  	_ =	swait.ge @!p0 [sflag:s0], s1  }
0x71: {  	s1 =	ssub.s32 @!p0 $0x0, s1;
	[sflag:s0] =	ssyncset.done @!p0 $0x0  }
0x72: {  	[sflag:s0] =	ssyncadd.s32 @!p0 s1  }
0x73: {  	[bflag:$0x3] =	sbarrier.arrive $0xFFFF  }
0x74: {  	_ =	shalt  }

// kernel: kernel.22.cloned.1.call-start
scs
__scs_entry_jumppad:
0x0: {  	(pc) =	sbr.rel $0x88, $3  }
0x1: {  	(tag) =	ssettag $0x0;
	lr =	simm.s32 $0x1  }
0x2: {  	[smem:$0x3F8B] =	sst lr;
	_ =	strace $0xD0000000  }
0x3: {  	_ = 	snop  }
0x4: {  	_ = 	snop  }
0x5: {  	_ = 	snop  }
0x6: {  	_ = 	snop  }
0x7: {  	_ = 	snop  }
__scs_overlays_trampoline_lowered:
0x8: {  	[smem:$0x3F9A] =	sst s0  }
0x9: {  	[smem:$0x3F9B] =	sst s1  }
0xa: {  	[smem:$0x3F9C] =	sst s2  }
0xb: {  	[smem:$0x3F9D] =	sst s3  }
0xc: {  	[smem:$0x3F9E] =	sst s4  }
0xd: {  	[smem:$0x3F9F] =	sst s5  }
0xe: {  	[smem:$0x3FA0] =	sst s6  }
0xf: {  	[smem:$0x3FA1] =	sst s7  }
0x10: {  	[smem:$0x3FA2] =	sst s8  }
0x11: {  	[smem:$0x3FA3] =	sst s9;
	s0 =	simm.s32 @!p0 $0x0  }
0x12: {  	s1 =	sld [smem:$0x3F89];
	s0 =	simm.s32 @p0 $0x1  }
0x13: {  	[smem:$0x3FA4] =	sst s0;
	s0 =	simm.s32 @!p1 $0x0  }
0x14: {  	s2 =	sld [smem:$0x3F88];
	s0 =	simm.s32 @p1 $0x1  }
0x15: {  	[smem:$0x3FA5] =	sst s0;
	s0 =	simm.s32 @!p2 $0x0  }
0x16: {  	s3 =	sld [smem:$0x3FDB];
	s0 =	simm.s32 @p2 $0x1  }
0x17: {  	s4 =	simm.s32 $0x1BF5;
	[smem:$0x3FA7] =	sst s0  }
0x18: {  	s0 =	sld [smem:$0x3F8A];
	_ =	swait.ge [sflag:s4], $0x0  }
0x19: {  	s7 =	sld [smem:$0x3F8B]  }
0x1a: {  	s8 =	sadd.s32 $0xFFFFE003, lr  }
0x1b: {  	s9 =	sadd.s32 $0xFFFFFEF7, lr;
	s5 =	simm.s32 $0xFFFFFFFF;
	p2 =	slt.u32 s8, $0xFFFFF086  }
0x1c: {  	p1 =	slt.u32 s9, $0xF7A;
	s5 =	simm.s32 @!p2 $0x0  }
0x1d: {  	s5 =	simm.s32 @p1 $0x1;
	p0 =	seq.s32 s7, s2  }
0x1e: {  	s7 =	smul.u32 @!p0 $0xF7A, s2;
	p2 =	seq.s32 @!p0 s5, $0x0  }
0x1f: {  	s9 =	smul.u32 $0xF7A, s1;
	s8 =	simm.s32 @!p0 $0x1BF5;
	p2 =	por !p2, p0  }
0x20: {  	[sflag:s8] =	ssyncset.s32 @!p0 $0xFFFFF086;
	s6 =	sadd.s32 @!p0 s3, s7;
	s7 =	simm.s32 @!p0 $0x108  }
0x21: {  	s3 =	sadd.s32 s3, s9;
	s6 =	sadd.s32 @!p0 $0x88, s6;
	s7 =	simm.s32 @p2 $0x1082  }
0x22: {  	[simem:s7], [sflag:s8] =	dma.local @!p0 [hbm:s6], $0xF7A  }
0x23: {  	s9 =	sor.u32 $0xD0000000, s2;
	s6 =	simm.s32 $0x108;
	_ =	swait.ge @!p0 [sflag:s8], $0x0  }
0x24: {  	s3 =	sadd.s32 $0x88, s3;
	s6 =	simm.s32 @!p1 $0x1082;
	[sflag:s4] =	ssyncset.s32 $0xFFFFF086  }
0x25: {  	[simem:s6], [sflag:s4] =	dma.local [hbm:s3], $0xF7A  }
0x26: {  	[smem:$0x3F8B] =	sst s1;
	(tag) =	ssettag s2;
	_ =	strace s9  }
0x27: {  	s1 =	sld [smem:$0x3F9B]  }
0x28: {  	s2 =	sld [smem:$0x3F9C]  }
0x29: {  	s4 =	sld [smem:$0x3F9E]  }
0x2a: {  	p0 =	seq.s32 s5, $0x0;
	s5 =	sld [smem:$0x3F9F]  }
0x2b: {  	s6 =	sld [smem:$0x3FA0]  }
0x2c: {  	s7 =	sld [smem:$0x3FA1]  }
0x2d: {  	s3 =	simm.s32 $0x108;
	s8 =	sld [smem:$0x3FA2]  }
0x2e: {  	s3 =	simm.s32 @!p0 $0x1082;
	s9 =	sld [smem:$0x3FA3]  }
0x2f: {  	lr =	sadd.s32 s0, s3;
	s0 =	sld [smem:$0x3F9A]  }
0x30: {  	s3 =	sld [smem:$0x3F9D]  }
0x31: {  	[smem:$0x3FA6] =	sst s10  }
0x32: {  	s10 =	sld [smem:$0x3FA4];
	_ =	sdelay $0x3  }
0x33: {  	p0 =	seq.s32 s10, $0x1;
	s10 =	sld [smem:$0x3FA6];
	_ =	sdelay $0x3  }
0x34: {  	[smem:$0x3FA6] =	sst s10  }
0x35: {  	s10 =	sld [smem:$0x3FA5];
	_ =	sdelay $0x3  }
0x36: {  	p1 =	seq.s32 s10, $0x1;
	s10 =	sld [smem:$0x3FA6];
	_ =	sdelay $0x3  }
0x37: {  	[smem:$0x3FA6] =	sst s10  }
0x38: {  	s10 =	sld [smem:$0x3FA7]  }
0x39: {  	_ = 	snop;
	(pc) =	sbr.ind lr, $3  }
0x3a: {  	_ = 	snop  }
0x3b: {  	_ = 	snop  }
0x3c: {  	p2 =	seq.s32 s10, $0x1;
	s10 =	sld [smem:$0x3FA6]  }
0x3d: {  	_ =	shalt  }
0x3e: {  	_ =	shalt  }
0x3f: {  	_ =	shalt  }
0x40: {  	_ =	shalt  }
0x41: {  	_ =	shalt  }
0x42: {  	_ =	shalt  }
0x43: {  	_ =	shalt  }
0x44: {  	_ =	shalt  }
0x45: {  	_ =	shalt  }
0x46: {  	_ =	shalt  }
0x47: {  	_ =	shalt  }
0x48: {  	_ =	shalt  }
0x49: {  	_ =	shalt  }
0x4a: {  	_ =	shalt  }
0x4b: {  	_ =	shalt  }
0x4c: {  	_ =	shalt  }
0x4d: {  	_ =	shalt  }
0x4e: {  	_ =	shalt  }
0x4f: {  	_ =	shalt  }
0x50: {  	_ =	shalt  }
0x51: {  	_ =	shalt  }
0x52: {  	_ =	shalt  }
0x53: {  	_ =	shalt  }
0x54: {  	_ =	shalt  }
0x55: {  	_ =	shalt  }
0x56: {  	_ =	shalt  }
0x57: {  	_ =	shalt  }
0x58: {  	_ =	shalt  }
0x59: {  	_ =	shalt  }
0x5a: {  	_ =	shalt  }
0x5b: {  	_ =	shalt  }
0x5c: {  	_ =	shalt  }
0x5d: {  	_ =	shalt  }
0x5e: {  	_ =	shalt  }
0x5f: {  	_ =	shalt  }
0x60: {  	_ =	shalt  }
0x61: {  	_ =	shalt  }
0x62: {  	_ =	shalt  }
0x63: {  	_ =	shalt  }
0x64: {  	_ =	shalt  }
0x65: {  	_ =	shalt  }
0x66: {  	_ =	shalt  }
0x67: {  	_ =	shalt  }
0x68: {  	_ =	shalt  }
0x69: {  	_ =	shalt  }
0x6a: {  	_ =	shalt  }
0x6b: {  	_ =	shalt  }
0x6c: {  	_ =	shalt  }
0x6d: {  	_ =	shalt  }
0x6e: {  	_ =	shalt  }
0x6f: {  	_ =	shalt  }
0x70: {  	_ =	shalt  }
0x71: {  	_ =	shalt  }
0x72: {  	_ =	shalt  }
0x73: {  	_ =	shalt  }
0x74: {  	_ =	shalt  }
0x75: {  	_ =	shalt  }
0x76: {  	_ =	shalt  }
0x77: {  	_ =	shalt  }
0x78: {  	_ =	shalt  }
0x79: {  	_ =	shalt  }
0x7a: {  	_ =	shalt  }
0x7b: {  	_ =	shalt  }
0x7c: {  	_ =	shalt  }
0x7d: {  	_ =	shalt  }
0x7e: {  	_ =	shalt  }
0x7f: {  	_ =	shalt  }
0x80: {  	_ =	shalt  }
0x81: {  	_ =	shalt  }
0x82: {  	_ =	shalt  }
0x83: {  	_ =	shalt  }
0x84: {  	_ =	shalt  }
0x85: {  	_ =	shalt  }
0x86: {  	_ =	shalt  }
0x87: {  	_ =	shalt  }
.Lfunc_end0:
.L_simem_size_0:
called_computation.2_lowered:
.L_overlay_start_0:
0x88: {  	s2 =	sld [smem:$0x3FD9]  }
0x89: {  	s3 =	sld [smem:$0x3FFE];
	_ =	sdelay $0x1  }
0x8a: {  	s1 =	srdreg.scid  }
0x8b: {  	s0 =	sand.u32 $0x1, s1  }
0x8c: {  	s14 =	sshll.u32 s0, $0xA;
	s2 =	sadd.s32 s3, s2  }
0x8d: {  	s2 =	sadd.s32 s2, s14  }
0x8e: {  	[smem:$0x3FB2] =	sst s2  }
0x8f: {  	_ = 	snop  }
0x90: {  	s2 =	sld [smem:$0x3FD0];
	_ =	sdelay $0x2  }
0x91: {  	s15 =	simm.s32 $0xA;
	s4 =	simm.s32 $0x10  }
0x92: {  	[smem:s4], [sflag:s15] =	dma.local [hbm:s2], $0x1  }
0x93: {  	_ =	swait.eq [sflag:s15], $0x1  }
0x94: {  	[sflag:s15] =	ssyncset.done $0x0  }
0x95: {  	[sflag:s15] =	ssyncadd.s32 $0xFFFFFFFF  }
0x96: {  	s16 =	sld [smem:$0x11];
	(tm) =	ssettm $0x1  }
0x97: {  	s17 =	sld [smem:$0x3FFB];
	_ =	sdelay $0x3  }
0x98: {  	_ =	strace s17  }
0x99: {  	s3 =	sld [smem:$0x3FFC];
	_ =	sdelay $0x3  }
0x9a: {  	_ =	strace s3  }
0x9b: {  	s3 =	sld [smem:$0x3FFD];
	_ =	sdelay $0x3  }
0x9c: {  	_ =	strace s3  }
0x9d: {  	_ =	strace $0x8FFFFFFF  }
0x9e: {  	s18 =	sld [smem:$0x3FDB];
	_ =	sdelay $0x1  }
0x9f: {  	s19 =	simm.s32 $_scs_section_size  }
0xa0: {  	s5 =	simm.s32 $_size__tile_overlayer_lowered;
	s6 =	simm.s32 $_tile_overlayer_lowered  }
0xa1: {  	s22 =	simm.s32 $0x1BFF;
	s21 =	sshll.u32 s6, $0x1;
	s3 =	sadd.s32 s19, s18  }
0xa2: {  	s7 =	simm.s32 $0x0;
	s20 =	sshll.u32 s5, $0x1;
	s5 =	sadd.s32 s21, s3  }
0xa3: {  	[timem:s7], [sflag:s22] =	dma.local [hbm:s5], s20  }
0xa4: {  	_ =	swait.ge [sflag:s22], s20  }
0xa5: {  	s4 =	ssub.s32 $0x0, s20;
	[sflag:s22] =	ssyncset.done $0x0  }
0xa6: {  	[sflag:s22] =	ssyncadd.s32 s4;
	_ =	sdelay $0x1  }
0xa7: {  	s23 =	simm.s32 $0x1B8B  }
0xa8: {  	_ =	swait.ge [sflag:s23], $0x1  }
0xa9: {  	[sflag:s23] =	ssyncset.done $0x0  }
0xaa: {  	s25 =	simm.s32 $0x1B8E;
	s24 =	sld [smem:$0x3FFE];
	[sflag:s23] =	ssyncadd.s32 $0xFFFFFFFF  }
0xab: {  	s26 =	simm.s32 $execute0_lowered;
	[smem:$0x3FD2] =	sst s25  }
0xac: {  	s5 =	sshll.u32 s26, $0x1;
	_ =	strace $0x8000004C;
	[dreg:$0x1] =	wrdreg $0xFFFFFFFF  }
0xad: {  	s28 =	simm.s32 $_size_execute0_lowered;
	s3 =	sadd.s32 s3, s5;
	[dreg:$0x0] =	wrdreg $0x0  }
0xae: {  	s5 =	sshll.u32 s28, $0x1;
	[dreg:$0x2] =	wrdreg s3  }
0xaf: {  	[dreg:$0x3] =	wrdreg s5  }
0xb0: {  	[dreg:$0x4] =	wrdreg $0xC0  }
0xb1: {  	_ =	task [dreg:s7], $0x5FFFF  }
0xb2: {  	[dreg:$0x1] =	wrdreg $0xFFFFFFFF  }
0xb3: {  	[dreg:$0x0] =	wrdreg $0x60  }
0xb4: {  	[dreg:$0x2] =	wrdreg s24  }
0xb5: {  	[dreg:$0x3] =	wrdreg s16  }
0xb6: {  	[dreg:$0x4] =	wrdreg $0x9  }
0xb7: {  	_ =	task.clear_ibuf [dreg:s7], $0x5FFFF;
	_ =	strace $0x9000004C  }
0xb8: {  	s29 =	simm.s32 $0x9;
	_ =	strace $0x8000004E  }
0xb9: {  	_ =	swait.ge [sflag:s29], $0x1  }
0xba: {  	[sflag:s29] =	ssyncadd.s32 $0xFFFFFFFF  }
0xbb: {  	_ =	strace $0x9000004E  }
0xbc: {  	_ =	sfence  }
0xbd: {  	s30 =	sld [smem:$0x0];
	_ =	sdelay $0x2  }
0xbe: {  	s31 =	sshll.u32 s1, $0xD;
	s1 =	sshrl.u32 s1, $0x2  }
0xbf: {  	s3 =	sand.u32 $0x4000, s31;
	s1 =	sadd.s32 s1, s30  }
0xc0: {  	s0 =	sor.u32 s3, s0;
	s1 =	sshll.u32 s1, $0x11  }
0xc1: {  	s0 =	sor.u32 s1, s0  }
0xc2: {  	s0 =	sadd.s32 $0x8F2B, s0  }
0xc3: {  	[sflag:s0] =	ssyncadd.remote.s32 $0x1  }
0xc4: {  	_ =	sfence.sel $0xFFFF  }
0xc5: {  	[dreg:$0x0] =	wrdreg $0xFFFFFFFF;
	(pc) =	sbr.abs _section_cstart, $3  }
0xc6: {  	[dreg:$0x1] =	wrdreg $0xFFFFFFFF  }
0xc7: {  	_ =	task.clear_ibuf [dreg:s7], $0x2FFFF;
	_ =	strace $0x9FFFFFFF  }
0xc8: {  	(tm) =	ssettm $0x7FFFFFFF  }
0xc9: {  	_ =	shalt  }
tec
execute0_lowered:
.L_overlay_start_1:
0x0: {  	(tag) =	ssettag $0x1  }
0x1: {  	s7 =	rddreg [dreg:$0x0]  }
0x2: {  	s1 =	rddreg [dreg:$0x1]  }
0x3: {  	s0 =	rddreg [dreg:$0x2];
	s2 =	simm.s32 $0x0;
	s3 =	srdreg.scid  }
0x4: {  	s8 =	simm.s32 $0x4F;
	s13 =	simm.s32 $0x80;
	s14 =	simm.s32 $0x13980  }
0x5: {  	s15 =	simm.s32 $0x17980;
	s16 =	simm.s32 $0x1;
	s17 =	simm.s32 $0x2  }
0x6: {  	s18 =	simm.s32 $0x0;
	[smem:$0x7FF] =	sst s2;
	s4 =	sadd.s32 $0x598000, s7  }
0x7: {  	s5 =	sadd.s32 $0x5E6400, s7;
	s9 =	sand.u32 $0x1, s3;
	s6 =	sadd.s32 $0xC800, s7  }
.Ltmp0:
0x8: {  	s3 =	stileid.u32;
	s7 =	sadd.s32 $0x3E200, s7;
	(pc) =	sbr.rel .LBB2_1-.Ltmp0, $4  }
0x9: {  	_ =	strace $0x8000004D;
	s10 =	ssub.s32 $0x2, s9;
	p0 =	slt.u32 s3, $0x2  }
0xa: {  	s12 =	sshll.u32 s3, $0x8;
	s9 =	sshll.u32 s9, $0x7;
	s11 =	sshrl.u32 s10, $0x1  }
0xb: {  	v0 =	vlaneseq.u32;
	s8 =	simm.s32 @!p0 $0x4E;
	s9 =	sor.u32 s9, s12;
	s10 =	ssub.s32 s10, s11  }
0xc: {  	v0 =	vmul.u32 $0x80, v0;
	s12 =	simm.s32 $0x4;
	s11 =	simm.s32 $0x3;
	s10 =	smax.u32 s10, $0x1  }
.LBB2_9:
0xd: {  	s18 =	sadd.s32 $0x1, s18  }
0xe: {  	p0 =	sne.s32 s18, s10  }
.Ltmp1:
0xf: {  	_ = 	snop;
	(pc) =	sbr.rel @!p0 .LBB2_10-.Ltmp1, $1  }
0x10: {  	_ =	sdelay $0x3  }
.LBB2_1:
.Ltmp2:
0x11: {  	(pc) =	sbr.rel .LBB2_2-.Ltmp2, $4  }
0x12: {  	[tilespmem:s2], [sflag:$0x3] =	stream.linear.gather [hbm4b:s5+s2], $0x13880, $0x38;
	[tilespmem:$0x1B980] =	vst v63  }
0x13: {  	_ =	swait.ge [sflag:s11], $0x13880  }
0x14: {  	[sflag:s11] =	ssyncset.done $0x0  }
0x15: {  	s19 =	simm.s32 $0x0;
	[sflag:s11] =	ssyncadd.s32 $0xFFFEC780  }
.LBB2_8:
0x16: {  	s19 =	sadd.s32 $0x1, s19  }
0x17: {  	p0 =	sne.s32 s19, $0x4F  }
.Ltmp3:
0x18: {  	_ = 	snop;
	(pc) =	sbr.rel @!p0 .LBB2_9-.Ltmp3, $1  }
0x19: {  	_ =	sdelay $0x3  }
.LBB2_2:
0x1a: {  	p0 =	sge.u32 s19, s8  }
.Ltmp4:
0x1b: {  	_ = 	snop;
	(pc) =	sbr.rel @p0 .LBB2_8-.Ltmp4, $1  }
0x1c: {  	_ =	sdelay $0x3  }
0x1d: {  	s20 =	sshll.u32 s19, $0xC  }
0x1e: {  	s20 =	sor.u32 s9, s20  }
0x1f: {  	s22 =	sshrl.u32 s20, $0x3  }
0x20: {  	s21 =	simm.s32 $0x0;
	s24 =	simm.s32 $0x13880;
	s23 =	sadd.s32 s6, s22  }
0x21: {  	[tilespmem:s24], [sflag:$0x4] =	stream.linear.gather [hbm4b:s23+s21], $0x80, $0x38;
	[tilespmem:$0x1B980] =	vst v63  }
0x22: {  	_ =	swait.ge [sflag:s12], $0x80  }
0x23: {  	[sflag:s12] =	ssyncset.done $0x0  }
0x24: {  	s30 =	simm.s32 $0x13900;
	s22 =	sadd.s32 s1, s22;
	[sflag:s12] =	ssyncadd.s32 $0xFFFFFF80  }
0x25: {  	[tilespmem:s30], [sflag:$0x4] =	stream.linear.gather [hbm4b:s22+s21], $0x80, $0x38;
	[tilespmem:$0x1B980] =	vst v63  }
0x26: {  	_ =	swait.ge [sflag:s12], $0x80  }
0x27: {  	[sflag:s12] =	ssyncset.done $0x0  }
0x28: {  	[sflag:s12] =	ssyncadd.s32 $0xFFFFFF80  }
0x29: {  	[tilespmem:s14], [sflag:$0x1] =	stream.indirect.gather [hbm4b:s4+s13], $0x80, s24, s13, $0xb8;
	[tilespmem:$0x1B980] =	vst v63  }
0x2a: {  	_ = 	snop  }
0x2b: {  	[tilespmem:s15], [sflag:$0x2] =	stream.indirect.gather [hbm4b:s4+s13], $0x80, s30, s13, $0xb8;
	[tilespmem:$0x1B980] =	vst v63  }
0x2c: {  	_ =	swait.ge [sflag:s16], $0x4000  }
0x2d: {  	[sflag:s16] =	ssyncset.done $0x0  }
0x2e: {  	[sflag:s16] =	ssyncadd.s32 $0xFFFFC000  }
0x2f: {  	_ =	swait.ge [sflag:s17], $0x4000  }
0x30: {  	[sflag:s17] =	ssyncset.done $0x0  }
0x31: {  	[sflag:s17] =	ssyncadd.s32 $0xFFFFC000  }
0x32: {  	v1 =	vld [tilespmem:s30+$0x0]  }
0x33: {  	v2 =	vld [tilespmem:s24+$0x0];
	_ =	sdelay $0x3  }
0x34: {  	v1 =	vshll.u32 v1, $0x3  }
0x35: {  	v2 =	vshll.u32 v2, $0x3  }
0x36: {  	v3 =	vor.u32 $0x1, v1  }
0x37: {  	v4 =	vor.u32 $0x1, v2  }
0x38: {  	v6 =	vor.u32 $0x2, v1  }
0x39: {  	s31 =	simm.s32 $0x10;
	v5 =	vmov s21;
	v14 =	vor.u32 $0x2, v2;
	v9 =	vld.idx.msk [tilespmem:v1+s21+$0x0], $0xffff  }
0x3a: {  	v1 =	vshll.u32 v5, $0x7;
	v5 =	vmov s31;
	v11 =	vld.idx.msk [tilespmem:v2+s21+$0x0], $0xffff  }
0x3b: {  	v10 =	vld.idx.msk [tilespmem:v3+s21+$0x0], $0xffff;
	v7 =	vor.u32 v0, v1;
	v3 =	vshll.u32 v5, $0x7  }
0x3c: {  	v12 =	vld.idx.msk [tilespmem:v4+s21+$0x0], $0xffff;
	v1 =	vor.u32 $0x40, v7;
	v2 =	vor.u32 $0x41, v7;
	v8 =	vor.u32 v0, v3  }
0x3d: {  	s25 =	simm.s32 $0x13910;
	s26 =	simm.s32 $0x20;
	v13 =	vld.idx.msk [tilespmem:v6+s21+$0x0], $0xffff;
	v3 =	vor.u32 $0x42, v7;
	v4 =	vor.u32 $0x43, v7;
	v5 =	vor.u32 $0x40, v8  }
0x3e: {  	s23 =	simm.s32 $0x13890;
	s22 =	simm.s32 $0x13910;
	s24 =	simm.s32 $0x13890;
	v14 =	vld.idx.msk [tilespmem:v14+s21+$0x0], $0xffff;
	v6 =	vor.u32 $0x41, v8;
	v7 =	vor.u32 $0x42, v8;
	v8 =	vor.u32 $0x43, v8  }
.LBB2_4:
0x3f: {  	_ = 	snop  }
0x40: {  	p0 =	sne.s32 s26, $0x70;
	s24 =	sadd.s32 $0x10, s24;
	s25 =	sadd.s32 $0x10, s25  }
0x41: {  	s28 =	smov.u32 s26;
	s26 =	sadd.s32 $0x10, s26;
	v9 =	vsub.f32 v11, v9;
	v10 =	vsub.f32 v12, v10;
	_ =	sdelay $0x1  }
0x42: {  	v12 =	vmul.f32 v9, v9;
	v11 =	vsub.f32 v14, v13;
	v13 =	vmul.f32 v10, v10;
	_ =	sdelay $0x1  }
0x43: {  	v12 =	vadd.f32 v13, v12;
	v13 =	vmul.f32 v11, v11;
	_ =	sdelay $0x1  }
0x44: {  	v12 =	vadd.f32 v13, v12;
	_ =	sdelay $0x1  }
0x45: {  	[tilespmem:v1+s14+$0x0] =	vst.idx.msk $0xffff, v12;
	v1 =	vmov v5  }
0x46: {  	[tilespmem:v2+s14+$0x0] =	vst.idx.msk $0xffff, v9;
	v2 =	vmov v6  }
0x47: {  	[tilespmem:v3+s14+$0x0] =	vst.idx.msk $0xffff, v10;
	v3 =	vmov v7  }
0x48: {  	[tilespmem:v4+s14+$0x0] =	vst.idx.msk $0xffff, v11;
	v4 =	vmov v8  }
0x49: {  	v5 =	vld [tilespmem:s22+$0x0];
	s22 =	smov.u32 s25  }
0x4a: {  	v6 =	vld [tilespmem:s23+$0x0];
	s23 =	smov.u32 s24;
	_ =	sdelay $0x3  }
0x4b: {  	v5 =	vshll.u32 v5, $0x3  }
0x4c: {  	v7 =	vshll.u32 v6, $0x3;
	v6 =	vor.u32 $0x1, v5;
	v13 =	vor.u32 $0x2, v5  }
0x4d: {  	v8 =	vmov s28;
	v12 =	vor.u32 $0x1, v7;
	v14 =	vor.u32 $0x2, v7  }
0x4e: {  	v8 =	vshll.u32 v8, $0x7;
	_ =	sdelay $0x1  }
0x4f: {  	v8 =	vor.u32 v0, v8;
	v9 =	vld.idx.msk [tilespmem:v5+s21+$0x0], $0xffff  }
.Ltmp5:
0x50: {  	v5 =	vor.u32 $0x40, v8;
	v10 =	vld.idx.msk [tilespmem:v6+s21+$0x0], $0xffff;
	(pc) =	sbr.rel @p0 .LBB2_4-.Ltmp5, $4  }
0x51: {  	v6 =	vor.u32 $0x41, v8;
	v11 =	vld.idx.msk [tilespmem:v7+s21+$0x0], $0xffff  }
0x52: {  	v7 =	vor.u32 $0x42, v8;
	v12 =	vld.idx.msk [tilespmem:v12+s21+$0x0], $0xffff  }
0x53: {  	v8 =	vor.u32 $0x43, v8;
	v13 =	vld.idx.msk [tilespmem:v13+s21+$0x0], $0xffff  }
0x54: {  	v14 =	vld.idx.msk [tilespmem:v14+s21+$0x0], $0xffff  }
0x55: {  	_ =	sdelay $0x1  }
0x56: {  	v9 =	vsub.f32 v11, v9;
	v10 =	vsub.f32 v12, v10;
	_ =	sdelay $0x1  }
0x57: {  	v57 =	vmul.f32 v9, v9;
	v56 =	vsub.f32 v14, v13;
	v58 =	vmul.f32 v10, v10;
	_ =	sdelay $0x1  }
0x58: {  	v12 =	vadd.f32 v58, v57;
	v59 =	vmul.f32 v56, v56;
	_ =	sdelay $0x1  }
0x59: {  	v12 =	vadd.f32 v59, v12;
	_ =	sdelay $0x1  }
0x5a: {  	[tilespmem:v1+s14+$0x0] =	vst.idx.msk $0xffff, v12  }
0x5b: {  	[tilespmem:v2+s14+$0x0] =	vst.idx.msk $0xffff, v9  }
0x5c: {  	[tilespmem:v3+s14+$0x0] =	vst.idx.msk $0xffff, v10  }
0x5d: {  	[tilespmem:v4+s14+$0x0] =	vst.idx.msk $0xffff, v56  }
0x5e: {  	v1 =	vld [tilespmem:s22+$0x0]  }
0x5f: {  	v2 =	vld [tilespmem:s23+$0x0];
	_ =	sdelay $0x3  }
0x60: {  	v1 =	vshll.u32 v1, $0x3  }
0x61: {  	v2 =	vshll.u32 v2, $0x3  }
0x62: {  	v3 =	vor.u32 $0x1, v1  }
0x63: {  	v4 =	vor.u32 $0x1, v2  }
0x64: {  	v60 =	vor.u32 $0x2, v1  }
0x65: {  	v61 =	vor.u32 $0x2, v2;
	v1 =	vld.idx.msk [tilespmem:v1+s21+$0x0], $0xffff  }
0x66: {  	v2 =	vld.idx.msk [tilespmem:v2+s21+$0x0], $0xffff  }
0x67: {  	v3 =	vld.idx.msk [tilespmem:v3+s21+$0x0], $0xffff  }
0x68: {  	v4 =	vld.idx.msk [tilespmem:v4+s21+$0x0], $0xffff  }
0x69: {  	v9 =	vld.idx.msk [tilespmem:v60+s21+$0x0], $0xffff  }
0x6a: {  	v10 =	vld.idx.msk [tilespmem:v61+s21+$0x0], $0xffff;
	_ =	sdelay $0x2  }
0x6b: {  	v1 =	vsub.f32 v2, v1;
	v2 =	vsub.f32 v4, v3;
	_ =	sdelay $0x1  }
0x6c: {  	v3 =	vsub.f32 v10, v9;
	v4 =	vmul.f32 v1, v1;
	v62 =	vmul.f32 v2, v2;
	_ =	sdelay $0x1  }
0x6d: {  	v63 =	vmul.f32 v3, v3;
	v4 =	vadd.f32 v62, v4;
	_ =	sdelay $0x1  }
0x6e: {  	v4 =	vadd.f32 v63, v4;
	_ =	sdelay $0x1  }
0x6f: {  	[tilespmem:v5+s14+$0x0] =	vst.idx.msk $0xffff, v4  }
0x70: {  	[tilespmem:v6+s14+$0x0] =	vst.idx.msk $0xffff, v1  }
0x71: {  	[tilespmem:v7+s14+$0x0] =	vst.idx.msk $0xffff, v2  }
0x72: {  	s21 =	simm.s32 $0x0;
	[tilespmem:v8+s14+$0x0] =	vst.idx.msk $0xffff, v3  }
0x73: {  	v6 =	vld [tilespmem:s21+$0x179C0]  }
0x74: {  	v7 =	vld [tilespmem:s21+$0x179D0]  }
0x75: {  	v2 =	vld [tilespmem:s21+$0x179E0]  }
0x76: {  	v1 =	vld [tilespmem:s21+$0x179F0]  }
0x77: {  	v3 =	vld [tilespmem:s21+$0x13980]  }
0x78: {  	v5 =	vld [tilespmem:s21+$0x13990]  }
0x79: {  	s22 =	simm.s32 $0x200;
	v4 =	vld [tilespmem:s21+$0x139A0]  }
.LBB2_6:
0x7a: {  	s23 =	sshra.s32 s22, $0x2;
	p0 =	sne.s32 s22, $0xFE00;
	v8 =	vld [tilespmem:s21+$0x139B0];
	v9 =	vmov v2  }
0x7b: {  	v10 =	vld [tilespmem:s23+$0x179C0];
	v11 =	vmov v1  }
0x7c: {  	v12 =	vld [tilespmem:s23+$0x179D0];
	v3 =	vadd.f32 v6, v3  }
.Ltmp6:
0x7d: {  	v2 =	vld [tilespmem:s23+$0x179E0];
	v5 =	vadd.f32 v7, v5;
	(pc) =	sbr.rel @p0 .LBB2_6-.Ltmp6, $4  }
0x7e: {  	v1 =	vld [tilespmem:s23+$0x179F0];
	[tilespmem:s21+$0x13980] =	vst v3;
	v4 =	vadd.f32 v9, v4  }
0x7f: {  	v3 =	vld [tilespmem:s23+$0x13980];
	[tilespmem:s21+$0x13990] =	vst v5;
	v8 =	vadd.f32 v11, v8  }
0x80: {  	v5 =	vld [tilespmem:s23+$0x13990];
	[tilespmem:s21+$0x139A0] =	vst v4;
	v6 =	vmov v10  }
0x81: {  	s22 =	sadd.s32 $0x200, s22;
	v4 =	vld [tilespmem:s23+$0x139A0];
	[tilespmem:s21+$0x139B0] =	vst v8;
	v7 =	vmov v12;
	s21 =	smov.u32 s23  }
0x82: {  	v8 =	vld [tilespmem:s21+$0x139B0];
	_ =	sdelay $0x1  }
0x83: {  	v3 =	vadd.f32 v6, v3  }
0x84: {  	v5 =	vadd.f32 v7, v5  }
0x85: {  	[tilespmem:s21+$0x13980] =	vst v3;
	v2 =	vadd.f32 v2, v4  }
0x86: {  	[tilespmem:s21+$0x13990] =	vst v5;
	v1 =	vadd.f32 v1, v8  }
0x87: {  	s20 =	sshll.u32 s20, $0x4;
	[tilespmem:s21+$0x139A0] =	vst v2  }
.Ltmp7:
0x88: {  	s20 =	sadd.s32 s7, s20;
	[tilespmem:s21+$0x139B0] =	vst v1;
	(pc) =	sbr.rel .LBB2_8-.Ltmp7, $4  }
0x89: {  	[hbm4b:s20+s2] =	stream.linear.scatter [tilespmem:s14], [sflag:$0x3], $0x4000, $0x38;
	[tilespmem:$0x1B980] =	vst v63  }
0x8a: {  	_ =	swait.ge [sflag:s11], $0x4000  }
0x8b: {  	[sflag:s11] =	ssyncset.done $0x0  }
0x8c: {  	[sflag:s11] =	ssyncadd.s32 $0xFFFFC000  }
.LBB2_10:
0x8d: {  	_ =	sfence.sel $0x180000  }
0x8e: {  	[bflag:$0x0] =	sbarrier.arrive $0xFFFF  }
0x8f: {  	p0 =	sne.s32 s3, $0x0;
	_ =	strace $0x9000004D  }
0x90: {  	s0 =	sadd.s32 @!p0 $0x100000, s0;
	[bflag:$0x2] =	sbarrier.arrive $0xFFFF  }
0x91: {  	[sflag:s0] =	ssyncadd.tile.s32 @!p0 $0x1;
	_ =	shalt  }
.Lfunc_end2:
_tile_overlayer_lowered:
.L_overlay_start_2:
0x92: {  	(tag) =	ssettag $0x2  }
0x93: {  	s0 =	rddreg [dreg:$0x0];
	s2 =	stileid.u32  }
0x94: {  	s1 =	rddreg [dreg:$0x1];
	p0 =	sne.s32 s2, $0x0  }
0x95: {  	s3 =	rddreg [dreg:$0x2];
	[bflag:$0x3] =	sbarrier.arrive $0xFFFF;
	s2 =	simm.s32 @!p0 $0x1C03  }
0x96: {  	[timem:s3], [sflag:s2] =	dma.local @!p0 [hbm:s0], s1  }
0x97: {  	s0 =	simm.s32 @!p0 $0x3  }
0x98: {  	_ =	swait.ge @!p0 [sflag:s0], s1  }
0x99: {  	s1 =	ssub.s32 @!p0 $0x0, s1;
	[sflag:s0] =	ssyncset.done @!p0 $0x0  }
0x9a: {  	[sflag:s0] =	ssyncadd.s32 @!p0 s1  }
0x9b: {  	[bflag:$0x3] =	sbarrier.arrive $0xFFFF  }
0x9c: {  	_ =	shalt  }

// kernel: kernel.25.cloned.1.call-start
scs
__scs_entry_jumppad:
0x0: {  	(pc) =	sbr.rel $0x88, $3  }
0x1: {  	(tag) =	ssettag $0x0;
	lr =	simm.s32 $0x1  }
0x2: {  	[smem:$0x3F8B] =	sst lr;
	_ =	strace $0xD0000000  }
0x3: {  	_ = 	snop  }
0x4: {  	_ = 	snop  }
0x5: {  	_ = 	snop  }
0x6: {  	_ = 	snop  }
0x7: {  	_ = 	snop  }
__scs_overlays_trampoline_lowered:
0x8: {  	[smem:$0x3F9A] =	sst s0  }
0x9: {  	[smem:$0x3F9B] =	sst s1  }
0xa: {  	[smem:$0x3F9C] =	sst s2  }
0xb: {  	[smem:$0x3F9D] =	sst s3  }
0xc: {  	[smem:$0x3F9E] =	sst s4  }
0xd: {  	[smem:$0x3F9F] =	sst s5  }
0xe: {  	[smem:$0x3FA0] =	sst s6  }
0xf: {  	[smem:$0x3FA1] =	sst s7  }
0x10: {  	[smem:$0x3FA2] =	sst s8  }
0x11: {  	[smem:$0x3FA3] =	sst s9;
	s0 =	simm.s32 @!p0 $0x0  }
0x12: {  	s1 =	sld [smem:$0x3F89];
	s0 =	simm.s32 @p0 $0x1  }
0x13: {  	[smem:$0x3FA4] =	sst s0;
	s0 =	simm.s32 @!p1 $0x0  }
0x14: {  	s2 =	sld [smem:$0x3F88];
	s0 =	simm.s32 @p1 $0x1  }
0x15: {  	[smem:$0x3FA5] =	sst s0;
	s0 =	simm.s32 @!p2 $0x0  }
0x16: {  	s3 =	sld [smem:$0x3FDB];
	s0 =	simm.s32 @p2 $0x1  }
0x17: {  	s4 =	simm.s32 $0x1BF5;
	[smem:$0x3FA7] =	sst s0  }
0x18: {  	s0 =	sld [smem:$0x3F8A];
	_ =	swait.ge [sflag:s4], $0x0  }
0x19: {  	s7 =	sld [smem:$0x3F8B]  }
0x1a: {  	s8 =	sadd.s32 $0xFFFFE003, lr  }
0x1b: {  	s9 =	sadd.s32 $0xFFFFFEF7, lr;
	s5 =	simm.s32 $0xFFFFFFFF;
	p2 =	slt.u32 s8, $0xFFFFF086  }
0x1c: {  	p1 =	slt.u32 s9, $0xF7A;
	s5 =	simm.s32 @!p2 $0x0  }
0x1d: {  	s5 =	simm.s32 @p1 $0x1;
	p0 =	seq.s32 s7, s2  }
0x1e: {  	s7 =	smul.u32 @!p0 $0xF7A, s2;
	p2 =	seq.s32 @!p0 s5, $0x0  }
0x1f: {  	s9 =	smul.u32 $0xF7A, s1;
	s8 =	simm.s32 @!p0 $0x1BF5;
	p2 =	por !p2, p0  }
0x20: {  	[sflag:s8] =	ssyncset.s32 @!p0 $0xFFFFF086;
	s6 =	sadd.s32 @!p0 s3, s7;
	s7 =	simm.s32 @!p0 $0x108  }
0x21: {  	s3 =	sadd.s32 s3, s9;
	s6 =	sadd.s32 @!p0 $0x88, s6;
	s7 =	simm.s32 @p2 $0x1082  }
0x22: {  	[simem:s7], [sflag:s8] =	dma.local @!p0 [hbm:s6], $0xF7A  }
0x23: {  	s9 =	sor.u32 $0xD0000000, s2;
	s6 =	simm.s32 $0x108;
	_ =	swait.ge @!p0 [sflag:s8], $0x0  }
0x24: {  	s3 =	sadd.s32 $0x88, s3;
	s6 =	simm.s32 @!p1 $0x1082;
	[sflag:s4] =	ssyncset.s32 $0xFFFFF086  }
0x25: {  	[simem:s6], [sflag:s4] =	dma.local [hbm:s3], $0xF7A  }
0x26: {  	[smem:$0x3F8B] =	sst s1;
	(tag) =	ssettag s2;
	_ =	strace s9  }
0x27: {  	s1 =	sld [smem:$0x3F9B]  }
0x28: {  	s2 =	sld [smem:$0x3F9C]  }
0x29: {  	s4 =	sld [smem:$0x3F9E]  }
0x2a: {  	p0 =	seq.s32 s5, $0x0;
	s5 =	sld [smem:$0x3F9F]  }
0x2b: {  	s6 =	sld [smem:$0x3FA0]  }
0x2c: {  	s7 =	sld [smem:$0x3FA1]  }
0x2d: {  	s3 =	simm.s32 $0x108;
	s8 =	sld [smem:$0x3FA2]  }
0x2e: {  	s3 =	simm.s32 @!p0 $0x1082;
	s9 =	sld [smem:$0x3FA3]  }
0x2f: {  	lr =	sadd.s32 s0, s3;
	s0 =	sld [smem:$0x3F9A]  }
0x30: {  	s3 =	sld [smem:$0x3F9D]  }
0x31: {  	[smem:$0x3FA6] =	sst s10  }
0x32: {  	s10 =	sld [smem:$0x3FA4];
	_ =	sdelay $0x3  }
0x33: {  	p0 =	seq.s32 s10, $0x1;
	s10 =	sld [smem:$0x3FA6];
	_ =	sdelay $0x3  }
0x34: {  	[smem:$0x3FA6] =	sst s10  }
0x35: {  	s10 =	sld [smem:$0x3FA5];
	_ =	sdelay $0x3  }
0x36: {  	p1 =	seq.s32 s10, $0x1;
	s10 =	sld [smem:$0x3FA6];
	_ =	sdelay $0x3  }
0x37: {  	[smem:$0x3FA6] =	sst s10  }
0x38: {  	s10 =	sld [smem:$0x3FA7]  }
0x39: {  	_ = 	snop;
	(pc) =	sbr.ind lr, $3  }
0x3a: {  	_ = 	snop  }
0x3b: {  	_ = 	snop  }
0x3c: {  	p2 =	seq.s32 s10, $0x1;
	s10 =	sld [smem:$0x3FA6]  }
0x3d: {  	_ =	shalt  }
0x3e: {  	_ =	shalt  }
0x3f: {  	_ =	shalt  }
0x40: {  	_ =	shalt  }
0x41: {  	_ =	shalt  }
0x42: {  	_ =	shalt  }
0x43: {  	_ =	shalt  }
0x44: {  	_ =	shalt  }
0x45: {  	_ =	shalt  }
0x46: {  	_ =	shalt  }
0x47: {  	_ =	shalt  }
0x48: {  	_ =	shalt  }
0x49: {  	_ =	shalt  }
0x4a: {  	_ =	shalt  }
0x4b: {  	_ =	shalt  }
0x4c: {  	_ =	shalt  }
0x4d: {  	_ =	shalt  }
0x4e: {  	_ =	shalt  }
0x4f: {  	_ =	shalt  }
0x50: {  	_ =	shalt  }
0x51: {  	_ =	shalt  }
0x52: {  	_ =	shalt  }
0x53: {  	_ =	shalt  }
0x54: {  	_ =	shalt  }
0x55: {  	_ =	shalt  }
0x56: {  	_ =	shalt  }
0x57: {  	_ =	shalt  }
0x58: {  	_ =	shalt  }
0x59: {  	_ =	shalt  }
0x5a: {  	_ =	shalt  }
0x5b: {  	_ =	shalt  }
0x5c: {  	_ =	shalt  }
0x5d: {  	_ =	shalt  }
0x5e: {  	_ =	shalt  }
0x5f: {  	_ =	shalt  }
0x60: {  	_ =	shalt  }
0x61: {  	_ =	shalt  }
0x62: {  	_ =	shalt  }
0x63: {  	_ =	shalt  }
0x64: {  	_ =	shalt  }
0x65: {  	_ =	shalt  }
0x66: {  	_ =	shalt  }
0x67: {  	_ =	shalt  }
0x68: {  	_ =	shalt  }
0x69: {  	_ =	shalt  }
0x6a: {  	_ =	shalt  }
0x6b: {  	_ =	shalt  }
0x6c: {  	_ =	shalt  }
0x6d: {  	_ =	shalt  }
0x6e: {  	_ =	shalt  }
0x6f: {  	_ =	shalt  }
0x70: {  	_ =	shalt  }
0x71: {  	_ =	shalt  }
0x72: {  	_ =	shalt  }
0x73: {  	_ =	shalt  }
0x74: {  	_ =	shalt  }
0x75: {  	_ =	shalt  }
0x76: {  	_ =	shalt  }
0x77: {  	_ =	shalt  }
0x78: {  	_ =	shalt  }
0x79: {  	_ =	shalt  }
0x7a: {  	_ =	shalt  }
0x7b: {  	_ =	shalt  }
0x7c: {  	_ =	shalt  }
0x7d: {  	_ =	shalt  }
0x7e: {  	_ =	shalt  }
0x7f: {  	_ =	shalt  }
0x80: {  	_ =	shalt  }
0x81: {  	_ =	shalt  }
0x82: {  	_ =	shalt  }
0x83: {  	_ =	shalt  }
0x84: {  	_ =	shalt  }
0x85: {  	_ =	shalt  }
0x86: {  	_ =	shalt  }
0x87: {  	_ =	shalt  }
.Lfunc_end0:
.L_simem_size_0:
called_computation.3_lowered:
.L_overlay_start_0:
0x88: {  	s2 =	sld [smem:$0x3FD9]  }
0x89: {  	s3 =	sld [smem:$0x3FFE];
	_ =	sdelay $0x1  }
0x8a: {  	s1 =	srdreg.scid  }
0x8b: {  	s0 =	sand.u32 $0x1, s1  }
0x8c: {  	s16 =	sshll.u32 s0, $0xA;
	s2 =	sadd.s32 s3, s2  }
0x8d: {  	s2 =	sadd.s32 s2, s16  }
0x8e: {  	[smem:$0x3FB2] =	sst s2  }
0x8f: {  	_ = 	snop  }
0x90: {  	(tm) =	ssettm $0x1  }
0x91: {  	s17 =	sld [smem:$0x3FFB];
	_ =	sdelay $0x3  }
0x92: {  	_ =	strace s17  }
0x93: {  	s2 =	sld [smem:$0x3FFC];
	_ =	sdelay $0x3  }
0x94: {  	_ =	strace s2  }
0x95: {  	s2 =	sld [smem:$0x3FFD];
	_ =	sdelay $0x3  }
0x96: {  	_ =	strace s2  }
0x97: {  	_ =	strace $0x8FFFFFFF  }
0x98: {  	s18 =	sld [smem:$0x3FDB];
	_ =	sdelay $0x1  }
0x99: {  	s19 =	simm.s32 $_scs_section_size  }
0x9a: {  	s4 =	simm.s32 $_size__tile_overlayer_lowered;
	s5 =	simm.s32 $_tile_overlayer_lowered  }
0x9b: {  	s22 =	simm.s32 $0x1BFF;
	s21 =	sshll.u32 s5, $0x1;
	s2 =	sadd.s32 s19, s18  }
0x9c: {  	s6 =	simm.s32 $0x0;
	s20 =	sshll.u32 s4, $0x1;
	s4 =	sadd.s32 s21, s2  }
0x9d: {  	[timem:s6], [sflag:s22] =	dma.local [hbm:s4], s20  }
0x9e: {  	_ =	swait.ge [sflag:s22], s20  }
0x9f: {  	s3 =	ssub.s32 $0x0, s20;
	[sflag:s22] =	ssyncset.done $0x0  }
0xa0: {  	[sflag:s22] =	ssyncadd.s32 s3;
	_ =	sdelay $0x1  }
0xa1: {  	s23 =	simm.s32 $0x1B8B  }
0xa2: {  	_ =	swait.ge [sflag:s23], $0x1  }
0xa3: {  	[sflag:s23] =	ssyncset.done $0x0  }
0xa4: {  	s25 =	simm.s32 $0x1B8E;
	s24 =	sld [smem:$0x3FFE];
	[sflag:s23] =	ssyncadd.s32 $0xFFFFFFFF  }
0xa5: {  	s26 =	simm.s32 $execute0_lowered;
	[smem:$0x3FD2] =	sst s25  }
0xa6: {  	s4 =	sshll.u32 s26, $0x1;
	_ =	strace $0x8000004F;
	[dreg:$0x1] =	wrdreg $0xFFFFFFFF  }
0xa7: {  	s28 =	simm.s32 $_size_execute0_lowered;
	s2 =	sadd.s32 s2, s4;
	[dreg:$0x0] =	wrdreg $0x0  }
0xa8: {  	s4 =	sshll.u32 s28, $0x1;
	[dreg:$0x2] =	wrdreg s2  }
0xa9: {  	[dreg:$0x3] =	wrdreg s4  }
0xaa: {  	[dreg:$0x4] =	wrdreg $0xC0  }
0xab: {  	_ =	task [dreg:s6], $0x5FFFF  }
0xac: {  	[dreg:$0x1] =	wrdreg $0xFFFFFFFF  }
0xad: {  	[dreg:$0x0] =	wrdreg $0x60  }
0xae: {  	[dreg:$0x2] =	wrdreg s24  }
0xaf: {  	[dreg:$0x3] =	wrdreg $0x0  }
0xb0: {  	[dreg:$0x4] =	wrdreg $0x9  }
0xb1: {  	_ =	task.clear_ibuf [dreg:s6], $0x5FFFF;
	_ =	strace $0x9000004F  }
0xb2: {  	s29 =	simm.s32 $0x9;
	_ =	strace $0x80000051  }
0xb3: {  	_ =	swait.ge [sflag:s29], $0x1  }
0xb4: {  	[sflag:s29] =	ssyncadd.s32 $0xFFFFFFFF  }
0xb5: {  	_ =	strace $0x90000051  }
0xb6: {  	_ =	sfence  }
0xb7: {  	s30 =	sld [smem:$0x0];
	_ =	sdelay $0x2  }
0xb8: {  	s31 =	sshll.u32 s1, $0xD;
	s1 =	sshrl.u32 s1, $0x2  }
0xb9: {  	s3 =	sand.u32 $0x4000, s31;
	s1 =	sadd.s32 s1, s30  }
0xba: {  	s0 =	sor.u32 s3, s0;
	s1 =	sshll.u32 s1, $0x11  }
0xbb: {  	s0 =	sor.u32 s1, s0  }
0xbc: {  	s0 =	sadd.s32 $0x8F2B, s0  }
0xbd: {  	[sflag:s0] =	ssyncadd.remote.s32 $0x1  }
0xbe: {  	_ =	sfence.sel $0xFFFF  }
0xbf: {  	[dreg:$0x0] =	wrdreg $0xFFFFFFFF;
	(pc) =	sbr.abs _section_cstart, $3  }
0xc0: {  	[dreg:$0x1] =	wrdreg $0xFFFFFFFF  }
0xc1: {  	_ =	task.clear_ibuf [dreg:s6], $0x2FFFF;
	_ =	strace $0x9FFFFFFF  }
0xc2: {  	(tm) =	ssettm $0x7FFFFFFF  }
0xc3: {  	_ =	shalt  }
tec
execute0_lowered:
.L_overlay_start_1:
0x0: {  	(tag) =	ssettag $0x1  }
0x1: {  	s6 =	rddreg [dreg:$0x0]  }
0x2: {  	s2 =	rddreg [dreg:$0x1]  }
0x3: {  	s0 =	rddreg [dreg:$0x2];
	s4 =	srdreg.scid  }
0x4: {  	s3 =	simm.s32 $0x0;
	s1 =	stileid.u32;
	s13 =	sand.u32 $0x1, s4  }
0x5: {  	s28 =	sshll.u32 s1, $0x8;
	[smem:$0x7FF] =	sst s3;
	s8 =	smul.u32 $0x13880, s1  }
0x6: {  	s9 =	sshll.u32 s1, $0xC;
	s10 =	smul.u32 $0x4E200, s1;
	p0 =	slt.u32 s1, $0x2  }
0x7: {  	s15 =	sshll.u32 s1, $0xF;
	s5 =	sshll.u32 s13, $0x7;
	s7 =	smul.u32 $0x138800, s13  }
0x8: {  	_ =	strace $0x80000050;
	s14 =	sadd.s32 s9, s6;
	s29 =	ssub.s32 $0x2, s13  }
0x9: {  	s17 =	sshll.u32 s13, $0xE;
	s18 =	sshll.u32 s13, $0xB;
	s4 =	sor.u32 s5, s28  }
0xa: {  	s30 =	sshrl.u32 s29, $0x1;
	s10 =	sshrl.u32 s10, $0x2;
	s19 =	sadd.s32 s8, s2  }
0xb: {  	s15 =	sor.u32 s17, s15;
	s31 =	sadd.s32 s18, s14;
	s17 =	simm.s32 $0x17900  }
0xc: {  	s18 =	simm.s32 $0x1;
	s5 =	sshrl.u32 s4, $0x3;
	s7 =	sadd.s32 s8, s7  }
0xd: {  	s9 =	ssub.s32 s29, s30;
	s14 =	sadd.s32 $0xFEC78000, s15;
	s15 =	sadd.s32 $0x5E6400, s31  }
0xe: {  	s19 =	sshrl.u32 s19, $0x3;
	s16 =	sadd.s32 s5, s6;
	s5 =	sadd.s32 $0xCC3600, s6  }
0xf: {  	s7 =	sshrl.u32 s7, $0x3;
	s8 =	smax.u32 s9, $0x1;
	s9 =	sadd.s32 s10, s2  }
0x10: {  	s7 =	sadd.s32 s7, s6;
	s6 =	simm.s32 $0x4F;
	s10 =	sadd.s32 $0x3E80, s9  }
0x11: {  	s11 =	sadd.s32 $0x7D00, s9;
	s12 =	sadd.s32 $0xBB80, s9;
	s13 =	sadd.s32 $0xFA00, s9  }
0x12: {  	v0 =	vimm.f32 $0.0e+00;
	s16 =	sadd.s32 $0xC800, s16;
	s6 =	simm.s32 @!p0 $0x4E;
	s7 =	sadd.s32 $0x857400, s7  }
.LBB2_1:
0x13: {  	s20 =	simm.s32 $0x70;
	s21 =	simm.s32 $0x3C0  }
.LBB2_2:
0x14: {  	p0 =	sne.s32 s21, $0xF9C0;
	[tilespmem:s20+$0x17900] =	vst v0  }
0x15: {  	[tilespmem:s20+$0x17890] =	vst v0  }
0x16: {  	[tilespmem:s20+$0x178A0] =	vst v0  }
.Ltmp0:
0x17: {  	[tilespmem:s20+$0x178B0] =	vst v0;
	(pc) =	sbr.rel @p0 .LBB2_2-.Ltmp0, $4  }
0x18: {  	[tilespmem:s20+$0x178C0] =	vst v0  }
0x19: {  	[tilespmem:s20+$0x178D0] =	vst v0  }
0x1a: {  	[tilespmem:s20+$0x178E0] =	vst v0  }
0x1b: {  	[tilespmem:s20+$0x178F0] =	vst v0;
	s20 =	sshra.s32 s21, $0x2;
	s21 =	sadd.s32 $0x200, s21  }
0x1c: {  	[tilespmem:s20+$0x17900] =	vst v0  }
0x1d: {  	[tilespmem:s20+$0x17890] =	vst v0  }
0x1e: {  	[tilespmem:s20+$0x178A0] =	vst v0  }
0x1f: {  	[tilespmem:s20+$0x178B0] =	vst v0  }
0x20: {  	[tilespmem:s20+$0x178C0] =	vst v0  }
0x21: {  	[tilespmem:s20+$0x178D0] =	vst v0  }
0x22: {  	[tilespmem:s20+$0x178E0] =	vst v0  }
0x23: {  	[tilespmem:s20+$0x178F0] =	vst v0  }
0x24: {  	[spmem:s9] =	stream.linear.scatter [tilespmem:s17], [sflag:$0x1], $0x3E80, $0x38;
	[tilespmem:$0x1B780] =	vst v63  }
0x25: {  	_ =	swait.ge [sflag:s18], $0x3E80  }
0x26: {  	[sflag:s18] =	ssyncset.done $0x0  }
0x27: {  	[sflag:s18] =	ssyncadd.s32 $0xFFFFC180  }
0x28: {  	[spmem:s10] =	stream.linear.scatter [tilespmem:s17], [sflag:$0x1], $0x3E80, $0x38;
	[tilespmem:$0x1B780] =	vst v63  }
0x29: {  	_ =	swait.ge [sflag:s18], $0x3E80  }
0x2a: {  	[sflag:s18] =	ssyncset.done $0x0  }
0x2b: {  	[sflag:s18] =	ssyncadd.s32 $0xFFFFC180  }
0x2c: {  	[spmem:s11] =	stream.linear.scatter [tilespmem:s17], [sflag:$0x1], $0x3E80, $0x38;
	[tilespmem:$0x1B780] =	vst v63  }
0x2d: {  	_ =	swait.ge [sflag:s18], $0x3E80  }
0x2e: {  	[sflag:s18] =	ssyncset.done $0x0  }
0x2f: {  	[sflag:s18] =	ssyncadd.s32 $0xFFFFC180  }
0x30: {  	[spmem:s12] =	stream.linear.scatter [tilespmem:s17], [sflag:$0x1], $0x3E80, $0x38;
	[tilespmem:$0x1B780] =	vst v63  }
0x31: {  	_ =	swait.ge [sflag:s18], $0x3E80  }
0x32: {  	[sflag:s18] =	ssyncset.done $0x0  }
0x33: {  	[sflag:s18] =	ssyncadd.s32 $0xFFFFC180  }
0x34: {  	[spmem:s13] =	stream.linear.scatter [tilespmem:s17], [sflag:$0x1], $0x3E80, $0x38;
	[tilespmem:$0x1B780] =	vst v63  }
0x35: {  	_ =	swait.ge [sflag:s18], $0x3E80  }
0x36: {  	p0 =	sle.u32 s6, $0x0;
	[sflag:s18] =	ssyncset.done $0x0  }
0x37: {  	s23 =	smov.u32 s15;
	s20 =	simm.s32 @!p0 $0x0;
	[sflag:s18] =	ssyncadd.s32 $0xFFFFC180  }
0x38: {  	s22 =	simm.s32 @!p0 $0x13880;
	s24 =	simm.s32 @!p0 $0x2;
	[bflag:$0x0] =	sbarrier.arrive $0xFFFF  }
0x39: {  	[tilespmem:s22], [sflag:$0x2] =	stream.linear.gather @!p0 [hbm4b:s16+s20], $0x80, $0x38;
	[tilespmem:$0x1B780] =	vst v63  }
0x3a: {  	p1 =	slt.u32 @!p0 s4, $0x27100;
	s21 =	sshrl.u32 @!p0 s14, $0x3;
	_ =	swait.ge @!p0 [sflag:s24], $0x80  }
0x3b: {  	s21 =	sadd.s32 @!p0 s5, s21;
	p1 =	por !p1, p0;
	[sflag:s24] =	ssyncset.done @!p0 $0x0  }
0x3c: {  	s25 =	simm.s32 @!p0 $0x13900;
	s23 =	smov.u32 @p1 s21;
	[sflag:s24] =	ssyncadd.s32 @!p0 $0xFFFFFF80  }
0x3d: {  	[tilespmem:s25], [sflag:$0x2] =	stream.linear.gather @!p0 [hbm4b:s23+s20], $0x4000, $0x38;
	[tilespmem:$0x1B780] =	vst v63  }
0x3e: {  	_ =	swait.ge @!p0 [sflag:s24], $0x4000  }
0x3f: {  	s26 =	simm.s32 @!p0 $0x1;
	s21 =	simm.s32 $0x1;
	[sflag:s24] =	ssyncset.done @!p0 $0x0  }
0x40: {  	s23 =	simm.s32 $0x2;
	s20 =	simm.s32 @!p0 $0x80;
	[sflag:s24] =	ssyncadd.s32 @!p0 $0xFFFFC000  }
0x41: {  	[spmem:s2] =	stream.indirect.scatter.add.f32 @!p0 [tilespmem:s25], [sflag:$0x1], $0x80, s22, s20, $0xb8;
	[tilespmem:$0x1B780] =	vst v63  }
0x42: {  	s24 =	sadd.s32 $0x80000, s14;
	s22 =	sadd.s32 $0x1000, s4;
	_ =	swait.ge @!p0 [sflag:s26], $0x4000  }
0x43: {  	s25 =	sadd.s32 $0x200, s16;
	s20 =	sadd.s32 $0x10000, s15;
	[sflag:s26] =	ssyncset.done @!p0 $0x0  }
.LBB2_4:
0x44: {  	[sflag:s26] =	ssyncadd.s32 @!p0 $0xFFFFC000;
	p0 =	sge.u32 s21, s6  }
0x45: {  	s21 =	smov.u32 s23;
	s23 =	sadd.s32 $0x1, s23;
	s31 =	smov.u32 s20  }
0x46: {  	s26 =	simm.s32 @!p0 $0x0;
	s28 =	simm.s32 @!p0 $0x13880;
	s29 =	simm.s32 @!p0 $0x2  }
0x47: {  	[tilespmem:s28], [sflag:$0x2] =	stream.linear.gather @!p0 [hbm4b:s25+s26], $0x80, $0x38;
	[tilespmem:$0x1B780] =	vst v63  }
0x48: {  	p1 =	slt.u32 @!p0 s22, $0x27100;
	s30 =	sshrl.u32 @!p0 s24, $0x3;
	_ =	swait.ge @!p0 [sflag:s29], $0x80  }
0x49: {  	s30 =	sadd.s32 @!p0 s5, s30;
	p1 =	por !p1, p0;
	[sflag:s29] =	ssyncset.done @!p0 $0x0  }
0x4a: {  	s31 =	smov.u32 @p1 s30;
	s30 =	simm.s32 @!p0 $0x13900;
	[sflag:s29] =	ssyncadd.s32 @!p0 $0xFFFFFF80  }
0x4b: {  	[tilespmem:s30], [sflag:$0x2] =	stream.linear.gather @!p0 [hbm4b:s31+s26], $0x4000, $0x38;
	[tilespmem:$0x1B780] =	vst v63  }
0x4c: {  	p1 =	sne.s32 s23, $0x4F;
	_ =	swait.ge @!p0 [sflag:s29], $0x4000  }
.Ltmp1:
0x4d: {  	[sflag:s29] =	ssyncset.done @!p0 $0x0;
	(pc) =	sbr.rel @p1 .LBB2_4-.Ltmp1, $4  }
0x4e: {  	s26 =	simm.s32 @!p0 $0x1;
	[sflag:s29] =	ssyncadd.s32 @!p0 $0xFFFFC000;
	s29 =	simm.s32 @!p0 $0x80  }
0x4f: {  	[spmem:s2] =	stream.indirect.scatter.add.f32 @!p0 [tilespmem:s30], [sflag:$0x1], $0x80, s28, s29, $0xb8;
	[tilespmem:$0x1B780] =	vst v63  }
0x50: {  	s22 =	sadd.s32 $0x1000, s22;
	s25 =	sadd.s32 $0x200, s25;
	_ =	swait.ge @!p0 [sflag:s26], $0x4000  }
0x51: {  	s20 =	sadd.s32 $0x10000, s20;
	s24 =	sadd.s32 $0x80000, s24;
	[sflag:s26] =	ssyncset.done @!p0 $0x0  }
0x52: {  	p1 =	sge.u32 s21, s6;
	[sflag:s26] =	ssyncadd.s32 @!p0 $0xFFFFC000  }
0x53: {  	s21 =	simm.s32 @!p1 $0x0;
	s23 =	simm.s32 @!p1 $0x13880;
	s26 =	simm.s32 @!p1 $0x2  }
0x54: {  	[tilespmem:s23], [sflag:$0x2] =	stream.linear.gather @!p1 [hbm4b:s25+s21], $0x80, $0x38;
	[tilespmem:$0x1B780] =	vst v63  }
0x55: {  	p0 =	slt.u32 @!p1 s22, $0x27100;
	s22 =	sshrl.u32 @!p1 s24, $0x3;
	_ =	swait.ge @!p1 [sflag:s26], $0x80  }
0x56: {  	s22 =	sadd.s32 @!p1 s5, s22;
	p0 =	por !p0, p1;
	[sflag:s26] =	ssyncset.done @!p1 $0x0  }
0x57: {  	s20 =	smov.u32 @p0 s22;
	s22 =	simm.s32 @!p1 $0x13900;
	[sflag:s26] =	ssyncadd.s32 @!p1 $0xFFFFFF80  }
0x58: {  	[tilespmem:s22], [sflag:$0x2] =	stream.linear.gather @!p1 [hbm4b:s20+s21], $0x4000, $0x38;
	[tilespmem:$0x1B780] =	vst v63  }
0x59: {  	_ =	swait.ge @!p1 [sflag:s26], $0x4000  }
0x5a: {  	[sflag:s26] =	ssyncset.done @!p1 $0x0  }
0x5b: {  	s20 =	simm.s32 @!p1 $0x80;
	s21 =	simm.s32 @!p1 $0x1;
	[sflag:s26] =	ssyncadd.s32 @!p1 $0xFFFFC000  }
0x5c: {  	[spmem:s2] =	stream.indirect.scatter.add.f32 @!p1 [tilespmem:s22], [sflag:$0x1], $0x80, s23, s20, $0xb8;
	[tilespmem:$0x1B780] =	vst v63  }
0x5d: {  	_ =	swait.ge @!p1 [sflag:s21], $0x4000  }
0x5e: {  	s3 =	sadd.s32 $0x1, s3;
	[sflag:s21] =	ssyncset.done @!p1 $0x0  }
0x5f: {  	s31 =	sshll.u32 s1, $0x6;
	p0 =	sne.s32 s3, s8;
	[sflag:s21] =	ssyncadd.s32 @!p1 $0xFFFFC000  }
.Ltmp2:
0x60: {  	s20 =	sor.u32 $0x1C01, s31;
	[bflag:$0x0] =	sbarrier.arrive $0xFFFF;
	(pc) =	sbr.rel @p0 .LBB2_1-.Ltmp2, $4  }
0x61: {  	[hbm:s7], [sflag:s20] =	dma.local [spmem:s19], $0x2710  }
0x62: {  	_ =	swait.ge [sflag:s18], $0x2710  }
0x63: {  	[sflag:s18] =	ssyncset.done $0x0  }
0x64: {  	[sflag:s18] =	ssyncadd.s32 $0xFFFFD8F0  }
0x65: {  	_ =	sfence.sel $0x180000  }
0x66: {  	[bflag:$0x0] =	sbarrier.arrive $0xFFFF  }
0x67: {  	p0 =	sne.s32 s1, $0x0;
	_ =	strace $0x90000050  }
0x68: {  	s0 =	sadd.s32 @!p0 $0x100000, s0;
	[bflag:$0x2] =	sbarrier.arrive $0xFFFF  }
0x69: {  	[sflag:s0] =	ssyncadd.tile.s32 @!p0 $0x1;
	_ =	shalt  }
.Lfunc_end2:
_tile_overlayer_lowered:
.L_overlay_start_2:
0x6a: {  	(tag) =	ssettag $0x2  }
0x6b: {  	s0 =	rddreg [dreg:$0x0];
	s2 =	stileid.u32  }
0x6c: {  	s1 =	rddreg [dreg:$0x1];
	p0 =	sne.s32 s2, $0x0  }
0x6d: {  	s3 =	rddreg [dreg:$0x2];
	[bflag:$0x3] =	sbarrier.arrive $0xFFFF;
	s2 =	simm.s32 @!p0 $0x1C01  }
0x6e: {  	[timem:s3], [sflag:s2] =	dma.local @!p0 [hbm:s0], s1  }
0x6f: {  	s0 =	simm.s32 @!p0 $0x1  }
0x70: {  	_ =	swait.ge @!p0 [sflag:s0], s1  }
0x71: {  	s1 =	ssub.s32 @!p0 $0x0, s1;
	[sflag:s0] =	ssyncset.done @!p0 $0x0  }
0x72: {  	[sflag:s0] =	ssyncadd.s32 @!p0 s1  }
0x73: {  	[bflag:$0x3] =	sbarrier.arrive $0xFFFF  }
0x74: {  	_ =	shalt  }

// kernel: kernel.28.cloned.1.call-start
scs
__scs_entry_jumppad:
0x0: {  	(pc) =	sbr.rel $0x88, $3  }
0x1: {  	(tag) =	ssettag $0x0;
	lr =	simm.s32 $0x1  }
0x2: {  	[smem:$0x3F8B] =	sst lr;
	_ =	strace $0xD0000000  }
0x3: {  	_ = 	snop  }
0x4: {  	_ = 	snop  }
0x5: {  	_ = 	snop  }
0x6: {  	_ = 	snop  }
0x7: {  	_ = 	snop  }
__scs_overlays_trampoline_lowered:
0x8: {  	[smem:$0x3F9A] =	sst s0  }
0x9: {  	[smem:$0x3F9B] =	sst s1  }
0xa: {  	[smem:$0x3F9C] =	sst s2  }
0xb: {  	[smem:$0x3F9D] =	sst s3  }
0xc: {  	[smem:$0x3F9E] =	sst s4  }
0xd: {  	[smem:$0x3F9F] =	sst s5  }
0xe: {  	[smem:$0x3FA0] =	sst s6  }
0xf: {  	[smem:$0x3FA1] =	sst s7  }
0x10: {  	[smem:$0x3FA2] =	sst s8  }
0x11: {  	[smem:$0x3FA3] =	sst s9;
	s0 =	simm.s32 @!p0 $0x0  }
0x12: {  	s1 =	sld [smem:$0x3F89];
	s0 =	simm.s32 @p0 $0x1  }
0x13: {  	[smem:$0x3FA4] =	sst s0;
	s0 =	simm.s32 @!p1 $0x0  }
0x14: {  	s2 =	sld [smem:$0x3F88];
	s0 =	simm.s32 @p1 $0x1  }
0x15: {  	[smem:$0x3FA5] =	sst s0;
	s0 =	simm.s32 @!p2 $0x0  }
0x16: {  	s3 =	sld [smem:$0x3FDB];
	s0 =	simm.s32 @p2 $0x1  }
0x17: {  	s4 =	simm.s32 $0x1BF5;
	[smem:$0x3FA7] =	sst s0  }
0x18: {  	s0 =	sld [smem:$0x3F8A];
	_ =	swait.ge [sflag:s4], $0x0  }
0x19: {  	s7 =	sld [smem:$0x3F8B]  }
0x1a: {  	s8 =	sadd.s32 $0xFFFFE003, lr  }
0x1b: {  	s9 =	sadd.s32 $0xFFFFFEF7, lr;
	s5 =	simm.s32 $0xFFFFFFFF;
	p2 =	slt.u32 s8, $0xFFFFF086  }
0x1c: {  	p1 =	slt.u32 s9, $0xF7A;
	s5 =	simm.s32 @!p2 $0x0  }
0x1d: {  	s5 =	simm.s32 @p1 $0x1;
	p0 =	seq.s32 s7, s2  }
0x1e: {  	s7 =	smul.u32 @!p0 $0xF7A, s2;
	p2 =	seq.s32 @!p0 s5, $0x0  }
0x1f: {  	s9 =	smul.u32 $0xF7A, s1;
	s8 =	simm.s32 @!p0 $0x1BF5;
	p2 =	por !p2, p0  }
0x20: {  	[sflag:s8] =	ssyncset.s32 @!p0 $0xFFFFF086;
	s6 =	sadd.s32 @!p0 s3, s7;
	s7 =	simm.s32 @!p0 $0x108  }
0x21: {  	s3 =	sadd.s32 s3, s9;
	s6 =	sadd.s32 @!p0 $0x88, s6;
	s7 =	simm.s32 @p2 $0x1082  }
0x22: {  	[simem:s7], [sflag:s8] =	dma.local @!p0 [hbm:s6], $0xF7A  }
0x23: {  	s9 =	sor.u32 $0xD0000000, s2;
	s6 =	simm.s32 $0x108;
	_ =	swait.ge @!p0 [sflag:s8], $0x0  }
0x24: {  	s3 =	sadd.s32 $0x88, s3;
	s6 =	simm.s32 @!p1 $0x1082;
	[sflag:s4] =	ssyncset.s32 $0xFFFFF086  }
0x25: {  	[simem:s6], [sflag:s4] =	dma.local [hbm:s3], $0xF7A  }
0x26: {  	[smem:$0x3F8B] =	sst s1;
	(tag) =	ssettag s2;
	_ =	strace s9  }
0x27: {  	s1 =	sld [smem:$0x3F9B]  }
0x28: {  	s2 =	sld [smem:$0x3F9C]  }
0x29: {  	s4 =	sld [smem:$0x3F9E]  }
0x2a: {  	p0 =	seq.s32 s5, $0x0;
	s5 =	sld [smem:$0x3F9F]  }
0x2b: {  	s6 =	sld [smem:$0x3FA0]  }
0x2c: {  	s7 =	sld [smem:$0x3FA1]  }
0x2d: {  	s3 =	simm.s32 $0x108;
	s8 =	sld [smem:$0x3FA2]  }
0x2e: {  	s3 =	simm.s32 @!p0 $0x1082;
	s9 =	sld [smem:$0x3FA3]  }
0x2f: {  	lr =	sadd.s32 s0, s3;
	s0 =	sld [smem:$0x3F9A]  }
0x30: {  	s3 =	sld [smem:$0x3F9D]  }
0x31: {  	[smem:$0x3FA6] =	sst s10  }
0x32: {  	s10 =	sld [smem:$0x3FA4];
	_ =	sdelay $0x3  }
0x33: {  	p0 =	seq.s32 s10, $0x1;
	s10 =	sld [smem:$0x3FA6];
	_ =	sdelay $0x3  }
0x34: {  	[smem:$0x3FA6] =	sst s10  }
0x35: {  	s10 =	sld [smem:$0x3FA5];
	_ =	sdelay $0x3  }
0x36: {  	p1 =	seq.s32 s10, $0x1;
	s10 =	sld [smem:$0x3FA6];
	_ =	sdelay $0x3  }
0x37: {  	[smem:$0x3FA6] =	sst s10  }
0x38: {  	s10 =	sld [smem:$0x3FA7]  }
0x39: {  	_ = 	snop;
	(pc) =	sbr.ind lr, $3  }
0x3a: {  	_ = 	snop  }
0x3b: {  	_ = 	snop  }
0x3c: {  	p2 =	seq.s32 s10, $0x1;
	s10 =	sld [smem:$0x3FA6]  }
0x3d: {  	_ =	shalt  }
0x3e: {  	_ =	shalt  }
0x3f: {  	_ =	shalt  }
0x40: {  	_ =	shalt  }
0x41: {  	_ =	shalt  }
0x42: {  	_ =	shalt  }
0x43: {  	_ =	shalt  }
0x44: {  	_ =	shalt  }
0x45: {  	_ =	shalt  }
0x46: {  	_ =	shalt  }
0x47: {  	_ =	shalt  }
0x48: {  	_ =	shalt  }
0x49: {  	_ =	shalt  }
0x4a: {  	_ =	shalt  }
0x4b: {  	_ =	shalt  }
0x4c: {  	_ =	shalt  }
0x4d: {  	_ =	shalt  }
0x4e: {  	_ =	shalt  }
0x4f: {  	_ =	shalt  }
0x50: {  	_ =	shalt  }
0x51: {  	_ =	shalt  }
0x52: {  	_ =	shalt  }
0x53: {  	_ =	shalt  }
0x54: {  	_ =	shalt  }
0x55: {  	_ =	shalt  }
0x56: {  	_ =	shalt  }
0x57: {  	_ =	shalt  }
0x58: {  	_ =	shalt  }
0x59: {  	_ =	shalt  }
0x5a: {  	_ =	shalt  }
0x5b: {  	_ =	shalt  }
0x5c: {  	_ =	shalt  }
0x5d: {  	_ =	shalt  }
0x5e: {  	_ =	shalt  }
0x5f: {  	_ =	shalt  }
0x60: {  	_ =	shalt  }
0x61: {  	_ =	shalt  }
0x62: {  	_ =	shalt  }
0x63: {  	_ =	shalt  }
0x64: {  	_ =	shalt  }
0x65: {  	_ =	shalt  }
0x66: {  	_ =	shalt  }
0x67: {  	_ =	shalt  }
0x68: {  	_ =	shalt  }
0x69: {  	_ =	shalt  }
0x6a: {  	_ =	shalt  }
0x6b: {  	_ =	shalt  }
0x6c: {  	_ =	shalt  }
0x6d: {  	_ =	shalt  }
0x6e: {  	_ =	shalt  }
0x6f: {  	_ =	shalt  }
0x70: {  	_ =	shalt  }
0x71: {  	_ =	shalt  }
0x72: {  	_ =	shalt  }
0x73: {  	_ =	shalt  }
0x74: {  	_ =	shalt  }
0x75: {  	_ =	shalt  }
0x76: {  	_ =	shalt  }
0x77: {  	_ =	shalt  }
0x78: {  	_ =	shalt  }
0x79: {  	_ =	shalt  }
0x7a: {  	_ =	shalt  }
0x7b: {  	_ =	shalt  }
0x7c: {  	_ =	shalt  }
0x7d: {  	_ =	shalt  }
0x7e: {  	_ =	shalt  }
0x7f: {  	_ =	shalt  }
0x80: {  	_ =	shalt  }
0x81: {  	_ =	shalt  }
0x82: {  	_ =	shalt  }
0x83: {  	_ =	shalt  }
0x84: {  	_ =	shalt  }
0x85: {  	_ =	shalt  }
0x86: {  	_ =	shalt  }
0x87: {  	_ =	shalt  }
.Lfunc_end0:
.L_simem_size_0:
called_computation.4_lowered:
.L_overlay_start_0:
0x88: {  	s2 =	sld [smem:$0x3FD9]  }
0x89: {  	s3 =	sld [smem:$0x3FFE];
	_ =	sdelay $0x1  }
0x8a: {  	s1 =	srdreg.scid  }
0x8b: {  	s0 =	sand.u32 $0x1, s1  }
0x8c: {  	s14 =	sshll.u32 s0, $0xA;
	s2 =	sadd.s32 s3, s2  }
0x8d: {  	s2 =	sadd.s32 s2, s14  }
0x8e: {  	[smem:$0x3FB2] =	sst s2  }
0x8f: {  	_ = 	snop  }
0x90: {  	s2 =	sld [smem:$0x3FD0];
	_ =	sdelay $0x2  }
0x91: {  	s15 =	simm.s32 $0xA;
	s4 =	simm.s32 $0x10  }
0x92: {  	[smem:s4], [sflag:s15] =	dma.local [hbm:s2], $0x1  }
0x93: {  	_ =	swait.eq [sflag:s15], $0x1  }
0x94: {  	[sflag:s15] =	ssyncset.done $0x0  }
0x95: {  	[sflag:s15] =	ssyncadd.s32 $0xFFFFFFFF  }
0x96: {  	s16 =	sld [smem:$0x11];
	(tm) =	ssettm $0x1  }
0x97: {  	s17 =	sld [smem:$0x3FFB];
	_ =	sdelay $0x3  }
0x98: {  	_ =	strace s17  }
0x99: {  	s3 =	sld [smem:$0x3FFC];
	_ =	sdelay $0x3  }
0x9a: {  	_ =	strace s3  }
0x9b: {  	s3 =	sld [smem:$0x3FFD];
	_ =	sdelay $0x3  }
0x9c: {  	_ =	strace s3  }
0x9d: {  	_ =	strace $0x8FFFFFFF  }
0x9e: {  	s18 =	sld [smem:$0x3FDB];
	_ =	sdelay $0x1  }
0x9f: {  	s19 =	simm.s32 $_scs_section_size  }
0xa0: {  	s5 =	simm.s32 $_size__tile_overlayer_lowered;
	s6 =	simm.s32 $_tile_overlayer_lowered  }
0xa1: {  	s22 =	simm.s32 $0x1BFF;
	s21 =	sshll.u32 s6, $0x1;
	s3 =	sadd.s32 s19, s18  }
0xa2: {  	s7 =	simm.s32 $0x0;
	s20 =	sshll.u32 s5, $0x1;
	s5 =	sadd.s32 s21, s3  }
0xa3: {  	[timem:s7], [sflag:s22] =	dma.local [hbm:s5], s20  }
0xa4: {  	_ =	swait.ge [sflag:s22], s20  }
0xa5: {  	s4 =	ssub.s32 $0x0, s20;
	[sflag:s22] =	ssyncset.done $0x0  }
0xa6: {  	[sflag:s22] =	ssyncadd.s32 s4;
	_ =	sdelay $0x1  }
0xa7: {  	s23 =	simm.s32 $0x1B8B  }
0xa8: {  	_ =	swait.ge [sflag:s23], $0x1  }
0xa9: {  	[sflag:s23] =	ssyncset.done $0x0  }
0xaa: {  	s25 =	simm.s32 $0x1B8E;
	s24 =	sld [smem:$0x3FFE];
	[sflag:s23] =	ssyncadd.s32 $0xFFFFFFFF  }
0xab: {  	s26 =	simm.s32 $execute0_lowered;
	[smem:$0x3FD2] =	sst s25  }
0xac: {  	s5 =	sshll.u32 s26, $0x1;
	_ =	strace $0x80000052;
	[dreg:$0x1] =	wrdreg $0xFFFFFFFF  }
0xad: {  	s28 =	simm.s32 $_size_execute0_lowered;
	s3 =	sadd.s32 s3, s5;
	[dreg:$0x0] =	wrdreg $0x0  }
0xae: {  	s5 =	sshll.u32 s28, $0x1;
	[dreg:$0x2] =	wrdreg s3  }
0xaf: {  	[dreg:$0x3] =	wrdreg s5  }
0xb0: {  	[dreg:$0x4] =	wrdreg $0xC0  }
0xb1: {  	_ =	task [dreg:s7], $0x5FFFF  }
0xb2: {  	[dreg:$0x1] =	wrdreg $0xFFFFFFFF  }
0xb3: {  	[dreg:$0x0] =	wrdreg $0x60  }
0xb4: {  	[dreg:$0x2] =	wrdreg s24  }
0xb5: {  	[dreg:$0x3] =	wrdreg s16  }
0xb6: {  	[dreg:$0x4] =	wrdreg $0x9  }
0xb7: {  	_ =	task.clear_ibuf [dreg:s7], $0x5FFFF;
	_ =	strace $0x90000052  }
0xb8: {  	s29 =	simm.s32 $0x9;
	_ =	strace $0x80000054  }
0xb9: {  	_ =	swait.ge [sflag:s29], $0x1  }
0xba: {  	[sflag:s29] =	ssyncadd.s32 $0xFFFFFFFF  }
0xbb: {  	_ =	strace $0x90000054  }
0xbc: {  	_ =	sfence  }
0xbd: {  	s30 =	sld [smem:$0x0];
	_ =	sdelay $0x2  }
0xbe: {  	s31 =	sshll.u32 s1, $0xD;
	s1 =	sshrl.u32 s1, $0x2  }
0xbf: {  	s3 =	sand.u32 $0x4000, s31;
	s1 =	sadd.s32 s1, s30  }
0xc0: {  	s0 =	sor.u32 s3, s0;
	s1 =	sshll.u32 s1, $0x11  }
0xc1: {  	s0 =	sor.u32 s1, s0  }
0xc2: {  	s0 =	sadd.s32 $0x8F2B, s0  }
0xc3: {  	[sflag:s0] =	ssyncadd.remote.s32 $0x1  }
0xc4: {  	_ =	sfence.sel $0xFFFF  }
0xc5: {  	[dreg:$0x0] =	wrdreg $0xFFFFFFFF;
	(pc) =	sbr.abs _section_cstart, $3  }
0xc6: {  	[dreg:$0x1] =	wrdreg $0xFFFFFFFF  }
0xc7: {  	_ =	task.clear_ibuf [dreg:s7], $0x2FFFF;
	_ =	strace $0x9FFFFFFF  }
0xc8: {  	(tm) =	ssettm $0x7FFFFFFF  }
0xc9: {  	_ =	shalt  }
tec
execute0_lowered:
.L_overlay_start_1:
0x0: {  	(tag) =	ssettag $0x1  }
0x1: {  	s7 =	rddreg [dreg:$0x0]  }
0x2: {  	s1 =	rddreg [dreg:$0x1]  }
0x3: {  	s0 =	rddreg [dreg:$0x2];
	s2 =	simm.s32 $0x0;
	s3 =	srdreg.scid  }
0x4: {  	s8 =	simm.s32 $0x4F;
	s13 =	simm.s32 $0x80;
	s14 =	simm.s32 $0x13980  }
0x5: {  	s15 =	simm.s32 $0x17980;
	s16 =	simm.s32 $0x1;
	s17 =	simm.s32 $0x2  }
0x6: {  	s18 =	simm.s32 $0x0;
	[smem:$0x7FF] =	sst s2;
	s4 =	sadd.s32 $0x598000, s7  }
0x7: {  	s5 =	sadd.s32 $0x5E6400, s7;
	s9 =	sand.u32 $0x1, s3;
	s6 =	sadd.s32 $0xC800, s7  }
.Ltmp0:
0x8: {  	s3 =	stileid.u32;
	s7 =	sadd.s32 $0x3E200, s7;
	(pc) =	sbr.rel .LBB2_1-.Ltmp0, $4  }
0x9: {  	_ =	strace $0x80000053;
	s10 =	ssub.s32 $0x2, s9;
	p0 =	slt.u32 s3, $0x2  }
0xa: {  	s12 =	sshll.u32 s3, $0x8;
	s9 =	sshll.u32 s9, $0x7;
	s11 =	sshrl.u32 s10, $0x1  }
0xb: {  	v0 =	vlaneseq.u32;
	s8 =	simm.s32 @!p0 $0x4E;
	s9 =	sor.u32 s9, s12;
	s10 =	ssub.s32 s10, s11  }
0xc: {  	v0 =	vmul.u32 $0x80, v0;
	s12 =	simm.s32 $0x4;
	s11 =	simm.s32 $0x3;
	s10 =	smax.u32 s10, $0x1  }
.LBB2_9:
0xd: {  	s18 =	sadd.s32 $0x1, s18  }
0xe: {  	p0 =	sne.s32 s18, s10  }
.Ltmp1:
0xf: {  	_ = 	snop;
	(pc) =	sbr.rel @!p0 .LBB2_10-.Ltmp1, $1  }
0x10: {  	_ =	sdelay $0x3  }
.LBB2_1:
.Ltmp2:
0x11: {  	(pc) =	sbr.rel .LBB2_2-.Ltmp2, $4  }
0x12: {  	[tilespmem:s2], [sflag:$0x3] =	stream.linear.gather [hbm4b:s5+s2], $0x13880, $0x38;
	[tilespmem:$0x1B980] =	vst v63  }
0x13: {  	_ =	swait.ge [sflag:s11], $0x13880  }
0x14: {  	[sflag:s11] =	ssyncset.done $0x0  }
0x15: {  	s19 =	simm.s32 $0x0;
	[sflag:s11] =	ssyncadd.s32 $0xFFFEC780  }
.LBB2_8:
0x16: {  	s19 =	sadd.s32 $0x1, s19  }
0x17: {  	p0 =	sne.s32 s19, $0x4F  }
.Ltmp3:
0x18: {  	_ = 	snop;
	(pc) =	sbr.rel @!p0 .LBB2_9-.Ltmp3, $1  }
0x19: {  	_ =	sdelay $0x3  }
.LBB2_2:
0x1a: {  	p0 =	sge.u32 s19, s8  }
.Ltmp4:
0x1b: {  	_ = 	snop;
	(pc) =	sbr.rel @p0 .LBB2_8-.Ltmp4, $1  }
0x1c: {  	_ =	sdelay $0x3  }
0x1d: {  	s20 =	sshll.u32 s19, $0xC  }
0x1e: {  	s20 =	sor.u32 s9, s20  }
0x1f: {  	s22 =	sshrl.u32 s20, $0x3  }
0x20: {  	s21 =	simm.s32 $0x0;
	s24 =	simm.s32 $0x13880;
	s23 =	sadd.s32 s6, s22  }
0x21: {  	[tilespmem:s24], [sflag:$0x4] =	stream.linear.gather [hbm4b:s23+s21], $0x80, $0x38;
	[tilespmem:$0x1B980] =	vst v63  }
0x22: {  	_ =	swait.ge [sflag:s12], $0x80  }
0x23: {  	[sflag:s12] =	ssyncset.done $0x0  }
0x24: {  	s30 =	simm.s32 $0x13900;
	s22 =	sadd.s32 s1, s22;
	[sflag:s12] =	ssyncadd.s32 $0xFFFFFF80  }
0x25: {  	[tilespmem:s30], [sflag:$0x4] =	stream.linear.gather [hbm4b:s22+s21], $0x80, $0x38;
	[tilespmem:$0x1B980] =	vst v63  }
0x26: {  	_ =	swait.ge [sflag:s12], $0x80  }
0x27: {  	[sflag:s12] =	ssyncset.done $0x0  }
0x28: {  	[sflag:s12] =	ssyncadd.s32 $0xFFFFFF80  }
0x29: {  	[tilespmem:s14], [sflag:$0x1] =	stream.indirect.gather [hbm4b:s4+s13], $0x80, s24, s13, $0xb8;
	[tilespmem:$0x1B980] =	vst v63  }
0x2a: {  	_ = 	snop  }
0x2b: {  	[tilespmem:s15], [sflag:$0x2] =	stream.indirect.gather [hbm4b:s4+s13], $0x80, s30, s13, $0xb8;
	[tilespmem:$0x1B980] =	vst v63  }
0x2c: {  	_ =	swait.ge [sflag:s16], $0x4000  }
0x2d: {  	[sflag:s16] =	ssyncset.done $0x0  }
0x2e: {  	[sflag:s16] =	ssyncadd.s32 $0xFFFFC000  }
0x2f: {  	_ =	swait.ge [sflag:s17], $0x4000  }
0x30: {  	[sflag:s17] =	ssyncset.done $0x0  }
0x31: {  	[sflag:s17] =	ssyncadd.s32 $0xFFFFC000  }
0x32: {  	v1 =	vld [tilespmem:s30+$0x0]  }
0x33: {  	v2 =	vld [tilespmem:s24+$0x0];
	_ =	sdelay $0x3  }
0x34: {  	v1 =	vshll.u32 v1, $0x3  }
0x35: {  	v2 =	vshll.u32 v2, $0x3  }
0x36: {  	v3 =	vor.u32 $0x1, v1  }
0x37: {  	v4 =	vor.u32 $0x1, v2  }
0x38: {  	v6 =	vor.u32 $0x2, v1  }
0x39: {  	s31 =	simm.s32 $0x10;
	v5 =	vmov s21;
	v14 =	vor.u32 $0x2, v2;
	v9 =	vld.idx.msk [tilespmem:v1+s21+$0x0], $0xffff  }
0x3a: {  	v1 =	vshll.u32 v5, $0x7;
	v5 =	vmov s31;
	v11 =	vld.idx.msk [tilespmem:v2+s21+$0x0], $0xffff  }
0x3b: {  	v10 =	vld.idx.msk [tilespmem:v3+s21+$0x0], $0xffff;
	v7 =	vor.u32 v0, v1;
	v3 =	vshll.u32 v5, $0x7  }
0x3c: {  	v12 =	vld.idx.msk [tilespmem:v4+s21+$0x0], $0xffff;
	v1 =	vor.u32 $0x40, v7;
	v2 =	vor.u32 $0x41, v7;
	v8 =	vor.u32 v0, v3  }
0x3d: {  	s25 =	simm.s32 $0x13910;
	s26 =	simm.s32 $0x20;
	v13 =	vld.idx.msk [tilespmem:v6+s21+$0x0], $0xffff;
	v3 =	vor.u32 $0x42, v7;
	v4 =	vor.u32 $0x43, v7;
	v5 =	vor.u32 $0x40, v8  }
0x3e: {  	s23 =	simm.s32 $0x13890;
	s22 =	simm.s32 $0x13910;
	s24 =	simm.s32 $0x13890;
	v14 =	vld.idx.msk [tilespmem:v14+s21+$0x0], $0xffff;
	v6 =	vor.u32 $0x41, v8;
	v7 =	vor.u32 $0x42, v8;
	v8 =	vor.u32 $0x43, v8  }
.LBB2_4:
0x3f: {  	_ = 	snop  }
0x40: {  	p0 =	sne.s32 s26, $0x70;
	s24 =	sadd.s32 $0x10, s24;
	s25 =	sadd.s32 $0x10, s25  }
0x41: {  	s28 =	smov.u32 s26;
	s26 =	sadd.s32 $0x10, s26;
	v9 =	vsub.f32 v11, v9;
	v10 =	vsub.f32 v12, v10;
	_ =	sdelay $0x1  }
0x42: {  	v12 =	vmul.f32 v9, v9;
	v11 =	vsub.f32 v14, v13;
	v13 =	vmul.f32 v10, v10;
	_ =	sdelay $0x1  }
0x43: {  	v12 =	vadd.f32 v13, v12;
	v13 =	vmul.f32 v11, v11;
	_ =	sdelay $0x1  }
0x44: {  	v12 =	vadd.f32 v13, v12;
	_ =	sdelay $0x1  }
0x45: {  	[tilespmem:v1+s14+$0x0] =	vst.idx.msk $0xffff, v12;
	v1 =	vmov v5  }
0x46: {  	[tilespmem:v2+s14+$0x0] =	vst.idx.msk $0xffff, v9;
	v2 =	vmov v6  }
0x47: {  	[tilespmem:v3+s14+$0x0] =	vst.idx.msk $0xffff, v10;
	v3 =	vmov v7  }
0x48: {  	[tilespmem:v4+s14+$0x0] =	vst.idx.msk $0xffff, v11;
	v4 =	vmov v8  }
0x49: {  	v5 =	vld [tilespmem:s22+$0x0];
	s22 =	smov.u32 s25  }
0x4a: {  	v6 =	vld [tilespmem:s23+$0x0];
	s23 =	smov.u32 s24;
	_ =	sdelay $0x3  }
0x4b: {  	v5 =	vshll.u32 v5, $0x3  }
0x4c: {  	v7 =	vshll.u32 v6, $0x3;
	v6 =	vor.u32 $0x1, v5;
	v13 =	vor.u32 $0x2, v5  }
0x4d: {  	v8 =	vmov s28;
	v12 =	vor.u32 $0x1, v7;
	v14 =	vor.u32 $0x2, v7  }
0x4e: {  	v8 =	vshll.u32 v8, $0x7;
	_ =	sdelay $0x1  }
0x4f: {  	v8 =	vor.u32 v0, v8;
	v9 =	vld.idx.msk [tilespmem:v5+s21+$0x0], $0xffff  }
.Ltmp5:
0x50: {  	v5 =	vor.u32 $0x40, v8;
	v10 =	vld.idx.msk [tilespmem:v6+s21+$0x0], $0xffff;
	(pc) =	sbr.rel @p0 .LBB2_4-.Ltmp5, $4  }
0x51: {  	v6 =	vor.u32 $0x41, v8;
	v11 =	vld.idx.msk [tilespmem:v7+s21+$0x0], $0xffff  }
0x52: {  	v7 =	vor.u32 $0x42, v8;
	v12 =	vld.idx.msk [tilespmem:v12+s21+$0x0], $0xffff  }
0x53: {  	v8 =	vor.u32 $0x43, v8;
	v13 =	vld.idx.msk [tilespmem:v13+s21+$0x0], $0xffff  }
0x54: {  	v14 =	vld.idx.msk [tilespmem:v14+s21+$0x0], $0xffff  }
0x55: {  	_ =	sdelay $0x1  }
0x56: {  	v9 =	vsub.f32 v11, v9;
	v10 =	vsub.f32 v12, v10;
	_ =	sdelay $0x1  }
0x57: {  	v57 =	vmul.f32 v9, v9;
	v56 =	vsub.f32 v14, v13;
	v58 =	vmul.f32 v10, v10;
	_ =	sdelay $0x1  }
0x58: {  	v12 =	vadd.f32 v58, v57;
	v59 =	vmul.f32 v56, v56;
	_ =	sdelay $0x1  }
0x59: {  	v12 =	vadd.f32 v59, v12;
	_ =	sdelay $0x1  }
0x5a: {  	[tilespmem:v1+s14+$0x0] =	vst.idx.msk $0xffff, v12  }
0x5b: {  	[tilespmem:v2+s14+$0x0] =	vst.idx.msk $0xffff, v9  }
0x5c: {  	[tilespmem:v3+s14+$0x0] =	vst.idx.msk $0xffff, v10  }
0x5d: {  	[tilespmem:v4+s14+$0x0] =	vst.idx.msk $0xffff, v56  }
0x5e: {  	v1 =	vld [tilespmem:s22+$0x0]  }
0x5f: {  	v2 =	vld [tilespmem:s23+$0x0];
	_ =	sdelay $0x3  }
0x60: {  	v1 =	vshll.u32 v1, $0x3  }
0x61: {  	v2 =	vshll.u32 v2, $0x3  }
0x62: {  	v3 =	vor.u32 $0x1, v1  }
0x63: {  	v4 =	vor.u32 $0x1, v2  }
0x64: {  	v60 =	vor.u32 $0x2, v1  }
0x65: {  	v61 =	vor.u32 $0x2, v2;
	v1 =	vld.idx.msk [tilespmem:v1+s21+$0x0], $0xffff  }
0x66: {  	v2 =	vld.idx.msk [tilespmem:v2+s21+$0x0], $0xffff  }
0x67: {  	v3 =	vld.idx.msk [tilespmem:v3+s21+$0x0], $0xffff  }
0x68: {  	v4 =	vld.idx.msk [tilespmem:v4+s21+$0x0], $0xffff  }
0x69: {  	v9 =	vld.idx.msk [tilespmem:v60+s21+$0x0], $0xffff  }
0x6a: {  	v10 =	vld.idx.msk [tilespmem:v61+s21+$0x0], $0xffff;
	_ =	sdelay $0x2  }
0x6b: {  	v1 =	vsub.f32 v2, v1;
	v2 =	vsub.f32 v4, v3;
	_ =	sdelay $0x1  }
0x6c: {  	v3 =	vsub.f32 v10, v9;
	v4 =	vmul.f32 v1, v1;
	v62 =	vmul.f32 v2, v2;
	_ =	sdelay $0x1  }
0x6d: {  	v63 =	vmul.f32 v3, v3;
	v4 =	vadd.f32 v62, v4;
	_ =	sdelay $0x1  }
0x6e: {  	v4 =	vadd.f32 v63, v4;
	_ =	sdelay $0x1  }
0x6f: {  	[tilespmem:v5+s14+$0x0] =	vst.idx.msk $0xffff, v4  }
0x70: {  	[tilespmem:v6+s14+$0x0] =	vst.idx.msk $0xffff, v1  }
0x71: {  	[tilespmem:v7+s14+$0x0] =	vst.idx.msk $0xffff, v2  }
0x72: {  	s21 =	simm.s32 $0x0;
	[tilespmem:v8+s14+$0x0] =	vst.idx.msk $0xffff, v3  }
0x73: {  	v6 =	vld [tilespmem:s21+$0x179C0]  }
0x74: {  	v7 =	vld [tilespmem:s21+$0x179D0]  }
0x75: {  	v2 =	vld [tilespmem:s21+$0x179E0]  }
0x76: {  	v1 =	vld [tilespmem:s21+$0x179F0]  }
0x77: {  	v3 =	vld [tilespmem:s21+$0x13980]  }
0x78: {  	v5 =	vld [tilespmem:s21+$0x13990]  }
0x79: {  	s22 =	simm.s32 $0x200;
	v4 =	vld [tilespmem:s21+$0x139A0]  }
.LBB2_6:
0x7a: {  	s23 =	sshra.s32 s22, $0x2;
	p0 =	sne.s32 s22, $0xFE00;
	v8 =	vld [tilespmem:s21+$0x139B0];
	v9 =	vmov v2  }
0x7b: {  	v10 =	vld [tilespmem:s23+$0x179C0];
	v11 =	vmov v1  }
0x7c: {  	v12 =	vld [tilespmem:s23+$0x179D0];
	v3 =	vadd.f32 v6, v3  }
.Ltmp6:
0x7d: {  	v2 =	vld [tilespmem:s23+$0x179E0];
	v5 =	vadd.f32 v7, v5;
	(pc) =	sbr.rel @p0 .LBB2_6-.Ltmp6, $4  }
0x7e: {  	v1 =	vld [tilespmem:s23+$0x179F0];
	[tilespmem:s21+$0x13980] =	vst v3;
	v4 =	vadd.f32 v9, v4  }
0x7f: {  	v3 =	vld [tilespmem:s23+$0x13980];
	[tilespmem:s21+$0x13990] =	vst v5;
	v8 =	vadd.f32 v11, v8  }
0x80: {  	v5 =	vld [tilespmem:s23+$0x13990];
	[tilespmem:s21+$0x139A0] =	vst v4;
	v6 =	vmov v10  }
0x81: {  	s22 =	sadd.s32 $0x200, s22;
	v4 =	vld [tilespmem:s23+$0x139A0];
	[tilespmem:s21+$0x139B0] =	vst v8;
	v7 =	vmov v12;
	s21 =	smov.u32 s23  }
0x82: {  	v8 =	vld [tilespmem:s21+$0x139B0];
	_ =	sdelay $0x1  }
0x83: {  	v3 =	vadd.f32 v6, v3  }
0x84: {  	v5 =	vadd.f32 v7, v5  }
0x85: {  	[tilespmem:s21+$0x13980] =	vst v3;
	v2 =	vadd.f32 v2, v4  }
0x86: {  	[tilespmem:s21+$0x13990] =	vst v5;
	v1 =	vadd.f32 v1, v8  }
0x87: {  	s20 =	sshll.u32 s20, $0x4;
	[tilespmem:s21+$0x139A0] =	vst v2  }
.Ltmp7:
0x88: {  	s20 =	sadd.s32 s7, s20;
	[tilespmem:s21+$0x139B0] =	vst v1;
	(pc) =	sbr.rel .LBB2_8-.Ltmp7, $4  }
0x89: {  	[hbm4b:s20+s2] =	stream.linear.scatter [tilespmem:s14], [sflag:$0x3], $0x4000, $0x38;
	[tilespmem:$0x1B980] =	vst v63  }
0x8a: {  	_ =	swait.ge [sflag:s11], $0x4000  }
0x8b: {  	[sflag:s11] =	ssyncset.done $0x0  }
0x8c: {  	[sflag:s11] =	ssyncadd.s32 $0xFFFFC000  }
.LBB2_10:
0x8d: {  	_ =	sfence.sel $0x180000  }
0x8e: {  	[bflag:$0x0] =	sbarrier.arrive $0xFFFF  }
0x8f: {  	p0 =	sne.s32 s3, $0x0;
	_ =	strace $0x90000053  }
0x90: {  	s0 =	sadd.s32 @!p0 $0x100000, s0;
	[bflag:$0x2] =	sbarrier.arrive $0xFFFF  }
0x91: {  	[sflag:s0] =	ssyncadd.tile.s32 @!p0 $0x1;
	_ =	shalt  }
.Lfunc_end2:
_tile_overlayer_lowered:
.L_overlay_start_2:
0x92: {  	(tag) =	ssettag $0x2  }
0x93: {  	s0 =	rddreg [dreg:$0x0];
	s2 =	stileid.u32  }
0x94: {  	s1 =	rddreg [dreg:$0x1];
	p0 =	sne.s32 s2, $0x0  }
0x95: {  	s3 =	rddreg [dreg:$0x2];
	[bflag:$0x3] =	sbarrier.arrive $0xFFFF;
	s2 =	simm.s32 @!p0 $0x1C03  }
0x96: {  	[timem:s3], [sflag:s2] =	dma.local @!p0 [hbm:s0], s1  }
0x97: {  	s0 =	simm.s32 @!p0 $0x3  }
0x98: {  	_ =	swait.ge @!p0 [sflag:s0], s1  }
0x99: {  	s1 =	ssub.s32 @!p0 $0x0, s1;
	[sflag:s0] =	ssyncset.done @!p0 $0x0  }
0x9a: {  	[sflag:s0] =	ssyncadd.s32 @!p0 s1  }
0x9b: {  	[bflag:$0x3] =	sbarrier.arrive $0xFFFF  }
0x9c: {  	_ =	shalt  }

// kernel: kernel.31.cloned.1.call-start
scs
__scs_entry_jumppad:
0x0: {  	(pc) =	sbr.rel $0x88, $3  }
0x1: {  	(tag) =	ssettag $0x0;
	lr =	simm.s32 $0x1  }
0x2: {  	[smem:$0x3F8B] =	sst lr;
	_ =	strace $0xD0000000  }
0x3: {  	_ = 	snop  }
0x4: {  	_ = 	snop  }
0x5: {  	_ = 	snop  }
0x6: {  	_ = 	snop  }
0x7: {  	_ = 	snop  }
__scs_overlays_trampoline_lowered:
0x8: {  	[smem:$0x3F9A] =	sst s0  }
0x9: {  	[smem:$0x3F9B] =	sst s1  }
0xa: {  	[smem:$0x3F9C] =	sst s2  }
0xb: {  	[smem:$0x3F9D] =	sst s3  }
0xc: {  	[smem:$0x3F9E] =	sst s4  }
0xd: {  	[smem:$0x3F9F] =	sst s5  }
0xe: {  	[smem:$0x3FA0] =	sst s6  }
0xf: {  	[smem:$0x3FA1] =	sst s7  }
0x10: {  	[smem:$0x3FA2] =	sst s8  }
0x11: {  	[smem:$0x3FA3] =	sst s9;
	s0 =	simm.s32 @!p0 $0x0  }
0x12: {  	s1 =	sld [smem:$0x3F89];
	s0 =	simm.s32 @p0 $0x1  }
0x13: {  	[smem:$0x3FA4] =	sst s0;
	s0 =	simm.s32 @!p1 $0x0  }
0x14: {  	s2 =	sld [smem:$0x3F88];
	s0 =	simm.s32 @p1 $0x1  }
0x15: {  	[smem:$0x3FA5] =	sst s0;
	s0 =	simm.s32 @!p2 $0x0  }
0x16: {  	s3 =	sld [smem:$0x3FDB];
	s0 =	simm.s32 @p2 $0x1  }
0x17: {  	s4 =	simm.s32 $0x1BF5;
	[smem:$0x3FA7] =	sst s0  }
0x18: {  	s0 =	sld [smem:$0x3F8A];
	_ =	swait.ge [sflag:s4], $0x0  }
0x19: {  	s7 =	sld [smem:$0x3F8B]  }
0x1a: {  	s8 =	sadd.s32 $0xFFFFE003, lr  }
0x1b: {  	s9 =	sadd.s32 $0xFFFFFEF7, lr;
	s5 =	simm.s32 $0xFFFFFFFF;
	p2 =	slt.u32 s8, $0xFFFFF086  }
0x1c: {  	p1 =	slt.u32 s9, $0xF7A;
	s5 =	simm.s32 @!p2 $0x0  }
0x1d: {  	s5 =	simm.s32 @p1 $0x1;
	p0 =	seq.s32 s7, s2  }
0x1e: {  	s7 =	smul.u32 @!p0 $0xF7A, s2;
	p2 =	seq.s32 @!p0 s5, $0x0  }
0x1f: {  	s9 =	smul.u32 $0xF7A, s1;
	s8 =	simm.s32 @!p0 $0x1BF5;
	p2 =	por !p2, p0  }
0x20: {  	[sflag:s8] =	ssyncset.s32 @!p0 $0xFFFFF086;
	s6 =	sadd.s32 @!p0 s3, s7;
	s7 =	simm.s32 @!p0 $0x108  }
0x21: {  	s3 =	sadd.s32 s3, s9;
	s6 =	sadd.s32 @!p0 $0x88, s6;
	s7 =	simm.s32 @p2 $0x1082  }
0x22: {  	[simem:s7], [sflag:s8] =	dma.local @!p0 [hbm:s6], $0xF7A  }
0x23: {  	s9 =	sor.u32 $0xD0000000, s2;
	s6 =	simm.s32 $0x108;
	_ =	swait.ge @!p0 [sflag:s8], $0x0  }
0x24: {  	s3 =	sadd.s32 $0x88, s3;
	s6 =	simm.s32 @!p1 $0x1082;
	[sflag:s4] =	ssyncset.s32 $0xFFFFF086  }
0x25: {  	[simem:s6], [sflag:s4] =	dma.local [hbm:s3], $0xF7A  }
0x26: {  	[smem:$0x3F8B] =	sst s1;
	(tag) =	ssettag s2;
	_ =	strace s9  }
0x27: {  	s1 =	sld [smem:$0x3F9B]  }
0x28: {  	s2 =	sld [smem:$0x3F9C]  }
0x29: {  	s4 =	sld [smem:$0x3F9E]  }
0x2a: {  	p0 =	seq.s32 s5, $0x0;
	s5 =	sld [smem:$0x3F9F]  }
0x2b: {  	s6 =	sld [smem:$0x3FA0]  }
0x2c: {  	s7 =	sld [smem:$0x3FA1]  }
0x2d: {  	s3 =	simm.s32 $0x108;
	s8 =	sld [smem:$0x3FA2]  }
0x2e: {  	s3 =	simm.s32 @!p0 $0x1082;
	s9 =	sld [smem:$0x3FA3]  }
0x2f: {  	lr =	sadd.s32 s0, s3;
	s0 =	sld [smem:$0x3F9A]  }
0x30: {  	s3 =	sld [smem:$0x3F9D]  }
0x31: {  	[smem:$0x3FA6] =	sst s10  }
0x32: {  	s10 =	sld [smem:$0x3FA4];
	_ =	sdelay $0x3  }
0x33: {  	p0 =	seq.s32 s10, $0x1;
	s10 =	sld [smem:$0x3FA6];
	_ =	sdelay $0x3  }
0x34: {  	[smem:$0x3FA6] =	sst s10  }
0x35: {  	s10 =	sld [smem:$0x3FA5];
	_ =	sdelay $0x3  }
0x36: {  	p1 =	seq.s32 s10, $0x1;
	s10 =	sld [smem:$0x3FA6];
	_ =	sdelay $0x3  }
0x37: {  	[smem:$0x3FA6] =	sst s10  }
0x38: {  	s10 =	sld [smem:$0x3FA7]  }
0x39: {  	_ = 	snop;
	(pc) =	sbr.ind lr, $3  }
0x3a: {  	_ = 	snop  }
0x3b: {  	_ = 	snop  }
0x3c: {  	p2 =	seq.s32 s10, $0x1;
	s10 =	sld [smem:$0x3FA6]  }
0x3d: {  	_ =	shalt  }
0x3e: {  	_ =	shalt  }
0x3f: {  	_ =	shalt  }
0x40: {  	_ =	shalt  }
0x41: {  	_ =	shalt  }
0x42: {  	_ =	shalt  }
0x43: {  	_ =	shalt  }
0x44: {  	_ =	shalt  }
0x45: {  	_ =	shalt  }
0x46: {  	_ =	shalt  }
0x47: {  	_ =	shalt  }
0x48: {  	_ =	shalt  }
0x49: {  	_ =	shalt  }
0x4a: {  	_ =	shalt  }
0x4b: {  	_ =	shalt  }
0x4c: {  	_ =	shalt  }
0x4d: {  	_ =	shalt  }
0x4e: {  	_ =	shalt  }
0x4f: {  	_ =	shalt  }
0x50: {  	_ =	shalt  }
0x51: {  	_ =	shalt  }
0x52: {  	_ =	shalt  }
0x53: {  	_ =	shalt  }
0x54: {  	_ =	shalt  }
0x55: {  	_ =	shalt  }
0x56: {  	_ =	shalt  }
0x57: {  	_ =	shalt  }
0x58: {  	_ =	shalt  }
0x59: {  	_ =	shalt  }
0x5a: {  	_ =	shalt  }
0x5b: {  	_ =	shalt  }
0x5c: {  	_ =	shalt  }
0x5d: {  	_ =	shalt  }
0x5e: {  	_ =	shalt  }
0x5f: {  	_ =	shalt  }
0x60: {  	_ =	shalt  }
0x61: {  	_ =	shalt  }
0x62: {  	_ =	shalt  }
0x63: {  	_ =	shalt  }
0x64: {  	_ =	shalt  }
0x65: {  	_ =	shalt  }
0x66: {  	_ =	shalt  }
0x67: {  	_ =	shalt  }
0x68: {  	_ =	shalt  }
0x69: {  	_ =	shalt  }
0x6a: {  	_ =	shalt  }
0x6b: {  	_ =	shalt  }
0x6c: {  	_ =	shalt  }
0x6d: {  	_ =	shalt  }
0x6e: {  	_ =	shalt  }
0x6f: {  	_ =	shalt  }
0x70: {  	_ =	shalt  }
0x71: {  	_ =	shalt  }
0x72: {  	_ =	shalt  }
0x73: {  	_ =	shalt  }
0x74: {  	_ =	shalt  }
0x75: {  	_ =	shalt  }
0x76: {  	_ =	shalt  }
0x77: {  	_ =	shalt  }
0x78: {  	_ =	shalt  }
0x79: {  	_ =	shalt  }
0x7a: {  	_ =	shalt  }
0x7b: {  	_ =	shalt  }
0x7c: {  	_ =	shalt  }
0x7d: {  	_ =	shalt  }
0x7e: {  	_ =	shalt  }
0x7f: {  	_ =	shalt  }
0x80: {  	_ =	shalt  }
0x81: {  	_ =	shalt  }
0x82: {  	_ =	shalt  }
0x83: {  	_ =	shalt  }
0x84: {  	_ =	shalt  }
0x85: {  	_ =	shalt  }
0x86: {  	_ =	shalt  }
0x87: {  	_ =	shalt  }
.Lfunc_end0:
.L_simem_size_0:
called_computation.5_lowered:
.L_overlay_start_0:
0x88: {  	s2 =	sld [smem:$0x3FD9]  }
0x89: {  	s3 =	sld [smem:$0x3FFE];
	_ =	sdelay $0x1  }
0x8a: {  	s1 =	srdreg.scid  }
0x8b: {  	s0 =	sand.u32 $0x1, s1  }
0x8c: {  	s16 =	sshll.u32 s0, $0xA;
	s2 =	sadd.s32 s3, s2  }
0x8d: {  	s2 =	sadd.s32 s2, s16  }
0x8e: {  	[smem:$0x3FB2] =	sst s2  }
0x8f: {  	_ = 	snop  }
0x90: {  	(tm) =	ssettm $0x1  }
0x91: {  	s17 =	sld [smem:$0x3FFB];
	_ =	sdelay $0x3  }
0x92: {  	_ =	strace s17  }
0x93: {  	s2 =	sld [smem:$0x3FFC];
	_ =	sdelay $0x3  }
0x94: {  	_ =	strace s2  }
0x95: {  	s2 =	sld [smem:$0x3FFD];
	_ =	sdelay $0x3  }
0x96: {  	_ =	strace s2  }
0x97: {  	_ =	strace $0x8FFFFFFF  }
0x98: {  	s18 =	sld [smem:$0x3FDB];
	_ =	sdelay $0x1  }
0x99: {  	s19 =	simm.s32 $_scs_section_size  }
0x9a: {  	s4 =	simm.s32 $_size__tile_overlayer_lowered;
	s5 =	simm.s32 $_tile_overlayer_lowered  }
0x9b: {  	s22 =	simm.s32 $0x1BFF;
	s21 =	sshll.u32 s5, $0x1;
	s2 =	sadd.s32 s19, s18  }
0x9c: {  	s6 =	simm.s32 $0x0;
	s20 =	sshll.u32 s4, $0x1;
	s4 =	sadd.s32 s21, s2  }
0x9d: {  	[timem:s6], [sflag:s22] =	dma.local [hbm:s4], s20  }
0x9e: {  	_ =	swait.ge [sflag:s22], s20  }
0x9f: {  	s3 =	ssub.s32 $0x0, s20;
	[sflag:s22] =	ssyncset.done $0x0  }
0xa0: {  	[sflag:s22] =	ssyncadd.s32 s3;
	_ =	sdelay $0x1  }
0xa1: {  	s23 =	simm.s32 $0x1B8B  }
0xa2: {  	_ =	swait.ge [sflag:s23], $0x1  }
0xa3: {  	[sflag:s23] =	ssyncset.done $0x0  }
0xa4: {  	s25 =	simm.s32 $0x1B8E;
	s24 =	sld [smem:$0x3FFE];
	[sflag:s23] =	ssyncadd.s32 $0xFFFFFFFF  }
0xa5: {  	s26 =	simm.s32 $execute0_lowered;
	[smem:$0x3FD2] =	sst s25  }
0xa6: {  	s4 =	sshll.u32 s26, $0x1;
	_ =	strace $0x80000055;
	[dreg:$0x1] =	wrdreg $0xFFFFFFFF  }
0xa7: {  	s28 =	simm.s32 $_size_execute0_lowered;
	s2 =	sadd.s32 s2, s4;
	[dreg:$0x0] =	wrdreg $0x0  }
0xa8: {  	s4 =	sshll.u32 s28, $0x1;
	[dreg:$0x2] =	wrdreg s2  }
0xa9: {  	[dreg:$0x3] =	wrdreg s4  }
0xaa: {  	[dreg:$0x4] =	wrdreg $0xC0  }
0xab: {  	_ =	task [dreg:s6], $0x5FFFF  }
0xac: {  	[dreg:$0x1] =	wrdreg $0xFFFFFFFF  }
0xad: {  	[dreg:$0x0] =	wrdreg $0x60  }
0xae: {  	[dreg:$0x2] =	wrdreg s24  }
0xaf: {  	[dreg:$0x3] =	wrdreg $0x0  }
0xb0: {  	[dreg:$0x4] =	wrdreg $0x9  }
0xb1: {  	_ =	task.clear_ibuf [dreg:s6], $0x5FFFF;
	_ =	strace $0x90000055  }
0xb2: {  	s29 =	simm.s32 $0x9;
	_ =	strace $0x80000057  }
0xb3: {  	_ =	swait.ge [sflag:s29], $0x1  }
0xb4: {  	[sflag:s29] =	ssyncadd.s32 $0xFFFFFFFF  }
0xb5: {  	_ =	strace $0x90000057  }
0xb6: {  	_ =	sfence  }
0xb7: {  	s30 =	sld [smem:$0x0];
	_ =	sdelay $0x2  }
0xb8: {  	s31 =	sshll.u32 s1, $0xD;
	s1 =	sshrl.u32 s1, $0x2  }
0xb9: {  	s3 =	sand.u32 $0x4000, s31;
	s1 =	sadd.s32 s1, s30  }
0xba: {  	s0 =	sor.u32 s3, s0;
	s1 =	sshll.u32 s1, $0x11  }
0xbb: {  	s0 =	sor.u32 s1, s0  }
0xbc: {  	s0 =	sadd.s32 $0x8F2B, s0  }
0xbd: {  	[sflag:s0] =	ssyncadd.remote.s32 $0x1  }
0xbe: {  	_ =	sfence.sel $0xFFFF  }
0xbf: {  	[dreg:$0x0] =	wrdreg $0xFFFFFFFF;
	(pc) =	sbr.abs _section_cstart, $3  }
0xc0: {  	[dreg:$0x1] =	wrdreg $0xFFFFFFFF  }
0xc1: {  	_ =	task.clear_ibuf [dreg:s6], $0x2FFFF;
	_ =	strace $0x9FFFFFFF  }
0xc2: {  	(tm) =	ssettm $0x7FFFFFFF  }
0xc3: {  	_ =	shalt  }
tec
execute0_lowered:
.L_overlay_start_1:
0x0: {  	(tag) =	ssettag $0x1  }
0x1: {  	s6 =	rddreg [dreg:$0x0]  }
0x2: {  	s2 =	rddreg [dreg:$0x1]  }
0x3: {  	s0 =	rddreg [dreg:$0x2];
	s4 =	srdreg.scid  }
0x4: {  	s3 =	simm.s32 $0x0;
	s1 =	stileid.u32;
	s13 =	sand.u32 $0x1, s4  }
0x5: {  	s28 =	sshll.u32 s1, $0x8;
	[smem:$0x7FF] =	sst s3;
	s8 =	smul.u32 $0x13880, s1  }
0x6: {  	s9 =	sshll.u32 s1, $0xC;
	s10 =	smul.u32 $0x4E200, s1;
	p0 =	slt.u32 s1, $0x2  }
0x7: {  	s15 =	sshll.u32 s1, $0xF;
	s5 =	sshll.u32 s13, $0x7;
	s7 =	smul.u32 $0x138800, s13  }
0x8: {  	_ =	strace $0x80000056;
	s14 =	sadd.s32 s9, s6;
	s29 =	ssub.s32 $0x2, s13  }
0x9: {  	s17 =	sshll.u32 s13, $0xE;
	s18 =	sshll.u32 s13, $0xB;
	s4 =	sor.u32 s5, s28  }
0xa: {  	s30 =	sshrl.u32 s29, $0x1;
	s10 =	sshrl.u32 s10, $0x2;
	s19 =	sadd.s32 s8, s2  }
0xb: {  	s15 =	sor.u32 s17, s15;
	s31 =	sadd.s32 s18, s14;
	s17 =	simm.s32 $0x17900  }
0xc: {  	s18 =	simm.s32 $0x1;
	s5 =	sshrl.u32 s4, $0x3;
	s7 =	sadd.s32 s8, s7  }
0xd: {  	s9 =	ssub.s32 s29, s30;
	s14 =	sadd.s32 $0xFEC78000, s15;
	s15 =	sadd.s32 $0x5E6400, s31  }
0xe: {  	s19 =	sshrl.u32 s19, $0x3;
	s16 =	sadd.s32 s5, s6;
	s5 =	sadd.s32 $0xCC3600, s6  }
0xf: {  	s7 =	sshrl.u32 s7, $0x3;
	s8 =	smax.u32 s9, $0x1;
	s9 =	sadd.s32 s10, s2  }
0x10: {  	s7 =	sadd.s32 s7, s6;
	s6 =	simm.s32 $0x4F;
	s10 =	sadd.s32 $0x3E80, s9  }
0x11: {  	s11 =	sadd.s32 $0x7D00, s9;
	s12 =	sadd.s32 $0xBB80, s9;
	s13 =	sadd.s32 $0xFA00, s9  }
0x12: {  	v0 =	vimm.f32 $0.0e+00;
	s16 =	sadd.s32 $0xC800, s16;
	s6 =	simm.s32 @!p0 $0x4E;
	s7 =	sadd.s32 $0x857400, s7  }
.LBB2_1:
0x13: {  	s20 =	simm.s32 $0x70;
	s21 =	simm.s32 $0x3C0  }
.LBB2_2:
0x14: {  	p0 =	sne.s32 s21, $0xF9C0;
	[tilespmem:s20+$0x17900] =	vst v0  }
0x15: {  	[tilespmem:s20+$0x17890] =	vst v0  }
0x16: {  	[tilespmem:s20+$0x178A0] =	vst v0  }
.Ltmp0:
0x17: {  	[tilespmem:s20+$0x178B0] =	vst v0;
	(pc) =	sbr.rel @p0 .LBB2_2-.Ltmp0, $4  }
0x18: {  	[tilespmem:s20+$0x178C0] =	vst v0  }
0x19: {  	[tilespmem:s20+$0x178D0] =	vst v0  }
0x1a: {  	[tilespmem:s20+$0x178E0] =	vst v0  }
0x1b: {  	[tilespmem:s20+$0x178F0] =	vst v0;
	s20 =	sshra.s32 s21, $0x2;
	s21 =	sadd.s32 $0x200, s21  }
0x1c: {  	[tilespmem:s20+$0x17900] =	vst v0  }
0x1d: {  	[tilespmem:s20+$0x17890] =	vst v0  }
0x1e: {  	[tilespmem:s20+$0x178A0] =	vst v0  }
0x1f: {  	[tilespmem:s20+$0x178B0] =	vst v0  }
0x20: {  	[tilespmem:s20+$0x178C0] =	vst v0  }
0x21: {  	[tilespmem:s20+$0x178D0] =	vst v0  }
0x22: {  	[tilespmem:s20+$0x178E0] =	vst v0  }
0x23: {  	[tilespmem:s20+$0x178F0] =	vst v0  }
0x24: {  	[spmem:s9] =	stream.linear.scatter [tilespmem:s17], [sflag:$0x1], $0x3E80, $0x38;
	[tilespmem:$0x1B780] =	vst v63  }
0x25: {  	_ =	swait.ge [sflag:s18], $0x3E80  }
0x26: {  	[sflag:s18] =	ssyncset.done $0x0  }
0x27: {  	[sflag:s18] =	ssyncadd.s32 $0xFFFFC180  }
0x28: {  	[spmem:s10] =	stream.linear.scatter [tilespmem:s17], [sflag:$0x1], $0x3E80, $0x38;
	[tilespmem:$0x1B780] =	vst v63  }
0x29: {  	_ =	swait.ge [sflag:s18], $0x3E80  }
0x2a: {  	[sflag:s18] =	ssyncset.done $0x0  }
0x2b: {  	[sflag:s18] =	ssyncadd.s32 $0xFFFFC180  }
0x2c: {  	[spmem:s11] =	stream.linear.scatter [tilespmem:s17], [sflag:$0x1], $0x3E80, $0x38;
	[tilespmem:$0x1B780] =	vst v63  }
0x2d: {  	_ =	swait.ge [sflag:s18], $0x3E80  }
0x2e: {  	[sflag:s18] =	ssyncset.done $0x0  }
0x2f: {  	[sflag:s18] =	ssyncadd.s32 $0xFFFFC180  }
0x30: {  	[spmem:s12] =	stream.linear.scatter [tilespmem:s17], [sflag:$0x1], $0x3E80, $0x38;
	[tilespmem:$0x1B780] =	vst v63  }
0x31: {  	_ =	swait.ge [sflag:s18], $0x3E80  }
0x32: {  	[sflag:s18] =	ssyncset.done $0x0  }
0x33: {  	[sflag:s18] =	ssyncadd.s32 $0xFFFFC180  }
0x34: {  	[spmem:s13] =	stream.linear.scatter [tilespmem:s17], [sflag:$0x1], $0x3E80, $0x38;
	[tilespmem:$0x1B780] =	vst v63  }
0x35: {  	_ =	swait.ge [sflag:s18], $0x3E80  }
0x36: {  	p0 =	sle.u32 s6, $0x0;
	[sflag:s18] =	ssyncset.done $0x0  }
0x37: {  	s23 =	smov.u32 s15;
	s20 =	simm.s32 @!p0 $0x0;
	[sflag:s18] =	ssyncadd.s32 $0xFFFFC180  }
0x38: {  	s22 =	simm.s32 @!p0 $0x13880;
	s24 =	simm.s32 @!p0 $0x2;
	[bflag:$0x0] =	sbarrier.arrive $0xFFFF  }
0x39: {  	[tilespmem:s22], [sflag:$0x2] =	stream.linear.gather @!p0 [hbm4b:s16+s20], $0x80, $0x38;
	[tilespmem:$0x1B780] =	vst v63  }
0x3a: {  	p1 =	slt.u32 @!p0 s4, $0x27100;
	s21 =	sshrl.u32 @!p0 s14, $0x3;
	_ =	swait.ge @!p0 [sflag:s24], $0x80  }
0x3b: {  	s21 =	sadd.s32 @!p0 s5, s21;
	p1 =	por !p1, p0;
	[sflag:s24] =	ssyncset.done @!p0 $0x0  }
0x3c: {  	s25 =	simm.s32 @!p0 $0x13900;
	s23 =	smov.u32 @p1 s21;
	[sflag:s24] =	ssyncadd.s32 @!p0 $0xFFFFFF80  }
0x3d: {  	[tilespmem:s25], [sflag:$0x2] =	stream.linear.gather @!p0 [hbm4b:s23+s20], $0x4000, $0x38;
	[tilespmem:$0x1B780] =	vst v63  }
0x3e: {  	_ =	swait.ge @!p0 [sflag:s24], $0x4000  }
0x3f: {  	s26 =	simm.s32 @!p0 $0x1;
	s21 =	simm.s32 $0x1;
	[sflag:s24] =	ssyncset.done @!p0 $0x0  }
0x40: {  	s23 =	simm.s32 $0x2;
	s20 =	simm.s32 @!p0 $0x80;
	[sflag:s24] =	ssyncadd.s32 @!p0 $0xFFFFC000  }
0x41: {  	[spmem:s2] =	stream.indirect.scatter.add.f32 @!p0 [tilespmem:s25], [sflag:$0x1], $0x80, s22, s20, $0xb8;
	[tilespmem:$0x1B780] =	vst v63  }
0x42: {  	s24 =	sadd.s32 $0x80000, s14;
	s22 =	sadd.s32 $0x1000, s4;
	_ =	swait.ge @!p0 [sflag:s26], $0x4000  }
0x43: {  	s25 =	sadd.s32 $0x200, s16;
	s20 =	sadd.s32 $0x10000, s15;
	[sflag:s26] =	ssyncset.done @!p0 $0x0  }
.LBB2_4:
0x44: {  	[sflag:s26] =	ssyncadd.s32 @!p0 $0xFFFFC000;
	p0 =	sge.u32 s21, s6  }
0x45: {  	s21 =	smov.u32 s23;
	s23 =	sadd.s32 $0x1, s23;
	s31 =	smov.u32 s20  }
0x46: {  	s26 =	simm.s32 @!p0 $0x0;
	s28 =	simm.s32 @!p0 $0x13880;
	s29 =	simm.s32 @!p0 $0x2  }
0x47: {  	[tilespmem:s28], [sflag:$0x2] =	stream.linear.gather @!p0 [hbm4b:s25+s26], $0x80, $0x38;
	[tilespmem:$0x1B780] =	vst v63  }
0x48: {  	p1 =	slt.u32 @!p0 s22, $0x27100;
	s30 =	sshrl.u32 @!p0 s24, $0x3;
	_ =	swait.ge @!p0 [sflag:s29], $0x80  }
0x49: {  	s30 =	sadd.s32 @!p0 s5, s30;
	p1 =	por !p1, p0;
	[sflag:s29] =	ssyncset.done @!p0 $0x0  }
0x4a: {  	s31 =	smov.u32 @p1 s30;
	s30 =	simm.s32 @!p0 $0x13900;
	[sflag:s29] =	ssyncadd.s32 @!p0 $0xFFFFFF80  }
0x4b: {  	[tilespmem:s30], [sflag:$0x2] =	stream.linear.gather @!p0 [hbm4b:s31+s26], $0x4000, $0x38;
	[tilespmem:$0x1B780] =	vst v63  }
0x4c: {  	p1 =	sne.s32 s23, $0x4F;
	_ =	swait.ge @!p0 [sflag:s29], $0x4000  }
.Ltmp1:
0x4d: {  	[sflag:s29] =	ssyncset.done @!p0 $0x0;
	(pc) =	sbr.rel @p1 .LBB2_4-.Ltmp1, $4  }
0x4e: {  	s26 =	simm.s32 @!p0 $0x1;
	[sflag:s29] =	ssyncadd.s32 @!p0 $0xFFFFC000;
	s29 =	simm.s32 @!p0 $0x80  }
0x4f: {  	[spmem:s2] =	stream.indirect.scatter.add.f32 @!p0 [tilespmem:s30], [sflag:$0x1], $0x80, s28, s29, $0xb8;
	[tilespmem:$0x1B780] =	vst v63  }
0x50: {  	s22 =	sadd.s32 $0x1000, s22;
	s25 =	sadd.s32 $0x200, s25;
	_ =	swait.ge @!p0 [sflag:s26], $0x4000  }
0x51: {  	s20 =	sadd.s32 $0x10000, s20;
	s24 =	sadd.s32 $0x80000, s24;
	[sflag:s26] =	ssyncset.done @!p0 $0x0  }
0x52: {  	p1 =	sge.u32 s21, s6;
	[sflag:s26] =	ssyncadd.s32 @!p0 $0xFFFFC000  }
0x53: {  	s21 =	simm.s32 @!p1 $0x0;
	s23 =	simm.s32 @!p1 $0x13880;
	s26 =	simm.s32 @!p1 $0x2  }
0x54: {  	[tilespmem:s23], [sflag:$0x2] =	stream.linear.gather @!p1 [hbm4b:s25+s21], $0x80, $0x38;
	[tilespmem:$0x1B780] =	vst v63  }
0x55: {  	p0 =	slt.u32 @!p1 s22, $0x27100;
	s22 =	sshrl.u32 @!p1 s24, $0x3;
	_ =	swait.ge @!p1 [sflag:s26], $0x80  }
0x56: {  	s22 =	sadd.s32 @!p1 s5, s22;
	p0 =	por !p0, p1;
	[sflag:s26] =	ssyncset.done @!p1 $0x0  }
0x57: {  	s20 =	smov.u32 @p0 s22;
	s22 =	simm.s32 @!p1 $0x13900;
	[sflag:s26] =	ssyncadd.s32 @!p1 $0xFFFFFF80  }
0x58: {  	[tilespmem:s22], [sflag:$0x2] =	stream.linear.gather @!p1 [hbm4b:s20+s21], $0x4000, $0x38;
	[tilespmem:$0x1B780] =	vst v63  }
0x59: {  	_ =	swait.ge @!p1 [sflag:s26], $0x4000  }
0x5a: {  	[sflag:s26] =	ssyncset.done @!p1 $0x0  }
0x5b: {  	s20 =	simm.s32 @!p1 $0x80;
	s21 =	simm.s32 @!p1 $0x1;
	[sflag:s26] =	ssyncadd.s32 @!p1 $0xFFFFC000  }
0x5c: {  	[spmem:s2] =	stream.indirect.scatter.add.f32 @!p1 [tilespmem:s22], [sflag:$0x1], $0x80, s23, s20, $0xb8;
	[tilespmem:$0x1B780] =	vst v63  }
0x5d: {  	_ =	swait.ge @!p1 [sflag:s21], $0x4000  }
0x5e: {  	s3 =	sadd.s32 $0x1, s3;
	[sflag:s21] =	ssyncset.done @!p1 $0x0  }
0x5f: {  	s31 =	sshll.u32 s1, $0x6;
	p0 =	sne.s32 s3, s8;
	[sflag:s21] =	ssyncadd.s32 @!p1 $0xFFFFC000  }
.Ltmp2:
0x60: {  	s20 =	sor.u32 $0x1C01, s31;
	[bflag:$0x0] =	sbarrier.arrive $0xFFFF;
	(pc) =	sbr.rel @p0 .LBB2_1-.Ltmp2, $4  }
0x61: {  	[hbm:s7], [sflag:s20] =	dma.local [spmem:s19], $0x2710  }
0x62: {  	_ =	swait.ge [sflag:s18], $0x2710  }
0x63: {  	[sflag:s18] =	ssyncset.done $0x0  }
0x64: {  	[sflag:s18] =	ssyncadd.s32 $0xFFFFD8F0  }
0x65: {  	_ =	sfence.sel $0x180000  }
0x66: {  	[bflag:$0x0] =	sbarrier.arrive $0xFFFF  }
0x67: {  	p0 =	sne.s32 s1, $0x0;
	_ =	strace $0x90000056  }
0x68: {  	s0 =	sadd.s32 @!p0 $0x100000, s0;
	[bflag:$0x2] =	sbarrier.arrive $0xFFFF  }
0x69: {  	[sflag:s0] =	ssyncadd.tile.s32 @!p0 $0x1;
	_ =	shalt  }
.Lfunc_end2:
_tile_overlayer_lowered:
.L_overlay_start_2:
0x6a: {  	(tag) =	ssettag $0x2  }
0x6b: {  	s0 =	rddreg [dreg:$0x0];
	s2 =	stileid.u32  }
0x6c: {  	s1 =	rddreg [dreg:$0x1];
	p0 =	sne.s32 s2, $0x0  }
0x6d: {  	s3 =	rddreg [dreg:$0x2];
	[bflag:$0x3] =	sbarrier.arrive $0xFFFF;
	s2 =	simm.s32 @!p0 $0x1C01  }
0x6e: {  	[timem:s3], [sflag:s2] =	dma.local @!p0 [hbm:s0], s1  }
0x6f: {  	s0 =	simm.s32 @!p0 $0x1  }
0x70: {  	_ =	swait.ge @!p0 [sflag:s0], s1  }
0x71: {  	s1 =	ssub.s32 @!p0 $0x0, s1;
	[sflag:s0] =	ssyncset.done @!p0 $0x0  }
0x72: {  	[sflag:s0] =	ssyncadd.s32 @!p0 s1  }
0x73: {  	[bflag:$0x3] =	sbarrier.arrive $0xFFFF  }
0x74: {  	_ =	shalt  }

</sc_bundles>
